<compile_context>
chip_gen: v7x
topology: tpu7x:2x2x1
jax: 0.10.2.dev20260603
libtpu: 0.0.44.dev20260713+nightly
codegen_flags: <defaults>
</compile_context>

<pallas_src>
import functools

import jax
import jax.numpy as jnp
from jax import lax
from jax.experimental import pallas as pl
from jax.experimental.pallas import tpu as pltpu
from jax.experimental.pallas import tpu_sc as plsc

KD = 128
EMB = 64
PLEN = 200
POOL = 1000
TOPK = 2
B = 1024
POOL_PAD = 1024

NC, NS = 2, 16
NW = NC * NS
EHALF = 16
NUNITS = PLEN * (EMB // EHALF)
QG = B // 16


def _topk_body(x_ref, k_ref, idx_ref):
    x = x_ref[...]
    k = k_ref[...]
    ksq = jnp.sum(k * k, axis=1, keepdims=True)
    kn = k * lax.rsqrt(jnp.maximum(ksq, 1e-12))
    s = lax.dot_general(x, kn, (((1,), (1,)), ((), ())),
                        precision=lax.Precision.HIGHEST,
                        preferred_element_type=jnp.float32)
    cols = lax.broadcasted_iota(jnp.int32, (B, POOL_PAD), 1)
    s = jnp.where(cols >= POOL, jnp.inf, s)
    m1 = jnp.min(s, axis=1, keepdims=True)
    i1 = jnp.min(jnp.where(s == m1, cols, POOL_PAD), axis=1, keepdims=True)
    s2 = jnp.where(cols == i1, jnp.inf, s)
    m2 = jnp.min(s2, axis=1, keepdims=True)
    i2 = jnp.min(jnp.where(s2 == m2, cols, POOL_PAD), axis=1, keepdims=True)
    idx_ref[...] = jnp.concatenate([i1, i2], axis=1)


_topk = pl.pallas_call(
    _topk_body,
    out_shape=jax.ShapeDtypeStruct((B, TOPK), jnp.int32),
)


@functools.cache
def _make_sc_gather():
    mesh = plsc.VectorSubcoreMesh(core_axis_name="c", subcore_axis_name="s")

    @functools.partial(
        pl.kernel,
        mesh=mesh,
        compiler_params=pltpu.CompilerParams(needs_layout_passes=False),
        out_type=jax.ShapeDtypeStruct((TOPK * PLEN, EMB, B), jnp.float32),
        scratch_types=[
            pltpu.VMEM((TOPK * B,), jnp.int32),
            pltpu.VMEM((TOPK * B,), jnp.int32),
            pltpu.VMEM((2 * EHALF, POOL), jnp.float32),
            pltpu.VMEM((2 * TOPK * EHALF, B), jnp.float32),
            pltpu.SemaphoreType.DMA,
            pltpu.SemaphoreType.DMA,
            pltpu.SemaphoreType.DMA,
            pltpu.SemaphoreType.DMA,
        ],
    )
    def _sc_gather(idx_hbm, pvt_hbm, out_hbm, idx_v, jv_v, in_v, out_v,
                   in_s0, in_s1, out_s0, out_s1):
        wid = lax.axis_index("s") * NC + lax.axis_index("c")
        pltpu.sync_copy(idx_hbm, idx_v)

        def jv_pre(g, _):
            qv = g * 16 + lax.iota(jnp.int32, 16)
            for kk in range(TOPK):
                jv_v[pl.ds(kk * B + g * 16, 16)] = plsc.load_gather(
                    idx_v, [qv * TOPK + kk])
            return 0

        lax.fori_loop(0, QG, jv_pre, 0, unroll=4)
        upw = NUNITS // NW
        in_sems = (in_s0, in_s1)
        out_sems = (out_s0, out_s1)

        def unit_pe(i):
            u = wid + i * NW
            return u // (EMB // EHALF), (u % (EMB // EHALF)) * EHALF

        def in_copy(i, b):
            p, e0 = unit_pe(i)
            pltpu.async_copy(pvt_hbm.at[p, pl.ds(e0, EHALF)],
                             in_v.at[pl.ds(b * EHALF, EHALF)], in_sems[b])

        def in_wait(b):
            pltpu.make_async_copy(pvt_hbm.at[0, pl.ds(0, EHALF)],
                                  in_v.at[pl.ds(b * EHALF, EHALF)],
                                  in_sems[b]).wait()

        def out_copy(i, b):
            p, e0 = unit_pe(i)
            for kk in range(TOPK):
                pltpu.async_copy(
                    out_v.at[pl.ds((2 * b + kk) * EHALF, EHALF)],
                    out_hbm.at[kk * PLEN + p, pl.ds(e0, EHALF)], out_sems[b])

        def out_wait(b):
            for kk in range(TOPK):
                pltpu.make_async_copy(
                    out_v.at[pl.ds((2 * b + kk) * EHALF, EHALF)],
                    out_hbm.at[0, pl.ds(0, EHALF)], out_sems[b]).wait()

        def compute(b):
            LOOKAHEAD = 8

            def qg_body(g, _):
                jvs = [jv_v[pl.ds(kk * B + g * 16, 16)]
                       for kk in range(TOPK)]
                pend = []
                for t in range(TOPK * EHALF):
                    kk, e = t // EHALF, t % EHALF
                    v = plsc.load_gather(
                        in_v,
                        [jnp.full((16,), b * EHALF + e, jnp.int32), jvs[kk]])
                    pend.append((t, v))
                    if len(pend) > LOOKAHEAD:
                        r, vv = pend.pop(0)
                        out_v[2 * b * EHALF + r, pl.ds(g * 16, 16)] = vv
                for r, vv in pend:
                    out_v[2 * b * EHALF + r, pl.ds(g * 16, 16)] = vv
                return 0

            lax.fori_loop(0, QG, qg_body, 0, unroll=2)

        in_copy(0, 0)
        in_copy(1, 1)
        in_wait(0)
        compute(0)
        out_copy(0, 0)
        in_copy(2, 0)
        in_wait(1)
        compute(1)
        out_copy(1, 1)
        in_copy(3, 1)

        def pair_body(it, _):
            i0 = 2 * it
            out_wait(0)
            in_wait(0)
            compute(0)
            out_copy(i0, 0)
            in_copy(i0 + 2, 0)
            out_wait(1)
            in_wait(1)
            compute(1)
            out_copy(i0 + 1, 1)
            in_copy(jnp.minimum(i0 + 3, upw - 1), 1)
            return 0

        lax.fori_loop(1, (upw - 1) // 2, pair_body, 0)

        out_wait(0)
        in_wait(0)
        compute(0)
        out_copy(upw - 1, 0)
        in_wait(1)
        out_wait(1)
        out_wait(0)

    return _sc_gather


def kernel(inputs, prompt_keys, prompt_values):
    x = inputs.reshape(B, KD)
    kpad = jnp.pad(prompt_keys, ((0, POOL_PAD - POOL), (0, 0)))
    idx = _topk(x, kpad).reshape(TOPK * B)
    pvt = jnp.transpose(prompt_values, (1, 2, 0))
    out_t = _make_sc_gather()(idx, pvt)
    return jnp.transpose(out_t, (2, 0, 1))

# --- scband reference (transcript-rebuilt; emitter-appended) ---
"""Pipeline reference for scband-soft-prompts-46918222742276 (READ-ONLY COPY).

The authoritative reference and input builder live on the scoring server;
editing this copy changes nothing except your own understanding.
"""

import jax, jax.numpy as jnp
import numpy as np

KEY_DIMS = 128
EMBED = 64
PLEN = 200
POOL = 1000
TOPK = 2
BATCH = 1024


def setup_inputs(seed: int = 0) -> dict:
    key = jax.random.key(seed)
    k1, k2, k3 = jax.random.split(key, 3)
    inputs = jax.random.normal(k1, (BATCH, 1, KEY_DIMS), dtype=jnp.float32)
    # keras 'random_uniform' initializer default: U(-0.05, 0.05)
    prompt_keys = jax.random.uniform(k2, (POOL, KEY_DIMS), minval=-0.05, maxval=0.05, dtype=jnp.float32)
    prompt_values = jax.random.uniform(k3, (POOL, PLEN, EMBED), minval=-0.05, maxval=0.05, dtype=jnp.float32)
    return {"inputs": inputs, "prompt_keys": prompt_keys, "prompt_values": prompt_values}


def _l2_normalize(x, axis):
    # matches tf.math.l2_normalize with epsilon=1e-12
    sq = jnp.sum(x * x, axis=axis, keepdims=True)
    return x * jax.lax.rsqrt(jnp.maximum(sq, 1e-12))


def reference(inputs, prompt_keys, prompt_values):
    B = inputs.shape[0]
    x = inputs.reshape(B, KEY_DIMS)          # Reshape((key_dims,))
    x = x[:, None, :]                        # expand_dims axis=1 -> (B, 1, D)
    xn = _l2_normalize(x, -1)
    kn = _l2_normalize(prompt_keys, -1)      # (POOL, D)
    # tf.keras.losses.cosine_similarity returns NEGATIVE cosine similarity
    similarity_scores = -jnp.sum(xn * kn, axis=-1)   # broadcast -> (B, POOL)
    _, top_indices = jax.lax.top_k(similarity_scores, TOPK)  # (B, TOPK)
    vals = jnp.take(prompt_values, top_indices, axis=0)      # (B, TOPK, PLEN, EMBED)
    # concat(unstack(vals, axis=1), axis=1) == reshape to (B, TOPK*PLEN, EMBED)
    return vals.reshape(B, TOPK * PLEN, EMBED)

if __name__ == "__main__":
    import jax
    _d = setup_inputs()
    print(jax.jit(kernel)(*tuple(_d.values())))

</pallas_src>

<mosaic_0001>
#map = affine_map<(d0, d1) -> (0)>
#map1 = affine_map<(d0, d1) -> (0, 0, 0)>
module attributes {stable_mosaic.version = 14 : i64} {
  func.func @_sc_gather(%arg0: i32, %arg1: i32, %arg2: memref<2048xi32, #tpu.memory_space<hbm>>, %arg3: memref<200x64x1000xf32, #tpu.memory_space<hbm>>, %arg4: memref<400x64x1024xf32, #tpu.memory_space<hbm>>, %arg5: memref<2048xi32, #tpu.memory_space<vmem>>, %arg6: memref<2048xi32, #tpu.memory_space<vmem>>, %arg7: memref<32x1000xf32, #tpu.memory_space<vmem>>, %arg8: memref<64x1024xf32, #tpu.memory_space<vmem>>, %arg9: memref<!tpu.dma_semaphore, #tpu.memory_space<semaphore_mem>>, %arg10: memref<!tpu.dma_semaphore, #tpu.memory_space<semaphore_mem>>, %arg11: memref<!tpu.dma_semaphore, #tpu.memory_space<semaphore_mem>>, %arg12: memref<!tpu.dma_semaphore, #tpu.memory_space<semaphore_mem>>) attributes {dimension_semantics = [#tpu.dimension_semantics<core_parallel>, #tpu.dimension_semantics<subcore_parallel>], iteration_bounds = array<i64: 2, 16>, scalar_prefetch = 0 : i64, scratch_operands = 8 : i64, tpu.core_type = #tpu.core_type<sc_vector_subcore>, window_params = [{transform_indices = #map}, {transform_indices = #map1}, {transform_indices = #map1}]} {
    %mul3A = arith.constant 2 : i32
    %mul3A_0 = arith.muli %arg1, %mul3A : i32
    %add3A = arith.addi %mul3A_0, %arg0 : i32
    "tpu.region"() ({
      %run_scoped3A = tpu.sem_alloc : memref<!tpu.dma_semaphore, #tpu.memory_space<semaphore_mem>>
      tpu.enqueue_dma source(%arg2 : memref<2048xi32, #tpu.memory_space<hbm>>) target(%arg5 : memref<2048xi32, #tpu.memory_space<vmem>>) target_semaphore(%run_scoped3A : memref<!tpu.dma_semaphore, #tpu.memory_space<semaphore_mem>>)
      tpu.wait_dma2 semaphore(%run_scoped3A : memref<!tpu.dma_semaphore, #tpu.memory_space<semaphore_mem>>) src(%arg2 : memref<2048xi32, #tpu.memory_space<hbm>>) dst(%arg5 : memref<2048xi32, #tpu.memory_space<vmem>>)
      tpu.yield
    }) : () -> ()
    %scan3A = arith.constant 0 : i32
    %scan3A_1 = arith.constant 0 : i32
    %scan3A_2 = arith.constant 64 : i32
    %scan3A_3 = arith.addi %scan3A_1, %scan3A_2 : i32
    %scan3A_4 = arith.constant 4 : i32
    %scan3A_5 = scf.for %scan3A_613 = %scan3A_1 to %scan3A_3 step %scan3A_4 iter_args(%scan3A_614 = %scan3A) -> (i32)  : i32 {
      %mul3A_615 = arith.constant 16 : i32
      %mul3A_616 = arith.muli %scan3A_613, %mul3A_615 : i32
      %iota3A = tpu.iota {dimensions = array<i32: 0>} : vector<16xi32>
      %add3A_617 = vector.broadcast %mul3A_616 : i32 to vector<16xi32>
      %add3A_618 = arith.addi %add3A_617, %iota3A : vector<16xi32>
      %mul3A_619 = arith.constant 2 : i32
      %mul3A_620 = vector.broadcast %mul3A_619 : i32 to vector<16xi32>
      %mul3A_621 = arith.muli %add3A_618, %mul3A_620 : vector<16xi32>
      %add3A_622 = arith.constant 0 : i32
      %add3A_623 = vector.broadcast %add3A_622 : i32 to vector<16xi32>
      %add3A_624 = arith.addi %mul3A_621, %add3A_623 : vector<16xi32>
      %gather3A = tpu.vector_load_idx %arg5[%add3A_624] : memref<2048xi32, #tpu.memory_space<vmem>>[vector<16xi32>], vector<16xi32>,
      %mul3A_625 = arith.constant 16 : i32
      %mul3A_626 = arith.muli %scan3A_613, %mul3A_625 : i32
      %add3A_627 = arith.constant 0 : i32
      %add3A_628 = arith.addi %add3A_627, %mul3A_626 : i32
      %swap3A = arith.index_cast %add3A_628 : i32 to index
      %swap3A_629 = tpu.vector_load %arg6[%swap3A] {strides = array<i32>} : memref<2048xi32, #tpu.memory_space<vmem>>, vector<16xi32>,
      tpu.vector_store %arg6[%swap3A], %gather3A {strides = array<i32>} : memref<2048xi32, #tpu.memory_space<vmem>>, vector<16xi32>,
      %mul3A_630 = arith.constant 2 : i32
      %mul3A_631 = vector.broadcast %mul3A_630 : i32 to vector<16xi32>
      %mul3A_632 = arith.muli %add3A_618, %mul3A_631 : vector<16xi32>
      %add3A_633 = arith.constant 1 : i32
      %add3A_634 = vector.broadcast %add3A_633 : i32 to vector<16xi32>
      %add3A_635 = arith.addi %mul3A_632, %add3A_634 : vector<16xi32>
      %gather3A_636 = tpu.vector_load_idx %arg5[%add3A_635] : memref<2048xi32, #tpu.memory_space<vmem>>[vector<16xi32>], vector<16xi32>,
      %mul3A_637 = arith.constant 16 : i32
      %mul3A_638 = arith.muli %scan3A_613, %mul3A_637 : i32
      %add3A_639 = arith.constant 1024 : i32
      %add3A_640 = arith.addi %add3A_639, %mul3A_638 : i32
      %swap3A_641 = arith.index_cast %add3A_640 : i32 to index
      %swap3A_642 = tpu.vector_load %arg6[%swap3A_641] {strides = array<i32>} : memref<2048xi32, #tpu.memory_space<vmem>>, vector<16xi32>,
      tpu.vector_store %arg6[%swap3A_641], %gather3A_636 {strides = array<i32>} : memref<2048xi32, #tpu.memory_space<vmem>>, vector<16xi32>,
      %scan3A_643 = arith.constant 0 : i32
      %scan3A_644 = arith.constant 1 : i32
      %scan3A_645 = arith.addi %scan3A_613, %scan3A_644 : i32
      %mul3A_646 = arith.constant 16 : i32
      %mul3A_647 = arith.muli %scan3A_645, %mul3A_646 : i32
      %iota3A_648 = tpu.iota {dimensions = array<i32: 0>} : vector<16xi32>
      %add3A_649 = vector.broadcast %mul3A_647 : i32 to vector<16xi32>
      %add3A_650 = arith.addi %add3A_649, %iota3A_648 : vector<16xi32>
      %mul3A_651 = arith.constant 2 : i32
      %mul3A_652 = vector.broadcast %mul3A_651 : i32 to vector<16xi32>
      %mul3A_653 = arith.muli %add3A_650, %mul3A_652 : vector<16xi32>
      %add3A_654 = arith.constant 0 : i32
      %add3A_655 = vector.broadcast %add3A_654 : i32 to vector<16xi32>
      %add3A_656 = arith.addi %mul3A_653, %add3A_655 : vector<16xi32>
      %gather3A_657 = tpu.vector_load_idx %arg5[%add3A_656] : memref<2048xi32, #tpu.memory_space<vmem>>[vector<16xi32>], vector<16xi32>,
      %mul3A_658 = arith.constant 16 : i32
      %mul3A_659 = arith.muli %scan3A_645, %mul3A_658 : i32
      %add3A_660 = arith.constant 0 : i32
      %add3A_661 = arith.addi %add3A_660, %mul3A_659 : i32
      %swap3A_662 = arith.index_cast %add3A_661 : i32 to index
      %swap3A_663 = tpu.vector_load %arg6[%swap3A_662] {strides = array<i32>} : memref<2048xi32, #tpu.memory_space<vmem>>, vector<16xi32>,
      tpu.vector_store %arg6[%swap3A_662], %gather3A_657 {strides = array<i32>} : memref<2048xi32, #tpu.memory_space<vmem>>, vector<16xi32>,
      %mul3A_664 = arith.constant 2 : i32
      %mul3A_665 = vector.broadcast %mul3A_664 : i32 to vector<16xi32>
      %mul3A_666 = arith.muli %add3A_650, %mul3A_665 : vector<16xi32>
      %add3A_667 = arith.constant 1 : i32
      %add3A_668 = vector.broadcast %add3A_667 : i32 to vector<16xi32>
      %add3A_669 = arith.addi %mul3A_666, %add3A_668 : vector<16xi32>
      %gather3A_670 = tpu.vector_load_idx %arg5[%add3A_669] : memref<2048xi32, #tpu.memory_space<vmem>>[vector<16xi32>], vector<16xi32>,
      %mul3A_671 = arith.constant 16 : i32
      %mul3A_672 = arith.muli %scan3A_645, %mul3A_671 : i32
      %add3A_673 = arith.constant 1024 : i32
      %add3A_674 = arith.addi %add3A_673, %mul3A_672 : i32
      %swap3A_675 = arith.index_cast %add3A_674 : i32 to index
      %swap3A_676 = tpu.vector_load %arg6[%swap3A_675] {strides = array<i32>} : memref<2048xi32, #tpu.memory_space<vmem>>, vector<16xi32>,
      tpu.vector_store %arg6[%swap3A_675], %gather3A_670 {strides = array<i32>} : memref<2048xi32, #tpu.memory_space<vmem>>, vector<16xi32>,
      %scan3A_677 = arith.constant 0 : i32
      %scan3A_678 = arith.constant 2 : i32
      %scan3A_679 = arith.addi %scan3A_613, %scan3A_678 : i32
      %mul3A_680 = arith.constant 16 : i32
      %mul3A_681 = arith.muli %scan3A_679, %mul3A_680 : i32
      %iota3A_682 = tpu.iota {dimensions = array<i32: 0>} : vector<16xi32>
      %add3A_683 = vector.broadcast %mul3A_681 : i32 to vector<16xi32>
      %add3A_684 = arith.addi %add3A_683, %iota3A_682 : vector<16xi32>
      %mul3A_685 = arith.constant 2 : i32
      %mul3A_686 = vector.broadcast %mul3A_685 : i32 to vector<16xi32>
      %mul3A_687 = arith.muli %add3A_684, %mul3A_686 : vector<16xi32>
      %add3A_688 = arith.constant 0 : i32
      %add3A_689 = vector.broadcast %add3A_688 : i32 to vector<16xi32>
      %add3A_690 = arith.addi %mul3A_687, %add3A_689 : vector<16xi32>
      %gather3A_691 = tpu.vector_load_idx %arg5[%add3A_690] : memref<2048xi32, #tpu.memory_space<vmem>>[vector<16xi32>], vector<16xi32>,
      %mul3A_692 = arith.constant 16 : i32
      %mul3A_693 = arith.muli %scan3A_679, %mul3A_692 : i32
      %add3A_694 = arith.constant 0 : i32
      %add3A_695 = arith.addi %add3A_694, %mul3A_693 : i32
      %swap3A_696 = arith.index_cast %add3A_695 : i32 to index
      %swap3A_697 = tpu.vector_load %arg6[%swap3A_696] {strides = array<i32>} : memref<2048xi32, #tpu.memory_space<vmem>>, vector<16xi32>,
      tpu.vector_store %arg6[%swap3A_696], %gather3A_691 {strides = array<i32>} : memref<2048xi32, #tpu.memory_space<vmem>>, vector<16xi32>,
      %mul3A_698 = arith.constant 2 : i32
      %mul3A_699 = vector.broadcast %mul3A_698 : i32 to vector<16xi32>
      %mul3A_700 = arith.muli %add3A_684, %mul3A_699 : vector<16xi32>
      %add3A_701 = arith.constant 1 : i32
      %add3A_702 = vector.broadcast %add3A_701 : i32 to vector<16xi32>
      %add3A_703 = arith.addi %mul3A_700, %add3A_702 : vector<16xi32>
      %gather3A_704 = tpu.vector_load_idx %arg5[%add3A_703] : memref<2048xi32, #tpu.memory_space<vmem>>[vector<16xi32>], vector<16xi32>,
      %mul3A_705 = arith.constant 16 : i32
      %mul3A_706 = arith.muli %scan3A_679, %mul3A_705 : i32
      %add3A_707 = arith.constant 1024 : i32
      %add3A_708 = arith.addi %add3A_707, %mul3A_706 : i32
      %swap3A_709 = arith.index_cast %add3A_708 : i32 to index
      %swap3A_710 = tpu.vector_load %arg6[%swap3A_709] {strides = array<i32>} : memref<2048xi32, #tpu.memory_space<vmem>>, vector<16xi32>,
      tpu.vector_store %arg6[%swap3A_709], %gather3A_704 {strides = array<i32>} : memref<2048xi32, #tpu.memory_space<vmem>>, vector<16xi32>,
      %scan3A_711 = arith.constant 0 : i32
      %scan3A_712 = arith.constant 3 : i32
      %scan3A_713 = arith.addi %scan3A_613, %scan3A_712 : i32
      %mul3A_714 = arith.constant 16 : i32
      %mul3A_715 = arith.muli %scan3A_713, %mul3A_714 : i32
      %iota3A_716 = tpu.iota {dimensions = array<i32: 0>} : vector<16xi32>
      %add3A_717 = vector.broadcast %mul3A_715 : i32 to vector<16xi32>
      %add3A_718 = arith.addi %add3A_717, %iota3A_716 : vector<16xi32>
      %mul3A_719 = arith.constant 2 : i32
      %mul3A_720 = vector.broadcast %mul3A_719 : i32 to vector<16xi32>
      %mul3A_721 = arith.muli %add3A_718, %mul3A_720 : vector<16xi32>
      %add3A_722 = arith.constant 0 : i32
      %add3A_723 = vector.broadcast %add3A_722 : i32 to vector<16xi32>
      %add3A_724 = arith.addi %mul3A_721, %add3A_723 : vector<16xi32>
      %gather3A_725 = tpu.vector_load_idx %arg5[%add3A_724] : memref<2048xi32, #tpu.memory_space<vmem>>[vector<16xi32>], vector<16xi32>,
      %mul3A_726 = arith.constant 16 : i32
      %mul3A_727 = arith.muli %scan3A_713, %mul3A_726 : i32
      %add3A_728 = arith.constant 0 : i32
      %add3A_729 = arith.addi %add3A_728, %mul3A_727 : i32
      %swap3A_730 = arith.index_cast %add3A_729 : i32 to index
      %swap3A_731 = tpu.vector_load %arg6[%swap3A_730] {strides = array<i32>} : memref<2048xi32, #tpu.memory_space<vmem>>, vector<16xi32>,
      tpu.vector_store %arg6[%swap3A_730], %gather3A_725 {strides = array<i32>} : memref<2048xi32, #tpu.memory_space<vmem>>, vector<16xi32>,
      %mul3A_732 = arith.constant 2 : i32
      %mul3A_733 = vector.broadcast %mul3A_732 : i32 to vector<16xi32>
      %mul3A_734 = arith.muli %add3A_718, %mul3A_733 : vector<16xi32>
      %add3A_735 = arith.constant 1 : i32
      %add3A_736 = vector.broadcast %add3A_735 : i32 to vector<16xi32>
      %add3A_737 = arith.addi %mul3A_734, %add3A_736 : vector<16xi32>
      %gather3A_738 = tpu.vector_load_idx %arg5[%add3A_737] : memref<2048xi32, #tpu.memory_space<vmem>>[vector<16xi32>], vector<16xi32>,
      %mul3A_739 = arith.constant 16 : i32
      %mul3A_740 = arith.muli %scan3A_713, %mul3A_739 : i32
      %add3A_741 = arith.constant 1024 : i32
      %add3A_742 = arith.addi %add3A_741, %mul3A_740 : i32
      %swap3A_743 = arith.index_cast %add3A_742 : i32 to index
      %swap3A_744 = tpu.vector_load %arg6[%swap3A_743] {strides = array<i32>} : memref<2048xi32, #tpu.memory_space<vmem>>, vector<16xi32>,
      tpu.vector_store %arg6[%swap3A_743], %gather3A_738 {strides = array<i32>} : memref<2048xi32, #tpu.memory_space<vmem>>, vector<16xi32>,
      %scan3A_745 = arith.constant 0 : i32
      scf.yield %scan3A_745 : i32
    }
    %scan3A_6 = arith.constant 64 : i32
    %add3A_7 = arith.constant 0 : i32
    %add3A_8 = arith.addi %add3A, %add3A_7 : i32
    %jit3A = arith.constant 4 : i32
    %div3A = arith.divsi %add3A_8, %jit3A : i32
    %sign3A = arith.constant 0 : i32
    %sign3A_9 = arith.cmpi sgt, %add3A_8, %sign3A : i32
    %sign3A_10 = arith.extui %sign3A_9 : i1 to i32
    %sign3A_11 = arith.constant 0 : i32
    %sign3A_12 = arith.cmpi slt, %add3A_8, %sign3A_11 : i32
    %sign3A_13 = arith.extui %sign3A_12 : i1 to i32
    %sign3A_14 = arith.subi %sign3A_10, %sign3A_13 : i32
    %sign3A_15 = arith.constant 0 : i32
    %sign3A_16 = arith.cmpi sgt, %jit3A, %sign3A_15 : i32
    %sign3A_17 = arith.extui %sign3A_16 : i1 to i32
    %sign3A_18 = arith.constant 0 : i32
    %sign3A_19 = arith.cmpi slt, %jit3A, %sign3A_18 : i32
    %sign3A_20 = arith.extui %sign3A_19 : i1 to i32
    %sign3A_21 = arith.subi %sign3A_17, %sign3A_20 : i32
    %ne3A = arith.cmpi ne, %sign3A_14, %sign3A_21 : i32
    %rem3A = arith.remsi %add3A_8, %jit3A : i32
    %ne3A_22 = arith.constant 0 : i32
    %ne3A_23 = arith.cmpi ne, %rem3A, %ne3A_22 : i32
    %and3A = arith.andi %ne3A, %ne3A_23 : i1
    %sub3A = arith.constant 1 : i32
    %sub3A_24 = arith.subi %div3A, %sub3A : i32
    %select_n3A = arith.select %and3A, %sub3A_24, %div3A : i32
    %jit3A_25 = arith.constant 4 : i32
    %eq3A = arith.constant 0 : i32
    %eq3A_26 = arith.cmpi eq, %jit3A_25, %eq3A : i32
    %jit3A_27 = arith.constant 1 : i32
    %select_n3A_28 = arith.select %eq3A_26, %jit3A_27, %jit3A_25 : i32
    %rem3A_29 = arith.remsi %add3A_8, %select_n3A_28 : i32
    %ne3A_30 = arith.constant 0 : i32
    %ne3A_31 = arith.cmpi ne, %rem3A_29, %ne3A_30 : i32
    %lt3A = arith.constant 0 : i32
    %lt3A_32 = arith.cmpi slt, %rem3A_29, %lt3A : i32
    %lt3A_33 = arith.constant 0 : i32
    %lt3A_34 = arith.cmpi slt, %select_n3A_28, %lt3A_33 : i32
    %ne3A_35 = arith.xori %lt3A_32, %lt3A_34 : i1
    %and3A_36 = arith.andi %ne3A_35, %ne3A_31 : i1
    %add3A_37 = arith.addi %rem3A_29, %select_n3A_28 : i32
    %select_n3A_38 = arith.select %and3A_36, %add3A_37, %rem3A_29 : i32
    %mul3A_39 = arith.constant 16 : i32
    %mul3A_40 = arith.muli %select_n3A_38, %mul3A_39 : i32
    %dma_start3A = arith.constant 0 : i32
    %dma_start3A_41 = arith.constant 0 : i32
    %dma_start3A_42 = tpu.memref_slice %arg7[%dma_start3A, %dma_start3A_41] : memref<32x1000xf32, #tpu.memory_space<vmem>> -> memref<16x1000xf32, #tpu.memory_space<vmem>>
    %dma_start3A_43 = arith.constant 0 : i32
    %dma_start3A_44 = tpu.memref_slice %arg3[%select_n3A, %mul3A_40, %dma_start3A_43] : memref<200x64x1000xf32, #tpu.memory_space<hbm>> -> memref<1x16x1000xf32, #tpu.memory_space<hbm>>
    %dma_start3A_45 = tpu.memref_squeeze %dma_start3A_44 : memref<1x16x1000xf32, #tpu.memory_space<hbm>> -> memref<16x1000xf32, #tpu.memory_space<hbm>>
    %dma_start3A_46 = arith.constant 0 : i32
    %dma_start3A_47 = arith.constant 0 : i32
    %dma_start3A_48 = tpu.memref_slice %arg7[%dma_start3A_46, %dma_start3A_47] : memref<32x1000xf32, #tpu.memory_space<vmem>> -> memref<16x1000xf32, #tpu.memory_space<vmem>>
    %dma_start3A_49 = arith.constant 0 : i32
    %dma_start3A_50 = tpu.memref_slice %arg3[%select_n3A, %mul3A_40, %dma_start3A_49] : memref<200x64x1000xf32, #tpu.memory_space<hbm>> -> memref<1x16x1000xf32, #tpu.memory_space<hbm>>
    %dma_start3A_51 = tpu.memref_squeeze %dma_start3A_50 : memref<1x16x1000xf32, #tpu.memory_space<hbm>> -> memref<16x1000xf32, #tpu.memory_space<hbm>>
    tpu.enqueue_dma source(%dma_start3A_51 : memref<16x1000xf32, #tpu.memory_space<hbm>>) target(%dma_start3A_48 : memref<16x1000xf32, #tpu.memory_space<vmem>>) target_semaphore(%arg9 : memref<!tpu.dma_semaphore, #tpu.memory_space<semaphore_mem>>)
    %add3A_52 = arith.constant 32 : i32
    %add3A_53 = arith.addi %add3A, %add3A_52 : i32
    %jit3A_54 = arith.constant 4 : i32
    %div3A_55 = arith.divsi %add3A_53, %jit3A_54 : i32
    %sign3A_56 = arith.constant 0 : i32
    %sign3A_57 = arith.cmpi sgt, %add3A_53, %sign3A_56 : i32
    %sign3A_58 = arith.extui %sign3A_57 : i1 to i32
    %sign3A_59 = arith.constant 0 : i32
    %sign3A_60 = arith.cmpi slt, %add3A_53, %sign3A_59 : i32
    %sign3A_61 = arith.extui %sign3A_60 : i1 to i32
    %sign3A_62 = arith.subi %sign3A_58, %sign3A_61 : i32
    %sign3A_63 = arith.constant 0 : i32
    %sign3A_64 = arith.cmpi sgt, %jit3A_54, %sign3A_63 : i32
    %sign3A_65 = arith.extui %sign3A_64 : i1 to i32
    %sign3A_66 = arith.constant 0 : i32
    %sign3A_67 = arith.cmpi slt, %jit3A_54, %sign3A_66 : i32
    %sign3A_68 = arith.extui %sign3A_67 : i1 to i32
    %sign3A_69 = arith.subi %sign3A_65, %sign3A_68 : i32
    %ne3A_70 = arith.cmpi ne, %sign3A_62, %sign3A_69 : i32
    %rem3A_71 = arith.remsi %add3A_53, %jit3A_54 : i32
    %ne3A_72 = arith.constant 0 : i32
    %ne3A_73 = arith.cmpi ne, %rem3A_71, %ne3A_72 : i32
    %and3A_74 = arith.andi %ne3A_70, %ne3A_73 : i1
    %sub3A_75 = arith.constant 1 : i32
    %sub3A_76 = arith.subi %div3A_55, %sub3A_75 : i32
    %select_n3A_77 = arith.select %and3A_74, %sub3A_76, %div3A_55 : i32
    %jit3A_78 = arith.constant 4 : i32
    %eq3A_79 = arith.constant 0 : i32
    %eq3A_80 = arith.cmpi eq, %jit3A_78, %eq3A_79 : i32
    %jit3A_81 = arith.constant 1 : i32
    %select_n3A_82 = arith.select %eq3A_80, %jit3A_81, %jit3A_78 : i32
    %rem3A_83 = arith.remsi %add3A_53, %select_n3A_82 : i32
    %ne3A_84 = arith.constant 0 : i32
    %ne3A_85 = arith.cmpi ne, %rem3A_83, %ne3A_84 : i32
    %lt3A_86 = arith.constant 0 : i32
    %lt3A_87 = arith.cmpi slt, %rem3A_83, %lt3A_86 : i32
    %lt3A_88 = arith.constant 0 : i32
    %lt3A_89 = arith.cmpi slt, %select_n3A_82, %lt3A_88 : i32
    %ne3A_90 = arith.xori %lt3A_87, %lt3A_89 : i1
    %and3A_91 = arith.andi %ne3A_90, %ne3A_85 : i1
    %add3A_92 = arith.addi %rem3A_83, %select_n3A_82 : i32
    %select_n3A_93 = arith.select %and3A_91, %add3A_92, %rem3A_83 : i32
    %mul3A_94 = arith.constant 16 : i32
    %mul3A_95 = arith.muli %select_n3A_93, %mul3A_94 : i32
    %dma_start3A_96 = arith.constant 16 : i32
    %dma_start3A_97 = arith.constant 0 : i32
    %dma_start3A_98 = tpu.memref_slice %arg7[%dma_start3A_96, %dma_start3A_97] : memref<32x1000xf32, #tpu.memory_space<vmem>> -> memref<16x1000xf32, #tpu.memory_space<vmem>>
    %dma_start3A_99 = arith.constant 0 : i32
    %dma_start3A_100 = tpu.memref_slice %arg3[%select_n3A_77, %mul3A_95, %dma_start3A_99] : memref<200x64x1000xf32, #tpu.memory_space<hbm>> -> memref<1x16x1000xf32, #tpu.memory_space<hbm>>
    %dma_start3A_101 = tpu.memref_squeeze %dma_start3A_100 : memref<1x16x1000xf32, #tpu.memory_space<hbm>> -> memref<16x1000xf32, #tpu.memory_space<hbm>>
    %dma_start3A_102 = arith.constant 16 : i32
    %dma_start3A_103 = arith.constant 0 : i32
    %dma_start3A_104 = tpu.memref_slice %arg7[%dma_start3A_102, %dma_start3A_103] : memref<32x1000xf32, #tpu.memory_space<vmem>> -> memref<16x1000xf32, #tpu.memory_space<vmem>>
    %dma_start3A_105 = arith.constant 0 : i32
    %dma_start3A_106 = tpu.memref_slice %arg3[%select_n3A_77, %mul3A_95, %dma_start3A_105] : memref<200x64x1000xf32, #tpu.memory_space<hbm>> -> memref<1x16x1000xf32, #tpu.memory_space<hbm>>
    %dma_start3A_107 = tpu.memref_squeeze %dma_start3A_106 : memref<1x16x1000xf32, #tpu.memory_space<hbm>> -> memref<16x1000xf32, #tpu.memory_space<hbm>>
    tpu.enqueue_dma source(%dma_start3A_107 : memref<16x1000xf32, #tpu.memory_space<hbm>>) target(%dma_start3A_104 : memref<16x1000xf32, #tpu.memory_space<vmem>>) target_semaphore(%arg10 : memref<!tpu.dma_semaphore, #tpu.memory_space<semaphore_mem>>)
    %dma_wait3A = arith.constant 0 : i32
    %dma_wait3A_108 = arith.constant 0 : i32
    %dma_wait3A_109 = arith.constant 0 : i32
    %dma_wait3A_110 = tpu.memref_slice %arg7[%dma_wait3A_108, %dma_wait3A_109] : memref<32x1000xf32, #tpu.memory_space<vmem>> -> memref<16x1000xf32, #tpu.memory_space<vmem>>
    %dma_wait3A_111 = arith.constant 0 : i32
    %dma_wait3A_112 = arith.constant 0 : i32
    %dma_wait3A_113 = tpu.memref_slice %arg3[%dma_wait3A, %dma_wait3A_111, %dma_wait3A_112] : memref<200x64x1000xf32, #tpu.memory_space<hbm>> -> memref<1x16x1000xf32, #tpu.memory_space<hbm>>
    %dma_wait3A_114 = tpu.memref_squeeze %dma_wait3A_113 : memref<1x16x1000xf32, #tpu.memory_space<hbm>> -> memref<16x1000xf32, #tpu.memory_space<hbm>>
    %dma_wait3A_115 = arith.constant 0 : i32
    %dma_wait3A_116 = arith.constant 0 : i32
    %dma_wait3A_117 = tpu.memref_slice %arg7[%dma_wait3A_115, %dma_wait3A_116] : memref<32x1000xf32, #tpu.memory_space<vmem>> -> memref<16x1000xf32, #tpu.memory_space<vmem>>
    %dma_wait3A_118 = arith.constant 0 : i32
    %dma_wait3A_119 = arith.constant 0 : i32
    %dma_wait3A_120 = tpu.memref_slice %arg3[%dma_wait3A, %dma_wait3A_118, %dma_wait3A_119] : memref<200x64x1000xf32, #tpu.memory_space<hbm>> -> memref<1x16x1000xf32, #tpu.memory_space<hbm>>
    %dma_wait3A_121 = tpu.memref_squeeze %dma_wait3A_120 : memref<1x16x1000xf32, #tpu.memory_space<hbm>> -> memref<16x1000xf32, #tpu.memory_space<hbm>>
    tpu.wait_dma2 semaphore(%arg9 : memref<!tpu.dma_semaphore, #tpu.memory_space<semaphore_mem>>) src(%dma_wait3A_121 : memref<16x1000xf32, #tpu.memory_space<hbm>>) dst(%dma_wait3A_117 : memref<16x1000xf32, #tpu.memory_space<vmem>>)
    %scan3A_122 = arith.constant 0 : i32
    %scan3A_123 = arith.constant 0 : i32
    %scan3A_124 = arith.constant 64 : i32
    %scan3A_125 = arith.addi %scan3A_123, %scan3A_124 : i32
    %scan3A_126 = arith.constant 2 : i32
    %scan3A_127 = scf.for %scan3A_613 = %scan3A_123 to %scan3A_125 step %scan3A_126 iter_args(%scan3A_614 = %scan3A_122) -> (i32)  : i32 {
      %mul3A_615 = arith.constant 16 : i32
      %mul3A_616 = arith.muli %scan3A_613, %mul3A_615 : i32
      %add3A_617 = arith.constant 0 : i32
      %add3A_618 = arith.addi %add3A_617, %mul3A_616 : i32
      %get3A = arith.index_cast %add3A_618 : i32 to index
      %get3A_619 = tpu.vector_load %arg6[%get3A] {strides = array<i32>} : memref<2048xi32, #tpu.memory_space<vmem>>, vector<16xi32>,
      %mul3A_620 = arith.constant 16 : i32
      %mul3A_621 = arith.muli %scan3A_613, %mul3A_620 : i32
      %add3A_622 = arith.constant 1024 : i32
      %add3A_623 = arith.addi %add3A_622, %mul3A_621 : i32
      %get3A_624 = arith.index_cast %add3A_623 : i32 to index
      %get3A_625 = tpu.vector_load %arg6[%get3A_624] {strides = array<i32>} : memref<2048xi32, #tpu.memory_space<vmem>>, vector<16xi32>,
      %broadcast_in_dim3A = arith.constant 0 : i32
      %broadcast_in_dim3A_626 = vector.broadcast %broadcast_in_dim3A : i32 to vector<16xi32>
      %gather3A = tpu.vector_load_idx %arg7[%broadcast_in_dim3A_626, %get3A_619] : memref<32x1000xf32, #tpu.memory_space<vmem>>[vector<16xi32>, vector<16xi32>], vector<16xf32>,
      %broadcast_in_dim3A_627 = arith.constant 1 : i32
      %broadcast_in_dim3A_628 = vector.broadcast %broadcast_in_dim3A_627 : i32 to vector<16xi32>
      %gather3A_629 = tpu.vector_load_idx %arg7[%broadcast_in_dim3A_628, %get3A_619] : memref<32x1000xf32, #tpu.memory_space<vmem>>[vector<16xi32>, vector<16xi32>], vector<16xf32>,
      %broadcast_in_dim3A_630 = arith.constant 2 : i32
      %broadcast_in_dim3A_631 = vector.broadcast %broadcast_in_dim3A_630 : i32 to vector<16xi32>
      %gather3A_632 = tpu.vector_load_idx %arg7[%broadcast_in_dim3A_631, %get3A_619] : memref<32x1000xf32, #tpu.memory_space<vmem>>[vector<16xi32>, vector<16xi32>], vector<16xf32>,
      %broadcast_in_dim3A_633 = arith.constant 3 : i32
      %broadcast_in_dim3A_634 = vector.broadcast %broadcast_in_dim3A_633 : i32 to vector<16xi32>
      %gather3A_635 = tpu.vector_load_idx %arg7[%broadcast_in_dim3A_634, %get3A_619] : memref<32x1000xf32, #tpu.memory_space<vmem>>[vector<16xi32>, vector<16xi32>], vector<16xf32>,
      %broadcast_in_dim3A_636 = arith.constant 4 : i32
      %broadcast_in_dim3A_637 = vector.broadcast %broadcast_in_dim3A_636 : i32 to vector<16xi32>
      %gather3A_638 = tpu.vector_load_idx %arg7[%broadcast_in_dim3A_637, %get3A_619] : memref<32x1000xf32, #tpu.memory_space<vmem>>[vector<16xi32>, vector<16xi32>], vector<16xf32>,
      %broadcast_in_dim3A_639 = arith.constant 5 : i32
      %broadcast_in_dim3A_640 = vector.broadcast %broadcast_in_dim3A_639 : i32 to vector<16xi32>
      %gather3A_641 = tpu.vector_load_idx %arg7[%broadcast_in_dim3A_640, %get3A_619] : memref<32x1000xf32, #tpu.memory_space<vmem>>[vector<16xi32>, vector<16xi32>], vector<16xf32>,
      %broadcast_in_dim3A_642 = arith.constant 6 : i32
      %broadcast_in_dim3A_643 = vector.broadcast %broadcast_in_dim3A_642 : i32 to vector<16xi32>
      %gather3A_644 = tpu.vector_load_idx %arg7[%broadcast_in_dim3A_643, %get3A_619] : memref<32x1000xf32, #tpu.memory_space<vmem>>[vector<16xi32>, vector<16xi32>], vector<16xf32>,
      %broadcast_in_dim3A_645 = arith.constant 7 : i32
      %broadcast_in_dim3A_646 = vector.broadcast %broadcast_in_dim3A_645 : i32 to vector<16xi32>
      %gather3A_647 = tpu.vector_load_idx %arg7[%broadcast_in_dim3A_646, %get3A_619] : memref<32x1000xf32, #tpu.memory_space<vmem>>[vector<16xi32>, vector<16xi32>], vector<16xf32>,
      %broadcast_in_dim3A_648 = arith.constant 8 : i32
      %broadcast_in_dim3A_649 = vector.broadcast %broadcast_in_dim3A_648 : i32 to vector<16xi32>
      %gather3A_650 = tpu.vector_load_idx %arg7[%broadcast_in_dim3A_649, %get3A_619] : memref<32x1000xf32, #tpu.memory_space<vmem>>[vector<16xi32>, vector<16xi32>], vector<16xf32>,
      %mul3A_651 = arith.constant 16 : i32
      %mul3A_652 = arith.muli %scan3A_613, %mul3A_651 : i32
      %swap3A = arith.constant 0 : i32
      %swap3A_653 = arith.index_cast %swap3A : i32 to index
      %swap3A_654 = arith.index_cast %mul3A_652 : i32 to index
      %swap3A_655 = tpu.vector_load %arg8[%swap3A_653, %swap3A_654] {strides = array<i32>} : memref<64x1024xf32, #tpu.memory_space<vmem>>, vector<16xf32>,
      tpu.vector_store %arg8[%swap3A_653, %swap3A_654], %gather3A {strides = array<i32>} : memref<64x1024xf32, #tpu.memory_space<vmem>>, vector<16xf32>,
      %broadcast_in_dim3A_656 = arith.constant 9 : i32
      %broadcast_in_dim3A_657 = vector.broadcast %broadcast_in_dim3A_656 : i32 to vector<16xi32>
      %gather3A_658 = tpu.vector_load_idx %arg7[%broadcast_in_dim3A_657, %get3A_619] : memref<32x1000xf32, #tpu.memory_space<vmem>>[vector<16xi32>, vector<16xi32>], vector<16xf32>,
      %mul3A_659 = arith.constant 16 : i32
      %mul3A_660 = arith.muli %scan3A_613, %mul3A_659 : i32
      %swap3A_661 = arith.constant 1 : i32
      %swap3A_662 = arith.index_cast %swap3A_661 : i32 to index
      %swap3A_663 = arith.index_cast %mul3A_660 : i32 to index
      %swap3A_664 = tpu.vector_load %arg8[%swap3A_662, %swap3A_663] {strides = array<i32>} : memref<64x1024xf32, #tpu.memory_space<vmem>>, vector<16xf32>,
      tpu.vector_store %arg8[%swap3A_662, %swap3A_663], %gather3A_629 {strides = array<i32>} : memref<64x1024xf32, #tpu.memory_space<vmem>>, vector<16xf32>,
      %broadcast_in_dim3A_665 = arith.constant 10 : i32
      %broadcast_in_dim3A_666 = vector.broadcast %broadcast_in_dim3A_665 : i32 to vector<16xi32>
      %gather3A_667 = tpu.vector_load_idx %arg7[%broadcast_in_dim3A_666, %get3A_619] : memref<32x1000xf32, #tpu.memory_space<vmem>>[vector<16xi32>, vector<16xi32>], vector<16xf32>,
      %mul3A_668 = arith.constant 16 : i32
      %mul3A_669 = arith.muli %scan3A_613, %mul3A_668 : i32
      %swap3A_670 = arith.constant 2 : i32
      %swap3A_671 = arith.index_cast %swap3A_670 : i32 to index
      %swap3A_672 = arith.index_cast %mul3A_669 : i32 to index
      %swap3A_673 = tpu.vector_load %arg8[%swap3A_671, %swap3A_672] {strides = array<i32>} : memref<64x1024xf32, #tpu.memory_space<vmem>>, vector<16xf32>,
      tpu.vector_store %arg8[%swap3A_671, %swap3A_672], %gather3A_632 {strides = array<i32>} : memref<64x1024xf32, #tpu.memory_space<vmem>>, vector<16xf32>,
      %broadcast_in_dim3A_674 = arith.constant 11 : i32
      %broadcast_in_dim3A_675 = vector.broadcast %broadcast_in_dim3A_674 : i32 to vector<16xi32>
      %gather3A_676 = tpu.vector_load_idx %arg7[%broadcast_in_dim3A_675, %get3A_619] : memref<32x1000xf32, #tpu.memory_space<vmem>>[vector<16xi32>, vector<16xi32>], vector<16xf32>,
      %mul3A_677 = arith.constant 16 : i32
      %mul3A_678 = arith.muli %scan3A_613, %mul3A_677 : i32
      %swap3A_679 = arith.constant 3 : i32
      %swap3A_680 = arith.index_cast %swap3A_679 : i32 to index
      %swap3A_681 = arith.index_cast %mul3A_678 : i32 to index
      %swap3A_682 = tpu.vector_load %arg8[%swap3A_680, %swap3A_681] {strides = array<i32>} : memref<64x1024xf32, #tpu.memory_space<vmem>>, vector<16xf32>,
      tpu.vector_store %arg8[%swap3A_680, %swap3A_681], %gather3A_635 {strides = array<i32>} : memref<64x1024xf32, #tpu.memory_space<vmem>>, vector<16xf32>,
      %broadcast_in_dim3A_683 = arith.constant 12 : i32
      %broadcast_in_dim3A_684 = vector.broadcast %broadcast_in_dim3A_683 : i32 to vector<16xi32>
      %gather3A_685 = tpu.vector_load_idx %arg7[%broadcast_in_dim3A_684, %get3A_619] : memref<32x1000xf32, #tpu.memory_space<vmem>>[vector<16xi32>, vector<16xi32>], vector<16xf32>,
      %mul3A_686 = arith.constant 16 : i32
      %mul3A_687 = arith.muli %scan3A_613, %mul3A_686 : i32
      %swap3A_688 = arith.constant 4 : i32
      %swap3A_689 = arith.index_cast %swap3A_688 : i32 to index
      %swap3A_690 = arith.index_cast %mul3A_687 : i32 to index
      %swap3A_691 = tpu.vector_load %arg8[%swap3A_689, %swap3A_690] {strides = array<i32>} : memref<64x1024xf32, #tpu.memory_space<vmem>>, vector<16xf32>,
      tpu.vector_store %arg8[%swap3A_689, %swap3A_690], %gather3A_638 {strides = array<i32>} : memref<64x1024xf32, #tpu.memory_space<vmem>>, vector<16xf32>,
      %broadcast_in_dim3A_692 = arith.constant 13 : i32
      %broadcast_in_dim3A_693 = vector.broadcast %broadcast_in_dim3A_692 : i32 to vector<16xi32>
      %gather3A_694 = tpu.vector_load_idx %arg7[%broadcast_in_dim3A_693, %get3A_619] : memref<32x1000xf32, #tpu.memory_space<vmem>>[vector<16xi32>, vector<16xi32>], vector<16xf32>,
      %mul3A_695 = arith.constant 16 : i32
      %mul3A_696 = arith.muli %scan3A_613, %mul3A_695 : i32
      %swap3A_697 = arith.constant 5 : i32
      %swap3A_698 = arith.index_cast %swap3A_697 : i32 to index
      %swap3A_699 = arith.index_cast %mul3A_696 : i32 to index
      %swap3A_700 = tpu.vector_load %arg8[%swap3A_698, %swap3A_699] {strides = array<i32>} : memref<64x1024xf32, #tpu.memory_space<vmem>>, vector<16xf32>,
      tpu.vector_store %arg8[%swap3A_698, %swap3A_699], %gather3A_641 {strides = array<i32>} : memref<64x1024xf32, #tpu.memory_space<vmem>>, vector<16xf32>,
      %broadcast_in_dim3A_701 = arith.constant 14 : i32
      %broadcast_in_dim3A_702 = vector.broadcast %broadcast_in_dim3A_701 : i32 to vector<16xi32>
      %gather3A_703 = tpu.vector_load_idx %arg7[%broadcast_in_dim3A_702, %get3A_619] : memref<32x1000xf32, #tpu.memory_space<vmem>>[vector<16xi32>, vector<16xi32>], vector<16xf32>,
      %mul3A_704 = arith.constant 16 : i32
      %mul3A_705 = arith.muli %scan3A_613, %mul3A_704 : i32
      %swap3A_706 = arith.constant 6 : i32
      %swap3A_707 = arith.index_cast %swap3A_706 : i32 to index
      %swap3A_708 = arith.index_cast %mul3A_705 : i32 to index
      %swap3A_709 = tpu.vector_load %arg8[%swap3A_707, %swap3A_708] {strides = array<i32>} : memref<64x1024xf32, #tpu.memory_space<vmem>>, vector<16xf32>,
      tpu.vector_store %arg8[%swap3A_707, %swap3A_708], %gather3A_644 {strides = array<i32>} : memref<64x1024xf32, #tpu.memory_space<vmem>>, vector<16xf32>,
      %broadcast_in_dim3A_710 = arith.constant 15 : i32
      %broadcast_in_dim3A_711 = vector.broadcast %broadcast_in_dim3A_710 : i32 to vector<16xi32>
      %gather3A_712 = tpu.vector_load_idx %arg7[%broadcast_in_dim3A_711, %get3A_619] : memref<32x1000xf32, #tpu.memory_space<vmem>>[vector<16xi32>, vector<16xi32>], vector<16xf32>,
      %mul3A_713 = arith.constant 16 : i32
      %mul3A_714 = arith.muli %scan3A_613, %mul3A_713 : i32
      %swap3A_715 = arith.constant 7 : i32
      %swap3A_716 = arith.index_cast %swap3A_715 : i32 to index
      %swap3A_717 = arith.index_cast %mul3A_714 : i32 to index
      %swap3A_718 = tpu.vector_load %arg8[%swap3A_716, %swap3A_717] {strides = array<i32>} : memref<64x1024xf32, #tpu.memory_space<vmem>>, vector<16xf32>,
      tpu.vector_store %arg8[%swap3A_716, %swap3A_717], %gather3A_647 {strides = array<i32>} : memref<64x1024xf32, #tpu.memory_space<vmem>>, vector<16xf32>,
      %broadcast_in_dim3A_719 = arith.constant 0 : i32
      %broadcast_in_dim3A_720 = vector.broadcast %broadcast_in_dim3A_719 : i32 to vector<16xi32>
      %gather3A_721 = tpu.vector_load_idx %arg7[%broadcast_in_dim3A_720, %get3A_625] : memref<32x1000xf32, #tpu.memory_space<vmem>>[vector<16xi32>, vector<16xi32>], vector<16xf32>,
      %mul3A_722 = arith.constant 16 : i32
      %mul3A_723 = arith.muli %scan3A_613, %mul3A_722 : i32
      %swap3A_724 = arith.constant 8 : i32
      %swap3A_725 = arith.index_cast %swap3A_724 : i32 to index
      %swap3A_726 = arith.index_cast %mul3A_723 : i32 to index
      %swap3A_727 = tpu.vector_load %arg8[%swap3A_725, %swap3A_726] {strides = array<i32>} : memref<64x1024xf32, #tpu.memory_space<vmem>>, vector<16xf32>,
      tpu.vector_store %arg8[%swap3A_725, %swap3A_726], %gather3A_650 {strides = array<i32>} : memref<64x1024xf32, #tpu.memory_space<vmem>>, vector<16xf32>,
      %broadcast_in_dim3A_728 = arith.constant 1 : i32
      %broadcast_in_dim3A_729 = vector.broadcast %broadcast_in_dim3A_728 : i32 to vector<16xi32>
      %gather3A_730 = tpu.vector_load_idx %arg7[%broadcast_in_dim3A_729, %get3A_625] : memref<32x1000xf32, #tpu.memory_space<vmem>>[vector<16xi32>, vector<16xi32>], vector<16xf32>,
      %mul3A_731 = arith.constant 16 : i32
      %mul3A_732 = arith.muli %scan3A_613, %mul3A_731 : i32
      %swap3A_733 = arith.constant 9 : i32
      %swap3A_734 = arith.index_cast %swap3A_733 : i32 to index
      %swap3A_735 = arith.index_cast %mul3A_732 : i32 to index
      %swap3A_736 = tpu.vector_load %arg8[%swap3A_734, %swap3A_735] {strides = array<i32>} : memref<64x1024xf32, #tpu.memory_space<vmem>>, vector<16xf32>,
      tpu.vector_store %arg8[%swap3A_734, %swap3A_735], %gather3A_658 {strides = array<i32>} : memref<64x1024xf32, #tpu.memory_space<vmem>>, vector<16xf32>,
      %broadcast_in_dim3A_737 = arith.constant 2 : i32
      %broadcast_in_dim3A_738 = vector.broadcast %broadcast_in_dim3A_737 : i32 to vector<16xi32>
      %gather3A_739 = tpu.vector_load_idx %arg7[%broadcast_in_dim3A_738, %get3A_625] : memref<32x1000xf32, #tpu.memory_space<vmem>>[vector<16xi32>, vector<16xi32>], vector<16xf32>,
      %mul3A_740 = arith.constant 16 : i32
      %mul3A_741 = arith.muli %scan3A_613, %mul3A_740 : i32
      %swap3A_742 = arith.constant 10 : i32
      %swap3A_743 = arith.index_cast %swap3A_742 : i32 to index
      %swap3A_744 = arith.index_cast %mul3A_741 : i32 to index
      %swap3A_745 = tpu.vector_load %arg8[%swap3A_743, %swap3A_744] {strides = array<i32>} : memref<64x1024xf32, #tpu.memory_space<vmem>>, vector<16xf32>,
      tpu.vector_store %arg8[%swap3A_743, %swap3A_744], %gather3A_667 {strides = array<i32>} : memref<64x1024xf32, #tpu.memory_space<vmem>>, vector<16xf32>,
      %broadcast_in_dim3A_746 = arith.constant 3 : i32
      %broadcast_in_dim3A_747 = vector.broadcast %broadcast_in_dim3A_746 : i32 to vector<16xi32>
      %gather3A_748 = tpu.vector_load_idx %arg7[%broadcast_in_dim3A_747, %get3A_625] : memref<32x1000xf32, #tpu.memory_space<vmem>>[vector<16xi32>, vector<16xi32>], vector<16xf32>,
      %mul3A_749 = arith.constant 16 : i32
      %mul3A_750 = arith.muli %scan3A_613, %mul3A_749 : i32
      %swap3A_751 = arith.constant 11 : i32
      %swap3A_752 = arith.index_cast %swap3A_751 : i32 to index
      %swap3A_753 = arith.index_cast %mul3A_750 : i32 to index
      %swap3A_754 = tpu.vector_load %arg8[%swap3A_752, %swap3A_753] {strides = array<i32>} : memref<64x1024xf32, #tpu.memory_space<vmem>>, vector<16xf32>,
      tpu.vector_store %arg8[%swap3A_752, %swap3A_753], %gather3A_676 {strides = array<i32>} : memref<64x1024xf32, #tpu.memory_space<vmem>>, vector<16xf32>,
      %broadcast_in_dim3A_755 = arith.constant 4 : i32
      %broadcast_in_dim3A_756 = vector.broadcast %broadcast_in_dim3A_755 : i32 to vector<16xi32>
      %gather3A_757 = tpu.vector_load_idx %arg7[%broadcast_in_dim3A_756, %get3A_625] : memref<32x1000xf32, #tpu.memory_space<vmem>>[vector<16xi32>, vector<16xi32>], vector<16xf32>,
      %mul3A_758 = arith.constant 16 : i32
      %mul3A_759 = arith.muli %scan3A_613, %mul3A_758 : i32
      %swap3A_760 = arith.constant 12 : i32
      %swap3A_761 = arith.index_cast %swap3A_760 : i32 to index
      %swap3A_762 = arith.index_cast %mul3A_759 : i32 to index
      %swap3A_763 = tpu.vector_load %arg8[%swap3A_761, %swap3A_762] {strides = array<i32>} : memref<64x1024xf32, #tpu.memory_space<vmem>>, vector<16xf32>,
      tpu.vector_store %arg8[%swap3A_761, %swap3A_762], %gather3A_685 {strides = array<i32>} : memref<64x1024xf32, #tpu.memory_space<vmem>>, vector<16xf32>,
      %broadcast_in_dim3A_764 = arith.constant 5 : i32
      %broadcast_in_dim3A_765 = vector.broadcast %broadcast_in_dim3A_764 : i32 to vector<16xi32>
      %gather3A_766 = tpu.vector_load_idx %arg7[%broadcast_in_dim3A_765, %get3A_625] : memref<32x1000xf32, #tpu.memory_space<vmem>>[vector<16xi32>, vector<16xi32>], vector<16xf32>,
      %mul3A_767 = arith.constant 16 : i32
      %mul3A_768 = arith.muli %scan3A_613, %mul3A_767 : i32
      %swap3A_769 = arith.constant 13 : i32
      %swap3A_770 = arith.index_cast %swap3A_769 : i32 to index
      %swap3A_771 = arith.index_cast %mul3A_768 : i32 to index
      %swap3A_772 = tpu.vector_load %arg8[%swap3A_770, %swap3A_771] {strides = array<i32>} : memref<64x1024xf32, #tpu.memory_space<vmem>>, vector<16xf32>,
      tpu.vector_store %arg8[%swap3A_770, %swap3A_771], %gather3A_694 {strides = array<i32>} : memref<64x1024xf32, #tpu.memory_space<vmem>>, vector<16xf32>,
      %broadcast_in_dim3A_773 = arith.constant 6 : i32
      %broadcast_in_dim3A_774 = vector.broadcast %broadcast_in_dim3A_773 : i32 to vector<16xi32>
      %gather3A_775 = tpu.vector_load_idx %arg7[%broadcast_in_dim3A_774, %get3A_625] : memref<32x1000xf32, #tpu.memory_space<vmem>>[vector<16xi32>, vector<16xi32>], vector<16xf32>,
      %mul3A_776 = arith.constant 16 : i32
      %mul3A_777 = arith.muli %scan3A_613, %mul3A_776 : i32
      %swap3A_778 = arith.constant 14 : i32
      %swap3A_779 = arith.index_cast %swap3A_778 : i32 to index
      %swap3A_780 = arith.index_cast %mul3A_777 : i32 to index
      %swap3A_781 = tpu.vector_load %arg8[%swap3A_779, %swap3A_780] {strides = array<i32>} : memref<64x1024xf32, #tpu.memory_space<vmem>>, vector<16xf32>,
      tpu.vector_store %arg8[%swap3A_779, %swap3A_780], %gather3A_703 {strides = array<i32>} : memref<64x1024xf32, #tpu.memory_space<vmem>>, vector<16xf32>,
      %broadcast_in_dim3A_782 = arith.constant 7 : i32
      %broadcast_in_dim3A_783 = vector.broadcast %broadcast_in_dim3A_782 : i32 to vector<16xi32>
      %gather3A_784 = tpu.vector_load_idx %arg7[%broadcast_in_dim3A_783, %get3A_625] : memref<32x1000xf32, #tpu.memory_space<vmem>>[vector<16xi32>, vector<16xi32>], vector<16xf32>,
      %mul3A_785 = arith.constant 16 : i32
      %mul3A_786 = arith.muli %scan3A_613, %mul3A_785 : i32
      %swap3A_787 = arith.constant 15 : i32
      %swap3A_788 = arith.index_cast %swap3A_787 : i32 to index
      %swap3A_789 = arith.index_cast %mul3A_786 : i32 to index
      %swap3A_790 = tpu.vector_load %arg8[%swap3A_788, %swap3A_789] {strides = array<i32>} : memref<64x1024xf32, #tpu.memory_space<vmem>>, vector<16xf32>,
      tpu.vector_store %arg8[%swap3A_788, %swap3A_789], %gather3A_712 {strides = array<i32>} : memref<64x1024xf32, #tpu.memory_space<vmem>>, vector<16xf32>,
      %broadcast_in_dim3A_791 = arith.constant 8 : i32
      %broadcast_in_dim3A_792 = vector.broadcast %broadcast_in_dim3A_791 : i32 to vector<16xi32>
      %gather3A_793 = tpu.vector_load_idx %arg7[%broadcast_in_dim3A_792, %get3A_625] : memref<32x1000xf32, #tpu.memory_space<vmem>>[vector<16xi32>, vector<16xi32>], vector<16xf32>,
      %mul3A_794 = arith.constant 16 : i32
      %mul3A_795 = arith.muli %scan3A_613, %mul3A_794 : i32
      %swap3A_796 = arith.constant 16 : i32
      %swap3A_797 = arith.index_cast %swap3A_796 : i32 to index
      %swap3A_798 = arith.index_cast %mul3A_795 : i32 to index
      %swap3A_799 = tpu.vector_load %arg8[%swap3A_797, %swap3A_798] {strides = array<i32>} : memref<64x1024xf32, #tpu.memory_space<vmem>>, vector<16xf32>,
      tpu.vector_store %arg8[%swap3A_797, %swap3A_798], %gather3A_721 {strides = array<i32>} : memref<64x1024xf32, #tpu.memory_space<vmem>>, vector<16xf32>,
      %broadcast_in_dim3A_800 = arith.constant 9 : i32
      %broadcast_in_dim3A_801 = vector.broadcast %broadcast_in_dim3A_800 : i32 to vector<16xi32>
      %gather3A_802 = tpu.vector_load_idx %arg7[%broadcast_in_dim3A_801, %get3A_625] : memref<32x1000xf32, #tpu.memory_space<vmem>>[vector<16xi32>, vector<16xi32>], vector<16xf32>,
      %mul3A_803 = arith.constant 16 : i32
      %mul3A_804 = arith.muli %scan3A_613, %mul3A_803 : i32
      %swap3A_805 = arith.constant 17 : i32
      %swap3A_806 = arith.index_cast %swap3A_805 : i32 to index
      %swap3A_807 = arith.index_cast %mul3A_804 : i32 to index
      %swap3A_808 = tpu.vector_load %arg8[%swap3A_806, %swap3A_807] {strides = array<i32>} : memref<64x1024xf32, #tpu.memory_space<vmem>>, vector<16xf32>,
      tpu.vector_store %arg8[%swap3A_806, %swap3A_807], %gather3A_730 {strides = array<i32>} : memref<64x1024xf32, #tpu.memory_space<vmem>>, vector<16xf32>,
      %broadcast_in_dim3A_809 = arith.constant 10 : i32
      %broadcast_in_dim3A_810 = vector.broadcast %broadcast_in_dim3A_809 : i32 to vector<16xi32>
      %gather3A_811 = tpu.vector_load_idx %arg7[%broadcast_in_dim3A_810, %get3A_625] : memref<32x1000xf32, #tpu.memory_space<vmem>>[vector<16xi32>, vector<16xi32>], vector<16xf32>,
      %mul3A_812 = arith.constant 16 : i32
      %mul3A_813 = arith.muli %scan3A_613, %mul3A_812 : i32
      %swap3A_814 = arith.constant 18 : i32
      %swap3A_815 = arith.index_cast %swap3A_814 : i32 to index
      %swap3A_816 = arith.index_cast %mul3A_813 : i32 to index
      %swap3A_817 = tpu.vector_load %arg8[%swap3A_815, %swap3A_816] {strides = array<i32>} : memref<64x1024xf32, #tpu.memory_space<vmem>>, vector<16xf32>,
      tpu.vector_store %arg8[%swap3A_815, %swap3A_816], %gather3A_739 {strides = array<i32>} : memref<64x1024xf32, #tpu.memory_space<vmem>>, vector<16xf32>,
      %broadcast_in_dim3A_818 = arith.constant 11 : i32
      %broadcast_in_dim3A_819 = vector.broadcast %broadcast_in_dim3A_818 : i32 to vector<16xi32>
      %gather3A_820 = tpu.vector_load_idx %arg7[%broadcast_in_dim3A_819, %get3A_625] : memref<32x1000xf32, #tpu.memory_space<vmem>>[vector<16xi32>, vector<16xi32>], vector<16xf32>,
      %mul3A_821 = arith.constant 16 : i32
      %mul3A_822 = arith.muli %scan3A_613, %mul3A_821 : i32
      %swap3A_823 = arith.constant 19 : i32
      %swap3A_824 = arith.index_cast %swap3A_823 : i32 to index
      %swap3A_825 = arith.index_cast %mul3A_822 : i32 to index
      %swap3A_826 = tpu.vector_load %arg8[%swap3A_824, %swap3A_825] {strides = array<i32>} : memref<64x1024xf32, #tpu.memory_space<vmem>>, vector<16xf32>,
      tpu.vector_store %arg8[%swap3A_824, %swap3A_825], %gather3A_748 {strides = array<i32>} : memref<64x1024xf32, #tpu.memory_space<vmem>>, vector<16xf32>,
      %broadcast_in_dim3A_827 = arith.constant 12 : i32
      %broadcast_in_dim3A_828 = vector.broadcast %broadcast_in_dim3A_827 : i32 to vector<16xi32>
      %gather3A_829 = tpu.vector_load_idx %arg7[%broadcast_in_dim3A_828, %get3A_625] : memref<32x1000xf32, #tpu.memory_space<vmem>>[vector<16xi32>, vector<16xi32>], vector<16xf32>,
      %mul3A_830 = arith.constant 16 : i32
      %mul3A_831 = arith.muli %scan3A_613, %mul3A_830 : i32
      %swap3A_832 = arith.constant 20 : i32
      %swap3A_833 = arith.index_cast %swap3A_832 : i32 to index
      %swap3A_834 = arith.index_cast %mul3A_831 : i32 to index
      %swap3A_835 = tpu.vector_load %arg8[%swap3A_833, %swap3A_834] {strides = array<i32>} : memref<64x1024xf32, #tpu.memory_space<vmem>>, vector<16xf32>,
      tpu.vector_store %arg8[%swap3A_833, %swap3A_834], %gather3A_757 {strides = array<i32>} : memref<64x1024xf32, #tpu.memory_space<vmem>>, vector<16xf32>,
      %broadcast_in_dim3A_836 = arith.constant 13 : i32
      %broadcast_in_dim3A_837 = vector.broadcast %broadcast_in_dim3A_836 : i32 to vector<16xi32>
      %gather3A_838 = tpu.vector_load_idx %arg7[%broadcast_in_dim3A_837, %get3A_625] : memref<32x1000xf32, #tpu.memory_space<vmem>>[vector<16xi32>, vector<16xi32>], vector<16xf32>,
      %mul3A_839 = arith.constant 16 : i32
      %mul3A_840 = arith.muli %scan3A_613, %mul3A_839 : i32
      %swap3A_841 = arith.constant 21 : i32
      %swap3A_842 = arith.index_cast %swap3A_841 : i32 to index
      %swap3A_843 = arith.index_cast %mul3A_840 : i32 to index
      %swap3A_844 = tpu.vector_load %arg8[%swap3A_842, %swap3A_843] {strides = array<i32>} : memref<64x1024xf32, #tpu.memory_space<vmem>>, vector<16xf32>,
      tpu.vector_store %arg8[%swap3A_842, %swap3A_843], %gather3A_766 {strides = array<i32>} : memref<64x1024xf32, #tpu.memory_space<vmem>>, vector<16xf32>,
      %broadcast_in_dim3A_845 = arith.constant 14 : i32
      %broadcast_in_dim3A_846 = vector.broadcast %broadcast_in_dim3A_845 : i32 to vector<16xi32>
      %gather3A_847 = tpu.vector_load_idx %arg7[%broadcast_in_dim3A_846, %get3A_625] : memref<32x1000xf32, #tpu.memory_space<vmem>>[vector<16xi32>, vector<16xi32>], vector<16xf32>,
      %mul3A_848 = arith.constant 16 : i32
      %mul3A_849 = arith.muli %scan3A_613, %mul3A_848 : i32
      %swap3A_850 = arith.constant 22 : i32
      %swap3A_851 = arith.index_cast %swap3A_850 : i32 to index
      %swap3A_852 = arith.index_cast %mul3A_849 : i32 to index
      %swap3A_853 = tpu.vector_load %arg8[%swap3A_851, %swap3A_852] {strides = array<i32>} : memref<64x1024xf32, #tpu.memory_space<vmem>>, vector<16xf32>,
      tpu.vector_store %arg8[%swap3A_851, %swap3A_852], %gather3A_775 {strides = array<i32>} : memref<64x1024xf32, #tpu.memory_space<vmem>>, vector<16xf32>,
      %broadcast_in_dim3A_854 = arith.constant 15 : i32
      %broadcast_in_dim3A_855 = vector.broadcast %broadcast_in_dim3A_854 : i32 to vector<16xi32>
      %gather3A_856 = tpu.vector_load_idx %arg7[%broadcast_in_dim3A_855, %get3A_625] : memref<32x1000xf32, #tpu.memory_space<vmem>>[vector<16xi32>, vector<16xi32>], vector<16xf32>,
      %mul3A_857 = arith.constant 16 : i32
      %mul3A_858 = arith.muli %scan3A_613, %mul3A_857 : i32
      %swap3A_859 = arith.constant 23 : i32
      %swap3A_860 = arith.index_cast %swap3A_859 : i32 to index
      %swap3A_861 = arith.index_cast %mul3A_858 : i32 to index
      %swap3A_862 = tpu.vector_load %arg8[%swap3A_860, %swap3A_861] {strides = array<i32>} : memref<64x1024xf32, #tpu.memory_space<vmem>>, vector<16xf32>,
      tpu.vector_store %arg8[%swap3A_860, %swap3A_861], %gather3A_784 {strides = array<i32>} : memref<64x1024xf32, #tpu.memory_space<vmem>>, vector<16xf32>,
      %mul3A_863 = arith.constant 16 : i32
      %mul3A_864 = arith.muli %scan3A_613, %mul3A_863 : i32
      %swap3A_865 = arith.constant 24 : i32
      %swap3A_866 = arith.index_cast %swap3A_865 : i32 to index
      %swap3A_867 = arith.index_cast %mul3A_864 : i32 to index
      %swap3A_868 = tpu.vector_load %arg8[%swap3A_866, %swap3A_867] {strides = array<i32>} : memref<64x1024xf32, #tpu.memory_space<vmem>>, vector<16xf32>,
      tpu.vector_store %arg8[%swap3A_866, %swap3A_867], %gather3A_793 {strides = array<i32>} : memref<64x1024xf32, #tpu.memory_space<vmem>>, vector<16xf32>,
      %mul3A_869 = arith.constant 16 : i32
      %mul3A_870 = arith.muli %scan3A_613, %mul3A_869 : i32
      %swap3A_871 = arith.constant 25 : i32
      %swap3A_872 = arith.index_cast %swap3A_871 : i32 to index
      %swap3A_873 = arith.index_cast %mul3A_870 : i32 to index
      %swap3A_874 = tpu.vector_load %arg8[%swap3A_872, %swap3A_873] {strides = array<i32>} : memref<64x1024xf32, #tpu.memory_space<vmem>>, vector<16xf32>,
      tpu.vector_store %arg8[%swap3A_872, %swap3A_873], %gather3A_802 {strides = array<i32>} : memref<64x1024xf32, #tpu.memory_space<vmem>>, vector<16xf32>,
      %mul3A_875 = arith.constant 16 : i32
      %mul3A_876 = arith.muli %scan3A_613, %mul3A_875 : i32
      %swap3A_877 = arith.constant 26 : i32
      %swap3A_878 = arith.index_cast %swap3A_877 : i32 to index
      %swap3A_879 = arith.index_cast %mul3A_876 : i32 to index
      %swap3A_880 = tpu.vector_load %arg8[%swap3A_878, %swap3A_879] {strides = array<i32>} : memref<64x1024xf32, #tpu.memory_space<vmem>>, vector<16xf32>,
      tpu.vector_store %arg8[%swap3A_878, %swap3A_879], %gather3A_811 {strides = array<i32>} : memref<64x1024xf32, #tpu.memory_space<vmem>>, vector<16xf32>,
      %mul3A_881 = arith.constant 16 : i32
      %mul3A_882 = arith.muli %scan3A_613, %mul3A_881 : i32
      %swap3A_883 = arith.constant 27 : i32
      %swap3A_884 = arith.index_cast %swap3A_883 : i32 to index
      %swap3A_885 = arith.index_cast %mul3A_882 : i32 to index
      %swap3A_886 = tpu.vector_load %arg8[%swap3A_884, %swap3A_885] {strides = array<i32>} : memref<64x1024xf32, #tpu.memory_space<vmem>>, vector<16xf32>,
      tpu.vector_store %arg8[%swap3A_884, %swap3A_885], %gather3A_820 {strides = array<i32>} : memref<64x1024xf32, #tpu.memory_space<vmem>>, vector<16xf32>,
      %mul3A_887 = arith.constant 16 : i32
      %mul3A_888 = arith.muli %scan3A_613, %mul3A_887 : i32
      %swap3A_889 = arith.constant 28 : i32
      %swap3A_890 = arith.index_cast %swap3A_889 : i32 to index
      %swap3A_891 = arith.index_cast %mul3A_888 : i32 to index
      %swap3A_892 = tpu.vector_load %arg8[%swap3A_890, %swap3A_891] {strides = array<i32>} : memref<64x1024xf32, #tpu.memory_space<vmem>>, vector<16xf32>,
      tpu.vector_store %arg8[%swap3A_890, %swap3A_891], %gather3A_829 {strides = array<i32>} : memref<64x1024xf32, #tpu.memory_space<vmem>>, vector<16xf32>,
      %mul3A_893 = arith.constant 16 : i32
      %mul3A_894 = arith.muli %scan3A_613, %mul3A_893 : i32
      %swap3A_895 = arith.constant 29 : i32
      %swap3A_896 = arith.index_cast %swap3A_895 : i32 to index
      %swap3A_897 = arith.index_cast %mul3A_894 : i32 to index
      %swap3A_898 = tpu.vector_load %arg8[%swap3A_896, %swap3A_897] {strides = array<i32>} : memref<64x1024xf32, #tpu.memory_space<vmem>>, vector<16xf32>,
      tpu.vector_store %arg8[%swap3A_896, %swap3A_897], %gather3A_838 {strides = array<i32>} : memref<64x1024xf32, #tpu.memory_space<vmem>>, vector<16xf32>,
      %mul3A_899 = arith.constant 16 : i32
      %mul3A_900 = arith.muli %scan3A_613, %mul3A_899 : i32
      %swap3A_901 = arith.constant 30 : i32
      %swap3A_902 = arith.index_cast %swap3A_901 : i32 to index
      %swap3A_903 = arith.index_cast %mul3A_900 : i32 to index
      %swap3A_904 = tpu.vector_load %arg8[%swap3A_902, %swap3A_903] {strides = array<i32>} : memref<64x1024xf32, #tpu.memory_space<vmem>>, vector<16xf32>,
      tpu.vector_store %arg8[%swap3A_902, %swap3A_903], %gather3A_847 {strides = array<i32>} : memref<64x1024xf32, #tpu.memory_space<vmem>>, vector<16xf32>,
      %mul3A_905 = arith.constant 16 : i32
      %mul3A_906 = arith.muli %scan3A_613, %mul3A_905 : i32
      %swap3A_907 = arith.constant 31 : i32
      %swap3A_908 = arith.index_cast %swap3A_907 : i32 to index
      %swap3A_909 = arith.index_cast %mul3A_906 : i32 to index
      %swap3A_910 = tpu.vector_load %arg8[%swap3A_908, %swap3A_909] {strides = array<i32>} : memref<64x1024xf32, #tpu.memory_space<vmem>>, vector<16xf32>,
      tpu.vector_store %arg8[%swap3A_908, %swap3A_909], %gather3A_856 {strides = array<i32>} : memref<64x1024xf32, #tpu.memory_space<vmem>>, vector<16xf32>,
      %scan3A_911 = arith.constant 0 : i32
      %scan3A_912 = arith.constant 1 : i32
      %scan3A_913 = arith.addi %scan3A_613, %scan3A_912 : i32
      %mul3A_914 = arith.constant 16 : i32
      %mul3A_915 = arith.muli %scan3A_913, %mul3A_914 : i32
      %add3A_916 = arith.constant 0 : i32
      %add3A_917 = arith.addi %add3A_916, %mul3A_915 : i32
      %get3A_918 = arith.index_cast %add3A_917 : i32 to index
      %get3A_919 = tpu.vector_load %arg6[%get3A_918] {strides = array<i32>} : memref<2048xi32, #tpu.memory_space<vmem>>, vector<16xi32>,
      %mul3A_920 = arith.constant 16 : i32
      %mul3A_921 = arith.muli %scan3A_913, %mul3A_920 : i32
      %add3A_922 = arith.constant 1024 : i32
      %add3A_923 = arith.addi %add3A_922, %mul3A_921 : i32
      %get3A_924 = arith.index_cast %add3A_923 : i32 to index
      %get3A_925 = tpu.vector_load %arg6[%get3A_924] {strides = array<i32>} : memref<2048xi32, #tpu.memory_space<vmem>>, vector<16xi32>,
      %broadcast_in_dim3A_926 = arith.constant 0 : i32
      %broadcast_in_dim3A_927 = vector.broadcast %broadcast_in_dim3A_926 : i32 to vector<16xi32>
      %gather3A_928 = tpu.vector_load_idx %arg7[%broadcast_in_dim3A_927, %get3A_919] : memref<32x1000xf32, #tpu.memory_space<vmem>>[vector<16xi32>, vector<16xi32>], vector<16xf32>,
      %broadcast_in_dim3A_929 = arith.constant 1 : i32
      %broadcast_in_dim3A_930 = vector.broadcast %broadcast_in_dim3A_929 : i32 to vector<16xi32>
      %gather3A_931 = tpu.vector_load_idx %arg7[%broadcast_in_dim3A_930, %get3A_919] : memref<32x1000xf32, #tpu.memory_space<vmem>>[vector<16xi32>, vector<16xi32>], vector<16xf32>,
      %broadcast_in_dim3A_932 = arith.constant 2 : i32
      %broadcast_in_dim3A_933 = vector.broadcast %broadcast_in_dim3A_932 : i32 to vector<16xi32>
      %gather3A_934 = tpu.vector_load_idx %arg7[%broadcast_in_dim3A_933, %get3A_919] : memref<32x1000xf32, #tpu.memory_space<vmem>>[vector<16xi32>, vector<16xi32>], vector<16xf32>,
      %broadcast_in_dim3A_935 = arith.constant 3 : i32
      %broadcast_in_dim3A_936 = vector.broadcast %broadcast_in_dim3A_935 : i32 to vector<16xi32>
      %gather3A_937 = tpu.vector_load_idx %arg7[%broadcast_in_dim3A_936, %get3A_919] : memref<32x1000xf32, #tpu.memory_space<vmem>>[vector<16xi32>, vector<16xi32>], vector<16xf32>,
      %broadcast_in_dim3A_938 = arith.constant 4 : i32
      %broadcast_in_dim3A_939 = vector.broadcast %broadcast_in_dim3A_938 : i32 to vector<16xi32>
      %gather3A_940 = tpu.vector_load_idx %arg7[%broadcast_in_dim3A_939, %get3A_919] : memref<32x1000xf32, #tpu.memory_space<vmem>>[vector<16xi32>, vector<16xi32>], vector<16xf32>,
      %broadcast_in_dim3A_941 = arith.constant 5 : i32
      %broadcast_in_dim3A_942 = vector.broadcast %broadcast_in_dim3A_941 : i32 to vector<16xi32>
      %gather3A_943 = tpu.vector_load_idx %arg7[%broadcast_in_dim3A_942, %get3A_919] : memref<32x1000xf32, #tpu.memory_space<vmem>>[vector<16xi32>, vector<16xi32>], vector<16xf32>,
      %broadcast_in_dim3A_944 = arith.constant 6 : i32
      %broadcast_in_dim3A_945 = vector.broadcast %broadcast_in_dim3A_944 : i32 to vector<16xi32>
      %gather3A_946 = tpu.vector_load_idx %arg7[%broadcast_in_dim3A_945, %get3A_919] : memref<32x1000xf32, #tpu.memory_space<vmem>>[vector<16xi32>, vector<16xi32>], vector<16xf32>,
      %broadcast_in_dim3A_947 = arith.constant 7 : i32
      %broadcast_in_dim3A_948 = vector.broadcast %broadcast_in_dim3A_947 : i32 to vector<16xi32>
      %gather3A_949 = tpu.vector_load_idx %arg7[%broadcast_in_dim3A_948, %get3A_919] : memref<32x1000xf32, #tpu.memory_space<vmem>>[vector<16xi32>, vector<16xi32>], vector<16xf32>,
      %broadcast_in_dim3A_950 = arith.constant 8 : i32
      %broadcast_in_dim3A_951 = vector.broadcast %broadcast_in_dim3A_950 : i32 to vector<16xi32>
      %gather3A_952 = tpu.vector_load_idx %arg7[%broadcast_in_dim3A_951, %get3A_919] : memref<32x1000xf32, #tpu.memory_space<vmem>>[vector<16xi32>, vector<16xi32>], vector<16xf32>,
      %mul3A_953 = arith.constant 16 : i32
      %mul3A_954 = arith.muli %scan3A_913, %mul3A_953 : i32
      %swap3A_955 = arith.constant 0 : i32
      %swap3A_956 = arith.index_cast %swap3A_955 : i32 to index
      %swap3A_957 = arith.index_cast %mul3A_954 : i32 to index
      %swap3A_958 = tpu.vector_load %arg8[%swap3A_956, %swap3A_957] {strides = array<i32>} : memref<64x1024xf32, #tpu.memory_space<vmem>>, vector<16xf32>,
      tpu.vector_store %arg8[%swap3A_956, %swap3A_957], %gather3A_928 {strides = array<i32>} : memref<64x1024xf32, #tpu.memory_space<vmem>>, vector<16xf32>,
      %broadcast_in_dim3A_959 = arith.constant 9 : i32
      %broadcast_in_dim3A_960 = vector.broadcast %broadcast_in_dim3A_959 : i32 to vector<16xi32>
      %gather3A_961 = tpu.vector_load_idx %arg7[%broadcast_in_dim3A_960, %get3A_919] : memref<32x1000xf32, #tpu.memory_space<vmem>>[vector<16xi32>, vector<16xi32>], vector<16xf32>,
      %mul3A_962 = arith.constant 16 : i32
      %mul3A_963 = arith.muli %scan3A_913, %mul3A_962 : i32
      %swap3A_964 = arith.constant 1 : i32
      %swap3A_965 = arith.index_cast %swap3A_964 : i32 to index
      %swap3A_966 = arith.index_cast %mul3A_963 : i32 to index
      %swap3A_967 = tpu.vector_load %arg8[%swap3A_965, %swap3A_966] {strides = array<i32>} : memref<64x1024xf32, #tpu.memory_space<vmem>>, vector<16xf32>,
      tpu.vector_store %arg8[%swap3A_965, %swap3A_966], %gather3A_931 {strides = array<i32>} : memref<64x1024xf32, #tpu.memory_space<vmem>>, vector<16xf32>,
      %broadcast_in_dim3A_968 = arith.constant 10 : i32
      %broadcast_in_dim3A_969 = vector.broadcast %broadcast_in_dim3A_968 : i32 to vector<16xi32>
      %gather3A_970 = tpu.vector_load_idx %arg7[%broadcast_in_dim3A_969, %get3A_919] : memref<32x1000xf32, #tpu.memory_space<vmem>>[vector<16xi32>, vector<16xi32>], vector<16xf32>,
      %mul3A_971 = arith.constant 16 : i32
      %mul3A_972 = arith.muli %scan3A_913, %mul3A_971 : i32
      %swap3A_973 = arith.constant 2 : i32
      %swap3A_974 = arith.index_cast %swap3A_973 : i32 to index
      %swap3A_975 = arith.index_cast %mul3A_972 : i32 to index
      %swap3A_976 = tpu.vector_load %arg8[%swap3A_974, %swap3A_975] {strides = array<i32>} : memref<64x1024xf32, #tpu.memory_space<vmem>>, vector<16xf32>,
      tpu.vector_store %arg8[%swap3A_974, %swap3A_975], %gather3A_934 {strides = array<i32>} : memref<64x1024xf32, #tpu.memory_space<vmem>>, vector<16xf32>,
      %broadcast_in_dim3A_977 = arith.constant 11 : i32
      %broadcast_in_dim3A_978 = vector.broadcast %broadcast_in_dim3A_977 : i32 to vector<16xi32>
      %gather3A_979 = tpu.vector_load_idx %arg7[%broadcast_in_dim3A_978, %get3A_919] : memref<32x1000xf32, #tpu.memory_space<vmem>>[vector<16xi32>, vector<16xi32>], vector<16xf32>,
      %mul3A_980 = arith.constant 16 : i32
      %mul3A_981 = arith.muli %scan3A_913, %mul3A_980 : i32
      %swap3A_982 = arith.constant 3 : i32
      %swap3A_983 = arith.index_cast %swap3A_982 : i32 to index
      %swap3A_984 = arith.index_cast %mul3A_981 : i32 to index
      %swap3A_985 = tpu.vector_load %arg8[%swap3A_983, %swap3A_984] {strides = array<i32>} : memref<64x1024xf32, #tpu.memory_space<vmem>>, vector<16xf32>,
      tpu.vector_store %arg8[%swap3A_983, %swap3A_984], %gather3A_937 {strides = array<i32>} : memref<64x1024xf32, #tpu.memory_space<vmem>>, vector<16xf32>,
      %broadcast_in_dim3A_986 = arith.constant 12 : i32
      %broadcast_in_dim3A_987 = vector.broadcast %broadcast_in_dim3A_986 : i32 to vector<16xi32>
      %gather3A_988 = tpu.vector_load_idx %arg7[%broadcast_in_dim3A_987, %get3A_919] : memref<32x1000xf32, #tpu.memory_space<vmem>>[vector<16xi32>, vector<16xi32>], vector<16xf32>,
      %mul3A_989 = arith.constant 16 : i32
      %mul3A_990 = arith.muli %scan3A_913, %mul3A_989 : i32
      %swap3A_991 = arith.constant 4 : i32
      %swap3A_992 = arith.index_cast %swap3A_991 : i32 to index
      %swap3A_993 = arith.index_cast %mul3A_990 : i32 to index
      %swap3A_994 = tpu.vector_load %arg8[%swap3A_992, %swap3A_993] {strides = array<i32>} : memref<64x1024xf32, #tpu.memory_space<vmem>>, vector<16xf32>,
      tpu.vector_store %arg8[%swap3A_992, %swap3A_993], %gather3A_940 {strides = array<i32>} : memref<64x1024xf32, #tpu.memory_space<vmem>>, vector<16xf32>,
      %broadcast_in_dim3A_995 = arith.constant 13 : i32
      %broadcast_in_dim3A_996 = vector.broadcast %broadcast_in_dim3A_995 : i32 to vector<16xi32>
      %gather3A_997 = tpu.vector_load_idx %arg7[%broadcast_in_dim3A_996, %get3A_919] : memref<32x1000xf32, #tpu.memory_space<vmem>>[vector<16xi32>, vector<16xi32>], vector<16xf32>,
      %mul3A_998 = arith.constant 16 : i32
      %mul3A_999 = arith.muli %scan3A_913, %mul3A_998 : i32
      %swap3A_1000 = arith.constant 5 : i32
      %swap3A_1001 = arith.index_cast %swap3A_1000 : i32 to index
      %swap3A_1002 = arith.index_cast %mul3A_999 : i32 to index
      %swap3A_1003 = tpu.vector_load %arg8[%swap3A_1001, %swap3A_1002] {strides = array<i32>} : memref<64x1024xf32, #tpu.memory_space<vmem>>, vector<16xf32>,
      tpu.vector_store %arg8[%swap3A_1001, %swap3A_1002], %gather3A_943 {strides = array<i32>} : memref<64x1024xf32, #tpu.memory_space<vmem>>, vector<16xf32>,
      %broadcast_in_dim3A_1004 = arith.constant 14 : i32
      %broadcast_in_dim3A_1005 = vector.broadcast %broadcast_in_dim3A_1004 : i32 to vector<16xi32>
      %gather3A_1006 = tpu.vector_load_idx %arg7[%broadcast_in_dim3A_1005, %get3A_919] : memref<32x1000xf32, #tpu.memory_space<vmem>>[vector<16xi32>, vector<16xi32>], vector<16xf32>,
      %mul3A_1007 = arith.constant 16 : i32
      %mul3A_1008 = arith.muli %scan3A_913, %mul3A_1007 : i32
      %swap3A_1009 = arith.constant 6 : i32
      %swap3A_1010 = arith.index_cast %swap3A_1009 : i32 to index
      %swap3A_1011 = arith.index_cast %mul3A_1008 : i32 to index
      %swap3A_1012 = tpu.vector_load %arg8[%swap3A_1010, %swap3A_1011] {strides = array<i32>} : memref<64x1024xf32, #tpu.memory_space<vmem>>, vector<16xf32>,
      tpu.vector_store %arg8[%swap3A_1010, %swap3A_1011], %gather3A_946 {strides = array<i32>} : memref<64x1024xf32, #tpu.memory_space<vmem>>, vector<16xf32>,
      %broadcast_in_dim3A_1013 = arith.constant 15 : i32
      %broadcast_in_dim3A_1014 = vector.broadcast %broadcast_in_dim3A_1013 : i32 to vector<16xi32>
      %gather3A_1015 = tpu.vector_load_idx %arg7[%broadcast_in_dim3A_1014, %get3A_919] : memref<32x1000xf32, #tpu.memory_space<vmem>>[vector<16xi32>, vector<16xi32>], vector<16xf32>,
      %mul3A_1016 = arith.constant 16 : i32
      %mul3A_1017 = arith.muli %scan3A_913, %mul3A_1016 : i32
      %swap3A_1018 = arith.constant 7 : i32
      %swap3A_1019 = arith.index_cast %swap3A_1018 : i32 to index
      %swap3A_1020 = arith.index_cast %mul3A_1017 : i32 to index
      %swap3A_1021 = tpu.vector_load %arg8[%swap3A_1019, %swap3A_1020] {strides = array<i32>} : memref<64x1024xf32, #tpu.memory_space<vmem>>, vector<16xf32>,
      tpu.vector_store %arg8[%swap3A_1019, %swap3A_1020], %gather3A_949 {strides = array<i32>} : memref<64x1024xf32, #tpu.memory_space<vmem>>, vector<16xf32>,
      %broadcast_in_dim3A_1022 = arith.constant 0 : i32
      %broadcast_in_dim3A_1023 = vector.broadcast %broadcast_in_dim3A_1022 : i32 to vector<16xi32>
      %gather3A_1024 = tpu.vector_load_idx %arg7[%broadcast_in_dim3A_1023, %get3A_925] : memref<32x1000xf32, #tpu.memory_space<vmem>>[vector<16xi32>, vector<16xi32>], vector<16xf32>,
      %mul3A_1025 = arith.constant 16 : i32
      %mul3A_1026 = arith.muli %scan3A_913, %mul3A_1025 : i32
      %swap3A_1027 = arith.constant 8 : i32
      %swap3A_1028 = arith.index_cast %swap3A_1027 : i32 to index
      %swap3A_1029 = arith.index_cast %mul3A_1026 : i32 to index
      %swap3A_1030 = tpu.vector_load %arg8[%swap3A_1028, %swap3A_1029] {strides = array<i32>} : memref<64x1024xf32, #tpu.memory_space<vmem>>, vector<16xf32>,
      tpu.vector_store %arg8[%swap3A_1028, %swap3A_1029], %gather3A_952 {strides = array<i32>} : memref<64x1024xf32, #tpu.memory_space<vmem>>, vector<16xf32>,
      %broadcast_in_dim3A_1031 = arith.constant 1 : i32
      %broadcast_in_dim3A_1032 = vector.broadcast %broadcast_in_dim3A_1031 : i32 to vector<16xi32>
      %gather3A_1033 = tpu.vector_load_idx %arg7[%broadcast_in_dim3A_1032, %get3A_925] : memref<32x1000xf32, #tpu.memory_space<vmem>>[vector<16xi32>, vector<16xi32>], vector<16xf32>,
      %mul3A_1034 = arith.constant 16 : i32
      %mul3A_1035 = arith.muli %scan3A_913, %mul3A_1034 : i32
      %swap3A_1036 = arith.constant 9 : i32
      %swap3A_1037 = arith.index_cast %swap3A_1036 : i32 to index
      %swap3A_1038 = arith.index_cast %mul3A_1035 : i32 to index
      %swap3A_1039 = tpu.vector_load %arg8[%swap3A_1037, %swap3A_1038] {strides = array<i32>} : memref<64x1024xf32, #tpu.memory_space<vmem>>, vector<16xf32>,
      tpu.vector_store %arg8[%swap3A_1037, %swap3A_1038], %gather3A_961 {strides = array<i32>} : memref<64x1024xf32, #tpu.memory_space<vmem>>, vector<16xf32>,
      %broadcast_in_dim3A_1040 = arith.constant 2 : i32
      %broadcast_in_dim3A_1041 = vector.broadcast %broadcast_in_dim3A_1040 : i32 to vector<16xi32>
      %gather3A_1042 = tpu.vector_load_idx %arg7[%broadcast_in_dim3A_1041, %get3A_925] : memref<32x1000xf32, #tpu.memory_space<vmem>>[vector<16xi32>, vector<16xi32>], vector<16xf32>,
      %mul3A_1043 = arith.constant 16 : i32
      %mul3A_1044 = arith.muli %scan3A_913, %mul3A_1043 : i32
      %swap3A_1045 = arith.constant 10 : i32
      %swap3A_1046 = arith.index_cast %swap3A_1045 : i32 to index
      %swap3A_1047 = arith.index_cast %mul3A_1044 : i32 to index
      %swap3A_1048 = tpu.vector_load %arg8[%swap3A_1046, %swap3A_1047] {strides = array<i32>} : memref<64x1024xf32, #tpu.memory_space<vmem>>, vector<16xf32>,
      tpu.vector_store %arg8[%swap3A_1046, %swap3A_1047], %gather3A_970 {strides = array<i32>} : memref<64x1024xf32, #tpu.memory_space<vmem>>, vector<16xf32>,
      %broadcast_in_dim3A_1049 = arith.constant 3 : i32
      %broadcast_in_dim3A_1050 = vector.broadcast %broadcast_in_dim3A_1049 : i32 to vector<16xi32>
      %gather3A_1051 = tpu.vector_load_idx %arg7[%broadcast_in_dim3A_1050, %get3A_925] : memref<32x1000xf32, #tpu.memory_space<vmem>>[vector<16xi32>, vector<16xi32>], vector<16xf32>,
      %mul3A_1052 = arith.constant 16 : i32
      %mul3A_1053 = arith.muli %scan3A_913, %mul3A_1052 : i32
      %swap3A_1054 = arith.constant 11 : i32
      %swap3A_1055 = arith.index_cast %swap3A_1054 : i32 to index
      %swap3A_1056 = arith.index_cast %mul3A_1053 : i32 to index
      %swap3A_1057 = tpu.vector_load %arg8[%swap3A_1055, %swap3A_1056] {strides = array<i32>} : memref<64x1024xf32, #tpu.memory_space<vmem>>, vector<16xf32>,
      tpu.vector_store %arg8[%swap3A_1055, %swap3A_1056], %gather3A_979 {strides = array<i32>} : memref<64x1024xf32, #tpu.memory_space<vmem>>, vector<16xf32>,
      %broadcast_in_dim3A_1058 = arith.constant 4 : i32
      %broadcast_in_dim3A_1059 = vector.broadcast %broadcast_in_dim3A_1058 : i32 to vector<16xi32>
      %gather3A_1060 = tpu.vector_load_idx %arg7[%broadcast_in_dim3A_1059, %get3A_925] : memref<32x1000xf32, #tpu.memory_space<vmem>>[vector<16xi32>, vector<16xi32>], vector<16xf32>,
      %mul3A_1061 = arith.constant 16 : i32
      %mul3A_1062 = arith.muli %scan3A_913, %mul3A_1061 : i32
      %swap3A_1063 = arith.constant 12 : i32
      %swap3A_1064 = arith.index_cast %swap3A_1063 : i32 to index
      %swap3A_1065 = arith.index_cast %mul3A_1062 : i32 to index
      %swap3A_1066 = tpu.vector_load %arg8[%swap3A_1064, %swap3A_1065] {strides = array<i32>} : memref<64x1024xf32, #tpu.memory_space<vmem>>, vector<16xf32>,
      tpu.vector_store %arg8[%swap3A_1064, %swap3A_1065], %gather3A_988 {strides = array<i32>} : memref<64x1024xf32, #tpu.memory_space<vmem>>, vector<16xf32>,
      %broadcast_in_dim3A_1067 = arith.constant 5 : i32
      %broadcast_in_dim3A_1068 = vector.broadcast %broadcast_in_dim3A_1067 : i32 to vector<16xi32>
      %gather3A_1069 = tpu.vector_load_idx %arg7[%broadcast_in_dim3A_1068, %get3A_925] : memref<32x1000xf32, #tpu.memory_space<vmem>>[vector<16xi32>, vector<16xi32>], vector<16xf32>,
      %mul3A_1070 = arith.constant 16 : i32
      %mul3A_1071 = arith.muli %scan3A_913, %mul3A_1070 : i32
      %swap3A_1072 = arith.constant 13 : i32
      %swap3A_1073 = arith.index_cast %swap3A_1072 : i32 to index
      %swap3A_1074 = arith.index_cast %mul3A_1071 : i32 to index
      %swap3A_1075 = tpu.vector_load %arg8[%swap3A_1073, %swap3A_1074] {strides = array<i32>} : memref<64x1024xf32, #tpu.memory_space<vmem>>, vector<16xf32>,
      tpu.vector_store %arg8[%swap3A_1073, %swap3A_1074], %gather3A_997 {strides = array<i32>} : memref<64x1024xf32, #tpu.memory_space<vmem>>, vector<16xf32>,
      %broadcast_in_dim3A_1076 = arith.constant 6 : i32
      %broadcast_in_dim3A_1077 = vector.broadcast %broadcast_in_dim3A_1076 : i32 to vector<16xi32>
      %gather3A_1078 = tpu.vector_load_idx %arg7[%broadcast_in_dim3A_1077, %get3A_925] : memref<32x1000xf32, #tpu.memory_space<vmem>>[vector<16xi32>, vector<16xi32>], vector<16xf32>,
      %mul3A_1079 = arith.constant 16 : i32
      %mul3A_1080 = arith.muli %scan3A_913, %mul3A_1079 : i32
      %swap3A_1081 = arith.constant 14 : i32
      %swap3A_1082 = arith.index_cast %swap3A_1081 : i32 to index
      %swap3A_1083 = arith.index_cast %mul3A_1080 : i32 to index
      %swap3A_1084 = tpu.vector_load %arg8[%swap3A_1082, %swap3A_1083] {strides = array<i32>} : memref<64x1024xf32, #tpu.memory_space<vmem>>, vector<16xf32>,
      tpu.vector_store %arg8[%swap3A_1082, %swap3A_1083], %gather3A_1006 {strides = array<i32>} : memref<64x1024xf32, #tpu.memory_space<vmem>>, vector<16xf32>,
      %broadcast_in_dim3A_1085 = arith.constant 7 : i32
      %broadcast_in_dim3A_1086 = vector.broadcast %broadcast_in_dim3A_1085 : i32 to vector<16xi32>
      %gather3A_1087 = tpu.vector_load_idx %arg7[%broadcast_in_dim3A_1086, %get3A_925] : memref<32x1000xf32, #tpu.memory_space<vmem>>[vector<16xi32>, vector<16xi32>], vector<16xf32>,
      %mul3A_1088 = arith.constant 16 : i32
      %mul3A_1089 = arith.muli %scan3A_913, %mul3A_1088 : i32
      %swap3A_1090 = arith.constant 15 : i32
      %swap3A_1091 = arith.index_cast %swap3A_1090 : i32 to index
      %swap3A_1092 = arith.index_cast %mul3A_1089 : i32 to index
      %swap3A_1093 = tpu.vector_load %arg8[%swap3A_1091, %swap3A_1092] {strides = array<i32>} : memref<64x1024xf32, #tpu.memory_space<vmem>>, vector<16xf32>,
      tpu.vector_store %arg8[%swap3A_1091, %swap3A_1092], %gather3A_1015 {strides = array<i32>} : memref<64x1024xf32, #tpu.memory_space<vmem>>, vector<16xf32>,
      %broadcast_in_dim3A_1094 = arith.constant 8 : i32
      %broadcast_in_dim3A_1095 = vector.broadcast %broadcast_in_dim3A_1094 : i32 to vector<16xi32>
      %gather3A_1096 = tpu.vector_load_idx %arg7[%broadcast_in_dim3A_1095, %get3A_925] : memref<32x1000xf32, #tpu.memory_space<vmem>>[vector<16xi32>, vector<16xi32>], vector<16xf32>,
      %mul3A_1097 = arith.constant 16 : i32
      %mul3A_1098 = arith.muli %scan3A_913, %mul3A_1097 : i32
      %swap3A_1099 = arith.constant 16 : i32
      %swap3A_1100 = arith.index_cast %swap3A_1099 : i32 to index
      %swap3A_1101 = arith.index_cast %mul3A_1098 : i32 to index
      %swap3A_1102 = tpu.vector_load %arg8[%swap3A_1100, %swap3A_1101] {strides = array<i32>} : memref<64x1024xf32, #tpu.memory_space<vmem>>, vector<16xf32>,
      tpu.vector_store %arg8[%swap3A_1100, %swap3A_1101], %gather3A_1024 {strides = array<i32>} : memref<64x1024xf32, #tpu.memory_space<vmem>>, vector<16xf32>,
      %broadcast_in_dim3A_1103 = arith.constant 9 : i32
      %broadcast_in_dim3A_1104 = vector.broadcast %broadcast_in_dim3A_1103 : i32 to vector<16xi32>
      %gather3A_1105 = tpu.vector_load_idx %arg7[%broadcast_in_dim3A_1104, %get3A_925] : memref<32x1000xf32, #tpu.memory_space<vmem>>[vector<16xi32>, vector<16xi32>], vector<16xf32>,
      %mul3A_1106 = arith.constant 16 : i32
      %mul3A_1107 = arith.muli %scan3A_913, %mul3A_1106 : i32
      %swap3A_1108 = arith.constant 17 : i32
      %swap3A_1109 = arith.index_cast %swap3A_1108 : i32 to index
      %swap3A_1110 = arith.index_cast %mul3A_1107 : i32 to index
      %swap3A_1111 = tpu.vector_load %arg8[%swap3A_1109, %swap3A_1110] {strides = array<i32>} : memref<64x1024xf32, #tpu.memory_space<vmem>>, vector<16xf32>,
      tpu.vector_store %arg8[%swap3A_1109, %swap3A_1110], %gather3A_1033 {strides = array<i32>} : memref<64x1024xf32, #tpu.memory_space<vmem>>, vector<16xf32>,
      %broadcast_in_dim3A_1112 = arith.constant 10 : i32
      %broadcast_in_dim3A_1113 = vector.broadcast %broadcast_in_dim3A_1112 : i32 to vector<16xi32>
      %gather3A_1114 = tpu.vector_load_idx %arg7[%broadcast_in_dim3A_1113, %get3A_925] : memref<32x1000xf32, #tpu.memory_space<vmem>>[vector<16xi32>, vector<16xi32>], vector<16xf32>,
      %mul3A_1115 = arith.constant 16 : i32
      %mul3A_1116 = arith.muli %scan3A_913, %mul3A_1115 : i32
      %swap3A_1117 = arith.constant 18 : i32
      %swap3A_1118 = arith.index_cast %swap3A_1117 : i32 to index
      %swap3A_1119 = arith.index_cast %mul3A_1116 : i32 to index
      %swap3A_1120 = tpu.vector_load %arg8[%swap3A_1118, %swap3A_1119] {strides = array<i32>} : memref<64x1024xf32, #tpu.memory_space<vmem>>, vector<16xf32>,
      tpu.vector_store %arg8[%swap3A_1118, %swap3A_1119], %gather3A_1042 {strides = array<i32>} : memref<64x1024xf32, #tpu.memory_space<vmem>>, vector<16xf32>,
      %broadcast_in_dim3A_1121 = arith.constant 11 : i32
      %broadcast_in_dim3A_1122 = vector.broadcast %broadcast_in_dim3A_1121 : i32 to vector<16xi32>
      %gather3A_1123 = tpu.vector_load_idx %arg7[%broadcast_in_dim3A_1122, %get3A_925] : memref<32x1000xf32, #tpu.memory_space<vmem>>[vector<16xi32>, vector<16xi32>], vector<16xf32>,
      %mul3A_1124 = arith.constant 16 : i32
      %mul3A_1125 = arith.muli %scan3A_913, %mul3A_1124 : i32
      %swap3A_1126 = arith.constant 19 : i32
      %swap3A_1127 = arith.index_cast %swap3A_1126 : i32 to index
      %swap3A_1128 = arith.index_cast %mul3A_1125 : i32 to index
      %swap3A_1129 = tpu.vector_load %arg8[%swap3A_1127, %swap3A_1128] {strides = array<i32>} : memref<64x1024xf32, #tpu.memory_space<vmem>>, vector<16xf32>,
      tpu.vector_store %arg8[%swap3A_1127, %swap3A_1128], %gather3A_1051 {strides = array<i32>} : memref<64x1024xf32, #tpu.memory_space<vmem>>, vector<16xf32>,
      %broadcast_in_dim3A_1130 = arith.constant 12 : i32
      %broadcast_in_dim3A_1131 = vector.broadcast %broadcast_in_dim3A_1130 : i32 to vector<16xi32>
      %gather3A_1132 = tpu.vector_load_idx %arg7[%broadcast_in_dim3A_1131, %get3A_925] : memref<32x1000xf32, #tpu.memory_space<vmem>>[vector<16xi32>, vector<16xi32>], vector<16xf32>,
      %mul3A_1133 = arith.constant 16 : i32
      %mul3A_1134 = arith.muli %scan3A_913, %mul3A_1133 : i32
      %swap3A_1135 = arith.constant 20 : i32
      %swap3A_1136 = arith.index_cast %swap3A_1135 : i32 to index
      %swap3A_1137 = arith.index_cast %mul3A_1134 : i32 to index
      %swap3A_1138 = tpu.vector_load %arg8[%swap3A_1136, %swap3A_1137] {strides = array<i32>} : memref<64x1024xf32, #tpu.memory_space<vmem>>, vector<16xf32>,
      tpu.vector_store %arg8[%swap3A_1136, %swap3A_1137], %gather3A_1060 {strides = array<i32>} : memref<64x1024xf32, #tpu.memory_space<vmem>>, vector<16xf32>,
      %broadcast_in_dim3A_1139 = arith.constant 13 : i32
      %broadcast_in_dim3A_1140 = vector.broadcast %broadcast_in_dim3A_1139 : i32 to vector<16xi32>
      %gather3A_1141 = tpu.vector_load_idx %arg7[%broadcast_in_dim3A_1140, %get3A_925] : memref<32x1000xf32, #tpu.memory_space<vmem>>[vector<16xi32>, vector<16xi32>], vector<16xf32>,
      %mul3A_1142 = arith.constant 16 : i32
      %mul3A_1143 = arith.muli %scan3A_913, %mul3A_1142 : i32
      %swap3A_1144 = arith.constant 21 : i32
      %swap3A_1145 = arith.index_cast %swap3A_1144 : i32 to index
      %swap3A_1146 = arith.index_cast %mul3A_1143 : i32 to index
      %swap3A_1147 = tpu.vector_load %arg8[%swap3A_1145, %swap3A_1146] {strides = array<i32>} : memref<64x1024xf32, #tpu.memory_space<vmem>>, vector<16xf32>,
      tpu.vector_store %arg8[%swap3A_1145, %swap3A_1146], %gather3A_1069 {strides = array<i32>} : memref<64x1024xf32, #tpu.memory_space<vmem>>, vector<16xf32>,
      %broadcast_in_dim3A_1148 = arith.constant 14 : i32
      %broadcast_in_dim3A_1149 = vector.broadcast %broadcast_in_dim3A_1148 : i32 to vector<16xi32>
      %gather3A_1150 = tpu.vector_load_idx %arg7[%broadcast_in_dim3A_1149, %get3A_925] : memref<32x1000xf32, #tpu.memory_space<vmem>>[vector<16xi32>, vector<16xi32>], vector<16xf32>,
      %mul3A_1151 = arith.constant 16 : i32
      %mul3A_1152 = arith.muli %scan3A_913, %mul3A_1151 : i32
      %swap3A_1153 = arith.constant 22 : i32
      %swap3A_1154 = arith.index_cast %swap3A_1153 : i32 to index
      %swap3A_1155 = arith.index_cast %mul3A_1152 : i32 to index
      %swap3A_1156 = tpu.vector_load %arg8[%swap3A_1154, %swap3A_1155] {strides = array<i32>} : memref<64x1024xf32, #tpu.memory_space<vmem>>, vector<16xf32>,
      tpu.vector_store %arg8[%swap3A_1154, %swap3A_1155], %gather3A_1078 {strides = array<i32>} : memref<64x1024xf32, #tpu.memory_space<vmem>>, vector<16xf32>,
      %broadcast_in_dim3A_1157 = arith.constant 15 : i32
      %broadcast_in_dim3A_1158 = vector.broadcast %broadcast_in_dim3A_1157 : i32 to vector<16xi32>
      %gather3A_1159 = tpu.vector_load_idx %arg7[%broadcast_in_dim3A_1158, %get3A_925] : memref<32x1000xf32, #tpu.memory_space<vmem>>[vector<16xi32>, vector<16xi32>], vector<16xf32>,
      %mul3A_1160 = arith.constant 16 : i32
      %mul3A_1161 = arith.muli %scan3A_913, %mul3A_1160 : i32
      %swap3A_1162 = arith.constant 23 : i32
      %swap3A_1163 = arith.index_cast %swap3A_1162 : i32 to index
      %swap3A_1164 = arith.index_cast %mul3A_1161 : i32 to index
      %swap3A_1165 = tpu.vector_load %arg8[%swap3A_1163, %swap3A_1164] {strides = array<i32>} : memref<64x1024xf32, #tpu.memory_space<vmem>>, vector<16xf32>,
      tpu.vector_store %arg8[%swap3A_1163, %swap3A_1164], %gather3A_1087 {strides = array<i32>} : memref<64x1024xf32, #tpu.memory_space<vmem>>, vector<16xf32>,
      %mul3A_1166 = arith.constant 16 : i32
      %mul3A_1167 = arith.muli %scan3A_913, %mul3A_1166 : i32
      %swap3A_1168 = arith.constant 24 : i32
      %swap3A_1169 = arith.index_cast %swap3A_1168 : i32 to index
      %swap3A_1170 = arith.index_cast %mul3A_1167 : i32 to index
      %swap3A_1171 = tpu.vector_load %arg8[%swap3A_1169, %swap3A_1170] {strides = array<i32>} : memref<64x1024xf32, #tpu.memory_space<vmem>>, vector<16xf32>,
      tpu.vector_store %arg8[%swap3A_1169, %swap3A_1170], %gather3A_1096 {strides = array<i32>} : memref<64x1024xf32, #tpu.memory_space<vmem>>, vector<16xf32>,
      %mul3A_1172 = arith.constant 16 : i32
      %mul3A_1173 = arith.muli %scan3A_913, %mul3A_1172 : i32
      %swap3A_1174 = arith.constant 25 : i32
      %swap3A_1175 = arith.index_cast %swap3A_1174 : i32 to index
      %swap3A_1176 = arith.index_cast %mul3A_1173 : i32 to index
      %swap3A_1177 = tpu.vector_load %arg8[%swap3A_1175, %swap3A_1176] {strides = array<i32>} : memref<64x1024xf32, #tpu.memory_space<vmem>>, vector<16xf32>,
      tpu.vector_store %arg8[%swap3A_1175, %swap3A_1176], %gather3A_1105 {strides = array<i32>} : memref<64x1024xf32, #tpu.memory_space<vmem>>, vector<16xf32>,
      %mul3A_1178 = arith.constant 16 : i32
      %mul3A_1179 = arith.muli %scan3A_913, %mul3A_1178 : i32
      %swap3A_1180 = arith.constant 26 : i32
      %swap3A_1181 = arith.index_cast %swap3A_1180 : i32 to index
      %swap3A_1182 = arith.index_cast %mul3A_1179 : i32 to index
      %swap3A_1183 = tpu.vector_load %arg8[%swap3A_1181, %swap3A_1182] {strides = array<i32>} : memref<64x1024xf32, #tpu.memory_space<vmem>>, vector<16xf32>,
      tpu.vector_store %arg8[%swap3A_1181, %swap3A_1182], %gather3A_1114 {strides = array<i32>} : memref<64x1024xf32, #tpu.memory_space<vmem>>, vector<16xf32>,
      %mul3A_1184 = arith.constant 16 : i32
      %mul3A_1185 = arith.muli %scan3A_913, %mul3A_1184 : i32
      %swap3A_1186 = arith.constant 27 : i32
      %swap3A_1187 = arith.index_cast %swap3A_1186 : i32 to index
      %swap3A_1188 = arith.index_cast %mul3A_1185 : i32 to index
      %swap3A_1189 = tpu.vector_load %arg8[%swap3A_1187, %swap3A_1188] {strides = array<i32>} : memref<64x1024xf32, #tpu.memory_space<vmem>>, vector<16xf32>,
      tpu.vector_store %arg8[%swap3A_1187, %swap3A_1188], %gather3A_1123 {strides = array<i32>} : memref<64x1024xf32, #tpu.memory_space<vmem>>, vector<16xf32>,
      %mul3A_1190 = arith.constant 16 : i32
      %mul3A_1191 = arith.muli %scan3A_913, %mul3A_1190 : i32
      %swap3A_1192 = arith.constant 28 : i32
      %swap3A_1193 = arith.index_cast %swap3A_1192 : i32 to index
      %swap3A_1194 = arith.index_cast %mul3A_1191 : i32 to index
      %swap3A_1195 = tpu.vector_load %arg8[%swap3A_1193, %swap3A_1194] {strides = array<i32>} : memref<64x1024xf32, #tpu.memory_space<vmem>>, vector<16xf32>,
      tpu.vector_store %arg8[%swap3A_1193, %swap3A_1194], %gather3A_1132 {strides = array<i32>} : memref<64x1024xf32, #tpu.memory_space<vmem>>, vector<16xf32>,
      %mul3A_1196 = arith.constant 16 : i32
      %mul3A_1197 = arith.muli %scan3A_913, %mul3A_1196 : i32
      %swap3A_1198 = arith.constant 29 : i32
      %swap3A_1199 = arith.index_cast %swap3A_1198 : i32 to index
      %swap3A_1200 = arith.index_cast %mul3A_1197 : i32 to index
      %swap3A_1201 = tpu.vector_load %arg8[%swap3A_1199, %swap3A_1200] {strides = array<i32>} : memref<64x1024xf32, #tpu.memory_space<vmem>>, vector<16xf32>,
      tpu.vector_store %arg8[%swap3A_1199, %swap3A_1200], %gather3A_1141 {strides = array<i32>} : memref<64x1024xf32, #tpu.memory_space<vmem>>, vector<16xf32>,
      %mul3A_1202 = arith.constant 16 : i32
      %mul3A_1203 = arith.muli %scan3A_913, %mul3A_1202 : i32
      %swap3A_1204 = arith.constant 30 : i32
      %swap3A_1205 = arith.index_cast %swap3A_1204 : i32 to index
      %swap3A_1206 = arith.index_cast %mul3A_1203 : i32 to index
      %swap3A_1207 = tpu.vector_load %arg8[%swap3A_1205, %swap3A_1206] {strides = array<i32>} : memref<64x1024xf32, #tpu.memory_space<vmem>>, vector<16xf32>,
      tpu.vector_store %arg8[%swap3A_1205, %swap3A_1206], %gather3A_1150 {strides = array<i32>} : memref<64x1024xf32, #tpu.memory_space<vmem>>, vector<16xf32>,
      %mul3A_1208 = arith.constant 16 : i32
      %mul3A_1209 = arith.muli %scan3A_913, %mul3A_1208 : i32
      %swap3A_1210 = arith.constant 31 : i32
      %swap3A_1211 = arith.index_cast %swap3A_1210 : i32 to index
      %swap3A_1212 = arith.index_cast %mul3A_1209 : i32 to index
      %swap3A_1213 = tpu.vector_load %arg8[%swap3A_1211, %swap3A_1212] {strides = array<i32>} : memref<64x1024xf32, #tpu.memory_space<vmem>>, vector<16xf32>,
      tpu.vector_store %arg8[%swap3A_1211, %swap3A_1212], %gather3A_1159 {strides = array<i32>} : memref<64x1024xf32, #tpu.memory_space<vmem>>, vector<16xf32>,
      %scan3A_1214 = arith.constant 0 : i32
      scf.yield %scan3A_1214 : i32
    }
    %scan3A_128 = arith.constant 64 : i32
    %add3A_129 = arith.constant 0 : i32
    %add3A_130 = arith.addi %add3A, %add3A_129 : i32
    %jit3A_131 = arith.constant 4 : i32
    %div3A_132 = arith.divsi %add3A_130, %jit3A_131 : i32
    %sign3A_133 = arith.constant 0 : i32
    %sign3A_134 = arith.cmpi sgt, %add3A_130, %sign3A_133 : i32
    %sign3A_135 = arith.extui %sign3A_134 : i1 to i32
    %sign3A_136 = arith.constant 0 : i32
    %sign3A_137 = arith.cmpi slt, %add3A_130, %sign3A_136 : i32
    %sign3A_138 = arith.extui %sign3A_137 : i1 to i32
    %sign3A_139 = arith.subi %sign3A_135, %sign3A_138 : i32
    %sign3A_140 = arith.constant 0 : i32
    %sign3A_141 = arith.cmpi sgt, %jit3A_131, %sign3A_140 : i32
    %sign3A_142 = arith.extui %sign3A_141 : i1 to i32
    %sign3A_143 = arith.constant 0 : i32
    %sign3A_144 = arith.cmpi slt, %jit3A_131, %sign3A_143 : i32
    %sign3A_145 = arith.extui %sign3A_144 : i1 to i32
    %sign3A_146 = arith.subi %sign3A_142, %sign3A_145 : i32
    %ne3A_147 = arith.cmpi ne, %sign3A_139, %sign3A_146 : i32
    %rem3A_148 = arith.remsi %add3A_130, %jit3A_131 : i32
    %ne3A_149 = arith.constant 0 : i32
    %ne3A_150 = arith.cmpi ne, %rem3A_148, %ne3A_149 : i32
    %and3A_151 = arith.andi %ne3A_147, %ne3A_150 : i1
    %sub3A_152 = arith.constant 1 : i32
    %sub3A_153 = arith.subi %div3A_132, %sub3A_152 : i32
    %select_n3A_154 = arith.select %and3A_151, %sub3A_153, %div3A_132 : i32
    %jit3A_155 = arith.constant 4 : i32
    %eq3A_156 = arith.constant 0 : i32
    %eq3A_157 = arith.cmpi eq, %jit3A_155, %eq3A_156 : i32
    %jit3A_158 = arith.constant 1 : i32
    %select_n3A_159 = arith.select %eq3A_157, %jit3A_158, %jit3A_155 : i32
    %rem3A_160 = arith.remsi %add3A_130, %select_n3A_159 : i32
    %ne3A_161 = arith.constant 0 : i32
    %ne3A_162 = arith.cmpi ne, %rem3A_160, %ne3A_161 : i32
    %lt3A_163 = arith.constant 0 : i32
    %lt3A_164 = arith.cmpi slt, %rem3A_160, %lt3A_163 : i32
    %lt3A_165 = arith.constant 0 : i32
    %lt3A_166 = arith.cmpi slt, %select_n3A_159, %lt3A_165 : i32
    %ne3A_167 = arith.xori %lt3A_164, %lt3A_166 : i1
    %and3A_168 = arith.andi %ne3A_167, %ne3A_162 : i1
    %add3A_169 = arith.addi %rem3A_160, %select_n3A_159 : i32
    %select_n3A_170 = arith.select %and3A_168, %add3A_169, %rem3A_160 : i32
    %mul3A_171 = arith.constant 16 : i32
    %mul3A_172 = arith.muli %select_n3A_170, %mul3A_171 : i32
    %add3A_173 = arith.constant 0 : i32
    %add3A_174 = arith.addi %add3A_173, %select_n3A_154 : i32
    %dma_start3A_175 = arith.constant 0 : i32
    %dma_start3A_176 = arith.constant 0 : i32
    %dma_start3A_177 = tpu.memref_slice %arg8[%dma_start3A_175, %dma_start3A_176] : memref<64x1024xf32, #tpu.memory_space<vmem>> -> memref<16x1024xf32, #tpu.memory_space<vmem>>
    %dma_start3A_178 = arith.constant 0 : i32
    %dma_start3A_179 = tpu.memref_slice %arg4[%add3A_174, %mul3A_172, %dma_start3A_178] : memref<400x64x1024xf32, #tpu.memory_space<hbm>> -> memref<1x16x1024xf32, #tpu.memory_space<hbm>>
    %dma_start3A_180 = tpu.memref_squeeze %dma_start3A_179 : memref<1x16x1024xf32, #tpu.memory_space<hbm>> -> memref<16x1024xf32, #tpu.memory_space<hbm>>
    %dma_start3A_181 = arith.constant 0 : i32
    %dma_start3A_182 = tpu.memref_slice %arg4[%add3A_174, %mul3A_172, %dma_start3A_181] : memref<400x64x1024xf32, #tpu.memory_space<hbm>> -> memref<1x16x1024xf32, #tpu.memory_space<hbm>>
    %dma_start3A_183 = tpu.memref_squeeze %dma_start3A_182 : memref<1x16x1024xf32, #tpu.memory_space<hbm>> -> memref<16x1024xf32, #tpu.memory_space<hbm>>
    %dma_start3A_184 = arith.constant 0 : i32
    %dma_start3A_185 = arith.constant 0 : i32
    %dma_start3A_186 = tpu.memref_slice %arg8[%dma_start3A_184, %dma_start3A_185] : memref<64x1024xf32, #tpu.memory_space<vmem>> -> memref<16x1024xf32, #tpu.memory_space<vmem>>
    tpu.enqueue_dma source(%dma_start3A_186 : memref<16x1024xf32, #tpu.memory_space<vmem>>) target(%dma_start3A_183 : memref<16x1024xf32, #tpu.memory_space<hbm>>) target_semaphore(%arg11 : memref<!tpu.dma_semaphore, #tpu.memory_space<semaphore_mem>>)
    %add3A_187 = arith.constant 200 : i32
    %add3A_188 = arith.addi %add3A_187, %select_n3A_154 : i32
    %dma_start3A_189 = arith.constant 16 : i32
    %dma_start3A_190 = arith.constant 0 : i32
    %dma_start3A_191 = tpu.memref_slice %arg8[%dma_start3A_189, %dma_start3A_190] : memref<64x1024xf32, #tpu.memory_space<vmem>> -> memref<16x1024xf32, #tpu.memory_space<vmem>>
    %dma_start3A_192 = arith.constant 0 : i32
    %dma_start3A_193 = tpu.memref_slice %arg4[%add3A_188, %mul3A_172, %dma_start3A_192] : memref<400x64x1024xf32, #tpu.memory_space<hbm>> -> memref<1x16x1024xf32, #tpu.memory_space<hbm>>
    %dma_start3A_194 = tpu.memref_squeeze %dma_start3A_193 : memref<1x16x1024xf32, #tpu.memory_space<hbm>> -> memref<16x1024xf32, #tpu.memory_space<hbm>>
    %dma_start3A_195 = arith.constant 0 : i32
    %dma_start3A_196 = tpu.memref_slice %arg4[%add3A_188, %mul3A_172, %dma_start3A_195] : memref<400x64x1024xf32, #tpu.memory_space<hbm>> -> memref<1x16x1024xf32, #tpu.memory_space<hbm>>
    %dma_start3A_197 = tpu.memref_squeeze %dma_start3A_196 : memref<1x16x1024xf32, #tpu.memory_space<hbm>> -> memref<16x1024xf32, #tpu.memory_space<hbm>>
    %dma_start3A_198 = arith.constant 16 : i32
    %dma_start3A_199 = arith.constant 0 : i32
    %dma_start3A_200 = tpu.memref_slice %arg8[%dma_start3A_198, %dma_start3A_199] : memref<64x1024xf32, #tpu.memory_space<vmem>> -> memref<16x1024xf32, #tpu.memory_space<vmem>>
    tpu.enqueue_dma source(%dma_start3A_200 : memref<16x1024xf32, #tpu.memory_space<vmem>>) target(%dma_start3A_197 : memref<16x1024xf32, #tpu.memory_space<hbm>>) target_semaphore(%arg11 : memref<!tpu.dma_semaphore, #tpu.memory_space<semaphore_mem>>)
    %add3A_201 = arith.constant 64 : i32
    %add3A_202 = arith.addi %add3A, %add3A_201 : i32
    %jit3A_203 = arith.constant 4 : i32
    %div3A_204 = arith.divsi %add3A_202, %jit3A_203 : i32
    %sign3A_205 = arith.constant 0 : i32
    %sign3A_206 = arith.cmpi sgt, %add3A_202, %sign3A_205 : i32
    %sign3A_207 = arith.extui %sign3A_206 : i1 to i32
    %sign3A_208 = arith.constant 0 : i32
    %sign3A_209 = arith.cmpi slt, %add3A_202, %sign3A_208 : i32
    %sign3A_210 = arith.extui %sign3A_209 : i1 to i32
    %sign3A_211 = arith.subi %sign3A_207, %sign3A_210 : i32
    %sign3A_212 = arith.constant 0 : i32
    %sign3A_213 = arith.cmpi sgt, %jit3A_203, %sign3A_212 : i32
    %sign3A_214 = arith.extui %sign3A_213 : i1 to i32
    %sign3A_215 = arith.constant 0 : i32
    %sign3A_216 = arith.cmpi slt, %jit3A_203, %sign3A_215 : i32
    %sign3A_217 = arith.extui %sign3A_216 : i1 to i32
    %sign3A_218 = arith.subi %sign3A_214, %sign3A_217 : i32
    %ne3A_219 = arith.cmpi ne, %sign3A_211, %sign3A_218 : i32
    %rem3A_220 = arith.remsi %add3A_202, %jit3A_203 : i32
    %ne3A_221 = arith.constant 0 : i32
    %ne3A_222 = arith.cmpi ne, %rem3A_220, %ne3A_221 : i32
    %and3A_223 = arith.andi %ne3A_219, %ne3A_222 : i1
    %sub3A_224 = arith.constant 1 : i32
    %sub3A_225 = arith.subi %div3A_204, %sub3A_224 : i32
    %select_n3A_226 = arith.select %and3A_223, %sub3A_225, %div3A_204 : i32
    %jit3A_227 = arith.constant 4 : i32
    %eq3A_228 = arith.constant 0 : i32
    %eq3A_229 = arith.cmpi eq, %jit3A_227, %eq3A_228 : i32
    %jit3A_230 = arith.constant 1 : i32
    %select_n3A_231 = arith.select %eq3A_229, %jit3A_230, %jit3A_227 : i32
    %rem3A_232 = arith.remsi %add3A_202, %select_n3A_231 : i32
    %ne3A_233 = arith.constant 0 : i32
    %ne3A_234 = arith.cmpi ne, %rem3A_232, %ne3A_233 : i32
    %lt3A_235 = arith.constant 0 : i32
    %lt3A_236 = arith.cmpi slt, %rem3A_232, %lt3A_235 : i32
    %lt3A_237 = arith.constant 0 : i32
    %lt3A_238 = arith.cmpi slt, %select_n3A_231, %lt3A_237 : i32
    %ne3A_239 = arith.xori %lt3A_236, %lt3A_238 : i1
    %and3A_240 = arith.andi %ne3A_239, %ne3A_234 : i1
    %add3A_241 = arith.addi %rem3A_232, %select_n3A_231 : i32
    %select_n3A_242 = arith.select %and3A_240, %add3A_241, %rem3A_232 : i32
    %mul3A_243 = arith.constant 16 : i32
    %mul3A_244 = arith.muli %select_n3A_242, %mul3A_243 : i32
    %dma_start3A_245 = arith.constant 0 : i32
    %dma_start3A_246 = arith.constant 0 : i32
    %dma_start3A_247 = tpu.memref_slice %arg7[%dma_start3A_245, %dma_start3A_246] : memref<32x1000xf32, #tpu.memory_space<vmem>> -> memref<16x1000xf32, #tpu.memory_space<vmem>>
    %dma_start3A_248 = arith.constant 0 : i32
    %dma_start3A_249 = tpu.memref_slice %arg3[%select_n3A_226, %mul3A_244, %dma_start3A_248] : memref<200x64x1000xf32, #tpu.memory_space<hbm>> -> memref<1x16x1000xf32, #tpu.memory_space<hbm>>
    %dma_start3A_250 = tpu.memref_squeeze %dma_start3A_249 : memref<1x16x1000xf32, #tpu.memory_space<hbm>> -> memref<16x1000xf32, #tpu.memory_space<hbm>>
    %dma_start3A_251 = arith.constant 0 : i32
    %dma_start3A_252 = arith.constant 0 : i32
    %dma_start3A_253 = tpu.memref_slice %arg7[%dma_start3A_251, %dma_start3A_252] : memref<32x1000xf32, #tpu.memory_space<vmem>> -> memref<16x1000xf32, #tpu.memory_space<vmem>>
    %dma_start3A_254 = arith.constant 0 : i32
    %dma_start3A_255 = tpu.memref_slice %arg3[%select_n3A_226, %mul3A_244, %dma_start3A_254] : memref<200x64x1000xf32, #tpu.memory_space<hbm>> -> memref<1x16x1000xf32, #tpu.memory_space<hbm>>
    %dma_start3A_256 = tpu.memref_squeeze %dma_start3A_255 : memref<1x16x1000xf32, #tpu.memory_space<hbm>> -> memref<16x1000xf32, #tpu.memory_space<hbm>>
    tpu.enqueue_dma source(%dma_start3A_256 : memref<16x1000xf32, #tpu.memory_space<hbm>>) target(%dma_start3A_253 : memref<16x1000xf32, #tpu.memory_space<vmem>>) target_semaphore(%arg9 : memref<!tpu.dma_semaphore, #tpu.memory_space<semaphore_mem>>)
    %dma_wait3A_257 = arith.constant 0 : i32
    %dma_wait3A_258 = arith.constant 16 : i32
    %dma_wait3A_259 = arith.constant 0 : i32
    %dma_wait3A_260 = tpu.memref_slice %arg7[%dma_wait3A_258, %dma_wait3A_259] : memref<32x1000xf32, #tpu.memory_space<vmem>> -> memref<16x1000xf32, #tpu.memory_space<vmem>>
    %dma_wait3A_261 = arith.constant 0 : i32
    %dma_wait3A_262 = arith.constant 0 : i32
    %dma_wait3A_263 = tpu.memref_slice %arg3[%dma_wait3A_257, %dma_wait3A_261, %dma_wait3A_262] : memref<200x64x1000xf32, #tpu.memory_space<hbm>> -> memref<1x16x1000xf32, #tpu.memory_space<hbm>>
    %dma_wait3A_264 = tpu.memref_squeeze %dma_wait3A_263 : memref<1x16x1000xf32, #tpu.memory_space<hbm>> -> memref<16x1000xf32, #tpu.memory_space<hbm>>
    %dma_wait3A_265 = arith.constant 16 : i32
    %dma_wait3A_266 = arith.constant 0 : i32
    %dma_wait3A_267 = tpu.memref_slice %arg7[%dma_wait3A_265, %dma_wait3A_266] : memref<32x1000xf32, #tpu.memory_space<vmem>> -> memref<16x1000xf32, #tpu.memory_space<vmem>>
    %dma_wait3A_268 = arith.constant 0 : i32
    %dma_wait3A_269 = arith.constant 0 : i32
    %dma_wait3A_270 = tpu.memref_slice %arg3[%dma_wait3A_257, %dma_wait3A_268, %dma_wait3A_269] : memref<200x64x1000xf32, #tpu.memory_space<hbm>> -> memref<1x16x1000xf32, #tpu.memory_space<hbm>>
    %dma_wait3A_271 = tpu.memref_squeeze %dma_wait3A_270 : memref<1x16x1000xf32, #tpu.memory_space<hbm>> -> memref<16x1000xf32, #tpu.memory_space<hbm>>
    tpu.wait_dma2 semaphore(%arg10 : memref<!tpu.dma_semaphore, #tpu.memory_space<semaphore_mem>>) src(%dma_wait3A_271 : memref<16x1000xf32, #tpu.memory_space<hbm>>) dst(%dma_wait3A_267 : memref<16x1000xf32, #tpu.memory_space<vmem>>)
    %scan3A_272 = arith.constant 0 : i32
    %scan3A_273 = arith.constant 0 : i32
    %scan3A_274 = arith.constant 64 : i32
    %scan3A_275 = arith.addi %scan3A_273, %scan3A_274 : i32
    %scan3A_276 = arith.constant 2 : i32
    %scan3A_277 = scf.for %scan3A_613 = %scan3A_273 to %scan3A_275 step %scan3A_276 iter_args(%scan3A_614 = %scan3A_272) -> (i32)  : i32 {
      %mul3A_615 = arith.constant 16 : i32
      %mul3A_616 = arith.muli %scan3A_613, %mul3A_615 : i32
      %add3A_617 = arith.constant 0 : i32
      %add3A_618 = arith.addi %add3A_617, %mul3A_616 : i32
      %get3A = arith.index_cast %add3A_618 : i32 to index
      %get3A_619 = tpu.vector_load %arg6[%get3A] {strides = array<i32>} : memref<2048xi32, #tpu.memory_space<vmem>>, vector<16xi32>,
      %mul3A_620 = arith.constant 16 : i32
      %mul3A_621 = arith.muli %scan3A_613, %mul3A_620 : i32
      %add3A_622 = arith.constant 1024 : i32
      %add3A_623 = arith.addi %add3A_622, %mul3A_621 : i32
      %get3A_624 = arith.index_cast %add3A_623 : i32 to index
      %get3A_625 = tpu.vector_load %arg6[%get3A_624] {strides = array<i32>} : memref<2048xi32, #tpu.memory_space<vmem>>, vector<16xi32>,
      %broadcast_in_dim3A = arith.constant 16 : i32
      %broadcast_in_dim3A_626 = vector.broadcast %broadcast_in_dim3A : i32 to vector<16xi32>
      %gather3A = tpu.vector_load_idx %arg7[%broadcast_in_dim3A_626, %get3A_619] : memref<32x1000xf32, #tpu.memory_space<vmem>>[vector<16xi32>, vector<16xi32>], vector<16xf32>,
      %broadcast_in_dim3A_627 = arith.constant 17 : i32
      %broadcast_in_dim3A_628 = vector.broadcast %broadcast_in_dim3A_627 : i32 to vector<16xi32>
      %gather3A_629 = tpu.vector_load_idx %arg7[%broadcast_in_dim3A_628, %get3A_619] : memref<32x1000xf32, #tpu.memory_space<vmem>>[vector<16xi32>, vector<16xi32>], vector<16xf32>,
      %broadcast_in_dim3A_630 = arith.constant 18 : i32
      %broadcast_in_dim3A_631 = vector.broadcast %broadcast_in_dim3A_630 : i32 to vector<16xi32>
      %gather3A_632 = tpu.vector_load_idx %arg7[%broadcast_in_dim3A_631, %get3A_619] : memref<32x1000xf32, #tpu.memory_space<vmem>>[vector<16xi32>, vector<16xi32>], vector<16xf32>,
      %broadcast_in_dim3A_633 = arith.constant 19 : i32
      %broadcast_in_dim3A_634 = vector.broadcast %broadcast_in_dim3A_633 : i32 to vector<16xi32>
      %gather3A_635 = tpu.vector_load_idx %arg7[%broadcast_in_dim3A_634, %get3A_619] : memref<32x1000xf32, #tpu.memory_space<vmem>>[vector<16xi32>, vector<16xi32>], vector<16xf32>,
      %broadcast_in_dim3A_636 = arith.constant 20 : i32
      %broadcast_in_dim3A_637 = vector.broadcast %broadcast_in_dim3A_636 : i32 to vector<16xi32>
      %gather3A_638 = tpu.vector_load_idx %arg7[%broadcast_in_dim3A_637, %get3A_619] : memref<32x1000xf32, #tpu.memory_space<vmem>>[vector<16xi32>, vector<16xi32>], vector<16xf32>,
      %broadcast_in_dim3A_639 = arith.constant 21 : i32
      %broadcast_in_dim3A_640 = vector.broadcast %broadcast_in_dim3A_639 : i32 to vector<16xi32>
      %gather3A_641 = tpu.vector_load_idx %arg7[%broadcast_in_dim3A_640, %get3A_619] : memref<32x1000xf32, #tpu.memory_space<vmem>>[vector<16xi32>, vector<16xi32>], vector<16xf32>,
      %broadcast_in_dim3A_642 = arith.constant 22 : i32
      %broadcast_in_dim3A_643 = vector.broadcast %broadcast_in_dim3A_642 : i32 to vector<16xi32>
      %gather3A_644 = tpu.vector_load_idx %arg7[%broadcast_in_dim3A_643, %get3A_619] : memref<32x1000xf32, #tpu.memory_space<vmem>>[vector<16xi32>, vector<16xi32>], vector<16xf32>,
      %broadcast_in_dim3A_645 = arith.constant 23 : i32
      %broadcast_in_dim3A_646 = vector.broadcast %broadcast_in_dim3A_645 : i32 to vector<16xi32>
      %gather3A_647 = tpu.vector_load_idx %arg7[%broadcast_in_dim3A_646, %get3A_619] : memref<32x1000xf32, #tpu.memory_space<vmem>>[vector<16xi32>, vector<16xi32>], vector<16xf32>,
      %broadcast_in_dim3A_648 = arith.constant 24 : i32
      %broadcast_in_dim3A_649 = vector.broadcast %broadcast_in_dim3A_648 : i32 to vector<16xi32>
      %gather3A_650 = tpu.vector_load_idx %arg7[%broadcast_in_dim3A_649, %get3A_619] : memref<32x1000xf32, #tpu.memory_space<vmem>>[vector<16xi32>, vector<16xi32>], vector<16xf32>,
      %mul3A_651 = arith.constant 16 : i32
      %mul3A_652 = arith.muli %scan3A_613, %mul3A_651 : i32
      %swap3A = arith.constant 32 : i32
      %swap3A_653 = arith.index_cast %swap3A : i32 to index
      %swap3A_654 = arith.index_cast %mul3A_652 : i32 to index
      %swap3A_655 = tpu.vector_load %arg8[%swap3A_653, %swap3A_654] {strides = array<i32>} : memref<64x1024xf32, #tpu.memory_space<vmem>>, vector<16xf32>,
      tpu.vector_store %arg8[%swap3A_653, %swap3A_654], %gather3A {strides = array<i32>} : memref<64x1024xf32, #tpu.memory_space<vmem>>, vector<16xf32>,
      %broadcast_in_dim3A_656 = arith.constant 25 : i32
      %broadcast_in_dim3A_657 = vector.broadcast %broadcast_in_dim3A_656 : i32 to vector<16xi32>
      %gather3A_658 = tpu.vector_load_idx %arg7[%broadcast_in_dim3A_657, %get3A_619] : memref<32x1000xf32, #tpu.memory_space<vmem>>[vector<16xi32>, vector<16xi32>], vector<16xf32>,
      %mul3A_659 = arith.constant 16 : i32
      %mul3A_660 = arith.muli %scan3A_613, %mul3A_659 : i32
      %swap3A_661 = arith.constant 33 : i32
      %swap3A_662 = arith.index_cast %swap3A_661 : i32 to index
      %swap3A_663 = arith.index_cast %mul3A_660 : i32 to index
      %swap3A_664 = tpu.vector_load %arg8[%swap3A_662, %swap3A_663] {strides = array<i32>} : memref<64x1024xf32, #tpu.memory_space<vmem>>, vector<16xf32>,
      tpu.vector_store %arg8[%swap3A_662, %swap3A_663], %gather3A_629 {strides = array<i32>} : memref<64x1024xf32, #tpu.memory_space<vmem>>, vector<16xf32>,
      %broadcast_in_dim3A_665 = arith.constant 26 : i32
      %broadcast_in_dim3A_666 = vector.broadcast %broadcast_in_dim3A_665 : i32 to vector<16xi32>
      %gather3A_667 = tpu.vector_load_idx %arg7[%broadcast_in_dim3A_666, %get3A_619] : memref<32x1000xf32, #tpu.memory_space<vmem>>[vector<16xi32>, vector<16xi32>], vector<16xf32>,
      %mul3A_668 = arith.constant 16 : i32
      %mul3A_669 = arith.muli %scan3A_613, %mul3A_668 : i32
      %swap3A_670 = arith.constant 34 : i32
      %swap3A_671 = arith.index_cast %swap3A_670 : i32 to index
      %swap3A_672 = arith.index_cast %mul3A_669 : i32 to index
      %swap3A_673 = tpu.vector_load %arg8[%swap3A_671, %swap3A_672] {strides = array<i32>} : memref<64x1024xf32, #tpu.memory_space<vmem>>, vector<16xf32>,
      tpu.vector_store %arg8[%swap3A_671, %swap3A_672], %gather3A_632 {strides = array<i32>} : memref<64x1024xf32, #tpu.memory_space<vmem>>, vector<16xf32>,
      %broadcast_in_dim3A_674 = arith.constant 27 : i32
      %broadcast_in_dim3A_675 = vector.broadcast %broadcast_in_dim3A_674 : i32 to vector<16xi32>
      %gather3A_676 = tpu.vector_load_idx %arg7[%broadcast_in_dim3A_675, %get3A_619] : memref<32x1000xf32, #tpu.memory_space<vmem>>[vector<16xi32>, vector<16xi32>], vector<16xf32>,
      %mul3A_677 = arith.constant 16 : i32
      %mul3A_678 = arith.muli %scan3A_613, %mul3A_677 : i32
      %swap3A_679 = arith.constant 35 : i32
      %swap3A_680 = arith.index_cast %swap3A_679 : i32 to index
      %swap3A_681 = arith.index_cast %mul3A_678 : i32 to index
      %swap3A_682 = tpu.vector_load %arg8[%swap3A_680, %swap3A_681] {strides = array<i32>} : memref<64x1024xf32, #tpu.memory_space<vmem>>, vector<16xf32>,
      tpu.vector_store %arg8[%swap3A_680, %swap3A_681], %gather3A_635 {strides = array<i32>} : memref<64x1024xf32, #tpu.memory_space<vmem>>, vector<16xf32>,
      %broadcast_in_dim3A_683 = arith.constant 28 : i32
      %broadcast_in_dim3A_684 = vector.broadcast %broadcast_in_dim3A_683 : i32 to vector<16xi32>
      %gather3A_685 = tpu.vector_load_idx %arg7[%broadcast_in_dim3A_684, %get3A_619] : memref<32x1000xf32, #tpu.memory_space<vmem>>[vector<16xi32>, vector<16xi32>], vector<16xf32>,
      %mul3A_686 = arith.constant 16 : i32
      %mul3A_687 = arith.muli %scan3A_613, %mul3A_686 : i32
      %swap3A_688 = arith.constant 36 : i32
      %swap3A_689 = arith.index_cast %swap3A_688 : i32 to index
      %swap3A_690 = arith.index_cast %mul3A_687 : i32 to index
      %swap3A_691 = tpu.vector_load %arg8[%swap3A_689, %swap3A_690] {strides = array<i32>} : memref<64x1024xf32, #tpu.memory_space<vmem>>, vector<16xf32>,
      tpu.vector_store %arg8[%swap3A_689, %swap3A_690], %gather3A_638 {strides = array<i32>} : memref<64x1024xf32, #tpu.memory_space<vmem>>, vector<16xf32>,
      %broadcast_in_dim3A_692 = arith.constant 29 : i32
      %broadcast_in_dim3A_693 = vector.broadcast %broadcast_in_dim3A_692 : i32 to vector<16xi32>
      %gather3A_694 = tpu.vector_load_idx %arg7[%broadcast_in_dim3A_693, %get3A_619] : memref<32x1000xf32, #tpu.memory_space<vmem>>[vector<16xi32>, vector<16xi32>], vector<16xf32>,
      %mul3A_695 = arith.constant 16 : i32
      %mul3A_696 = arith.muli %scan3A_613, %mul3A_695 : i32
      %swap3A_697 = arith.constant 37 : i32
      %swap3A_698 = arith.index_cast %swap3A_697 : i32 to index
      %swap3A_699 = arith.index_cast %mul3A_696 : i32 to index
      %swap3A_700 = tpu.vector_load %arg8[%swap3A_698, %swap3A_699] {strides = array<i32>} : memref<64x1024xf32, #tpu.memory_space<vmem>>, vector<16xf32>,
      tpu.vector_store %arg8[%swap3A_698, %swap3A_699], %gather3A_641 {strides = array<i32>} : memref<64x1024xf32, #tpu.memory_space<vmem>>, vector<16xf32>,
      %broadcast_in_dim3A_701 = arith.constant 30 : i32
      %broadcast_in_dim3A_702 = vector.broadcast %broadcast_in_dim3A_701 : i32 to vector<16xi32>
      %gather3A_703 = tpu.vector_load_idx %arg7[%broadcast_in_dim3A_702, %get3A_619] : memref<32x1000xf32, #tpu.memory_space<vmem>>[vector<16xi32>, vector<16xi32>], vector<16xf32>,
      %mul3A_704 = arith.constant 16 : i32
      %mul3A_705 = arith.muli %scan3A_613, %mul3A_704 : i32
      %swap3A_706 = arith.constant 38 : i32
      %swap3A_707 = arith.index_cast %swap3A_706 : i32 to index
      %swap3A_708 = arith.index_cast %mul3A_705 : i32 to index
      %swap3A_709 = tpu.vector_load %arg8[%swap3A_707, %swap3A_708] {strides = array<i32>} : memref<64x1024xf32, #tpu.memory_space<vmem>>, vector<16xf32>,
      tpu.vector_store %arg8[%swap3A_707, %swap3A_708], %gather3A_644 {strides = array<i32>} : memref<64x1024xf32, #tpu.memory_space<vmem>>, vector<16xf32>,
      %broadcast_in_dim3A_710 = arith.constant 31 : i32
      %broadcast_in_dim3A_711 = vector.broadcast %broadcast_in_dim3A_710 : i32 to vector<16xi32>
      %gather3A_712 = tpu.vector_load_idx %arg7[%broadcast_in_dim3A_711, %get3A_619] : memref<32x1000xf32, #tpu.memory_space<vmem>>[vector<16xi32>, vector<16xi32>], vector<16xf32>,
      %mul3A_713 = arith.constant 16 : i32
      %mul3A_714 = arith.muli %scan3A_613, %mul3A_713 : i32
      %swap3A_715 = arith.constant 39 : i32
      %swap3A_716 = arith.index_cast %swap3A_715 : i32 to index
      %swap3A_717 = arith.index_cast %mul3A_714 : i32 to index
      %swap3A_718 = tpu.vector_load %arg8[%swap3A_716, %swap3A_717] {strides = array<i32>} : memref<64x1024xf32, #tpu.memory_space<vmem>>, vector<16xf32>,
      tpu.vector_store %arg8[%swap3A_716, %swap3A_717], %gather3A_647 {strides = array<i32>} : memref<64x1024xf32, #tpu.memory_space<vmem>>, vector<16xf32>,
      %broadcast_in_dim3A_719 = arith.constant 16 : i32
      %broadcast_in_dim3A_720 = vector.broadcast %broadcast_in_dim3A_719 : i32 to vector<16xi32>
      %gather3A_721 = tpu.vector_load_idx %arg7[%broadcast_in_dim3A_720, %get3A_625] : memref<32x1000xf32, #tpu.memory_space<vmem>>[vector<16xi32>, vector<16xi32>], vector<16xf32>,
      %mul3A_722 = arith.constant 16 : i32
      %mul3A_723 = arith.muli %scan3A_613, %mul3A_722 : i32
      %swap3A_724 = arith.constant 40 : i32
      %swap3A_725 = arith.index_cast %swap3A_724 : i32 to index
      %swap3A_726 = arith.index_cast %mul3A_723 : i32 to index
      %swap3A_727 = tpu.vector_load %arg8[%swap3A_725, %swap3A_726] {strides = array<i32>} : memref<64x1024xf32, #tpu.memory_space<vmem>>, vector<16xf32>,
      tpu.vector_store %arg8[%swap3A_725, %swap3A_726], %gather3A_650 {strides = array<i32>} : memref<64x1024xf32, #tpu.memory_space<vmem>>, vector<16xf32>,
      %broadcast_in_dim3A_728 = arith.constant 17 : i32
      %broadcast_in_dim3A_729 = vector.broadcast %broadcast_in_dim3A_728 : i32 to vector<16xi32>
      %gather3A_730 = tpu.vector_load_idx %arg7[%broadcast_in_dim3A_729, %get3A_625] : memref<32x1000xf32, #tpu.memory_space<vmem>>[vector<16xi32>, vector<16xi32>], vector<16xf32>,
      %mul3A_731 = arith.constant 16 : i32
      %mul3A_732 = arith.muli %scan3A_613, %mul3A_731 : i32
      %swap3A_733 = arith.constant 41 : i32
      %swap3A_734 = arith.index_cast %swap3A_733 : i32 to index
      %swap3A_735 = arith.index_cast %mul3A_732 : i32 to index
      %swap3A_736 = tpu.vector_load %arg8[%swap3A_734, %swap3A_735] {strides = array<i32>} : memref<64x1024xf32, #tpu.memory_space<vmem>>, vector<16xf32>,
      tpu.vector_store %arg8[%swap3A_734, %swap3A_735], %gather3A_658 {strides = array<i32>} : memref<64x1024xf32, #tpu.memory_space<vmem>>, vector<16xf32>,
      %broadcast_in_dim3A_737 = arith.constant 18 : i32
      %broadcast_in_dim3A_738 = vector.broadcast %broadcast_in_dim3A_737 : i32 to vector<16xi32>
      %gather3A_739 = tpu.vector_load_idx %arg7[%broadcast_in_dim3A_738, %get3A_625] : memref<32x1000xf32, #tpu.memory_space<vmem>>[vector<16xi32>, vector<16xi32>], vector<16xf32>,
      %mul3A_740 = arith.constant 16 : i32
      %mul3A_741 = arith.muli %scan3A_613, %mul3A_740 : i32
      %swap3A_742 = arith.constant 42 : i32
      %swap3A_743 = arith.index_cast %swap3A_742 : i32 to index
      %swap3A_744 = arith.index_cast %mul3A_741 : i32 to index
      %swap3A_745 = tpu.vector_load %arg8[%swap3A_743, %swap3A_744] {strides = array<i32>} : memref<64x1024xf32, #tpu.memory_space<vmem>>, vector<16xf32>,
      tpu.vector_store %arg8[%swap3A_743, %swap3A_744], %gather3A_667 {strides = array<i32>} : memref<64x1024xf32, #tpu.memory_space<vmem>>, vector<16xf32>,
      %broadcast_in_dim3A_746 = arith.constant 19 : i32
      %broadcast_in_dim3A_747 = vector.broadcast %broadcast_in_dim3A_746 : i32 to vector<16xi32>
      %gather3A_748 = tpu.vector_load_idx %arg7[%broadcast_in_dim3A_747, %get3A_625] : memref<32x1000xf32, #tpu.memory_space<vmem>>[vector<16xi32>, vector<16xi32>], vector<16xf32>,
      %mul3A_749 = arith.constant 16 : i32
      %mul3A_750 = arith.muli %scan3A_613, %mul3A_749 : i32
      %swap3A_751 = arith.constant 43 : i32
      %swap3A_752 = arith.index_cast %swap3A_751 : i32 to index
      %swap3A_753 = arith.index_cast %mul3A_750 : i32 to index
      %swap3A_754 = tpu.vector_load %arg8[%swap3A_752, %swap3A_753] {strides = array<i32>} : memref<64x1024xf32, #tpu.memory_space<vmem>>, vector<16xf32>,
      tpu.vector_store %arg8[%swap3A_752, %swap3A_753], %gather3A_676 {strides = array<i32>} : memref<64x1024xf32, #tpu.memory_space<vmem>>, vector<16xf32>,
      %broadcast_in_dim3A_755 = arith.constant 20 : i32
      %broadcast_in_dim3A_756 = vector.broadcast %broadcast_in_dim3A_755 : i32 to vector<16xi32>
      %gather3A_757 = tpu.vector_load_idx %arg7[%broadcast_in_dim3A_756, %get3A_625] : memref<32x1000xf32, #tpu.memory_space<vmem>>[vector<16xi32>, vector<16xi32>], vector<16xf32>,
      %mul3A_758 = arith.constant 16 : i32
      %mul3A_759 = arith.muli %scan3A_613, %mul3A_758 : i32
      %swap3A_760 = arith.constant 44 : i32
      %swap3A_761 = arith.index_cast %swap3A_760 : i32 to index
      %swap3A_762 = arith.index_cast %mul3A_759 : i32 to index
      %swap3A_763 = tpu.vector_load %arg8[%swap3A_761, %swap3A_762] {strides = array<i32>} : memref<64x1024xf32, #tpu.memory_space<vmem>>, vector<16xf32>,
      tpu.vector_store %arg8[%swap3A_761, %swap3A_762], %gather3A_685 {strides = array<i32>} : memref<64x1024xf32, #tpu.memory_space<vmem>>, vector<16xf32>,
      %broadcast_in_dim3A_764 = arith.constant 21 : i32
      %broadcast_in_dim3A_765 = vector.broadcast %broadcast_in_dim3A_764 : i32 to vector<16xi32>
      %gather3A_766 = tpu.vector_load_idx %arg7[%broadcast_in_dim3A_765, %get3A_625] : memref<32x1000xf32, #tpu.memory_space<vmem>>[vector<16xi32>, vector<16xi32>], vector<16xf32>,
      %mul3A_767 = arith.constant 16 : i32
      %mul3A_768 = arith.muli %scan3A_613, %mul3A_767 : i32
      %swap3A_769 = arith.constant 45 : i32
      %swap3A_770 = arith.index_cast %swap3A_769 : i32 to index
      %swap3A_771 = arith.index_cast %mul3A_768 : i32 to index
      %swap3A_772 = tpu.vector_load %arg8[%swap3A_770, %swap3A_771] {strides = array<i32>} : memref<64x1024xf32, #tpu.memory_space<vmem>>, vector<16xf32>,
      tpu.vector_store %arg8[%swap3A_770, %swap3A_771], %gather3A_694 {strides = array<i32>} : memref<64x1024xf32, #tpu.memory_space<vmem>>, vector<16xf32>,
      %broadcast_in_dim3A_773 = arith.constant 22 : i32
      %broadcast_in_dim3A_774 = vector.broadcast %broadcast_in_dim3A_773 : i32 to vector<16xi32>
      %gather3A_775 = tpu.vector_load_idx %arg7[%broadcast_in_dim3A_774, %get3A_625] : memref<32x1000xf32, #tpu.memory_space<vmem>>[vector<16xi32>, vector<16xi32>], vector<16xf32>,
      %mul3A_776 = arith.constant 16 : i32
      %mul3A_777 = arith.muli %scan3A_613, %mul3A_776 : i32
      %swap3A_778 = arith.constant 46 : i32
      %swap3A_779 = arith.index_cast %swap3A_778 : i32 to index
      %swap3A_780 = arith.index_cast %mul3A_777 : i32 to index
      %swap3A_781 = tpu.vector_load %arg8[%swap3A_779, %swap3A_780] {strides = array<i32>} : memref<64x1024xf32, #tpu.memory_space<vmem>>, vector<16xf32>,
      tpu.vector_store %arg8[%swap3A_779, %swap3A_780], %gather3A_703 {strides = array<i32>} : memref<64x1024xf32, #tpu.memory_space<vmem>>, vector<16xf32>,
      %broadcast_in_dim3A_782 = arith.constant 23 : i32
      %broadcast_in_dim3A_783 = vector.broadcast %broadcast_in_dim3A_782 : i32 to vector<16xi32>
      %gather3A_784 = tpu.vector_load_idx %arg7[%broadcast_in_dim3A_783, %get3A_625] : memref<32x1000xf32, #tpu.memory_space<vmem>>[vector<16xi32>, vector<16xi32>], vector<16xf32>,
      %mul3A_785 = arith.constant 16 : i32
      %mul3A_786 = arith.muli %scan3A_613, %mul3A_785 : i32
      %swap3A_787 = arith.constant 47 : i32
      %swap3A_788 = arith.index_cast %swap3A_787 : i32 to index
      %swap3A_789 = arith.index_cast %mul3A_786 : i32 to index
      %swap3A_790 = tpu.vector_load %arg8[%swap3A_788, %swap3A_789] {strides = array<i32>} : memref<64x1024xf32, #tpu.memory_space<vmem>>, vector<16xf32>,
      tpu.vector_store %arg8[%swap3A_788, %swap3A_789], %gather3A_712 {strides = array<i32>} : memref<64x1024xf32, #tpu.memory_space<vmem>>, vector<16xf32>,
      %broadcast_in_dim3A_791 = arith.constant 24 : i32
      %broadcast_in_dim3A_792 = vector.broadcast %broadcast_in_dim3A_791 : i32 to vector<16xi32>
      %gather3A_793 = tpu.vector_load_idx %arg7[%broadcast_in_dim3A_792, %get3A_625] : memref<32x1000xf32, #tpu.memory_space<vmem>>[vector<16xi32>, vector<16xi32>], vector<16xf32>,
      %mul3A_794 = arith.constant 16 : i32
      %mul3A_795 = arith.muli %scan3A_613, %mul3A_794 : i32
      %swap3A_796 = arith.constant 48 : i32
      %swap3A_797 = arith.index_cast %swap3A_796 : i32 to index
      %swap3A_798 = arith.index_cast %mul3A_795 : i32 to index
      %swap3A_799 = tpu.vector_load %arg8[%swap3A_797, %swap3A_798] {strides = array<i32>} : memref<64x1024xf32, #tpu.memory_space<vmem>>, vector<16xf32>,
      tpu.vector_store %arg8[%swap3A_797, %swap3A_798], %gather3A_721 {strides = array<i32>} : memref<64x1024xf32, #tpu.memory_space<vmem>>, vector<16xf32>,
      %broadcast_in_dim3A_800 = arith.constant 25 : i32
      %broadcast_in_dim3A_801 = vector.broadcast %broadcast_in_dim3A_800 : i32 to vector<16xi32>
      %gather3A_802 = tpu.vector_load_idx %arg7[%broadcast_in_dim3A_801, %get3A_625] : memref<32x1000xf32, #tpu.memory_space<vmem>>[vector<16xi32>, vector<16xi32>], vector<16xf32>,
      %mul3A_803 = arith.constant 16 : i32
      %mul3A_804 = arith.muli %scan3A_613, %mul3A_803 : i32
      %swap3A_805 = arith.constant 49 : i32
      %swap3A_806 = arith.index_cast %swap3A_805 : i32 to index
      %swap3A_807 = arith.index_cast %mul3A_804 : i32 to index
      %swap3A_808 = tpu.vector_load %arg8[%swap3A_806, %swap3A_807] {strides = array<i32>} : memref<64x1024xf32, #tpu.memory_space<vmem>>, vector<16xf32>,
      tpu.vector_store %arg8[%swap3A_806, %swap3A_807], %gather3A_730 {strides = array<i32>} : memref<64x1024xf32, #tpu.memory_space<vmem>>, vector<16xf32>,
      %broadcast_in_dim3A_809 = arith.constant 26 : i32
      %broadcast_in_dim3A_810 = vector.broadcast %broadcast_in_dim3A_809 : i32 to vector<16xi32>
      %gather3A_811 = tpu.vector_load_idx %arg7[%broadcast_in_dim3A_810, %get3A_625] : memref<32x1000xf32, #tpu.memory_space<vmem>>[vector<16xi32>, vector<16xi32>], vector<16xf32>,
      %mul3A_812 = arith.constant 16 : i32
      %mul3A_813 = arith.muli %scan3A_613, %mul3A_812 : i32
      %swap3A_814 = arith.constant 50 : i32
      %swap3A_815 = arith.index_cast %swap3A_814 : i32 to index
      %swap3A_816 = arith.index_cast %mul3A_813 : i32 to index
      %swap3A_817 = tpu.vector_load %arg8[%swap3A_815, %swap3A_816] {strides = array<i32>} : memref<64x1024xf32, #tpu.memory_space<vmem>>, vector<16xf32>,
      tpu.vector_store %arg8[%swap3A_815, %swap3A_816], %gather3A_739 {strides = array<i32>} : memref<64x1024xf32, #tpu.memory_space<vmem>>, vector<16xf32>,
      %broadcast_in_dim3A_818 = arith.constant 27 : i32
      %broadcast_in_dim3A_819 = vector.broadcast %broadcast_in_dim3A_818 : i32 to vector<16xi32>
      %gather3A_820 = tpu.vector_load_idx %arg7[%broadcast_in_dim3A_819, %get3A_625] : memref<32x1000xf32, #tpu.memory_space<vmem>>[vector<16xi32>, vector<16xi32>], vector<16xf32>,
      %mul3A_821 = arith.constant 16 : i32
      %mul3A_822 = arith.muli %scan3A_613, %mul3A_821 : i32
      %swap3A_823 = arith.constant 51 : i32
      %swap3A_824 = arith.index_cast %swap3A_823 : i32 to index
      %swap3A_825 = arith.index_cast %mul3A_822 : i32 to index
      %swap3A_826 = tpu.vector_load %arg8[%swap3A_824, %swap3A_825] {strides = array<i32>} : memref<64x1024xf32, #tpu.memory_space<vmem>>, vector<16xf32>,
      tpu.vector_store %arg8[%swap3A_824, %swap3A_825], %gather3A_748 {strides = array<i32>} : memref<64x1024xf32, #tpu.memory_space<vmem>>, vector<16xf32>,
      %broadcast_in_dim3A_827 = arith.constant 28 : i32
      %broadcast_in_dim3A_828 = vector.broadcast %broadcast_in_dim3A_827 : i32 to vector<16xi32>
      %gather3A_829 = tpu.vector_load_idx %arg7[%broadcast_in_dim3A_828, %get3A_625] : memref<32x1000xf32, #tpu.memory_space<vmem>>[vector<16xi32>, vector<16xi32>], vector<16xf32>,
      %mul3A_830 = arith.constant 16 : i32
      %mul3A_831 = arith.muli %scan3A_613, %mul3A_830 : i32
      %swap3A_832 = arith.constant 52 : i32
      %swap3A_833 = arith.index_cast %swap3A_832 : i32 to index
      %swap3A_834 = arith.index_cast %mul3A_831 : i32 to index
      %swap3A_835 = tpu.vector_load %arg8[%swap3A_833, %swap3A_834] {strides = array<i32>} : memref<64x1024xf32, #tpu.memory_space<vmem>>, vector<16xf32>,
      tpu.vector_store %arg8[%swap3A_833, %swap3A_834], %gather3A_757 {strides = array<i32>} : memref<64x1024xf32, #tpu.memory_space<vmem>>, vector<16xf32>,
      %broadcast_in_dim3A_836 = arith.constant 29 : i32
      %broadcast_in_dim3A_837 = vector.broadcast %broadcast_in_dim3A_836 : i32 to vector<16xi32>
      %gather3A_838 = tpu.vector_load_idx %arg7[%broadcast_in_dim3A_837, %get3A_625] : memref<32x1000xf32, #tpu.memory_space<vmem>>[vector<16xi32>, vector<16xi32>], vector<16xf32>,
      %mul3A_839 = arith.constant 16 : i32
      %mul3A_840 = arith.muli %scan3A_613, %mul3A_839 : i32
      %swap3A_841 = arith.constant 53 : i32
      %swap3A_842 = arith.index_cast %swap3A_841 : i32 to index
      %swap3A_843 = arith.index_cast %mul3A_840 : i32 to index
      %swap3A_844 = tpu.vector_load %arg8[%swap3A_842, %swap3A_843] {strides = array<i32>} : memref<64x1024xf32, #tpu.memory_space<vmem>>, vector<16xf32>,
      tpu.vector_store %arg8[%swap3A_842, %swap3A_843], %gather3A_766 {strides = array<i32>} : memref<64x1024xf32, #tpu.memory_space<vmem>>, vector<16xf32>,
      %broadcast_in_dim3A_845 = arith.constant 30 : i32
      %broadcast_in_dim3A_846 = vector.broadcast %broadcast_in_dim3A_845 : i32 to vector<16xi32>
      %gather3A_847 = tpu.vector_load_idx %arg7[%broadcast_in_dim3A_846, %get3A_625] : memref<32x1000xf32, #tpu.memory_space<vmem>>[vector<16xi32>, vector<16xi32>], vector<16xf32>,
      %mul3A_848 = arith.constant 16 : i32
      %mul3A_849 = arith.muli %scan3A_613, %mul3A_848 : i32
      %swap3A_850 = arith.constant 54 : i32
      %swap3A_851 = arith.index_cast %swap3A_850 : i32 to index
      %swap3A_852 = arith.index_cast %mul3A_849 : i32 to index
      %swap3A_853 = tpu.vector_load %arg8[%swap3A_851, %swap3A_852] {strides = array<i32>} : memref<64x1024xf32, #tpu.memory_space<vmem>>, vector<16xf32>,
      tpu.vector_store %arg8[%swap3A_851, %swap3A_852], %gather3A_775 {strides = array<i32>} : memref<64x1024xf32, #tpu.memory_space<vmem>>, vector<16xf32>,
      %broadcast_in_dim3A_854 = arith.constant 31 : i32
      %broadcast_in_dim3A_855 = vector.broadcast %broadcast_in_dim3A_854 : i32 to vector<16xi32>
      %gather3A_856 = tpu.vector_load_idx %arg7[%broadcast_in_dim3A_855, %get3A_625] : memref<32x1000xf32, #tpu.memory_space<vmem>>[vector<16xi32>, vector<16xi32>], vector<16xf32>,
      %mul3A_857 = arith.constant 16 : i32
      %mul3A_858 = arith.muli %scan3A_613, %mul3A_857 : i32
      %swap3A_859 = arith.constant 55 : i32
      %swap3A_860 = arith.index_cast %swap3A_859 : i32 to index
      %swap3A_861 = arith.index_cast %mul3A_858 : i32 to index
      %swap3A_862 = tpu.vector_load %arg8[%swap3A_860, %swap3A_861] {strides = array<i32>} : memref<64x1024xf32, #tpu.memory_space<vmem>>, vector<16xf32>,
      tpu.vector_store %arg8[%swap3A_860, %swap3A_861], %gather3A_784 {strides = array<i32>} : memref<64x1024xf32, #tpu.memory_space<vmem>>, vector<16xf32>,
      %mul3A_863 = arith.constant 16 : i32
      %mul3A_864 = arith.muli %scan3A_613, %mul3A_863 : i32
      %swap3A_865 = arith.constant 56 : i32
      %swap3A_866 = arith.index_cast %swap3A_865 : i32 to index
      %swap3A_867 = arith.index_cast %mul3A_864 : i32 to index
      %swap3A_868 = tpu.vector_load %arg8[%swap3A_866, %swap3A_867] {strides = array<i32>} : memref<64x1024xf32, #tpu.memory_space<vmem>>, vector<16xf32>,
      tpu.vector_store %arg8[%swap3A_866, %swap3A_867], %gather3A_793 {strides = array<i32>} : memref<64x1024xf32, #tpu.memory_space<vmem>>, vector<16xf32>,
      %mul3A_869 = arith.constant 16 : i32
      %mul3A_870 = arith.muli %scan3A_613, %mul3A_869 : i32
      %swap3A_871 = arith.constant 57 : i32
      %swap3A_872 = arith.index_cast %swap3A_871 : i32 to index
      %swap3A_873 = arith.index_cast %mul3A_870 : i32 to index
      %swap3A_874 = tpu.vector_load %arg8[%swap3A_872, %swap3A_873] {strides = array<i32>} : memref<64x1024xf32, #tpu.memory_space<vmem>>, vector<16xf32>,
      tpu.vector_store %arg8[%swap3A_872, %swap3A_873], %gather3A_802 {strides = array<i32>} : memref<64x1024xf32, #tpu.memory_space<vmem>>, vector<16xf32>,
      %mul3A_875 = arith.constant 16 : i32
      %mul3A_876 = arith.muli %scan3A_613, %mul3A_875 : i32
      %swap3A_877 = arith.constant 58 : i32
      %swap3A_878 = arith.index_cast %swap3A_877 : i32 to index
      %swap3A_879 = arith.index_cast %mul3A_876 : i32 to index
      %swap3A_880 = tpu.vector_load %arg8[%swap3A_878, %swap3A_879] {strides = array<i32>} : memref<64x1024xf32, #tpu.memory_space<vmem>>, vector<16xf32>,
      tpu.vector_store %arg8[%swap3A_878, %swap3A_879], %gather3A_811 {strides = array<i32>} : memref<64x1024xf32, #tpu.memory_space<vmem>>, vector<16xf32>,
      %mul3A_881 = arith.constant 16 : i32
      %mul3A_882 = arith.muli %scan3A_613, %mul3A_881 : i32
      %swap3A_883 = arith.constant 59 : i32
      %swap3A_884 = arith.index_cast %swap3A_883 : i32 to index
      %swap3A_885 = arith.index_cast %mul3A_882 : i32 to index
      %swap3A_886 = tpu.vector_load %arg8[%swap3A_884, %swap3A_885] {strides = array<i32>} : memref<64x1024xf32, #tpu.memory_space<vmem>>, vector<16xf32>,
      tpu.vector_store %arg8[%swap3A_884, %swap3A_885], %gather3A_820 {strides = array<i32>} : memref<64x1024xf32, #tpu.memory_space<vmem>>, vector<16xf32>,
      %mul3A_887 = arith.constant 16 : i32
      %mul3A_888 = arith.muli %scan3A_613, %mul3A_887 : i32
      %swap3A_889 = arith.constant 60 : i32
      %swap3A_890 = arith.index_cast %swap3A_889 : i32 to index
      %swap3A_891 = arith.index_cast %mul3A_888 : i32 to index
      %swap3A_892 = tpu.vector_load %arg8[%swap3A_890, %swap3A_891] {strides = array<i32>} : memref<64x1024xf32, #tpu.memory_space<vmem>>, vector<16xf32>,
      tpu.vector_store %arg8[%swap3A_890, %swap3A_891], %gather3A_829 {strides = array<i32>} : memref<64x1024xf32, #tpu.memory_space<vmem>>, vector<16xf32>,
      %mul3A_893 = arith.constant 16 : i32
      %mul3A_894 = arith.muli %scan3A_613, %mul3A_893 : i32
      %swap3A_895 = arith.constant 61 : i32
      %swap3A_896 = arith.index_cast %swap3A_895 : i32 to index
      %swap3A_897 = arith.index_cast %mul3A_894 : i32 to index
      %swap3A_898 = tpu.vector_load %arg8[%swap3A_896, %swap3A_897] {strides = array<i32>} : memref<64x1024xf32, #tpu.memory_space<vmem>>, vector<16xf32>,
      tpu.vector_store %arg8[%swap3A_896, %swap3A_897], %gather3A_838 {strides = array<i32>} : memref<64x1024xf32, #tpu.memory_space<vmem>>, vector<16xf32>,
      %mul3A_899 = arith.constant 16 : i32
      %mul3A_900 = arith.muli %scan3A_613, %mul3A_899 : i32
      %swap3A_901 = arith.constant 62 : i32
      %swap3A_902 = arith.index_cast %swap3A_901 : i32 to index
      %swap3A_903 = arith.index_cast %mul3A_900 : i32 to index
      %swap3A_904 = tpu.vector_load %arg8[%swap3A_902, %swap3A_903] {strides = array<i32>} : memref<64x1024xf32, #tpu.memory_space<vmem>>, vector<16xf32>,
      tpu.vector_store %arg8[%swap3A_902, %swap3A_903], %gather3A_847 {strides = array<i32>} : memref<64x1024xf32, #tpu.memory_space<vmem>>, vector<16xf32>,
      %mul3A_905 = arith.constant 16 : i32
      %mul3A_906 = arith.muli %scan3A_613, %mul3A_905 : i32
      %swap3A_907 = arith.constant 63 : i32
      %swap3A_908 = arith.index_cast %swap3A_907 : i32 to index
      %swap3A_909 = arith.index_cast %mul3A_906 : i32 to index
      %swap3A_910 = tpu.vector_load %arg8[%swap3A_908, %swap3A_909] {strides = array<i32>} : memref<64x1024xf32, #tpu.memory_space<vmem>>, vector<16xf32>,
      tpu.vector_store %arg8[%swap3A_908, %swap3A_909], %gather3A_856 {strides = array<i32>} : memref<64x1024xf32, #tpu.memory_space<vmem>>, vector<16xf32>,
      %scan3A_911 = arith.constant 0 : i32
      %scan3A_912 = arith.constant 1 : i32
      %scan3A_913 = arith.addi %scan3A_613, %scan3A_912 : i32
      %mul3A_914 = arith.constant 16 : i32
      %mul3A_915 = arith.muli %scan3A_913, %mul3A_914 : i32
      %add3A_916 = arith.constant 0 : i32
      %add3A_917 = arith.addi %add3A_916, %mul3A_915 : i32
      %get3A_918 = arith.index_cast %add3A_917 : i32 to index
      %get3A_919 = tpu.vector_load %arg6[%get3A_918] {strides = array<i32>} : memref<2048xi32, #tpu.memory_space<vmem>>, vector<16xi32>,
      %mul3A_920 = arith.constant 16 : i32
      %mul3A_921 = arith.muli %scan3A_913, %mul3A_920 : i32
      %add3A_922 = arith.constant 1024 : i32
      %add3A_923 = arith.addi %add3A_922, %mul3A_921 : i32
      %get3A_924 = arith.index_cast %add3A_923 : i32 to index
      %get3A_925 = tpu.vector_load %arg6[%get3A_924] {strides = array<i32>} : memref<2048xi32, #tpu.memory_space<vmem>>, vector<16xi32>,
      %broadcast_in_dim3A_926 = arith.constant 16 : i32
      %broadcast_in_dim3A_927 = vector.broadcast %broadcast_in_dim3A_926 : i32 to vector<16xi32>
      %gather3A_928 = tpu.vector_load_idx %arg7[%broadcast_in_dim3A_927, %get3A_919] : memref<32x1000xf32, #tpu.memory_space<vmem>>[vector<16xi32>, vector<16xi32>], vector<16xf32>,
      %broadcast_in_dim3A_929 = arith.constant 17 : i32
      %broadcast_in_dim3A_930 = vector.broadcast %broadcast_in_dim3A_929 : i32 to vector<16xi32>
      %gather3A_931 = tpu.vector_load_idx %arg7[%broadcast_in_dim3A_930, %get3A_919] : memref<32x1000xf32, #tpu.memory_space<vmem>>[vector<16xi32>, vector<16xi32>], vector<16xf32>,
      %broadcast_in_dim3A_932 = arith.constant 18 : i32
      %broadcast_in_dim3A_933 = vector.broadcast %broadcast_in_dim3A_932 : i32 to vector<16xi32>
      %gather3A_934 = tpu.vector_load_idx %arg7[%broadcast_in_dim3A_933, %get3A_919] : memref<32x1000xf32, #tpu.memory_space<vmem>>[vector<16xi32>, vector<16xi32>], vector<16xf32>,
      %broadcast_in_dim3A_935 = arith.constant 19 : i32
      %broadcast_in_dim3A_936 = vector.broadcast %broadcast_in_dim3A_935 : i32 to vector<16xi32>
      %gather3A_937 = tpu.vector_load_idx %arg7[%broadcast_in_dim3A_936, %get3A_919] : memref<32x1000xf32, #tpu.memory_space<vmem>>[vector<16xi32>, vector<16xi32>], vector<16xf32>,
      %broadcast_in_dim3A_938 = arith.constant 20 : i32
      %broadcast_in_dim3A_939 = vector.broadcast %broadcast_in_dim3A_938 : i32 to vector<16xi32>
      %gather3A_940 = tpu.vector_load_idx %arg7[%broadcast_in_dim3A_939, %get3A_919] : memref<32x1000xf32, #tpu.memory_space<vmem>>[vector<16xi32>, vector<16xi32>], vector<16xf32>,
      %broadcast_in_dim3A_941 = arith.constant 21 : i32
      %broadcast_in_dim3A_942 = vector.broadcast %broadcast_in_dim3A_941 : i32 to vector<16xi32>
      %gather3A_943 = tpu.vector_load_idx %arg7[%broadcast_in_dim3A_942, %get3A_919] : memref<32x1000xf32, #tpu.memory_space<vmem>>[vector<16xi32>, vector<16xi32>], vector<16xf32>,
      %broadcast_in_dim3A_944 = arith.constant 22 : i32
      %broadcast_in_dim3A_945 = vector.broadcast %broadcast_in_dim3A_944 : i32 to vector<16xi32>
      %gather3A_946 = tpu.vector_load_idx %arg7[%broadcast_in_dim3A_945, %get3A_919] : memref<32x1000xf32, #tpu.memory_space<vmem>>[vector<16xi32>, vector<16xi32>], vector<16xf32>,
      %broadcast_in_dim3A_947 = arith.constant 23 : i32
      %broadcast_in_dim3A_948 = vector.broadcast %broadcast_in_dim3A_947 : i32 to vector<16xi32>
      %gather3A_949 = tpu.vector_load_idx %arg7[%broadcast_in_dim3A_948, %get3A_919] : memref<32x1000xf32, #tpu.memory_space<vmem>>[vector<16xi32>, vector<16xi32>], vector<16xf32>,
      %broadcast_in_dim3A_950 = arith.constant 24 : i32
      %broadcast_in_dim3A_951 = vector.broadcast %broadcast_in_dim3A_950 : i32 to vector<16xi32>
      %gather3A_952 = tpu.vector_load_idx %arg7[%broadcast_in_dim3A_951, %get3A_919] : memref<32x1000xf32, #tpu.memory_space<vmem>>[vector<16xi32>, vector<16xi32>], vector<16xf32>,
      %mul3A_953 = arith.constant 16 : i32
      %mul3A_954 = arith.muli %scan3A_913, %mul3A_953 : i32
      %swap3A_955 = arith.constant 32 : i32
      %swap3A_956 = arith.index_cast %swap3A_955 : i32 to index
      %swap3A_957 = arith.index_cast %mul3A_954 : i32 to index
      %swap3A_958 = tpu.vector_load %arg8[%swap3A_956, %swap3A_957] {strides = array<i32>} : memref<64x1024xf32, #tpu.memory_space<vmem>>, vector<16xf32>,
      tpu.vector_store %arg8[%swap3A_956, %swap3A_957], %gather3A_928 {strides = array<i32>} : memref<64x1024xf32, #tpu.memory_space<vmem>>, vector<16xf32>,
      %broadcast_in_dim3A_959 = arith.constant 25 : i32
      %broadcast_in_dim3A_960 = vector.broadcast %broadcast_in_dim3A_959 : i32 to vector<16xi32>
      %gather3A_961 = tpu.vector_load_idx %arg7[%broadcast_in_dim3A_960, %get3A_919] : memref<32x1000xf32, #tpu.memory_space<vmem>>[vector<16xi32>, vector<16xi32>], vector<16xf32>,
      %mul3A_962 = arith.constant 16 : i32
      %mul3A_963 = arith.muli %scan3A_913, %mul3A_962 : i32
      %swap3A_964 = arith.constant 33 : i32
      %swap3A_965 = arith.index_cast %swap3A_964 : i32 to index
      %swap3A_966 = arith.index_cast %mul3A_963 : i32 to index
      %swap3A_967 = tpu.vector_load %arg8[%swap3A_965, %swap3A_966] {strides = array<i32>} : memref<64x1024xf32, #tpu.memory_space<vmem>>, vector<16xf32>,
      tpu.vector_store %arg8[%swap3A_965, %swap3A_966], %gather3A_931 {strides = array<i32>} : memref<64x1024xf32, #tpu.memory_space<vmem>>, vector<16xf32>,
      %broadcast_in_dim3A_968 = arith.constant 26 : i32
      %broadcast_in_dim3A_969 = vector.broadcast %broadcast_in_dim3A_968 : i32 to vector<16xi32>
      %gather3A_970 = tpu.vector_load_idx %arg7[%broadcast_in_dim3A_969, %get3A_919] : memref<32x1000xf32, #tpu.memory_space<vmem>>[vector<16xi32>, vector<16xi32>], vector<16xf32>,
      %mul3A_971 = arith.constant 16 : i32
      %mul3A_972 = arith.muli %scan3A_913, %mul3A_971 : i32
      %swap3A_973 = arith.constant 34 : i32
      %swap3A_974 = arith.index_cast %swap3A_973 : i32 to index
      %swap3A_975 = arith.index_cast %mul3A_972 : i32 to index
      %swap3A_976 = tpu.vector_load %arg8[%swap3A_974, %swap3A_975] {strides = array<i32>} : memref<64x1024xf32, #tpu.memory_space<vmem>>, vector<16xf32>,
      tpu.vector_store %arg8[%swap3A_974, %swap3A_975], %gather3A_934 {strides = array<i32>} : memref<64x1024xf32, #tpu.memory_space<vmem>>, vector<16xf32>,
      %broadcast_in_dim3A_977 = arith.constant 27 : i32
      %broadcast_in_dim3A_978 = vector.broadcast %broadcast_in_dim3A_977 : i32 to vector<16xi32>
      %gather3A_979 = tpu.vector_load_idx %arg7[%broadcast_in_dim3A_978, %get3A_919] : memref<32x1000xf32, #tpu.memory_space<vmem>>[vector<16xi32>, vector<16xi32>], vector<16xf32>,
      %mul3A_980 = arith.constant 16 : i32
      %mul3A_981 = arith.muli %scan3A_913, %mul3A_980 : i32
      %swap3A_982 = arith.constant 35 : i32
      %swap3A_983 = arith.index_cast %swap3A_982 : i32 to index
      %swap3A_984 = arith.index_cast %mul3A_981 : i32 to index
      %swap3A_985 = tpu.vector_load %arg8[%swap3A_983, %swap3A_984] {strides = array<i32>} : memref<64x1024xf32, #tpu.memory_space<vmem>>, vector<16xf32>,
      tpu.vector_store %arg8[%swap3A_983, %swap3A_984], %gather3A_937 {strides = array<i32>} : memref<64x1024xf32, #tpu.memory_space<vmem>>, vector<16xf32>,
      %broadcast_in_dim3A_986 = arith.constant 28 : i32
      %broadcast_in_dim3A_987 = vector.broadcast %broadcast_in_dim3A_986 : i32 to vector<16xi32>
      %gather3A_988 = tpu.vector_load_idx %arg7[%broadcast_in_dim3A_987, %get3A_919] : memref<32x1000xf32, #tpu.memory_space<vmem>>[vector<16xi32>, vector<16xi32>], vector<16xf32>,
      %mul3A_989 = arith.constant 16 : i32
      %mul3A_990 = arith.muli %scan3A_913, %mul3A_989 : i32
      %swap3A_991 = arith.constant 36 : i32
      %swap3A_992 = arith.index_cast %swap3A_991 : i32 to index
      %swap3A_993 = arith.index_cast %mul3A_990 : i32 to index
      %swap3A_994 = tpu.vector_load %arg8[%swap3A_992, %swap3A_993] {strides = array<i32>} : memref<64x1024xf32, #tpu.memory_space<vmem>>, vector<16xf32>,
      tpu.vector_store %arg8[%swap3A_992, %swap3A_993], %gather3A_940 {strides = array<i32>} : memref<64x1024xf32, #tpu.memory_space<vmem>>, vector<16xf32>,
      %broadcast_in_dim3A_995 = arith.constant 29 : i32
      %broadcast_in_dim3A_996 = vector.broadcast %broadcast_in_dim3A_995 : i32 to vector<16xi32>
      %gather3A_997 = tpu.vector_load_idx %arg7[%broadcast_in_dim3A_996, %get3A_919] : memref<32x1000xf32, #tpu.memory_space<vmem>>[vector<16xi32>, vector<16xi32>], vector<16xf32>,
      %mul3A_998 = arith.constant 16 : i32
      %mul3A_999 = arith.muli %scan3A_913, %mul3A_998 : i32
      %swap3A_1000 = arith.constant 37 : i32
      %swap3A_1001 = arith.index_cast %swap3A_1000 : i32 to index
      %swap3A_1002 = arith.index_cast %mul3A_999 : i32 to index
      %swap3A_1003 = tpu.vector_load %arg8[%swap3A_1001, %swap3A_1002] {strides = array<i32>} : memref<64x1024xf32, #tpu.memory_space<vmem>>, vector<16xf32>,
      tpu.vector_store %arg8[%swap3A_1001, %swap3A_1002], %gather3A_943 {strides = array<i32>} : memref<64x1024xf32, #tpu.memory_space<vmem>>, vector<16xf32>,
      %broadcast_in_dim3A_1004 = arith.constant 30 : i32
      %broadcast_in_dim3A_1005 = vector.broadcast %broadcast_in_dim3A_1004 : i32 to vector<16xi32>
      %gather3A_1006 = tpu.vector_load_idx %arg7[%broadcast_in_dim3A_1005, %get3A_919] : memref<32x1000xf32, #tpu.memory_space<vmem>>[vector<16xi32>, vector<16xi32>], vector<16xf32>,
      %mul3A_1007 = arith.constant 16 : i32
      %mul3A_1008 = arith.muli %scan3A_913, %mul3A_1007 : i32
      %swap3A_1009 = arith.constant 38 : i32
      %swap3A_1010 = arith.index_cast %swap3A_1009 : i32 to index
      %swap3A_1011 = arith.index_cast %mul3A_1008 : i32 to index
      %swap3A_1012 = tpu.vector_load %arg8[%swap3A_1010, %swap3A_1011] {strides = array<i32>} : memref<64x1024xf32, #tpu.memory_space<vmem>>, vector<16xf32>,
      tpu.vector_store %arg8[%swap3A_1010, %swap3A_1011], %gather3A_946 {strides = array<i32>} : memref<64x1024xf32, #tpu.memory_space<vmem>>, vector<16xf32>,
      %broadcast_in_dim3A_1013 = arith.constant 31 : i32
      %broadcast_in_dim3A_1014 = vector.broadcast %broadcast_in_dim3A_1013 : i32 to vector<16xi32>
      %gather3A_1015 = tpu.vector_load_idx %arg7[%broadcast_in_dim3A_1014, %get3A_919] : memref<32x1000xf32, #tpu.memory_space<vmem>>[vector<16xi32>, vector<16xi32>], vector<16xf32>,
      %mul3A_1016 = arith.constant 16 : i32
      %mul3A_1017 = arith.muli %scan3A_913, %mul3A_1016 : i32
      %swap3A_1018 = arith.constant 39 : i32
      %swap3A_1019 = arith.index_cast %swap3A_1018 : i32 to index
      %swap3A_1020 = arith.index_cast %mul3A_1017 : i32 to index
      %swap3A_1021 = tpu.vector_load %arg8[%swap3A_1019, %swap3A_1020] {strides = array<i32>} : memref<64x1024xf32, #tpu.memory_space<vmem>>, vector<16xf32>,
      tpu.vector_store %arg8[%swap3A_1019, %swap3A_1020], %gather3A_949 {strides = array<i32>} : memref<64x1024xf32, #tpu.memory_space<vmem>>, vector<16xf32>,
      %broadcast_in_dim3A_1022 = arith.constant 16 : i32
      %broadcast_in_dim3A_1023 = vector.broadcast %broadcast_in_dim3A_1022 : i32 to vector<16xi32>
      %gather3A_1024 = tpu.vector_load_idx %arg7[%broadcast_in_dim3A_1023, %get3A_925] : memref<32x1000xf32, #tpu.memory_space<vmem>>[vector<16xi32>, vector<16xi32>], vector<16xf32>,
      %mul3A_1025 = arith.constant 16 : i32
      %mul3A_1026 = arith.muli %scan3A_913, %mul3A_1025 : i32
      %swap3A_1027 = arith.constant 40 : i32
      %swap3A_1028 = arith.index_cast %swap3A_1027 : i32 to index
      %swap3A_1029 = arith.index_cast %mul3A_1026 : i32 to index
      %swap3A_1030 = tpu.vector_load %arg8[%swap3A_1028, %swap3A_1029] {strides = array<i32>} : memref<64x1024xf32, #tpu.memory_space<vmem>>, vector<16xf32>,
      tpu.vector_store %arg8[%swap3A_1028, %swap3A_1029], %gather3A_952 {strides = array<i32>} : memref<64x1024xf32, #tpu.memory_space<vmem>>, vector<16xf32>,
      %broadcast_in_dim3A_1031 = arith.constant 17 : i32
      %broadcast_in_dim3A_1032 = vector.broadcast %broadcast_in_dim3A_1031 : i32 to vector<16xi32>
      %gather3A_1033 = tpu.vector_load_idx %arg7[%broadcast_in_dim3A_1032, %get3A_925] : memref<32x1000xf32, #tpu.memory_space<vmem>>[vector<16xi32>, vector<16xi32>], vector<16xf32>,
      %mul3A_1034 = arith.constant 16 : i32
      %mul3A_1035 = arith.muli %scan3A_913, %mul3A_1034 : i32
      %swap3A_1036 = arith.constant 41 : i32
      %swap3A_1037 = arith.index_cast %swap3A_1036 : i32 to index
      %swap3A_1038 = arith.index_cast %mul3A_1035 : i32 to index
      %swap3A_1039 = tpu.vector_load %arg8[%swap3A_1037, %swap3A_1038] {strides = array<i32>} : memref<64x1024xf32, #tpu.memory_space<vmem>>, vector<16xf32>,
      tpu.vector_store %arg8[%swap3A_1037, %swap3A_1038], %gather3A_961 {strides = array<i32>} : memref<64x1024xf32, #tpu.memory_space<vmem>>, vector<16xf32>,
      %broadcast_in_dim3A_1040 = arith.constant 18 : i32
      %broadcast_in_dim3A_1041 = vector.broadcast %broadcast_in_dim3A_1040 : i32 to vector<16xi32>
      %gather3A_1042 = tpu.vector_load_idx %arg7[%broadcast_in_dim3A_1041, %get3A_925] : memref<32x1000xf32, #tpu.memory_space<vmem>>[vector<16xi32>, vector<16xi32>], vector<16xf32>,
      %mul3A_1043 = arith.constant 16 : i32
      %mul3A_1044 = arith.muli %scan3A_913, %mul3A_1043 : i32
      %swap3A_1045 = arith.constant 42 : i32
      %swap3A_1046 = arith.index_cast %swap3A_1045 : i32 to index
      %swap3A_1047 = arith.index_cast %mul3A_1044 : i32 to index
      %swap3A_1048 = tpu.vector_load %arg8[%swap3A_1046, %swap3A_1047] {strides = array<i32>} : memref<64x1024xf32, #tpu.memory_space<vmem>>, vector<16xf32>,
      tpu.vector_store %arg8[%swap3A_1046, %swap3A_1047], %gather3A_970 {strides = array<i32>} : memref<64x1024xf32, #tpu.memory_space<vmem>>, vector<16xf32>,
      %broadcast_in_dim3A_1049 = arith.constant 19 : i32
      %broadcast_in_dim3A_1050 = vector.broadcast %broadcast_in_dim3A_1049 : i32 to vector<16xi32>
      %gather3A_1051 = tpu.vector_load_idx %arg7[%broadcast_in_dim3A_1050, %get3A_925] : memref<32x1000xf32, #tpu.memory_space<vmem>>[vector<16xi32>, vector<16xi32>], vector<16xf32>,
      %mul3A_1052 = arith.constant 16 : i32
      %mul3A_1053 = arith.muli %scan3A_913, %mul3A_1052 : i32
      %swap3A_1054 = arith.constant 43 : i32
      %swap3A_1055 = arith.index_cast %swap3A_1054 : i32 to index
      %swap3A_1056 = arith.index_cast %mul3A_1053 : i32 to index
      %swap3A_1057 = tpu.vector_load %arg8[%swap3A_1055, %swap3A_1056] {strides = array<i32>} : memref<64x1024xf32, #tpu.memory_space<vmem>>, vector<16xf32>,
      tpu.vector_store %arg8[%swap3A_1055, %swap3A_1056], %gather3A_979 {strides = array<i32>} : memref<64x1024xf32, #tpu.memory_space<vmem>>, vector<16xf32>,
      %broadcast_in_dim3A_1058 = arith.constant 20 : i32
      %broadcast_in_dim3A_1059 = vector.broadcast %broadcast_in_dim3A_1058 : i32 to vector<16xi32>
      %gather3A_1060 = tpu.vector_load_idx %arg7[%broadcast_in_dim3A_1059, %get3A_925] : memref<32x1000xf32, #tpu.memory_space<vmem>>[vector<16xi32>, vector<16xi32>], vector<16xf32>,
      %mul3A_1061 = arith.constant 16 : i32
      %mul3A_1062 = arith.muli %scan3A_913, %mul3A_1061 : i32
      %swap3A_1063 = arith.constant 44 : i32
      %swap3A_1064 = arith.index_cast %swap3A_1063 : i32 to index
      %swap3A_1065 = arith.index_cast %mul3A_1062 : i32 to index
      %swap3A_1066 = tpu.vector_load %arg8[%swap3A_1064, %swap3A_1065] {strides = array<i32>} : memref<64x1024xf32, #tpu.memory_space<vmem>>, vector<16xf32>,
      tpu.vector_store %arg8[%swap3A_1064, %swap3A_1065], %gather3A_988 {strides = array<i32>} : memref<64x1024xf32, #tpu.memory_space<vmem>>, vector<16xf32>,
      %broadcast_in_dim3A_1067 = arith.constant 21 : i32
      %broadcast_in_dim3A_1068 = vector.broadcast %broadcast_in_dim3A_1067 : i32 to vector<16xi32>
      %gather3A_1069 = tpu.vector_load_idx %arg7[%broadcast_in_dim3A_1068, %get3A_925] : memref<32x1000xf32, #tpu.memory_space<vmem>>[vector<16xi32>, vector<16xi32>], vector<16xf32>,
      %mul3A_1070 = arith.constant 16 : i32
      %mul3A_1071 = arith.muli %scan3A_913, %mul3A_1070 : i32
      %swap3A_1072 = arith.constant 45 : i32
      %swap3A_1073 = arith.index_cast %swap3A_1072 : i32 to index
      %swap3A_1074 = arith.index_cast %mul3A_1071 : i32 to index
      %swap3A_1075 = tpu.vector_load %arg8[%swap3A_1073, %swap3A_1074] {strides = array<i32>} : memref<64x1024xf32, #tpu.memory_space<vmem>>, vector<16xf32>,
      tpu.vector_store %arg8[%swap3A_1073, %swap3A_1074], %gather3A_997 {strides = array<i32>} : memref<64x1024xf32, #tpu.memory_space<vmem>>, vector<16xf32>,
      %broadcast_in_dim3A_1076 = arith.constant 22 : i32
      %broadcast_in_dim3A_1077 = vector.broadcast %broadcast_in_dim3A_1076 : i32 to vector<16xi32>
      %gather3A_1078 = tpu.vector_load_idx %arg7[%broadcast_in_dim3A_1077, %get3A_925] : memref<32x1000xf32, #tpu.memory_space<vmem>>[vector<16xi32>, vector<16xi32>], vector<16xf32>,
      %mul3A_1079 = arith.constant 16 : i32
      %mul3A_1080 = arith.muli %scan3A_913, %mul3A_1079 : i32
      %swap3A_1081 = arith.constant 46 : i32
      %swap3A_1082 = arith.index_cast %swap3A_1081 : i32 to index
      %swap3A_1083 = arith.index_cast %mul3A_1080 : i32 to index
      %swap3A_1084 = tpu.vector_load %arg8[%swap3A_1082, %swap3A_1083] {strides = array<i32>} : memref<64x1024xf32, #tpu.memory_space<vmem>>, vector<16xf32>,
      tpu.vector_store %arg8[%swap3A_1082, %swap3A_1083], %gather3A_1006 {strides = array<i32>} : memref<64x1024xf32, #tpu.memory_space<vmem>>, vector<16xf32>,
      %broadcast_in_dim3A_1085 = arith.constant 23 : i32
      %broadcast_in_dim3A_1086 = vector.broadcast %broadcast_in_dim3A_1085 : i32 to vector<16xi32>
      %gather3A_1087 = tpu.vector_load_idx %arg7[%broadcast_in_dim3A_1086, %get3A_925] : memref<32x1000xf32, #tpu.memory_space<vmem>>[vector<16xi32>, vector<16xi32>], vector<16xf32>,
      %mul3A_1088 = arith.constant 16 : i32
      %mul3A_1089 = arith.muli %scan3A_913, %mul3A_1088 : i32
      %swap3A_1090 = arith.constant 47 : i32
      %swap3A_1091 = arith.index_cast %swap3A_1090 : i32 to index
      %swap3A_1092 = arith.index_cast %mul3A_1089 : i32 to index
      %swap3A_1093 = tpu.vector_load %arg8[%swap3A_1091, %swap3A_1092] {strides = array<i32>} : memref<64x1024xf32, #tpu.memory_space<vmem>>, vector<16xf32>,
      tpu.vector_store %arg8[%swap3A_1091, %swap3A_1092], %gather3A_1015 {strides = array<i32>} : memref<64x1024xf32, #tpu.memory_space<vmem>>, vector<16xf32>,
      %broadcast_in_dim3A_1094 = arith.constant 24 : i32
      %broadcast_in_dim3A_1095 = vector.broadcast %broadcast_in_dim3A_1094 : i32 to vector<16xi32>
      %gather3A_1096 = tpu.vector_load_idx %arg7[%broadcast_in_dim3A_1095, %get3A_925] : memref<32x1000xf32, #tpu.memory_space<vmem>>[vector<16xi32>, vector<16xi32>], vector<16xf32>,
      %mul3A_1097 = arith.constant 16 : i32
      %mul3A_1098 = arith.muli %scan3A_913, %mul3A_1097 : i32
      %swap3A_1099 = arith.constant 48 : i32
      %swap3A_1100 = arith.index_cast %swap3A_1099 : i32 to index
      %swap3A_1101 = arith.index_cast %mul3A_1098 : i32 to index
      %swap3A_1102 = tpu.vector_load %arg8[%swap3A_1100, %swap3A_1101] {strides = array<i32>} : memref<64x1024xf32, #tpu.memory_space<vmem>>, vector<16xf32>,
      tpu.vector_store %arg8[%swap3A_1100, %swap3A_1101], %gather3A_1024 {strides = array<i32>} : memref<64x1024xf32, #tpu.memory_space<vmem>>, vector<16xf32>,
      %broadcast_in_dim3A_1103 = arith.constant 25 : i32
      %broadcast_in_dim3A_1104 = vector.broadcast %broadcast_in_dim3A_1103 : i32 to vector<16xi32>
      %gather3A_1105 = tpu.vector_load_idx %arg7[%broadcast_in_dim3A_1104, %get3A_925] : memref<32x1000xf32, #tpu.memory_space<vmem>>[vector<16xi32>, vector<16xi32>], vector<16xf32>,
      %mul3A_1106 = arith.constant 16 : i32
      %mul3A_1107 = arith.muli %scan3A_913, %mul3A_1106 : i32
      %swap3A_1108 = arith.constant 49 : i32
      %swap3A_1109 = arith.index_cast %swap3A_1108 : i32 to index
      %swap3A_1110 = arith.index_cast %mul3A_1107 : i32 to index
      %swap3A_1111 = tpu.vector_load %arg8[%swap3A_1109, %swap3A_1110] {strides = array<i32>} : memref<64x1024xf32, #tpu.memory_space<vmem>>, vector<16xf32>,
      tpu.vector_store %arg8[%swap3A_1109, %swap3A_1110], %gather3A_1033 {strides = array<i32>} : memref<64x1024xf32, #tpu.memory_space<vmem>>, vector<16xf32>,
      %broadcast_in_dim3A_1112 = arith.constant 26 : i32
      %broadcast_in_dim3A_1113 = vector.broadcast %broadcast_in_dim3A_1112 : i32 to vector<16xi32>
      %gather3A_1114 = tpu.vector_load_idx %arg7[%broadcast_in_dim3A_1113, %get3A_925] : memref<32x1000xf32, #tpu.memory_space<vmem>>[vector<16xi32>, vector<16xi32>], vector<16xf32>,
      %mul3A_1115 = arith.constant 16 : i32
      %mul3A_1116 = arith.muli %scan3A_913, %mul3A_1115 : i32
      %swap3A_1117 = arith.constant 50 : i32
      %swap3A_1118 = arith.index_cast %swap3A_1117 : i32 to index
      %swap3A_1119 = arith.index_cast %mul3A_1116 : i32 to index
      %swap3A_1120 = tpu.vector_load %arg8[%swap3A_1118, %swap3A_1119] {strides = array<i32>} : memref<64x1024xf32, #tpu.memory_space<vmem>>, vector<16xf32>,
      tpu.vector_store %arg8[%swap3A_1118, %swap3A_1119], %gather3A_1042 {strides = array<i32>} : memref<64x1024xf32, #tpu.memory_space<vmem>>, vector<16xf32>,
      %broadcast_in_dim3A_1121 = arith.constant 27 : i32
      %broadcast_in_dim3A_1122 = vector.broadcast %broadcast_in_dim3A_1121 : i32 to vector<16xi32>
      %gather3A_1123 = tpu.vector_load_idx %arg7[%broadcast_in_dim3A_1122, %get3A_925] : memref<32x1000xf32, #tpu.memory_space<vmem>>[vector<16xi32>, vector<16xi32>], vector<16xf32>,
      %mul3A_1124 = arith.constant 16 : i32
      %mul3A_1125 = arith.muli %scan3A_913, %mul3A_1124 : i32
      %swap3A_1126 = arith.constant 51 : i32
      %swap3A_1127 = arith.index_cast %swap3A_1126 : i32 to index
      %swap3A_1128 = arith.index_cast %mul3A_1125 : i32 to index
      %swap3A_1129 = tpu.vector_load %arg8[%swap3A_1127, %swap3A_1128] {strides = array<i32>} : memref<64x1024xf32, #tpu.memory_space<vmem>>, vector<16xf32>,
      tpu.vector_store %arg8[%swap3A_1127, %swap3A_1128], %gather3A_1051 {strides = array<i32>} : memref<64x1024xf32, #tpu.memory_space<vmem>>, vector<16xf32>,
      %broadcast_in_dim3A_1130 = arith.constant 28 : i32
      %broadcast_in_dim3A_1131 = vector.broadcast %broadcast_in_dim3A_1130 : i32 to vector<16xi32>
      %gather3A_1132 = tpu.vector_load_idx %arg7[%broadcast_in_dim3A_1131, %get3A_925] : memref<32x1000xf32, #tpu.memory_space<vmem>>[vector<16xi32>, vector<16xi32>], vector<16xf32>,
      %mul3A_1133 = arith.constant 16 : i32
      %mul3A_1134 = arith.muli %scan3A_913, %mul3A_1133 : i32
      %swap3A_1135 = arith.constant 52 : i32
      %swap3A_1136 = arith.index_cast %swap3A_1135 : i32 to index
      %swap3A_1137 = arith.index_cast %mul3A_1134 : i32 to index
      %swap3A_1138 = tpu.vector_load %arg8[%swap3A_1136, %swap3A_1137] {strides = array<i32>} : memref<64x1024xf32, #tpu.memory_space<vmem>>, vector<16xf32>,
      tpu.vector_store %arg8[%swap3A_1136, %swap3A_1137], %gather3A_1060 {strides = array<i32>} : memref<64x1024xf32, #tpu.memory_space<vmem>>, vector<16xf32>,
      %broadcast_in_dim3A_1139 = arith.constant 29 : i32
      %broadcast_in_dim3A_1140 = vector.broadcast %broadcast_in_dim3A_1139 : i32 to vector<16xi32>
      %gather3A_1141 = tpu.vector_load_idx %arg7[%broadcast_in_dim3A_1140, %get3A_925] : memref<32x1000xf32, #tpu.memory_space<vmem>>[vector<16xi32>, vector<16xi32>], vector<16xf32>,
      %mul3A_1142 = arith.constant 16 : i32
      %mul3A_1143 = arith.muli %scan3A_913, %mul3A_1142 : i32
      %swap3A_1144 = arith.constant 53 : i32
      %swap3A_1145 = arith.index_cast %swap3A_1144 : i32 to index
      %swap3A_1146 = arith.index_cast %mul3A_1143 : i32 to index
      %swap3A_1147 = tpu.vector_load %arg8[%swap3A_1145, %swap3A_1146] {strides = array<i32>} : memref<64x1024xf32, #tpu.memory_space<vmem>>, vector<16xf32>,
      tpu.vector_store %arg8[%swap3A_1145, %swap3A_1146], %gather3A_1069 {strides = array<i32>} : memref<64x1024xf32, #tpu.memory_space<vmem>>, vector<16xf32>,
      %broadcast_in_dim3A_1148 = arith.constant 30 : i32
      %broadcast_in_dim3A_1149 = vector.broadcast %broadcast_in_dim3A_1148 : i32 to vector<16xi32>
      %gather3A_1150 = tpu.vector_load_idx %arg7[%broadcast_in_dim3A_1149, %get3A_925] : memref<32x1000xf32, #tpu.memory_space<vmem>>[vector<16xi32>, vector<16xi32>], vector<16xf32>,
      %mul3A_1151 = arith.constant 16 : i32
      %mul3A_1152 = arith.muli %scan3A_913, %mul3A_1151 : i32
      %swap3A_1153 = arith.constant 54 : i32
      %swap3A_1154 = arith.index_cast %swap3A_1153 : i32 to index
      %swap3A_1155 = arith.index_cast %mul3A_1152 : i32 to index
      %swap3A_1156 = tpu.vector_load %arg8[%swap3A_1154, %swap3A_1155] {strides = array<i32>} : memref<64x1024xf32, #tpu.memory_space<vmem>>, vector<16xf32>,
      tpu.vector_store %arg8[%swap3A_1154, %swap3A_1155], %gather3A_1078 {strides = array<i32>} : memref<64x1024xf32, #tpu.memory_space<vmem>>, vector<16xf32>,
      %broadcast_in_dim3A_1157 = arith.constant 31 : i32
      %broadcast_in_dim3A_1158 = vector.broadcast %broadcast_in_dim3A_1157 : i32 to vector<16xi32>
      %gather3A_1159 = tpu.vector_load_idx %arg7[%broadcast_in_dim3A_1158, %get3A_925] : memref<32x1000xf32, #tpu.memory_space<vmem>>[vector<16xi32>, vector<16xi32>], vector<16xf32>,
      %mul3A_1160 = arith.constant 16 : i32
      %mul3A_1161 = arith.muli %scan3A_913, %mul3A_1160 : i32
      %swap3A_1162 = arith.constant 55 : i32
      %swap3A_1163 = arith.index_cast %swap3A_1162 : i32 to index
      %swap3A_1164 = arith.index_cast %mul3A_1161 : i32 to index
      %swap3A_1165 = tpu.vector_load %arg8[%swap3A_1163, %swap3A_1164] {strides = array<i32>} : memref<64x1024xf32, #tpu.memory_space<vmem>>, vector<16xf32>,
      tpu.vector_store %arg8[%swap3A_1163, %swap3A_1164], %gather3A_1087 {strides = array<i32>} : memref<64x1024xf32, #tpu.memory_space<vmem>>, vector<16xf32>,
      %mul3A_1166 = arith.constant 16 : i32
      %mul3A_1167 = arith.muli %scan3A_913, %mul3A_1166 : i32
      %swap3A_1168 = arith.constant 56 : i32
      %swap3A_1169 = arith.index_cast %swap3A_1168 : i32 to index
      %swap3A_1170 = arith.index_cast %mul3A_1167 : i32 to index
      %swap3A_1171 = tpu.vector_load %arg8[%swap3A_1169, %swap3A_1170] {strides = array<i32>} : memref<64x1024xf32, #tpu.memory_space<vmem>>, vector<16xf32>,
      tpu.vector_store %arg8[%swap3A_1169, %swap3A_1170], %gather3A_1096 {strides = array<i32>} : memref<64x1024xf32, #tpu.memory_space<vmem>>, vector<16xf32>,
      %mul3A_1172 = arith.constant 16 : i32
      %mul3A_1173 = arith.muli %scan3A_913, %mul3A_1172 : i32
      %swap3A_1174 = arith.constant 57 : i32
      %swap3A_1175 = arith.index_cast %swap3A_1174 : i32 to index
      %swap3A_1176 = arith.index_cast %mul3A_1173 : i32 to index
      %swap3A_1177 = tpu.vector_load %arg8[%swap3A_1175, %swap3A_1176] {strides = array<i32>} : memref<64x1024xf32, #tpu.memory_space<vmem>>, vector<16xf32>,
      tpu.vector_store %arg8[%swap3A_1175, %swap3A_1176], %gather3A_1105 {strides = array<i32>} : memref<64x1024xf32, #tpu.memory_space<vmem>>, vector<16xf32>,
      %mul3A_1178 = arith.constant 16 : i32
      %mul3A_1179 = arith.muli %scan3A_913, %mul3A_1178 : i32
      %swap3A_1180 = arith.constant 58 : i32
      %swap3A_1181 = arith.index_cast %swap3A_1180 : i32 to index
      %swap3A_1182 = arith.index_cast %mul3A_1179 : i32 to index
      %swap3A_1183 = tpu.vector_load %arg8[%swap3A_1181, %swap3A_1182] {strides = array<i32>} : memref<64x1024xf32, #tpu.memory_space<vmem>>, vector<16xf32>,
      tpu.vector_store %arg8[%swap3A_1181, %swap3A_1182], %gather3A_1114 {strides = array<i32>} : memref<64x1024xf32, #tpu.memory_space<vmem>>, vector<16xf32>,
      %mul3A_1184 = arith.constant 16 : i32
      %mul3A_1185 = arith.muli %scan3A_913, %mul3A_1184 : i32
      %swap3A_1186 = arith.constant 59 : i32
      %swap3A_1187 = arith.index_cast %swap3A_1186 : i32 to index
      %swap3A_1188 = arith.index_cast %mul3A_1185 : i32 to index
      %swap3A_1189 = tpu.vector_load %arg8[%swap3A_1187, %swap3A_1188] {strides = array<i32>} : memref<64x1024xf32, #tpu.memory_space<vmem>>, vector<16xf32>,
      tpu.vector_store %arg8[%swap3A_1187, %swap3A_1188], %gather3A_1123 {strides = array<i32>} : memref<64x1024xf32, #tpu.memory_space<vmem>>, vector<16xf32>,
      %mul3A_1190 = arith.constant 16 : i32
      %mul3A_1191 = arith.muli %scan3A_913, %mul3A_1190 : i32
      %swap3A_1192 = arith.constant 60 : i32
      %swap3A_1193 = arith.index_cast %swap3A_1192 : i32 to index
      %swap3A_1194 = arith.index_cast %mul3A_1191 : i32 to index
      %swap3A_1195 = tpu.vector_load %arg8[%swap3A_1193, %swap3A_1194] {strides = array<i32>} : memref<64x1024xf32, #tpu.memory_space<vmem>>, vector<16xf32>,
      tpu.vector_store %arg8[%swap3A_1193, %swap3A_1194], %gather3A_1132 {strides = array<i32>} : memref<64x1024xf32, #tpu.memory_space<vmem>>, vector<16xf32>,
      %mul3A_1196 = arith.constant 16 : i32
      %mul3A_1197 = arith.muli %scan3A_913, %mul3A_1196 : i32
      %swap3A_1198 = arith.constant 61 : i32
      %swap3A_1199 = arith.index_cast %swap3A_1198 : i32 to index
      %swap3A_1200 = arith.index_cast %mul3A_1197 : i32 to index
      %swap3A_1201 = tpu.vector_load %arg8[%swap3A_1199, %swap3A_1200] {strides = array<i32>} : memref<64x1024xf32, #tpu.memory_space<vmem>>, vector<16xf32>,
      tpu.vector_store %arg8[%swap3A_1199, %swap3A_1200], %gather3A_1141 {strides = array<i32>} : memref<64x1024xf32, #tpu.memory_space<vmem>>, vector<16xf32>,
      %mul3A_1202 = arith.constant 16 : i32
      %mul3A_1203 = arith.muli %scan3A_913, %mul3A_1202 : i32
      %swap3A_1204 = arith.constant 62 : i32
      %swap3A_1205 = arith.index_cast %swap3A_1204 : i32 to index
      %swap3A_1206 = arith.index_cast %mul3A_1203 : i32 to index
      %swap3A_1207 = tpu.vector_load %arg8[%swap3A_1205, %swap3A_1206] {strides = array<i32>} : memref<64x1024xf32, #tpu.memory_space<vmem>>, vector<16xf32>,
      tpu.vector_store %arg8[%swap3A_1205, %swap3A_1206], %gather3A_1150 {strides = array<i32>} : memref<64x1024xf32, #tpu.memory_space<vmem>>, vector<16xf32>,
      %mul3A_1208 = arith.constant 16 : i32
      %mul3A_1209 = arith.muli %scan3A_913, %mul3A_1208 : i32
      %swap3A_1210 = arith.constant 63 : i32
      %swap3A_1211 = arith.index_cast %swap3A_1210 : i32 to index
      %swap3A_1212 = arith.index_cast %mul3A_1209 : i32 to index
      %swap3A_1213 = tpu.vector_load %arg8[%swap3A_1211, %swap3A_1212] {strides = array<i32>} : memref<64x1024xf32, #tpu.memory_space<vmem>>, vector<16xf32>,
      tpu.vector_store %arg8[%swap3A_1211, %swap3A_1212], %gather3A_1159 {strides = array<i32>} : memref<64x1024xf32, #tpu.memory_space<vmem>>, vector<16xf32>,
      %scan3A_1214 = arith.constant 0 : i32
      scf.yield %scan3A_1214 : i32
    }
    %scan3A_278 = arith.constant 64 : i32
    %add3A_279 = arith.constant 32 : i32
    %add3A_280 = arith.addi %add3A, %add3A_279 : i32
    %jit3A_281 = arith.constant 4 : i32
    %div3A_282 = arith.divsi %add3A_280, %jit3A_281 : i32
    %sign3A_283 = arith.constant 0 : i32
    %sign3A_284 = arith.cmpi sgt, %add3A_280, %sign3A_283 : i32
    %sign3A_285 = arith.extui %sign3A_284 : i1 to i32
    %sign3A_286 = arith.constant 0 : i32
    %sign3A_287 = arith.cmpi slt, %add3A_280, %sign3A_286 : i32
    %sign3A_288 = arith.extui %sign3A_287 : i1 to i32
    %sign3A_289 = arith.subi %sign3A_285, %sign3A_288 : i32
    %sign3A_290 = arith.constant 0 : i32
    %sign3A_291 = arith.cmpi sgt, %jit3A_281, %sign3A_290 : i32
    %sign3A_292 = arith.extui %sign3A_291 : i1 to i32
    %sign3A_293 = arith.constant 0 : i32
    %sign3A_294 = arith.cmpi slt, %jit3A_281, %sign3A_293 : i32
    %sign3A_295 = arith.extui %sign3A_294 : i1 to i32
    %sign3A_296 = arith.subi %sign3A_292, %sign3A_295 : i32
    %ne3A_297 = arith.cmpi ne, %sign3A_289, %sign3A_296 : i32
    %rem3A_298 = arith.remsi %add3A_280, %jit3A_281 : i32
    %ne3A_299 = arith.constant 0 : i32
    %ne3A_300 = arith.cmpi ne, %rem3A_298, %ne3A_299 : i32
    %and3A_301 = arith.andi %ne3A_297, %ne3A_300 : i1
    %sub3A_302 = arith.constant 1 : i32
    %sub3A_303 = arith.subi %div3A_282, %sub3A_302 : i32
    %select_n3A_304 = arith.select %and3A_301, %sub3A_303, %div3A_282 : i32
    %jit3A_305 = arith.constant 4 : i32
    %eq3A_306 = arith.constant 0 : i32
    %eq3A_307 = arith.cmpi eq, %jit3A_305, %eq3A_306 : i32
    %jit3A_308 = arith.constant 1 : i32
    %select_n3A_309 = arith.select %eq3A_307, %jit3A_308, %jit3A_305 : i32
    %rem3A_310 = arith.remsi %add3A_280, %select_n3A_309 : i32
    %ne3A_311 = arith.constant 0 : i32
    %ne3A_312 = arith.cmpi ne, %rem3A_310, %ne3A_311 : i32
    %lt3A_313 = arith.constant 0 : i32
    %lt3A_314 = arith.cmpi slt, %rem3A_310, %lt3A_313 : i32
    %lt3A_315 = arith.constant 0 : i32
    %lt3A_316 = arith.cmpi slt, %select_n3A_309, %lt3A_315 : i32
    %ne3A_317 = arith.xori %lt3A_314, %lt3A_316 : i1
    %and3A_318 = arith.andi %ne3A_317, %ne3A_312 : i1
    %add3A_319 = arith.addi %rem3A_310, %select_n3A_309 : i32
    %select_n3A_320 = arith.select %and3A_318, %add3A_319, %rem3A_310 : i32
    %mul3A_321 = arith.constant 16 : i32
    %mul3A_322 = arith.muli %select_n3A_320, %mul3A_321 : i32
    %add3A_323 = arith.constant 0 : i32
    %add3A_324 = arith.addi %add3A_323, %select_n3A_304 : i32
    %dma_start3A_325 = arith.constant 32 : i32
    %dma_start3A_326 = arith.constant 0 : i32
    %dma_start3A_327 = tpu.memref_slice %arg8[%dma_start3A_325, %dma_start3A_326] : memref<64x1024xf32, #tpu.memory_space<vmem>> -> memref<16x1024xf32, #tpu.memory_space<vmem>>
    %dma_start3A_328 = arith.constant 0 : i32
    %dma_start3A_329 = tpu.memref_slice %arg4[%add3A_324, %mul3A_322, %dma_start3A_328] : memref<400x64x1024xf32, #tpu.memory_space<hbm>> -> memref<1x16x1024xf32, #tpu.memory_space<hbm>>
    %dma_start3A_330 = tpu.memref_squeeze %dma_start3A_329 : memref<1x16x1024xf32, #tpu.memory_space<hbm>> -> memref<16x1024xf32, #tpu.memory_space<hbm>>
    %dma_start3A_331 = arith.constant 0 : i32
    %dma_start3A_332 = tpu.memref_slice %arg4[%add3A_324, %mul3A_322, %dma_start3A_331] : memref<400x64x1024xf32, #tpu.memory_space<hbm>> -> memref<1x16x1024xf32, #tpu.memory_space<hbm>>
    %dma_start3A_333 = tpu.memref_squeeze %dma_start3A_332 : memref<1x16x1024xf32, #tpu.memory_space<hbm>> -> memref<16x1024xf32, #tpu.memory_space<hbm>>
    %dma_start3A_334 = arith.constant 32 : i32
    %dma_start3A_335 = arith.constant 0 : i32
    %dma_start3A_336 = tpu.memref_slice %arg8[%dma_start3A_334, %dma_start3A_335] : memref<64x1024xf32, #tpu.memory_space<vmem>> -> memref<16x1024xf32, #tpu.memory_space<vmem>>
    tpu.enqueue_dma source(%dma_start3A_336 : memref<16x1024xf32, #tpu.memory_space<vmem>>) target(%dma_start3A_333 : memref<16x1024xf32, #tpu.memory_space<hbm>>) target_semaphore(%arg12 : memref<!tpu.dma_semaphore, #tpu.memory_space<semaphore_mem>>)
    %add3A_337 = arith.constant 200 : i32
    %add3A_338 = arith.addi %add3A_337, %select_n3A_304 : i32
    %dma_start3A_339 = arith.constant 48 : i32
    %dma_start3A_340 = arith.constant 0 : i32
    %dma_start3A_341 = tpu.memref_slice %arg8[%dma_start3A_339, %dma_start3A_340] : memref<64x1024xf32, #tpu.memory_space<vmem>> -> memref<16x1024xf32, #tpu.memory_space<vmem>>
    %dma_start3A_342 = arith.constant 0 : i32
    %dma_start3A_343 = tpu.memref_slice %arg4[%add3A_338, %mul3A_322, %dma_start3A_342] : memref<400x64x1024xf32, #tpu.memory_space<hbm>> -> memref<1x16x1024xf32, #tpu.memory_space<hbm>>
    %dma_start3A_344 = tpu.memref_squeeze %dma_start3A_343 : memref<1x16x1024xf32, #tpu.memory_space<hbm>> -> memref<16x1024xf32, #tpu.memory_space<hbm>>
    %dma_start3A_345 = arith.constant 0 : i32
    %dma_start3A_346 = tpu.memref_slice %arg4[%add3A_338, %mul3A_322, %dma_start3A_345] : memref<400x64x1024xf32, #tpu.memory_space<hbm>> -> memref<1x16x1024xf32, #tpu.memory_space<hbm>>
    %dma_start3A_347 = tpu.memref_squeeze %dma_start3A_346 : memref<1x16x1024xf32, #tpu.memory_space<hbm>> -> memref<16x1024xf32, #tpu.memory_space<hbm>>
    %dma_start3A_348 = arith.constant 48 : i32
    %dma_start3A_349 = arith.constant 0 : i32
    %dma_start3A_350 = tpu.memref_slice %arg8[%dma_start3A_348, %dma_start3A_349] : memref<64x1024xf32, #tpu.memory_space<vmem>> -> memref<16x1024xf32, #tpu.memory_space<vmem>>
    tpu.enqueue_dma source(%dma_start3A_350 : memref<16x1024xf32, #tpu.memory_space<vmem>>) target(%dma_start3A_347 : memref<16x1024xf32, #tpu.memory_space<hbm>>) target_semaphore(%arg12 : memref<!tpu.dma_semaphore, #tpu.memory_space<semaphore_mem>>)
    %add3A_351 = arith.constant 96 : i32
    %add3A_352 = arith.addi %add3A, %add3A_351 : i32
    %jit3A_353 = arith.constant 4 : i32
    %div3A_354 = arith.divsi %add3A_352, %jit3A_353 : i32
    %sign3A_355 = arith.constant 0 : i32
    %sign3A_356 = arith.cmpi sgt, %add3A_352, %sign3A_355 : i32
    %sign3A_357 = arith.extui %sign3A_356 : i1 to i32
    %sign3A_358 = arith.constant 0 : i32
    %sign3A_359 = arith.cmpi slt, %add3A_352, %sign3A_358 : i32
    %sign3A_360 = arith.extui %sign3A_359 : i1 to i32
    %sign3A_361 = arith.subi %sign3A_357, %sign3A_360 : i32
    %sign3A_362 = arith.constant 0 : i32
    %sign3A_363 = arith.cmpi sgt, %jit3A_353, %sign3A_362 : i32
    %sign3A_364 = arith.extui %sign3A_363 : i1 to i32
    %sign3A_365 = arith.constant 0 : i32
    %sign3A_366 = arith.cmpi slt, %jit3A_353, %sign3A_365 : i32
    %sign3A_367 = arith.extui %sign3A_366 : i1 to i32
    %sign3A_368 = arith.subi %sign3A_364, %sign3A_367 : i32
    %ne3A_369 = arith.cmpi ne, %sign3A_361, %sign3A_368 : i32
    %rem3A_370 = arith.remsi %add3A_352, %jit3A_353 : i32
    %ne3A_371 = arith.constant 0 : i32
    %ne3A_372 = arith.cmpi ne, %rem3A_370, %ne3A_371 : i32
    %and3A_373 = arith.andi %ne3A_369, %ne3A_372 : i1
    %sub3A_374 = arith.constant 1 : i32
    %sub3A_375 = arith.subi %div3A_354, %sub3A_374 : i32
    %select_n3A_376 = arith.select %and3A_373, %sub3A_375, %div3A_354 : i32
    %jit3A_377 = arith.constant 4 : i32
    %eq3A_378 = arith.constant 0 : i32
    %eq3A_379 = arith.cmpi eq, %jit3A_377, %eq3A_378 : i32
    %jit3A_380 = arith.constant 1 : i32
    %select_n3A_381 = arith.select %eq3A_379, %jit3A_380, %jit3A_377 : i32
    %rem3A_382 = arith.remsi %add3A_352, %select_n3A_381 : i32
    %ne3A_383 = arith.constant 0 : i32
    %ne3A_384 = arith.cmpi ne, %rem3A_382, %ne3A_383 : i32
    %lt3A_385 = arith.constant 0 : i32
    %lt3A_386 = arith.cmpi slt, %rem3A_382, %lt3A_385 : i32
    %lt3A_387 = arith.constant 0 : i32
    %lt3A_388 = arith.cmpi slt, %select_n3A_381, %lt3A_387 : i32
    %ne3A_389 = arith.xori %lt3A_386, %lt3A_388 : i1
    %and3A_390 = arith.andi %ne3A_389, %ne3A_384 : i1
    %add3A_391 = arith.addi %rem3A_382, %select_n3A_381 : i32
    %select_n3A_392 = arith.select %and3A_390, %add3A_391, %rem3A_382 : i32
    %mul3A_393 = arith.constant 16 : i32
    %mul3A_394 = arith.muli %select_n3A_392, %mul3A_393 : i32
    %dma_start3A_395 = arith.constant 16 : i32
    %dma_start3A_396 = arith.constant 0 : i32
    %dma_start3A_397 = tpu.memref_slice %arg7[%dma_start3A_395, %dma_start3A_396] : memref<32x1000xf32, #tpu.memory_space<vmem>> -> memref<16x1000xf32, #tpu.memory_space<vmem>>
    %dma_start3A_398 = arith.constant 0 : i32
    %dma_start3A_399 = tpu.memref_slice %arg3[%select_n3A_376, %mul3A_394, %dma_start3A_398] : memref<200x64x1000xf32, #tpu.memory_space<hbm>> -> memref<1x16x1000xf32, #tpu.memory_space<hbm>>
    %dma_start3A_400 = tpu.memref_squeeze %dma_start3A_399 : memref<1x16x1000xf32, #tpu.memory_space<hbm>> -> memref<16x1000xf32, #tpu.memory_space<hbm>>
    %dma_start3A_401 = arith.constant 16 : i32
    %dma_start3A_402 = arith.constant 0 : i32
    %dma_start3A_403 = tpu.memref_slice %arg7[%dma_start3A_401, %dma_start3A_402] : memref<32x1000xf32, #tpu.memory_space<vmem>> -> memref<16x1000xf32, #tpu.memory_space<vmem>>
    %dma_start3A_404 = arith.constant 0 : i32
    %dma_start3A_405 = tpu.memref_slice %arg3[%select_n3A_376, %mul3A_394, %dma_start3A_404] : memref<200x64x1000xf32, #tpu.memory_space<hbm>> -> memref<1x16x1000xf32, #tpu.memory_space<hbm>>
    %dma_start3A_406 = tpu.memref_squeeze %dma_start3A_405 : memref<1x16x1000xf32, #tpu.memory_space<hbm>> -> memref<16x1000xf32, #tpu.memory_space<hbm>>
    tpu.enqueue_dma source(%dma_start3A_406 : memref<16x1000xf32, #tpu.memory_space<hbm>>) target(%dma_start3A_403 : memref<16x1000xf32, #tpu.memory_space<vmem>>) target_semaphore(%arg10 : memref<!tpu.dma_semaphore, #tpu.memory_space<semaphore_mem>>)
    %scan3A_407 = arith.constant 0 : i32
    %scan3A_408 = arith.constant 1 : i32
    %scan3A_409 = arith.constant 11 : i32
    %scan3A_410 = arith.addi %scan3A_408, %scan3A_409 : i32
    %scan3A_411 = arith.constant 1 : i32
    %scan3A_412 = scf.for %scan3A_613 = %scan3A_408 to %scan3A_410 step %scan3A_411 iter_args(%scan3A_614 = %scan3A_407) -> (i32)  : i32 {
      %mul3A_615 = arith.constant 2 : i32
      %mul3A_616 = arith.muli %mul3A_615, %scan3A_613 : i32
      %dma_wait3A_617 = arith.constant 0 : i32
      %dma_wait3A_618 = arith.constant 0 : i32
      %dma_wait3A_619 = arith.constant 0 : i32
      %dma_wait3A_620 = tpu.memref_slice %arg8[%dma_wait3A_618, %dma_wait3A_619] : memref<64x1024xf32, #tpu.memory_space<vmem>> -> memref<16x1024xf32, #tpu.memory_space<vmem>>
      %dma_wait3A_621 = arith.constant 0 : i32
      %dma_wait3A_622 = arith.constant 0 : i32
      %dma_wait3A_623 = tpu.memref_slice %arg4[%dma_wait3A_617, %dma_wait3A_621, %dma_wait3A_622] : memref<400x64x1024xf32, #tpu.memory_space<hbm>> -> memref<1x16x1024xf32, #tpu.memory_space<hbm>>
      %dma_wait3A_624 = tpu.memref_squeeze %dma_wait3A_623 : memref<1x16x1024xf32, #tpu.memory_space<hbm>> -> memref<16x1024xf32, #tpu.memory_space<hbm>>
      %dma_wait3A_625 = arith.constant 0 : i32
      %dma_wait3A_626 = arith.constant 0 : i32
      %dma_wait3A_627 = tpu.memref_slice %arg4[%dma_wait3A_617, %dma_wait3A_625, %dma_wait3A_626] : memref<400x64x1024xf32, #tpu.memory_space<hbm>> -> memref<1x16x1024xf32, #tpu.memory_space<hbm>>
      %dma_wait3A_628 = tpu.memref_squeeze %dma_wait3A_627 : memref<1x16x1024xf32, #tpu.memory_space<hbm>> -> memref<16x1024xf32, #tpu.memory_space<hbm>>
      %dma_wait3A_629 = arith.constant 0 : i32
      %dma_wait3A_630 = arith.constant 0 : i32
      %dma_wait3A_631 = tpu.memref_slice %arg8[%dma_wait3A_629, %dma_wait3A_630] : memref<64x1024xf32, #tpu.memory_space<vmem>> -> memref<16x1024xf32, #tpu.memory_space<vmem>>
      tpu.wait_dma2 semaphore(%arg11 : memref<!tpu.dma_semaphore, #tpu.memory_space<semaphore_mem>>) src(%dma_wait3A_631 : memref<16x1024xf32, #tpu.memory_space<vmem>>) dst(%dma_wait3A_628 : memref<16x1024xf32, #tpu.memory_space<hbm>>)
      %dma_wait3A_632 = arith.constant 0 : i32
      %dma_wait3A_633 = arith.constant 16 : i32
      %dma_wait3A_634 = arith.constant 0 : i32
      %dma_wait3A_635 = tpu.memref_slice %arg8[%dma_wait3A_633, %dma_wait3A_634] : memref<64x1024xf32, #tpu.memory_space<vmem>> -> memref<16x1024xf32, #tpu.memory_space<vmem>>
      %dma_wait3A_636 = arith.constant 0 : i32
      %dma_wait3A_637 = arith.constant 0 : i32
      %dma_wait3A_638 = tpu.memref_slice %arg4[%dma_wait3A_632, %dma_wait3A_636, %dma_wait3A_637] : memref<400x64x1024xf32, #tpu.memory_space<hbm>> -> memref<1x16x1024xf32, #tpu.memory_space<hbm>>
      %dma_wait3A_639 = tpu.memref_squeeze %dma_wait3A_638 : memref<1x16x1024xf32, #tpu.memory_space<hbm>> -> memref<16x1024xf32, #tpu.memory_space<hbm>>
      %dma_wait3A_640 = arith.constant 0 : i32
      %dma_wait3A_641 = arith.constant 0 : i32
      %dma_wait3A_642 = tpu.memref_slice %arg4[%dma_wait3A_632, %dma_wait3A_640, %dma_wait3A_641] : memref<400x64x1024xf32, #tpu.memory_space<hbm>> -> memref<1x16x1024xf32, #tpu.memory_space<hbm>>
      %dma_wait3A_643 = tpu.memref_squeeze %dma_wait3A_642 : memref<1x16x1024xf32, #tpu.memory_space<hbm>> -> memref<16x1024xf32, #tpu.memory_space<hbm>>
      %dma_wait3A_644 = arith.constant 16 : i32
      %dma_wait3A_645 = arith.constant 0 : i32
      %dma_wait3A_646 = tpu.memref_slice %arg8[%dma_wait3A_644, %dma_wait3A_645] : memref<64x1024xf32, #tpu.memory_space<vmem>> -> memref<16x1024xf32, #tpu.memory_space<vmem>>
      tpu.wait_dma2 semaphore(%arg11 : memref<!tpu.dma_semaphore, #tpu.memory_space<semaphore_mem>>) src(%dma_wait3A_646 : memref<16x1024xf32, #tpu.memory_space<vmem>>) dst(%dma_wait3A_643 : memref<16x1024xf32, #tpu.memory_space<hbm>>)
      %dma_wait3A_647 = arith.constant 0 : i32
      %dma_wait3A_648 = arith.constant 0 : i32
      %dma_wait3A_649 = arith.constant 0 : i32
      %dma_wait3A_650 = tpu.memref_slice %arg7[%dma_wait3A_648, %dma_wait3A_649] : memref<32x1000xf32, #tpu.memory_space<vmem>> -> memref<16x1000xf32, #tpu.memory_space<vmem>>
      %dma_wait3A_651 = arith.constant 0 : i32
      %dma_wait3A_652 = arith.constant 0 : i32
      %dma_wait3A_653 = tpu.memref_slice %arg3[%dma_wait3A_647, %dma_wait3A_651, %dma_wait3A_652] : memref<200x64x1000xf32, #tpu.memory_space<hbm>> -> memref<1x16x1000xf32, #tpu.memory_space<hbm>>
      %dma_wait3A_654 = tpu.memref_squeeze %dma_wait3A_653 : memref<1x16x1000xf32, #tpu.memory_space<hbm>> -> memref<16x1000xf32, #tpu.memory_space<hbm>>
      %dma_wait3A_655 = arith.constant 0 : i32
      %dma_wait3A_656 = arith.constant 0 : i32
      %dma_wait3A_657 = tpu.memref_slice %arg7[%dma_wait3A_655, %dma_wait3A_656] : memref<32x1000xf32, #tpu.memory_space<vmem>> -> memref<16x1000xf32, #tpu.memory_space<vmem>>
      %dma_wait3A_658 = arith.constant 0 : i32
      %dma_wait3A_659 = arith.constant 0 : i32
      %dma_wait3A_660 = tpu.memref_slice %arg3[%dma_wait3A_647, %dma_wait3A_658, %dma_wait3A_659] : memref<200x64x1000xf32, #tpu.memory_space<hbm>> -> memref<1x16x1000xf32, #tpu.memory_space<hbm>>
      %dma_wait3A_661 = tpu.memref_squeeze %dma_wait3A_660 : memref<1x16x1000xf32, #tpu.memory_space<hbm>> -> memref<16x1000xf32, #tpu.memory_space<hbm>>
      tpu.wait_dma2 semaphore(%arg9 : memref<!tpu.dma_semaphore, #tpu.memory_space<semaphore_mem>>) src(%dma_wait3A_661 : memref<16x1000xf32, #tpu.memory_space<hbm>>) dst(%dma_wait3A_657 : memref<16x1000xf32, #tpu.memory_space<vmem>>)
      %scan3A_662 = arith.constant 0 : i32
      %scan3A_663 = arith.constant 0 : i32
      %scan3A_664 = arith.constant 64 : i32
      %scan3A_665 = arith.addi %scan3A_663, %scan3A_664 : i32
      %scan3A_666 = arith.constant 2 : i32
      %scan3A_667 = scf.for %scan3A_989 = %scan3A_663 to %scan3A_665 step %scan3A_666 iter_args(%scan3A_990 = %scan3A_662) -> (i32)  : i32 {
        %mul3A_991 = arith.constant 16 : i32
        %mul3A_992 = arith.muli %scan3A_989, %mul3A_991 : i32
        %add3A_993 = arith.constant 0 : i32
        %add3A_994 = arith.addi %add3A_993, %mul3A_992 : i32
        %get3A = arith.index_cast %add3A_994 : i32 to index
        %get3A_995 = tpu.vector_load %arg6[%get3A] {strides = array<i32>} : memref<2048xi32, #tpu.memory_space<vmem>>, vector<16xi32>,
        %mul3A_996 = arith.constant 16 : i32
        %mul3A_997 = arith.muli %scan3A_989, %mul3A_996 : i32
        %add3A_998 = arith.constant 1024 : i32
        %add3A_999 = arith.addi %add3A_998, %mul3A_997 : i32
        %get3A_1000 = arith.index_cast %add3A_999 : i32 to index
        %get3A_1001 = tpu.vector_load %arg6[%get3A_1000] {strides = array<i32>} : memref<2048xi32, #tpu.memory_space<vmem>>, vector<16xi32>,
        %broadcast_in_dim3A = arith.constant 0 : i32
        %broadcast_in_dim3A_1002 = vector.broadcast %broadcast_in_dim3A : i32 to vector<16xi32>
        %gather3A = tpu.vector_load_idx %arg7[%broadcast_in_dim3A_1002, %get3A_995] : memref<32x1000xf32, #tpu.memory_space<vmem>>[vector<16xi32>, vector<16xi32>], vector<16xf32>,
        %broadcast_in_dim3A_1003 = arith.constant 1 : i32
        %broadcast_in_dim3A_1004 = vector.broadcast %broadcast_in_dim3A_1003 : i32 to vector<16xi32>
        %gather3A_1005 = tpu.vector_load_idx %arg7[%broadcast_in_dim3A_1004, %get3A_995] : memref<32x1000xf32, #tpu.memory_space<vmem>>[vector<16xi32>, vector<16xi32>], vector<16xf32>,
        %broadcast_in_dim3A_1006 = arith.constant 2 : i32
        %broadcast_in_dim3A_1007 = vector.broadcast %broadcast_in_dim3A_1006 : i32 to vector<16xi32>
        %gather3A_1008 = tpu.vector_load_idx %arg7[%broadcast_in_dim3A_1007, %get3A_995] : memref<32x1000xf32, #tpu.memory_space<vmem>>[vector<16xi32>, vector<16xi32>], vector<16xf32>,
        %broadcast_in_dim3A_1009 = arith.constant 3 : i32
        %broadcast_in_dim3A_1010 = vector.broadcast %broadcast_in_dim3A_1009 : i32 to vector<16xi32>
        %gather3A_1011 = tpu.vector_load_idx %arg7[%broadcast_in_dim3A_1010, %get3A_995] : memref<32x1000xf32, #tpu.memory_space<vmem>>[vector<16xi32>, vector<16xi32>], vector<16xf32>,
        %broadcast_in_dim3A_1012 = arith.constant 4 : i32
        %broadcast_in_dim3A_1013 = vector.broadcast %broadcast_in_dim3A_1012 : i32 to vector<16xi32>
        %gather3A_1014 = tpu.vector_load_idx %arg7[%broadcast_in_dim3A_1013, %get3A_995] : memref<32x1000xf32, #tpu.memory_space<vmem>>[vector<16xi32>, vector<16xi32>], vector<16xf32>,
        %broadcast_in_dim3A_1015 = arith.constant 5 : i32
        %broadcast_in_dim3A_1016 = vector.broadcast %broadcast_in_dim3A_1015 : i32 to vector<16xi32>
        %gather3A_1017 = tpu.vector_load_idx %arg7[%broadcast_in_dim3A_1016, %get3A_995] : memref<32x1000xf32, #tpu.memory_space<vmem>>[vector<16xi32>, vector<16xi32>], vector<16xf32>,
        %broadcast_in_dim3A_1018 = arith.constant 6 : i32
        %broadcast_in_dim3A_1019 = vector.broadcast %broadcast_in_dim3A_1018 : i32 to vector<16xi32>
        %gather3A_1020 = tpu.vector_load_idx %arg7[%broadcast_in_dim3A_1019, %get3A_995] : memref<32x1000xf32, #tpu.memory_space<vmem>>[vector<16xi32>, vector<16xi32>], vector<16xf32>,
        %broadcast_in_dim3A_1021 = arith.constant 7 : i32
        %broadcast_in_dim3A_1022 = vector.broadcast %broadcast_in_dim3A_1021 : i32 to vector<16xi32>
        %gather3A_1023 = tpu.vector_load_idx %arg7[%broadcast_in_dim3A_1022, %get3A_995] : memref<32x1000xf32, #tpu.memory_space<vmem>>[vector<16xi32>, vector<16xi32>], vector<16xf32>,
        %broadcast_in_dim3A_1024 = arith.constant 8 : i32
        %broadcast_in_dim3A_1025 = vector.broadcast %broadcast_in_dim3A_1024 : i32 to vector<16xi32>
        %gather3A_1026 = tpu.vector_load_idx %arg7[%broadcast_in_dim3A_1025, %get3A_995] : memref<32x1000xf32, #tpu.memory_space<vmem>>[vector<16xi32>, vector<16xi32>], vector<16xf32>,
        %mul3A_1027 = arith.constant 16 : i32
        %mul3A_1028 = arith.muli %scan3A_989, %mul3A_1027 : i32
        %swap3A = arith.constant 0 : i32
        %swap3A_1029 = arith.index_cast %swap3A : i32 to index
        %swap3A_1030 = arith.index_cast %mul3A_1028 : i32 to index
        %swap3A_1031 = tpu.vector_load %arg8[%swap3A_1029, %swap3A_1030] {strides = array<i32>} : memref<64x1024xf32, #tpu.memory_space<vmem>>, vector<16xf32>,
        tpu.vector_store %arg8[%swap3A_1029, %swap3A_1030], %gather3A {strides = array<i32>} : memref<64x1024xf32, #tpu.memory_space<vmem>>, vector<16xf32>,
        %broadcast_in_dim3A_1032 = arith.constant 9 : i32
        %broadcast_in_dim3A_1033 = vector.broadcast %broadcast_in_dim3A_1032 : i32 to vector<16xi32>
        %gather3A_1034 = tpu.vector_load_idx %arg7[%broadcast_in_dim3A_1033, %get3A_995] : memref<32x1000xf32, #tpu.memory_space<vmem>>[vector<16xi32>, vector<16xi32>], vector<16xf32>,
        %mul3A_1035 = arith.constant 16 : i32
        %mul3A_1036 = arith.muli %scan3A_989, %mul3A_1035 : i32
        %swap3A_1037 = arith.constant 1 : i32
        %swap3A_1038 = arith.index_cast %swap3A_1037 : i32 to index
        %swap3A_1039 = arith.index_cast %mul3A_1036 : i32 to index
        %swap3A_1040 = tpu.vector_load %arg8[%swap3A_1038, %swap3A_1039] {strides = array<i32>} : memref<64x1024xf32, #tpu.memory_space<vmem>>, vector<16xf32>,
        tpu.vector_store %arg8[%swap3A_1038, %swap3A_1039], %gather3A_1005 {strides = array<i32>} : memref<64x1024xf32, #tpu.memory_space<vmem>>, vector<16xf32>,
        %broadcast_in_dim3A_1041 = arith.constant 10 : i32
        %broadcast_in_dim3A_1042 = vector.broadcast %broadcast_in_dim3A_1041 : i32 to vector<16xi32>
        %gather3A_1043 = tpu.vector_load_idx %arg7[%broadcast_in_dim3A_1042, %get3A_995] : memref<32x1000xf32, #tpu.memory_space<vmem>>[vector<16xi32>, vector<16xi32>], vector<16xf32>,
        %mul3A_1044 = arith.constant 16 : i32
        %mul3A_1045 = arith.muli %scan3A_989, %mul3A_1044 : i32
        %swap3A_1046 = arith.constant 2 : i32
        %swap3A_1047 = arith.index_cast %swap3A_1046 : i32 to index
        %swap3A_1048 = arith.index_cast %mul3A_1045 : i32 to index
        %swap3A_1049 = tpu.vector_load %arg8[%swap3A_1047, %swap3A_1048] {strides = array<i32>} : memref<64x1024xf32, #tpu.memory_space<vmem>>, vector<16xf32>,
        tpu.vector_store %arg8[%swap3A_1047, %swap3A_1048], %gather3A_1008 {strides = array<i32>} : memref<64x1024xf32, #tpu.memory_space<vmem>>, vector<16xf32>,
        %broadcast_in_dim3A_1050 = arith.constant 11 : i32
        %broadcast_in_dim3A_1051 = vector.broadcast %broadcast_in_dim3A_1050 : i32 to vector<16xi32>
        %gather3A_1052 = tpu.vector_load_idx %arg7[%broadcast_in_dim3A_1051, %get3A_995] : memref<32x1000xf32, #tpu.memory_space<vmem>>[vector<16xi32>, vector<16xi32>], vector<16xf32>,
        %mul3A_1053 = arith.constant 16 : i32
        %mul3A_1054 = arith.muli %scan3A_989, %mul3A_1053 : i32
        %swap3A_1055 = arith.constant 3 : i32
        %swap3A_1056 = arith.index_cast %swap3A_1055 : i32 to index
        %swap3A_1057 = arith.index_cast %mul3A_1054 : i32 to index
        %swap3A_1058 = tpu.vector_load %arg8[%swap3A_1056, %swap3A_1057] {strides = array<i32>} : memref<64x1024xf32, #tpu.memory_space<vmem>>, vector<16xf32>,
        tpu.vector_store %arg8[%swap3A_1056, %swap3A_1057], %gather3A_1011 {strides = array<i32>} : memref<64x1024xf32, #tpu.memory_space<vmem>>, vector<16xf32>,
        %broadcast_in_dim3A_1059 = arith.constant 12 : i32
        %broadcast_in_dim3A_1060 = vector.broadcast %broadcast_in_dim3A_1059 : i32 to vector<16xi32>
        %gather3A_1061 = tpu.vector_load_idx %arg7[%broadcast_in_dim3A_1060, %get3A_995] : memref<32x1000xf32, #tpu.memory_space<vmem>>[vector<16xi32>, vector<16xi32>], vector<16xf32>,
        %mul3A_1062 = arith.constant 16 : i32
        %mul3A_1063 = arith.muli %scan3A_989, %mul3A_1062 : i32
        %swap3A_1064 = arith.constant 4 : i32
        %swap3A_1065 = arith.index_cast %swap3A_1064 : i32 to index
        %swap3A_1066 = arith.index_cast %mul3A_1063 : i32 to index
        %swap3A_1067 = tpu.vector_load %arg8[%swap3A_1065, %swap3A_1066] {strides = array<i32>} : memref<64x1024xf32, #tpu.memory_space<vmem>>, vector<16xf32>,
        tpu.vector_store %arg8[%swap3A_1065, %swap3A_1066], %gather3A_1014 {strides = array<i32>} : memref<64x1024xf32, #tpu.memory_space<vmem>>, vector<16xf32>,
        %broadcast_in_dim3A_1068 = arith.constant 13 : i32
        %broadcast_in_dim3A_1069 = vector.broadcast %broadcast_in_dim3A_1068 : i32 to vector<16xi32>
        %gather3A_1070 = tpu.vector_load_idx %arg7[%broadcast_in_dim3A_1069, %get3A_995] : memref<32x1000xf32, #tpu.memory_space<vmem>>[vector<16xi32>, vector<16xi32>], vector<16xf32>,
        %mul3A_1071 = arith.constant 16 : i32
        %mul3A_1072 = arith.muli %scan3A_989, %mul3A_1071 : i32
        %swap3A_1073 = arith.constant 5 : i32
        %swap3A_1074 = arith.index_cast %swap3A_1073 : i32 to index
        %swap3A_1075 = arith.index_cast %mul3A_1072 : i32 to index
        %swap3A_1076 = tpu.vector_load %arg8[%swap3A_1074, %swap3A_1075] {strides = array<i32>} : memref<64x1024xf32, #tpu.memory_space<vmem>>, vector<16xf32>,
        tpu.vector_store %arg8[%swap3A_1074, %swap3A_1075], %gather3A_1017 {strides = array<i32>} : memref<64x1024xf32, #tpu.memory_space<vmem>>, vector<16xf32>,
        %broadcast_in_dim3A_1077 = arith.constant 14 : i32
        %broadcast_in_dim3A_1078 = vector.broadcast %broadcast_in_dim3A_1077 : i32 to vector<16xi32>
        %gather3A_1079 = tpu.vector_load_idx %arg7[%broadcast_in_dim3A_1078, %get3A_995] : memref<32x1000xf32, #tpu.memory_space<vmem>>[vector<16xi32>, vector<16xi32>], vector<16xf32>,
        %mul3A_1080 = arith.constant 16 : i32
        %mul3A_1081 = arith.muli %scan3A_989, %mul3A_1080 : i32
        %swap3A_1082 = arith.constant 6 : i32
        %swap3A_1083 = arith.index_cast %swap3A_1082 : i32 to index
        %swap3A_1084 = arith.index_cast %mul3A_1081 : i32 to index
        %swap3A_1085 = tpu.vector_load %arg8[%swap3A_1083, %swap3A_1084] {strides = array<i32>} : memref<64x1024xf32, #tpu.memory_space<vmem>>, vector<16xf32>,
        tpu.vector_store %arg8[%swap3A_1083, %swap3A_1084], %gather3A_1020 {strides = array<i32>} : memref<64x1024xf32, #tpu.memory_space<vmem>>, vector<16xf32>,
        %broadcast_in_dim3A_1086 = arith.constant 15 : i32
        %broadcast_in_dim3A_1087 = vector.broadcast %broadcast_in_dim3A_1086 : i32 to vector<16xi32>
        %gather3A_1088 = tpu.vector_load_idx %arg7[%broadcast_in_dim3A_1087, %get3A_995] : memref<32x1000xf32, #tpu.memory_space<vmem>>[vector<16xi32>, vector<16xi32>], vector<16xf32>,
        %mul3A_1089 = arith.constant 16 : i32
        %mul3A_1090 = arith.muli %scan3A_989, %mul3A_1089 : i32
        %swap3A_1091 = arith.constant 7 : i32
        %swap3A_1092 = arith.index_cast %swap3A_1091 : i32 to index
        %swap3A_1093 = arith.index_cast %mul3A_1090 : i32 to index
        %swap3A_1094 = tpu.vector_load %arg8[%swap3A_1092, %swap3A_1093] {strides = array<i32>} : memref<64x1024xf32, #tpu.memory_space<vmem>>, vector<16xf32>,
        tpu.vector_store %arg8[%swap3A_1092, %swap3A_1093], %gather3A_1023 {strides = array<i32>} : memref<64x1024xf32, #tpu.memory_space<vmem>>, vector<16xf32>,
        %broadcast_in_dim3A_1095 = arith.constant 0 : i32
        %broadcast_in_dim3A_1096 = vector.broadcast %broadcast_in_dim3A_1095 : i32 to vector<16xi32>
        %gather3A_1097 = tpu.vector_load_idx %arg7[%broadcast_in_dim3A_1096, %get3A_1001] : memref<32x1000xf32, #tpu.memory_space<vmem>>[vector<16xi32>, vector<16xi32>], vector<16xf32>,
        %mul3A_1098 = arith.constant 16 : i32
        %mul3A_1099 = arith.muli %scan3A_989, %mul3A_1098 : i32
        %swap3A_1100 = arith.constant 8 : i32
        %swap3A_1101 = arith.index_cast %swap3A_1100 : i32 to index
        %swap3A_1102 = arith.index_cast %mul3A_1099 : i32 to index
        %swap3A_1103 = tpu.vector_load %arg8[%swap3A_1101, %swap3A_1102] {strides = array<i32>} : memref<64x1024xf32, #tpu.memory_space<vmem>>, vector<16xf32>,
        tpu.vector_store %arg8[%swap3A_1101, %swap3A_1102], %gather3A_1026 {strides = array<i32>} : memref<64x1024xf32, #tpu.memory_space<vmem>>, vector<16xf32>,
        %broadcast_in_dim3A_1104 = arith.constant 1 : i32
        %broadcast_in_dim3A_1105 = vector.broadcast %broadcast_in_dim3A_1104 : i32 to vector<16xi32>
        %gather3A_1106 = tpu.vector_load_idx %arg7[%broadcast_in_dim3A_1105, %get3A_1001] : memref<32x1000xf32, #tpu.memory_space<vmem>>[vector<16xi32>, vector<16xi32>], vector<16xf32>,
        %mul3A_1107 = arith.constant 16 : i32
        %mul3A_1108 = arith.muli %scan3A_989, %mul3A_1107 : i32
        %swap3A_1109 = arith.constant 9 : i32
        %swap3A_1110 = arith.index_cast %swap3A_1109 : i32 to index
        %swap3A_1111 = arith.index_cast %mul3A_1108 : i32 to index
        %swap3A_1112 = tpu.vector_load %arg8[%swap3A_1110, %swap3A_1111] {strides = array<i32>} : memref<64x1024xf32, #tpu.memory_space<vmem>>, vector<16xf32>,
        tpu.vector_store %arg8[%swap3A_1110, %swap3A_1111], %gather3A_1034 {strides = array<i32>} : memref<64x1024xf32, #tpu.memory_space<vmem>>, vector<16xf32>,
        %broadcast_in_dim3A_1113 = arith.constant 2 : i32
        %broadcast_in_dim3A_1114 = vector.broadcast %broadcast_in_dim3A_1113 : i32 to vector<16xi32>
        %gather3A_1115 = tpu.vector_load_idx %arg7[%broadcast_in_dim3A_1114, %get3A_1001] : memref<32x1000xf32, #tpu.memory_space<vmem>>[vector<16xi32>, vector<16xi32>], vector<16xf32>,
        %mul3A_1116 = arith.constant 16 : i32
        %mul3A_1117 = arith.muli %scan3A_989, %mul3A_1116 : i32
        %swap3A_1118 = arith.constant 10 : i32
        %swap3A_1119 = arith.index_cast %swap3A_1118 : i32 to index
        %swap3A_1120 = arith.index_cast %mul3A_1117 : i32 to index
        %swap3A_1121 = tpu.vector_load %arg8[%swap3A_1119, %swap3A_1120] {strides = array<i32>} : memref<64x1024xf32, #tpu.memory_space<vmem>>, vector<16xf32>,
        tpu.vector_store %arg8[%swap3A_1119, %swap3A_1120], %gather3A_1043 {strides = array<i32>} : memref<64x1024xf32, #tpu.memory_space<vmem>>, vector<16xf32>,
        %broadcast_in_dim3A_1122 = arith.constant 3 : i32
        %broadcast_in_dim3A_1123 = vector.broadcast %broadcast_in_dim3A_1122 : i32 to vector<16xi32>
        %gather3A_1124 = tpu.vector_load_idx %arg7[%broadcast_in_dim3A_1123, %get3A_1001] : memref<32x1000xf32, #tpu.memory_space<vmem>>[vector<16xi32>, vector<16xi32>], vector<16xf32>,
        %mul3A_1125 = arith.constant 16 : i32
        %mul3A_1126 = arith.muli %scan3A_989, %mul3A_1125 : i32
        %swap3A_1127 = arith.constant 11 : i32
        %swap3A_1128 = arith.index_cast %swap3A_1127 : i32 to index
        %swap3A_1129 = arith.index_cast %mul3A_1126 : i32 to index
        %swap3A_1130 = tpu.vector_load %arg8[%swap3A_1128, %swap3A_1129] {strides = array<i32>} : memref<64x1024xf32, #tpu.memory_space<vmem>>, vector<16xf32>,
        tpu.vector_store %arg8[%swap3A_1128, %swap3A_1129], %gather3A_1052 {strides = array<i32>} : memref<64x1024xf32, #tpu.memory_space<vmem>>, vector<16xf32>,
        %broadcast_in_dim3A_1131 = arith.constant 4 : i32
        %broadcast_in_dim3A_1132 = vector.broadcast %broadcast_in_dim3A_1131 : i32 to vector<16xi32>
        %gather3A_1133 = tpu.vector_load_idx %arg7[%broadcast_in_dim3A_1132, %get3A_1001] : memref<32x1000xf32, #tpu.memory_space<vmem>>[vector<16xi32>, vector<16xi32>], vector<16xf32>,
        %mul3A_1134 = arith.constant 16 : i32
        %mul3A_1135 = arith.muli %scan3A_989, %mul3A_1134 : i32
        %swap3A_1136 = arith.constant 12 : i32
        %swap3A_1137 = arith.index_cast %swap3A_1136 : i32 to index
        %swap3A_1138 = arith.index_cast %mul3A_1135 : i32 to index
        %swap3A_1139 = tpu.vector_load %arg8[%swap3A_1137, %swap3A_1138] {strides = array<i32>} : memref<64x1024xf32, #tpu.memory_space<vmem>>, vector<16xf32>,
        tpu.vector_store %arg8[%swap3A_1137, %swap3A_1138], %gather3A_1061 {strides = array<i32>} : memref<64x1024xf32, #tpu.memory_space<vmem>>, vector<16xf32>,
        %broadcast_in_dim3A_1140 = arith.constant 5 : i32
        %broadcast_in_dim3A_1141 = vector.broadcast %broadcast_in_dim3A_1140 : i32 to vector<16xi32>
        %gather3A_1142 = tpu.vector_load_idx %arg7[%broadcast_in_dim3A_1141, %get3A_1001] : memref<32x1000xf32, #tpu.memory_space<vmem>>[vector<16xi32>, vector<16xi32>], vector<16xf32>,
        %mul3A_1143 = arith.constant 16 : i32
        %mul3A_1144 = arith.muli %scan3A_989, %mul3A_1143 : i32
        %swap3A_1145 = arith.constant 13 : i32
        %swap3A_1146 = arith.index_cast %swap3A_1145 : i32 to index
        %swap3A_1147 = arith.index_cast %mul3A_1144 : i32 to index
        %swap3A_1148 = tpu.vector_load %arg8[%swap3A_1146, %swap3A_1147] {strides = array<i32>} : memref<64x1024xf32, #tpu.memory_space<vmem>>, vector<16xf32>,
        tpu.vector_store %arg8[%swap3A_1146, %swap3A_1147], %gather3A_1070 {strides = array<i32>} : memref<64x1024xf32, #tpu.memory_space<vmem>>, vector<16xf32>,
        %broadcast_in_dim3A_1149 = arith.constant 6 : i32
        %broadcast_in_dim3A_1150 = vector.broadcast %broadcast_in_dim3A_1149 : i32 to vector<16xi32>
        %gather3A_1151 = tpu.vector_load_idx %arg7[%broadcast_in_dim3A_1150, %get3A_1001] : memref<32x1000xf32, #tpu.memory_space<vmem>>[vector<16xi32>, vector<16xi32>], vector<16xf32>,
        %mul3A_1152 = arith.constant 16 : i32
        %mul3A_1153 = arith.muli %scan3A_989, %mul3A_1152 : i32
        %swap3A_1154 = arith.constant 14 : i32
        %swap3A_1155 = arith.index_cast %swap3A_1154 : i32 to index
        %swap3A_1156 = arith.index_cast %mul3A_1153 : i32 to index
        %swap3A_1157 = tpu.vector_load %arg8[%swap3A_1155, %swap3A_1156] {strides = array<i32>} : memref<64x1024xf32, #tpu.memory_space<vmem>>, vector<16xf32>,
        tpu.vector_store %arg8[%swap3A_1155, %swap3A_1156], %gather3A_1079 {strides = array<i32>} : memref<64x1024xf32, #tpu.memory_space<vmem>>, vector<16xf32>,
        %broadcast_in_dim3A_1158 = arith.constant 7 : i32
        %broadcast_in_dim3A_1159 = vector.broadcast %broadcast_in_dim3A_1158 : i32 to vector<16xi32>
        %gather3A_1160 = tpu.vector_load_idx %arg7[%broadcast_in_dim3A_1159, %get3A_1001] : memref<32x1000xf32, #tpu.memory_space<vmem>>[vector<16xi32>, vector<16xi32>], vector<16xf32>,
        %mul3A_1161 = arith.constant 16 : i32
        %mul3A_1162 = arith.muli %scan3A_989, %mul3A_1161 : i32
        %swap3A_1163 = arith.constant 15 : i32
        %swap3A_1164 = arith.index_cast %swap3A_1163 : i32 to index
        %swap3A_1165 = arith.index_cast %mul3A_1162 : i32 to index
        %swap3A_1166 = tpu.vector_load %arg8[%swap3A_1164, %swap3A_1165] {strides = array<i32>} : memref<64x1024xf32, #tpu.memory_space<vmem>>, vector<16xf32>,
        tpu.vector_store %arg8[%swap3A_1164, %swap3A_1165], %gather3A_1088 {strides = array<i32>} : memref<64x1024xf32, #tpu.memory_space<vmem>>, vector<16xf32>,
        %broadcast_in_dim3A_1167 = arith.constant 8 : i32
        %broadcast_in_dim3A_1168 = vector.broadcast %broadcast_in_dim3A_1167 : i32 to vector<16xi32>
        %gather3A_1169 = tpu.vector_load_idx %arg7[%broadcast_in_dim3A_1168, %get3A_1001] : memref<32x1000xf32, #tpu.memory_space<vmem>>[vector<16xi32>, vector<16xi32>], vector<16xf32>,
        %mul3A_1170 = arith.constant 16 : i32
        %mul3A_1171 = arith.muli %scan3A_989, %mul3A_1170 : i32
        %swap3A_1172 = arith.constant 16 : i32
        %swap3A_1173 = arith.index_cast %swap3A_1172 : i32 to index
        %swap3A_1174 = arith.index_cast %mul3A_1171 : i32 to index
        %swap3A_1175 = tpu.vector_load %arg8[%swap3A_1173, %swap3A_1174] {strides = array<i32>} : memref<64x1024xf32, #tpu.memory_space<vmem>>, vector<16xf32>,
        tpu.vector_store %arg8[%swap3A_1173, %swap3A_1174], %gather3A_1097 {strides = array<i32>} : memref<64x1024xf32, #tpu.memory_space<vmem>>, vector<16xf32>,
        %broadcast_in_dim3A_1176 = arith.constant 9 : i32
        %broadcast_in_dim3A_1177 = vector.broadcast %broadcast_in_dim3A_1176 : i32 to vector<16xi32>
        %gather3A_1178 = tpu.vector_load_idx %arg7[%broadcast_in_dim3A_1177, %get3A_1001] : memref<32x1000xf32, #tpu.memory_space<vmem>>[vector<16xi32>, vector<16xi32>], vector<16xf32>,
        %mul3A_1179 = arith.constant 16 : i32
        %mul3A_1180 = arith.muli %scan3A_989, %mul3A_1179 : i32
        %swap3A_1181 = arith.constant 17 : i32
        %swap3A_1182 = arith.index_cast %swap3A_1181 : i32 to index
        %swap3A_1183 = arith.index_cast %mul3A_1180 : i32 to index
        %swap3A_1184 = tpu.vector_load %arg8[%swap3A_1182, %swap3A_1183] {strides = array<i32>} : memref<64x1024xf32, #tpu.memory_space<vmem>>, vector<16xf32>,
        tpu.vector_store %arg8[%swap3A_1182, %swap3A_1183], %gather3A_1106 {strides = array<i32>} : memref<64x1024xf32, #tpu.memory_space<vmem>>, vector<16xf32>,
        %broadcast_in_dim3A_1185 = arith.constant 10 : i32
        %broadcast_in_dim3A_1186 = vector.broadcast %broadcast_in_dim3A_1185 : i32 to vector<16xi32>
        %gather3A_1187 = tpu.vector_load_idx %arg7[%broadcast_in_dim3A_1186, %get3A_1001] : memref<32x1000xf32, #tpu.memory_space<vmem>>[vector<16xi32>, vector<16xi32>], vector<16xf32>,
        %mul3A_1188 = arith.constant 16 : i32
        %mul3A_1189 = arith.muli %scan3A_989, %mul3A_1188 : i32
        %swap3A_1190 = arith.constant 18 : i32
        %swap3A_1191 = arith.index_cast %swap3A_1190 : i32 to index
        %swap3A_1192 = arith.index_cast %mul3A_1189 : i32 to index
        %swap3A_1193 = tpu.vector_load %arg8[%swap3A_1191, %swap3A_1192] {strides = array<i32>} : memref<64x1024xf32, #tpu.memory_space<vmem>>, vector<16xf32>,
        tpu.vector_store %arg8[%swap3A_1191, %swap3A_1192], %gather3A_1115 {strides = array<i32>} : memref<64x1024xf32, #tpu.memory_space<vmem>>, vector<16xf32>,
        %broadcast_in_dim3A_1194 = arith.constant 11 : i32
        %broadcast_in_dim3A_1195 = vector.broadcast %broadcast_in_dim3A_1194 : i32 to vector<16xi32>
        %gather3A_1196 = tpu.vector_load_idx %arg7[%broadcast_in_dim3A_1195, %get3A_1001] : memref<32x1000xf32, #tpu.memory_space<vmem>>[vector<16xi32>, vector<16xi32>], vector<16xf32>,
        %mul3A_1197 = arith.constant 16 : i32
        %mul3A_1198 = arith.muli %scan3A_989, %mul3A_1197 : i32
        %swap3A_1199 = arith.constant 19 : i32
        %swap3A_1200 = arith.index_cast %swap3A_1199 : i32 to index
        %swap3A_1201 = arith.index_cast %mul3A_1198 : i32 to index
        %swap3A_1202 = tpu.vector_load %arg8[%swap3A_1200, %swap3A_1201] {strides = array<i32>} : memref<64x1024xf32, #tpu.memory_space<vmem>>, vector<16xf32>,
        tpu.vector_store %arg8[%swap3A_1200, %swap3A_1201], %gather3A_1124 {strides = array<i32>} : memref<64x1024xf32, #tpu.memory_space<vmem>>, vector<16xf32>,
        %broadcast_in_dim3A_1203 = arith.constant 12 : i32
        %broadcast_in_dim3A_1204 = vector.broadcast %broadcast_in_dim3A_1203 : i32 to vector<16xi32>
        %gather3A_1205 = tpu.vector_load_idx %arg7[%broadcast_in_dim3A_1204, %get3A_1001] : memref<32x1000xf32, #tpu.memory_space<vmem>>[vector<16xi32>, vector<16xi32>], vector<16xf32>,
        %mul3A_1206 = arith.constant 16 : i32
        %mul3A_1207 = arith.muli %scan3A_989, %mul3A_1206 : i32
        %swap3A_1208 = arith.constant 20 : i32
        %swap3A_1209 = arith.index_cast %swap3A_1208 : i32 to index
        %swap3A_1210 = arith.index_cast %mul3A_1207 : i32 to index
        %swap3A_1211 = tpu.vector_load %arg8[%swap3A_1209, %swap3A_1210] {strides = array<i32>} : memref<64x1024xf32, #tpu.memory_space<vmem>>, vector<16xf32>,
        tpu.vector_store %arg8[%swap3A_1209, %swap3A_1210], %gather3A_1133 {strides = array<i32>} : memref<64x1024xf32, #tpu.memory_space<vmem>>, vector<16xf32>,
        %broadcast_in_dim3A_1212 = arith.constant 13 : i32
        %broadcast_in_dim3A_1213 = vector.broadcast %broadcast_in_dim3A_1212 : i32 to vector<16xi32>
        %gather3A_1214 = tpu.vector_load_idx %arg7[%broadcast_in_dim3A_1213, %get3A_1001] : memref<32x1000xf32, #tpu.memory_space<vmem>>[vector<16xi32>, vector<16xi32>], vector<16xf32>,
        %mul3A_1215 = arith.constant 16 : i32
        %mul3A_1216 = arith.muli %scan3A_989, %mul3A_1215 : i32
        %swap3A_1217 = arith.constant 21 : i32
        %swap3A_1218 = arith.index_cast %swap3A_1217 : i32 to index
        %swap3A_1219 = arith.index_cast %mul3A_1216 : i32 to index
        %swap3A_1220 = tpu.vector_load %arg8[%swap3A_1218, %swap3A_1219] {strides = array<i32>} : memref<64x1024xf32, #tpu.memory_space<vmem>>, vector<16xf32>,
        tpu.vector_store %arg8[%swap3A_1218, %swap3A_1219], %gather3A_1142 {strides = array<i32>} : memref<64x1024xf32, #tpu.memory_space<vmem>>, vector<16xf32>,
        %broadcast_in_dim3A_1221 = arith.constant 14 : i32
        %broadcast_in_dim3A_1222 = vector.broadcast %broadcast_in_dim3A_1221 : i32 to vector<16xi32>
        %gather3A_1223 = tpu.vector_load_idx %arg7[%broadcast_in_dim3A_1222, %get3A_1001] : memref<32x1000xf32, #tpu.memory_space<vmem>>[vector<16xi32>, vector<16xi32>], vector<16xf32>,
        %mul3A_1224 = arith.constant 16 : i32
        %mul3A_1225 = arith.muli %scan3A_989, %mul3A_1224 : i32
        %swap3A_1226 = arith.constant 22 : i32
        %swap3A_1227 = arith.index_cast %swap3A_1226 : i32 to index
        %swap3A_1228 = arith.index_cast %mul3A_1225 : i32 to index
        %swap3A_1229 = tpu.vector_load %arg8[%swap3A_1227, %swap3A_1228] {strides = array<i32>} : memref<64x1024xf32, #tpu.memory_space<vmem>>, vector<16xf32>,
        tpu.vector_store %arg8[%swap3A_1227, %swap3A_1228], %gather3A_1151 {strides = array<i32>} : memref<64x1024xf32, #tpu.memory_space<vmem>>, vector<16xf32>,
        %broadcast_in_dim3A_1230 = arith.constant 15 : i32
        %broadcast_in_dim3A_1231 = vector.broadcast %broadcast_in_dim3A_1230 : i32 to vector<16xi32>
        %gather3A_1232 = tpu.vector_load_idx %arg7[%broadcast_in_dim3A_1231, %get3A_1001] : memref<32x1000xf32, #tpu.memory_space<vmem>>[vector<16xi32>, vector<16xi32>], vector<16xf32>,
        %mul3A_1233 = arith.constant 16 : i32
        %mul3A_1234 = arith.muli %scan3A_989, %mul3A_1233 : i32
        %swap3A_1235 = arith.constant 23 : i32
        %swap3A_1236 = arith.index_cast %swap3A_1235 : i32 to index
        %swap3A_1237 = arith.index_cast %mul3A_1234 : i32 to index
        %swap3A_1238 = tpu.vector_load %arg8[%swap3A_1236, %swap3A_1237] {strides = array<i32>} : memref<64x1024xf32, #tpu.memory_space<vmem>>, vector<16xf32>,
        tpu.vector_store %arg8[%swap3A_1236, %swap3A_1237], %gather3A_1160 {strides = array<i32>} : memref<64x1024xf32, #tpu.memory_space<vmem>>, vector<16xf32>,
        %mul3A_1239 = arith.constant 16 : i32
        %mul3A_1240 = arith.muli %scan3A_989, %mul3A_1239 : i32
        %swap3A_1241 = arith.constant 24 : i32
        %swap3A_1242 = arith.index_cast %swap3A_1241 : i32 to index
        %swap3A_1243 = arith.index_cast %mul3A_1240 : i32 to index
        %swap3A_1244 = tpu.vector_load %arg8[%swap3A_1242, %swap3A_1243] {strides = array<i32>} : memref<64x1024xf32, #tpu.memory_space<vmem>>, vector<16xf32>,
        tpu.vector_store %arg8[%swap3A_1242, %swap3A_1243], %gather3A_1169 {strides = array<i32>} : memref<64x1024xf32, #tpu.memory_space<vmem>>, vector<16xf32>,
        %mul3A_1245 = arith.constant 16 : i32
        %mul3A_1246 = arith.muli %scan3A_989, %mul3A_1245 : i32
        %swap3A_1247 = arith.constant 25 : i32
        %swap3A_1248 = arith.index_cast %swap3A_1247 : i32 to index
        %swap3A_1249 = arith.index_cast %mul3A_1246 : i32 to index
        %swap3A_1250 = tpu.vector_load %arg8[%swap3A_1248, %swap3A_1249] {strides = array<i32>} : memref<64x1024xf32, #tpu.memory_space<vmem>>, vector<16xf32>,
        tpu.vector_store %arg8[%swap3A_1248, %swap3A_1249], %gather3A_1178 {strides = array<i32>} : memref<64x1024xf32, #tpu.memory_space<vmem>>, vector<16xf32>,
        %mul3A_1251 = arith.constant 16 : i32
        %mul3A_1252 = arith.muli %scan3A_989, %mul3A_1251 : i32
        %swap3A_1253 = arith.constant 26 : i32
        %swap3A_1254 = arith.index_cast %swap3A_1253 : i32 to index
        %swap3A_1255 = arith.index_cast %mul3A_1252 : i32 to index
        %swap3A_1256 = tpu.vector_load %arg8[%swap3A_1254, %swap3A_1255] {strides = array<i32>} : memref<64x1024xf32, #tpu.memory_space<vmem>>, vector<16xf32>,
        tpu.vector_store %arg8[%swap3A_1254, %swap3A_1255], %gather3A_1187 {strides = array<i32>} : memref<64x1024xf32, #tpu.memory_space<vmem>>, vector<16xf32>,
        %mul3A_1257 = arith.constant 16 : i32
        %mul3A_1258 = arith.muli %scan3A_989, %mul3A_1257 : i32
        %swap3A_1259 = arith.constant 27 : i32
        %swap3A_1260 = arith.index_cast %swap3A_1259 : i32 to index
        %swap3A_1261 = arith.index_cast %mul3A_1258 : i32 to index
        %swap3A_1262 = tpu.vector_load %arg8[%swap3A_1260, %swap3A_1261] {strides = array<i32>} : memref<64x1024xf32, #tpu.memory_space<vmem>>, vector<16xf32>,
        tpu.vector_store %arg8[%swap3A_1260, %swap3A_1261], %gather3A_1196 {strides = array<i32>} : memref<64x1024xf32, #tpu.memory_space<vmem>>, vector<16xf32>,
        %mul3A_1263 = arith.constant 16 : i32
        %mul3A_1264 = arith.muli %scan3A_989, %mul3A_1263 : i32
        %swap3A_1265 = arith.constant 28 : i32
        %swap3A_1266 = arith.index_cast %swap3A_1265 : i32 to index
        %swap3A_1267 = arith.index_cast %mul3A_1264 : i32 to index
        %swap3A_1268 = tpu.vector_load %arg8[%swap3A_1266, %swap3A_1267] {strides = array<i32>} : memref<64x1024xf32, #tpu.memory_space<vmem>>, vector<16xf32>,
        tpu.vector_store %arg8[%swap3A_1266, %swap3A_1267], %gather3A_1205 {strides = array<i32>} : memref<64x1024xf32, #tpu.memory_space<vmem>>, vector<16xf32>,
        %mul3A_1269 = arith.constant 16 : i32
        %mul3A_1270 = arith.muli %scan3A_989, %mul3A_1269 : i32
        %swap3A_1271 = arith.constant 29 : i32
        %swap3A_1272 = arith.index_cast %swap3A_1271 : i32 to index
        %swap3A_1273 = arith.index_cast %mul3A_1270 : i32 to index
        %swap3A_1274 = tpu.vector_load %arg8[%swap3A_1272, %swap3A_1273] {strides = array<i32>} : memref<64x1024xf32, #tpu.memory_space<vmem>>, vector<16xf32>,
        tpu.vector_store %arg8[%swap3A_1272, %swap3A_1273], %gather3A_1214 {strides = array<i32>} : memref<64x1024xf32, #tpu.memory_space<vmem>>, vector<16xf32>,
        %mul3A_1275 = arith.constant 16 : i32
        %mul3A_1276 = arith.muli %scan3A_989, %mul3A_1275 : i32
        %swap3A_1277 = arith.constant 30 : i32
        %swap3A_1278 = arith.index_cast %swap3A_1277 : i32 to index
        %swap3A_1279 = arith.index_cast %mul3A_1276 : i32 to index
        %swap3A_1280 = tpu.vector_load %arg8[%swap3A_1278, %swap3A_1279] {strides = array<i32>} : memref<64x1024xf32, #tpu.memory_space<vmem>>, vector<16xf32>,
        tpu.vector_store %arg8[%swap3A_1278, %swap3A_1279], %gather3A_1223 {strides = array<i32>} : memref<64x1024xf32, #tpu.memory_space<vmem>>, vector<16xf32>,
        %mul3A_1281 = arith.constant 16 : i32
        %mul3A_1282 = arith.muli %scan3A_989, %mul3A_1281 : i32
        %swap3A_1283 = arith.constant 31 : i32
        %swap3A_1284 = arith.index_cast %swap3A_1283 : i32 to index
        %swap3A_1285 = arith.index_cast %mul3A_1282 : i32 to index
        %swap3A_1286 = tpu.vector_load %arg8[%swap3A_1284, %swap3A_1285] {strides = array<i32>} : memref<64x1024xf32, #tpu.memory_space<vmem>>, vector<16xf32>,
        tpu.vector_store %arg8[%swap3A_1284, %swap3A_1285], %gather3A_1232 {strides = array<i32>} : memref<64x1024xf32, #tpu.memory_space<vmem>>, vector<16xf32>,
        %scan3A_1287 = arith.constant 0 : i32
        %scan3A_1288 = arith.constant 1 : i32
        %scan3A_1289 = arith.addi %scan3A_989, %scan3A_1288 : i32
        %mul3A_1290 = arith.constant 16 : i32
        %mul3A_1291 = arith.muli %scan3A_1289, %mul3A_1290 : i32
        %add3A_1292 = arith.constant 0 : i32
        %add3A_1293 = arith.addi %add3A_1292, %mul3A_1291 : i32
        %get3A_1294 = arith.index_cast %add3A_1293 : i32 to index
        %get3A_1295 = tpu.vector_load %arg6[%get3A_1294] {strides = array<i32>} : memref<2048xi32, #tpu.memory_space<vmem>>, vector<16xi32>,
        %mul3A_1296 = arith.constant 16 : i32
        %mul3A_1297 = arith.muli %scan3A_1289, %mul3A_1296 : i32
        %add3A_1298 = arith.constant 1024 : i32
        %add3A_1299 = arith.addi %add3A_1298, %mul3A_1297 : i32
        %get3A_1300 = arith.index_cast %add3A_1299 : i32 to index
        %get3A_1301 = tpu.vector_load %arg6[%get3A_1300] {strides = array<i32>} : memref<2048xi32, #tpu.memory_space<vmem>>, vector<16xi32>,
        %broadcast_in_dim3A_1302 = arith.constant 0 : i32
        %broadcast_in_dim3A_1303 = vector.broadcast %broadcast_in_dim3A_1302 : i32 to vector<16xi32>
        %gather3A_1304 = tpu.vector_load_idx %arg7[%broadcast_in_dim3A_1303, %get3A_1295] : memref<32x1000xf32, #tpu.memory_space<vmem>>[vector<16xi32>, vector<16xi32>], vector<16xf32>,
        %broadcast_in_dim3A_1305 = arith.constant 1 : i32
        %broadcast_in_dim3A_1306 = vector.broadcast %broadcast_in_dim3A_1305 : i32 to vector<16xi32>
        %gather3A_1307 = tpu.vector_load_idx %arg7[%broadcast_in_dim3A_1306, %get3A_1295] : memref<32x1000xf32, #tpu.memory_space<vmem>>[vector<16xi32>, vector<16xi32>], vector<16xf32>,
        %broadcast_in_dim3A_1308 = arith.constant 2 : i32
        %broadcast_in_dim3A_1309 = vector.broadcast %broadcast_in_dim3A_1308 : i32 to vector<16xi32>
        %gather3A_1310 = tpu.vector_load_idx %arg7[%broadcast_in_dim3A_1309, %get3A_1295] : memref<32x1000xf32, #tpu.memory_space<vmem>>[vector<16xi32>, vector<16xi32>], vector<16xf32>,
        %broadcast_in_dim3A_1311 = arith.constant 3 : i32
        %broadcast_in_dim3A_1312 = vector.broadcast %broadcast_in_dim3A_1311 : i32 to vector<16xi32>
        %gather3A_1313 = tpu.vector_load_idx %arg7[%broadcast_in_dim3A_1312, %get3A_1295] : memref<32x1000xf32, #tpu.memory_space<vmem>>[vector<16xi32>, vector<16xi32>], vector<16xf32>,
        %broadcast_in_dim3A_1314 = arith.constant 4 : i32
        %broadcast_in_dim3A_1315 = vector.broadcast %broadcast_in_dim3A_1314 : i32 to vector<16xi32>
        %gather3A_1316 = tpu.vector_load_idx %arg7[%broadcast_in_dim3A_1315, %get3A_1295] : memref<32x1000xf32, #tpu.memory_space<vmem>>[vector<16xi32>, vector<16xi32>], vector<16xf32>,
        %broadcast_in_dim3A_1317 = arith.constant 5 : i32
        %broadcast_in_dim3A_1318 = vector.broadcast %broadcast_in_dim3A_1317 : i32 to vector<16xi32>
        %gather3A_1319 = tpu.vector_load_idx %arg7[%broadcast_in_dim3A_1318, %get3A_1295] : memref<32x1000xf32, #tpu.memory_space<vmem>>[vector<16xi32>, vector<16xi32>], vector<16xf32>,
        %broadcast_in_dim3A_1320 = arith.constant 6 : i32
        %broadcast_in_dim3A_1321 = vector.broadcast %broadcast_in_dim3A_1320 : i32 to vector<16xi32>
        %gather3A_1322 = tpu.vector_load_idx %arg7[%broadcast_in_dim3A_1321, %get3A_1295] : memref<32x1000xf32, #tpu.memory_space<vmem>>[vector<16xi32>, vector<16xi32>], vector<16xf32>,
        %broadcast_in_dim3A_1323 = arith.constant 7 : i32
        %broadcast_in_dim3A_1324 = vector.broadcast %broadcast_in_dim3A_1323 : i32 to vector<16xi32>
        %gather3A_1325 = tpu.vector_load_idx %arg7[%broadcast_in_dim3A_1324, %get3A_1295] : memref<32x1000xf32, #tpu.memory_space<vmem>>[vector<16xi32>, vector<16xi32>], vector<16xf32>,
        %broadcast_in_dim3A_1326 = arith.constant 8 : i32
        %broadcast_in_dim3A_1327 = vector.broadcast %broadcast_in_dim3A_1326 : i32 to vector<16xi32>
        %gather3A_1328 = tpu.vector_load_idx %arg7[%broadcast_in_dim3A_1327, %get3A_1295] : memref<32x1000xf32, #tpu.memory_space<vmem>>[vector<16xi32>, vector<16xi32>], vector<16xf32>,
        %mul3A_1329 = arith.constant 16 : i32
        %mul3A_1330 = arith.muli %scan3A_1289, %mul3A_1329 : i32
        %swap3A_1331 = arith.constant 0 : i32
        %swap3A_1332 = arith.index_cast %swap3A_1331 : i32 to index
        %swap3A_1333 = arith.index_cast %mul3A_1330 : i32 to index
        %swap3A_1334 = tpu.vector_load %arg8[%swap3A_1332, %swap3A_1333] {strides = array<i32>} : memref<64x1024xf32, #tpu.memory_space<vmem>>, vector<16xf32>,
        tpu.vector_store %arg8[%swap3A_1332, %swap3A_1333], %gather3A_1304 {strides = array<i32>} : memref<64x1024xf32, #tpu.memory_space<vmem>>, vector<16xf32>,
        %broadcast_in_dim3A_1335 = arith.constant 9 : i32
        %broadcast_in_dim3A_1336 = vector.broadcast %broadcast_in_dim3A_1335 : i32 to vector<16xi32>
        %gather3A_1337 = tpu.vector_load_idx %arg7[%broadcast_in_dim3A_1336, %get3A_1295] : memref<32x1000xf32, #tpu.memory_space<vmem>>[vector<16xi32>, vector<16xi32>], vector<16xf32>,
        %mul3A_1338 = arith.constant 16 : i32
        %mul3A_1339 = arith.muli %scan3A_1289, %mul3A_1338 : i32
        %swap3A_1340 = arith.constant 1 : i32
        %swap3A_1341 = arith.index_cast %swap3A_1340 : i32 to index
        %swap3A_1342 = arith.index_cast %mul3A_1339 : i32 to index
        %swap3A_1343 = tpu.vector_load %arg8[%swap3A_1341, %swap3A_1342] {strides = array<i32>} : memref<64x1024xf32, #tpu.memory_space<vmem>>, vector<16xf32>,
        tpu.vector_store %arg8[%swap3A_1341, %swap3A_1342], %gather3A_1307 {strides = array<i32>} : memref<64x1024xf32, #tpu.memory_space<vmem>>, vector<16xf32>,
        %broadcast_in_dim3A_1344 = arith.constant 10 : i32
        %broadcast_in_dim3A_1345 = vector.broadcast %broadcast_in_dim3A_1344 : i32 to vector<16xi32>
        %gather3A_1346 = tpu.vector_load_idx %arg7[%broadcast_in_dim3A_1345, %get3A_1295] : memref<32x1000xf32, #tpu.memory_space<vmem>>[vector<16xi32>, vector<16xi32>], vector<16xf32>,
        %mul3A_1347 = arith.constant 16 : i32
        %mul3A_1348 = arith.muli %scan3A_1289, %mul3A_1347 : i32
        %swap3A_1349 = arith.constant 2 : i32
        %swap3A_1350 = arith.index_cast %swap3A_1349 : i32 to index
        %swap3A_1351 = arith.index_cast %mul3A_1348 : i32 to index
        %swap3A_1352 = tpu.vector_load %arg8[%swap3A_1350, %swap3A_1351] {strides = array<i32>} : memref<64x1024xf32, #tpu.memory_space<vmem>>, vector<16xf32>,
        tpu.vector_store %arg8[%swap3A_1350, %swap3A_1351], %gather3A_1310 {strides = array<i32>} : memref<64x1024xf32, #tpu.memory_space<vmem>>, vector<16xf32>,
        %broadcast_in_dim3A_1353 = arith.constant 11 : i32
        %broadcast_in_dim3A_1354 = vector.broadcast %broadcast_in_dim3A_1353 : i32 to vector<16xi32>
        %gather3A_1355 = tpu.vector_load_idx %arg7[%broadcast_in_dim3A_1354, %get3A_1295] : memref<32x1000xf32, #tpu.memory_space<vmem>>[vector<16xi32>, vector<16xi32>], vector<16xf32>,
        %mul3A_1356 = arith.constant 16 : i32
        %mul3A_1357 = arith.muli %scan3A_1289, %mul3A_1356 : i32
        %swap3A_1358 = arith.constant 3 : i32
        %swap3A_1359 = arith.index_cast %swap3A_1358 : i32 to index
        %swap3A_1360 = arith.index_cast %mul3A_1357 : i32 to index
        %swap3A_1361 = tpu.vector_load %arg8[%swap3A_1359, %swap3A_1360] {strides = array<i32>} : memref<64x1024xf32, #tpu.memory_space<vmem>>, vector<16xf32>,
        tpu.vector_store %arg8[%swap3A_1359, %swap3A_1360], %gather3A_1313 {strides = array<i32>} : memref<64x1024xf32, #tpu.memory_space<vmem>>, vector<16xf32>,
        %broadcast_in_dim3A_1362 = arith.constant 12 : i32
        %broadcast_in_dim3A_1363 = vector.broadcast %broadcast_in_dim3A_1362 : i32 to vector<16xi32>
        %gather3A_1364 = tpu.vector_load_idx %arg7[%broadcast_in_dim3A_1363, %get3A_1295] : memref<32x1000xf32, #tpu.memory_space<vmem>>[vector<16xi32>, vector<16xi32>], vector<16xf32>,
        %mul3A_1365 = arith.constant 16 : i32
        %mul3A_1366 = arith.muli %scan3A_1289, %mul3A_1365 : i32
        %swap3A_1367 = arith.constant 4 : i32
        %swap3A_1368 = arith.index_cast %swap3A_1367 : i32 to index
        %swap3A_1369 = arith.index_cast %mul3A_1366 : i32 to index
        %swap3A_1370 = tpu.vector_load %arg8[%swap3A_1368, %swap3A_1369] {strides = array<i32>} : memref<64x1024xf32, #tpu.memory_space<vmem>>, vector<16xf32>,
        tpu.vector_store %arg8[%swap3A_1368, %swap3A_1369], %gather3A_1316 {strides = array<i32>} : memref<64x1024xf32, #tpu.memory_space<vmem>>, vector<16xf32>,
        %broadcast_in_dim3A_1371 = arith.constant 13 : i32
        %broadcast_in_dim3A_1372 = vector.broadcast %broadcast_in_dim3A_1371 : i32 to vector<16xi32>
        %gather3A_1373 = tpu.vector_load_idx %arg7[%broadcast_in_dim3A_1372, %get3A_1295] : memref<32x1000xf32, #tpu.memory_space<vmem>>[vector<16xi32>, vector<16xi32>], vector<16xf32>,
        %mul3A_1374 = arith.constant 16 : i32
        %mul3A_1375 = arith.muli %scan3A_1289, %mul3A_1374 : i32
        %swap3A_1376 = arith.constant 5 : i32
        %swap3A_1377 = arith.index_cast %swap3A_1376 : i32 to index
        %swap3A_1378 = arith.index_cast %mul3A_1375 : i32 to index
        %swap3A_1379 = tpu.vector_load %arg8[%swap3A_1377, %swap3A_1378] {strides = array<i32>} : memref<64x1024xf32, #tpu.memory_space<vmem>>, vector<16xf32>,
        tpu.vector_store %arg8[%swap3A_1377, %swap3A_1378], %gather3A_1319 {strides = array<i32>} : memref<64x1024xf32, #tpu.memory_space<vmem>>, vector<16xf32>,
        %broadcast_in_dim3A_1380 = arith.constant 14 : i32
        %broadcast_in_dim3A_1381 = vector.broadcast %broadcast_in_dim3A_1380 : i32 to vector<16xi32>
        %gather3A_1382 = tpu.vector_load_idx %arg7[%broadcast_in_dim3A_1381, %get3A_1295] : memref<32x1000xf32, #tpu.memory_space<vmem>>[vector<16xi32>, vector<16xi32>], vector<16xf32>,
        %mul3A_1383 = arith.constant 16 : i32
        %mul3A_1384 = arith.muli %scan3A_1289, %mul3A_1383 : i32
        %swap3A_1385 = arith.constant 6 : i32
        %swap3A_1386 = arith.index_cast %swap3A_1385 : i32 to index
        %swap3A_1387 = arith.index_cast %mul3A_1384 : i32 to index
        %swap3A_1388 = tpu.vector_load %arg8[%swap3A_1386, %swap3A_1387] {strides = array<i32>} : memref<64x1024xf32, #tpu.memory_space<vmem>>, vector<16xf32>,
        tpu.vector_store %arg8[%swap3A_1386, %swap3A_1387], %gather3A_1322 {strides = array<i32>} : memref<64x1024xf32, #tpu.memory_space<vmem>>, vector<16xf32>,
        %broadcast_in_dim3A_1389 = arith.constant 15 : i32
        %broadcast_in_dim3A_1390 = vector.broadcast %broadcast_in_dim3A_1389 : i32 to vector<16xi32>
        %gather3A_1391 = tpu.vector_load_idx %arg7[%broadcast_in_dim3A_1390, %get3A_1295] : memref<32x1000xf32, #tpu.memory_space<vmem>>[vector<16xi32>, vector<16xi32>], vector<16xf32>,
        %mul3A_1392 = arith.constant 16 : i32
        %mul3A_1393 = arith.muli %scan3A_1289, %mul3A_1392 : i32
        %swap3A_1394 = arith.constant 7 : i32
        %swap3A_1395 = arith.index_cast %swap3A_1394 : i32 to index
        %swap3A_1396 = arith.index_cast %mul3A_1393 : i32 to index
        %swap3A_1397 = tpu.vector_load %arg8[%swap3A_1395, %swap3A_1396] {strides = array<i32>} : memref<64x1024xf32, #tpu.memory_space<vmem>>, vector<16xf32>,
        tpu.vector_store %arg8[%swap3A_1395, %swap3A_1396], %gather3A_1325 {strides = array<i32>} : memref<64x1024xf32, #tpu.memory_space<vmem>>, vector<16xf32>,
        %broadcast_in_dim3A_1398 = arith.constant 0 : i32
        %broadcast_in_dim3A_1399 = vector.broadcast %broadcast_in_dim3A_1398 : i32 to vector<16xi32>
        %gather3A_1400 = tpu.vector_load_idx %arg7[%broadcast_in_dim3A_1399, %get3A_1301] : memref<32x1000xf32, #tpu.memory_space<vmem>>[vector<16xi32>, vector<16xi32>], vector<16xf32>,
        %mul3A_1401 = arith.constant 16 : i32
        %mul3A_1402 = arith.muli %scan3A_1289, %mul3A_1401 : i32
        %swap3A_1403 = arith.constant 8 : i32
        %swap3A_1404 = arith.index_cast %swap3A_1403 : i32 to index
        %swap3A_1405 = arith.index_cast %mul3A_1402 : i32 to index
        %swap3A_1406 = tpu.vector_load %arg8[%swap3A_1404, %swap3A_1405] {strides = array<i32>} : memref<64x1024xf32, #tpu.memory_space<vmem>>, vector<16xf32>,
        tpu.vector_store %arg8[%swap3A_1404, %swap3A_1405], %gather3A_1328 {strides = array<i32>} : memref<64x1024xf32, #tpu.memory_space<vmem>>, vector<16xf32>,
        %broadcast_in_dim3A_1407 = arith.constant 1 : i32
        %broadcast_in_dim3A_1408 = vector.broadcast %broadcast_in_dim3A_1407 : i32 to vector<16xi32>
        %gather3A_1409 = tpu.vector_load_idx %arg7[%broadcast_in_dim3A_1408, %get3A_1301] : memref<32x1000xf32, #tpu.memory_space<vmem>>[vector<16xi32>, vector<16xi32>], vector<16xf32>,
        %mul3A_1410 = arith.constant 16 : i32
        %mul3A_1411 = arith.muli %scan3A_1289, %mul3A_1410 : i32
        %swap3A_1412 = arith.constant 9 : i32
        %swap3A_1413 = arith.index_cast %swap3A_1412 : i32 to index
        %swap3A_1414 = arith.index_cast %mul3A_1411 : i32 to index
        %swap3A_1415 = tpu.vector_load %arg8[%swap3A_1413, %swap3A_1414] {strides = array<i32>} : memref<64x1024xf32, #tpu.memory_space<vmem>>, vector<16xf32>,
        tpu.vector_store %arg8[%swap3A_1413, %swap3A_1414], %gather3A_1337 {strides = array<i32>} : memref<64x1024xf32, #tpu.memory_space<vmem>>, vector<16xf32>,
        %broadcast_in_dim3A_1416 = arith.constant 2 : i32
        %broadcast_in_dim3A_1417 = vector.broadcast %broadcast_in_dim3A_1416 : i32 to vector<16xi32>
        %gather3A_1418 = tpu.vector_load_idx %arg7[%broadcast_in_dim3A_1417, %get3A_1301] : memref<32x1000xf32, #tpu.memory_space<vmem>>[vector<16xi32>, vector<16xi32>], vector<16xf32>,
        %mul3A_1419 = arith.constant 16 : i32
        %mul3A_1420 = arith.muli %scan3A_1289, %mul3A_1419 : i32
        %swap3A_1421 = arith.constant 10 : i32
        %swap3A_1422 = arith.index_cast %swap3A_1421 : i32 to index
        %swap3A_1423 = arith.index_cast %mul3A_1420 : i32 to index
        %swap3A_1424 = tpu.vector_load %arg8[%swap3A_1422, %swap3A_1423] {strides = array<i32>} : memref<64x1024xf32, #tpu.memory_space<vmem>>, vector<16xf32>,
        tpu.vector_store %arg8[%swap3A_1422, %swap3A_1423], %gather3A_1346 {strides = array<i32>} : memref<64x1024xf32, #tpu.memory_space<vmem>>, vector<16xf32>,
        %broadcast_in_dim3A_1425 = arith.constant 3 : i32
        %broadcast_in_dim3A_1426 = vector.broadcast %broadcast_in_dim3A_1425 : i32 to vector<16xi32>
        %gather3A_1427 = tpu.vector_load_idx %arg7[%broadcast_in_dim3A_1426, %get3A_1301] : memref<32x1000xf32, #tpu.memory_space<vmem>>[vector<16xi32>, vector<16xi32>], vector<16xf32>,
        %mul3A_1428 = arith.constant 16 : i32
        %mul3A_1429 = arith.muli %scan3A_1289, %mul3A_1428 : i32
        %swap3A_1430 = arith.constant 11 : i32
        %swap3A_1431 = arith.index_cast %swap3A_1430 : i32 to index
        %swap3A_1432 = arith.index_cast %mul3A_1429 : i32 to index
        %swap3A_1433 = tpu.vector_load %arg8[%swap3A_1431, %swap3A_1432] {strides = array<i32>} : memref<64x1024xf32, #tpu.memory_space<vmem>>, vector<16xf32>,
        tpu.vector_store %arg8[%swap3A_1431, %swap3A_1432], %gather3A_1355 {strides = array<i32>} : memref<64x1024xf32, #tpu.memory_space<vmem>>, vector<16xf32>,
        %broadcast_in_dim3A_1434 = arith.constant 4 : i32
        %broadcast_in_dim3A_1435 = vector.broadcast %broadcast_in_dim3A_1434 : i32 to vector<16xi32>
        %gather3A_1436 = tpu.vector_load_idx %arg7[%broadcast_in_dim3A_1435, %get3A_1301] : memref<32x1000xf32, #tpu.memory_space<vmem>>[vector<16xi32>, vector<16xi32>], vector<16xf32>,
        %mul3A_1437 = arith.constant 16 : i32
        %mul3A_1438 = arith.muli %scan3A_1289, %mul3A_1437 : i32
        %swap3A_1439 = arith.constant 12 : i32
        %swap3A_1440 = arith.index_cast %swap3A_1439 : i32 to index
        %swap3A_1441 = arith.index_cast %mul3A_1438 : i32 to index
        %swap3A_1442 = tpu.vector_load %arg8[%swap3A_1440, %swap3A_1441] {strides = array<i32>} : memref<64x1024xf32, #tpu.memory_space<vmem>>, vector<16xf32>,
        tpu.vector_store %arg8[%swap3A_1440, %swap3A_1441], %gather3A_1364 {strides = array<i32>} : memref<64x1024xf32, #tpu.memory_space<vmem>>, vector<16xf32>,
        %broadcast_in_dim3A_1443 = arith.constant 5 : i32
        %broadcast_in_dim3A_1444 = vector.broadcast %broadcast_in_dim3A_1443 : i32 to vector<16xi32>
        %gather3A_1445 = tpu.vector_load_idx %arg7[%broadcast_in_dim3A_1444, %get3A_1301] : memref<32x1000xf32, #tpu.memory_space<vmem>>[vector<16xi32>, vector<16xi32>], vector<16xf32>,
        %mul3A_1446 = arith.constant 16 : i32
        %mul3A_1447 = arith.muli %scan3A_1289, %mul3A_1446 : i32
        %swap3A_1448 = arith.constant 13 : i32
        %swap3A_1449 = arith.index_cast %swap3A_1448 : i32 to index
        %swap3A_1450 = arith.index_cast %mul3A_1447 : i32 to index
        %swap3A_1451 = tpu.vector_load %arg8[%swap3A_1449, %swap3A_1450] {strides = array<i32>} : memref<64x1024xf32, #tpu.memory_space<vmem>>, vector<16xf32>,
        tpu.vector_store %arg8[%swap3A_1449, %swap3A_1450], %gather3A_1373 {strides = array<i32>} : memref<64x1024xf32, #tpu.memory_space<vmem>>, vector<16xf32>,
        %broadcast_in_dim3A_1452 = arith.constant 6 : i32
        %broadcast_in_dim3A_1453 = vector.broadcast %broadcast_in_dim3A_1452 : i32 to vector<16xi32>
        %gather3A_1454 = tpu.vector_load_idx %arg7[%broadcast_in_dim3A_1453, %get3A_1301] : memref<32x1000xf32, #tpu.memory_space<vmem>>[vector<16xi32>, vector<16xi32>], vector<16xf32>,
        %mul3A_1455 = arith.constant 16 : i32
        %mul3A_1456 = arith.muli %scan3A_1289, %mul3A_1455 : i32
        %swap3A_1457 = arith.constant 14 : i32
        %swap3A_1458 = arith.index_cast %swap3A_1457 : i32 to index
        %swap3A_1459 = arith.index_cast %mul3A_1456 : i32 to index
        %swap3A_1460 = tpu.vector_load %arg8[%swap3A_1458, %swap3A_1459] {strides = array<i32>} : memref<64x1024xf32, #tpu.memory_space<vmem>>, vector<16xf32>,
        tpu.vector_store %arg8[%swap3A_1458, %swap3A_1459], %gather3A_1382 {strides = array<i32>} : memref<64x1024xf32, #tpu.memory_space<vmem>>, vector<16xf32>,
        %broadcast_in_dim3A_1461 = arith.constant 7 : i32
        %broadcast_in_dim3A_1462 = vector.broadcast %broadcast_in_dim3A_1461 : i32 to vector<16xi32>
        %gather3A_1463 = tpu.vector_load_idx %arg7[%broadcast_in_dim3A_1462, %get3A_1301] : memref<32x1000xf32, #tpu.memory_space<vmem>>[vector<16xi32>, vector<16xi32>], vector<16xf32>,
        %mul3A_1464 = arith.constant 16 : i32
        %mul3A_1465 = arith.muli %scan3A_1289, %mul3A_1464 : i32
        %swap3A_1466 = arith.constant 15 : i32
        %swap3A_1467 = arith.index_cast %swap3A_1466 : i32 to index
        %swap3A_1468 = arith.index_cast %mul3A_1465 : i32 to index
        %swap3A_1469 = tpu.vector_load %arg8[%swap3A_1467, %swap3A_1468] {strides = array<i32>} : memref<64x1024xf32, #tpu.memory_space<vmem>>, vector<16xf32>,
        tpu.vector_store %arg8[%swap3A_1467, %swap3A_1468], %gather3A_1391 {strides = array<i32>} : memref<64x1024xf32, #tpu.memory_space<vmem>>, vector<16xf32>,
        %broadcast_in_dim3A_1470 = arith.constant 8 : i32
        %broadcast_in_dim3A_1471 = vector.broadcast %broadcast_in_dim3A_1470 : i32 to vector<16xi32>
        %gather3A_1472 = tpu.vector_load_idx %arg7[%broadcast_in_dim3A_1471, %get3A_1301] : memref<32x1000xf32, #tpu.memory_space<vmem>>[vector<16xi32>, vector<16xi32>], vector<16xf32>,
        %mul3A_1473 = arith.constant 16 : i32
        %mul3A_1474 = arith.muli %scan3A_1289, %mul3A_1473 : i32
        %swap3A_1475 = arith.constant 16 : i32
        %swap3A_1476 = arith.index_cast %swap3A_1475 : i32 to index
        %swap3A_1477 = arith.index_cast %mul3A_1474 : i32 to index
        %swap3A_1478 = tpu.vector_load %arg8[%swap3A_1476, %swap3A_1477] {strides = array<i32>} : memref<64x1024xf32, #tpu.memory_space<vmem>>, vector<16xf32>,
        tpu.vector_store %arg8[%swap3A_1476, %swap3A_1477], %gather3A_1400 {strides = array<i32>} : memref<64x1024xf32, #tpu.memory_space<vmem>>, vector<16xf32>,
        %broadcast_in_dim3A_1479 = arith.constant 9 : i32
        %broadcast_in_dim3A_1480 = vector.broadcast %broadcast_in_dim3A_1479 : i32 to vector<16xi32>
        %gather3A_1481 = tpu.vector_load_idx %arg7[%broadcast_in_dim3A_1480, %get3A_1301] : memref<32x1000xf32, #tpu.memory_space<vmem>>[vector<16xi32>, vector<16xi32>], vector<16xf32>,
        %mul3A_1482 = arith.constant 16 : i32
        %mul3A_1483 = arith.muli %scan3A_1289, %mul3A_1482 : i32
        %swap3A_1484 = arith.constant 17 : i32
        %swap3A_1485 = arith.index_cast %swap3A_1484 : i32 to index
        %swap3A_1486 = arith.index_cast %mul3A_1483 : i32 to index
        %swap3A_1487 = tpu.vector_load %arg8[%swap3A_1485, %swap3A_1486] {strides = array<i32>} : memref<64x1024xf32, #tpu.memory_space<vmem>>, vector<16xf32>,
        tpu.vector_store %arg8[%swap3A_1485, %swap3A_1486], %gather3A_1409 {strides = array<i32>} : memref<64x1024xf32, #tpu.memory_space<vmem>>, vector<16xf32>,
        %broadcast_in_dim3A_1488 = arith.constant 10 : i32
        %broadcast_in_dim3A_1489 = vector.broadcast %broadcast_in_dim3A_1488 : i32 to vector<16xi32>
        %gather3A_1490 = tpu.vector_load_idx %arg7[%broadcast_in_dim3A_1489, %get3A_1301] : memref<32x1000xf32, #tpu.memory_space<vmem>>[vector<16xi32>, vector<16xi32>], vector<16xf32>,
        %mul3A_1491 = arith.constant 16 : i32
        %mul3A_1492 = arith.muli %scan3A_1289, %mul3A_1491 : i32
        %swap3A_1493 = arith.constant 18 : i32
        %swap3A_1494 = arith.index_cast %swap3A_1493 : i32 to index
        %swap3A_1495 = arith.index_cast %mul3A_1492 : i32 to index
        %swap3A_1496 = tpu.vector_load %arg8[%swap3A_1494, %swap3A_1495] {strides = array<i32>} : memref<64x1024xf32, #tpu.memory_space<vmem>>, vector<16xf32>,
        tpu.vector_store %arg8[%swap3A_1494, %swap3A_1495], %gather3A_1418 {strides = array<i32>} : memref<64x1024xf32, #tpu.memory_space<vmem>>, vector<16xf32>,
        %broadcast_in_dim3A_1497 = arith.constant 11 : i32
        %broadcast_in_dim3A_1498 = vector.broadcast %broadcast_in_dim3A_1497 : i32 to vector<16xi32>
        %gather3A_1499 = tpu.vector_load_idx %arg7[%broadcast_in_dim3A_1498, %get3A_1301] : memref<32x1000xf32, #tpu.memory_space<vmem>>[vector<16xi32>, vector<16xi32>], vector<16xf32>,
        %mul3A_1500 = arith.constant 16 : i32
        %mul3A_1501 = arith.muli %scan3A_1289, %mul3A_1500 : i32
        %swap3A_1502 = arith.constant 19 : i32
        %swap3A_1503 = arith.index_cast %swap3A_1502 : i32 to index
        %swap3A_1504 = arith.index_cast %mul3A_1501 : i32 to index
        %swap3A_1505 = tpu.vector_load %arg8[%swap3A_1503, %swap3A_1504] {strides = array<i32>} : memref<64x1024xf32, #tpu.memory_space<vmem>>, vector<16xf32>,
        tpu.vector_store %arg8[%swap3A_1503, %swap3A_1504], %gather3A_1427 {strides = array<i32>} : memref<64x1024xf32, #tpu.memory_space<vmem>>, vector<16xf32>,
        %broadcast_in_dim3A_1506 = arith.constant 12 : i32
        %broadcast_in_dim3A_1507 = vector.broadcast %broadcast_in_dim3A_1506 : i32 to vector<16xi32>
        %gather3A_1508 = tpu.vector_load_idx %arg7[%broadcast_in_dim3A_1507, %get3A_1301] : memref<32x1000xf32, #tpu.memory_space<vmem>>[vector<16xi32>, vector<16xi32>], vector<16xf32>,
        %mul3A_1509 = arith.constant 16 : i32
        %mul3A_1510 = arith.muli %scan3A_1289, %mul3A_1509 : i32
        %swap3A_1511 = arith.constant 20 : i32
        %swap3A_1512 = arith.index_cast %swap3A_1511 : i32 to index
        %swap3A_1513 = arith.index_cast %mul3A_1510 : i32 to index
        %swap3A_1514 = tpu.vector_load %arg8[%swap3A_1512, %swap3A_1513] {strides = array<i32>} : memref<64x1024xf32, #tpu.memory_space<vmem>>, vector<16xf32>,
        tpu.vector_store %arg8[%swap3A_1512, %swap3A_1513], %gather3A_1436 {strides = array<i32>} : memref<64x1024xf32, #tpu.memory_space<vmem>>, vector<16xf32>,
        %broadcast_in_dim3A_1515 = arith.constant 13 : i32
        %broadcast_in_dim3A_1516 = vector.broadcast %broadcast_in_dim3A_1515 : i32 to vector<16xi32>
        %gather3A_1517 = tpu.vector_load_idx %arg7[%broadcast_in_dim3A_1516, %get3A_1301] : memref<32x1000xf32, #tpu.memory_space<vmem>>[vector<16xi32>, vector<16xi32>], vector<16xf32>,
        %mul3A_1518 = arith.constant 16 : i32
        %mul3A_1519 = arith.muli %scan3A_1289, %mul3A_1518 : i32
        %swap3A_1520 = arith.constant 21 : i32
        %swap3A_1521 = arith.index_cast %swap3A_1520 : i32 to index
        %swap3A_1522 = arith.index_cast %mul3A_1519 : i32 to index
        %swap3A_1523 = tpu.vector_load %arg8[%swap3A_1521, %swap3A_1522] {strides = array<i32>} : memref<64x1024xf32, #tpu.memory_space<vmem>>, vector<16xf32>,
        tpu.vector_store %arg8[%swap3A_1521, %swap3A_1522], %gather3A_1445 {strides = array<i32>} : memref<64x1024xf32, #tpu.memory_space<vmem>>, vector<16xf32>,
        %broadcast_in_dim3A_1524 = arith.constant 14 : i32
        %broadcast_in_dim3A_1525 = vector.broadcast %broadcast_in_dim3A_1524 : i32 to vector<16xi32>
        %gather3A_1526 = tpu.vector_load_idx %arg7[%broadcast_in_dim3A_1525, %get3A_1301] : memref<32x1000xf32, #tpu.memory_space<vmem>>[vector<16xi32>, vector<16xi32>], vector<16xf32>,
        %mul3A_1527 = arith.constant 16 : i32
        %mul3A_1528 = arith.muli %scan3A_1289, %mul3A_1527 : i32
        %swap3A_1529 = arith.constant 22 : i32
        %swap3A_1530 = arith.index_cast %swap3A_1529 : i32 to index
        %swap3A_1531 = arith.index_cast %mul3A_1528 : i32 to index
        %swap3A_1532 = tpu.vector_load %arg8[%swap3A_1530, %swap3A_1531] {strides = array<i32>} : memref<64x1024xf32, #tpu.memory_space<vmem>>, vector<16xf32>,
        tpu.vector_store %arg8[%swap3A_1530, %swap3A_1531], %gather3A_1454 {strides = array<i32>} : memref<64x1024xf32, #tpu.memory_space<vmem>>, vector<16xf32>,
        %broadcast_in_dim3A_1533 = arith.constant 15 : i32
        %broadcast_in_dim3A_1534 = vector.broadcast %broadcast_in_dim3A_1533 : i32 to vector<16xi32>
        %gather3A_1535 = tpu.vector_load_idx %arg7[%broadcast_in_dim3A_1534, %get3A_1301] : memref<32x1000xf32, #tpu.memory_space<vmem>>[vector<16xi32>, vector<16xi32>], vector<16xf32>,
        %mul3A_1536 = arith.constant 16 : i32
        %mul3A_1537 = arith.muli %scan3A_1289, %mul3A_1536 : i32
        %swap3A_1538 = arith.constant 23 : i32
        %swap3A_1539 = arith.index_cast %swap3A_1538 : i32 to index
        %swap3A_1540 = arith.index_cast %mul3A_1537 : i32 to index
        %swap3A_1541 = tpu.vector_load %arg8[%swap3A_1539, %swap3A_1540] {strides = array<i32>} : memref<64x1024xf32, #tpu.memory_space<vmem>>, vector<16xf32>,
        tpu.vector_store %arg8[%swap3A_1539, %swap3A_1540], %gather3A_1463 {strides = array<i32>} : memref<64x1024xf32, #tpu.memory_space<vmem>>, vector<16xf32>,
        %mul3A_1542 = arith.constant 16 : i32
        %mul3A_1543 = arith.muli %scan3A_1289, %mul3A_1542 : i32
        %swap3A_1544 = arith.constant 24 : i32
        %swap3A_1545 = arith.index_cast %swap3A_1544 : i32 to index
        %swap3A_1546 = arith.index_cast %mul3A_1543 : i32 to index
        %swap3A_1547 = tpu.vector_load %arg8[%swap3A_1545, %swap3A_1546] {strides = array<i32>} : memref<64x1024xf32, #tpu.memory_space<vmem>>, vector<16xf32>,
        tpu.vector_store %arg8[%swap3A_1545, %swap3A_1546], %gather3A_1472 {strides = array<i32>} : memref<64x1024xf32, #tpu.memory_space<vmem>>, vector<16xf32>,
        %mul3A_1548 = arith.constant 16 : i32
        %mul3A_1549 = arith.muli %scan3A_1289, %mul3A_1548 : i32
        %swap3A_1550 = arith.constant 25 : i32
        %swap3A_1551 = arith.index_cast %swap3A_1550 : i32 to index
        %swap3A_1552 = arith.index_cast %mul3A_1549 : i32 to index
        %swap3A_1553 = tpu.vector_load %arg8[%swap3A_1551, %swap3A_1552] {strides = array<i32>} : memref<64x1024xf32, #tpu.memory_space<vmem>>, vector<16xf32>,
        tpu.vector_store %arg8[%swap3A_1551, %swap3A_1552], %gather3A_1481 {strides = array<i32>} : memref<64x1024xf32, #tpu.memory_space<vmem>>, vector<16xf32>,
        %mul3A_1554 = arith.constant 16 : i32
        %mul3A_1555 = arith.muli %scan3A_1289, %mul3A_1554 : i32
        %swap3A_1556 = arith.constant 26 : i32
        %swap3A_1557 = arith.index_cast %swap3A_1556 : i32 to index
        %swap3A_1558 = arith.index_cast %mul3A_1555 : i32 to index
        %swap3A_1559 = tpu.vector_load %arg8[%swap3A_1557, %swap3A_1558] {strides = array<i32>} : memref<64x1024xf32, #tpu.memory_space<vmem>>, vector<16xf32>,
        tpu.vector_store %arg8[%swap3A_1557, %swap3A_1558], %gather3A_1490 {strides = array<i32>} : memref<64x1024xf32, #tpu.memory_space<vmem>>, vector<16xf32>,
        %mul3A_1560 = arith.constant 16 : i32
        %mul3A_1561 = arith.muli %scan3A_1289, %mul3A_1560 : i32
        %swap3A_1562 = arith.constant 27 : i32
        %swap3A_1563 = arith.index_cast %swap3A_1562 : i32 to index
        %swap3A_1564 = arith.index_cast %mul3A_1561 : i32 to index
        %swap3A_1565 = tpu.vector_load %arg8[%swap3A_1563, %swap3A_1564] {strides = array<i32>} : memref<64x1024xf32, #tpu.memory_space<vmem>>, vector<16xf32>,
        tpu.vector_store %arg8[%swap3A_1563, %swap3A_1564], %gather3A_1499 {strides = array<i32>} : memref<64x1024xf32, #tpu.memory_space<vmem>>, vector<16xf32>,
        %mul3A_1566 = arith.constant 16 : i32
        %mul3A_1567 = arith.muli %scan3A_1289, %mul3A_1566 : i32
        %swap3A_1568 = arith.constant 28 : i32
        %swap3A_1569 = arith.index_cast %swap3A_1568 : i32 to index
        %swap3A_1570 = arith.index_cast %mul3A_1567 : i32 to index
        %swap3A_1571 = tpu.vector_load %arg8[%swap3A_1569, %swap3A_1570] {strides = array<i32>} : memref<64x1024xf32, #tpu.memory_space<vmem>>, vector<16xf32>,
        tpu.vector_store %arg8[%swap3A_1569, %swap3A_1570], %gather3A_1508 {strides = array<i32>} : memref<64x1024xf32, #tpu.memory_space<vmem>>, vector<16xf32>,
        %mul3A_1572 = arith.constant 16 : i32
        %mul3A_1573 = arith.muli %scan3A_1289, %mul3A_1572 : i32
        %swap3A_1574 = arith.constant 29 : i32
        %swap3A_1575 = arith.index_cast %swap3A_1574 : i32 to index
        %swap3A_1576 = arith.index_cast %mul3A_1573 : i32 to index
        %swap3A_1577 = tpu.vector_load %arg8[%swap3A_1575, %swap3A_1576] {strides = array<i32>} : memref<64x1024xf32, #tpu.memory_space<vmem>>, vector<16xf32>,
        tpu.vector_store %arg8[%swap3A_1575, %swap3A_1576], %gather3A_1517 {strides = array<i32>} : memref<64x1024xf32, #tpu.memory_space<vmem>>, vector<16xf32>,
        %mul3A_1578 = arith.constant 16 : i32
        %mul3A_1579 = arith.muli %scan3A_1289, %mul3A_1578 : i32
        %swap3A_1580 = arith.constant 30 : i32
        %swap3A_1581 = arith.index_cast %swap3A_1580 : i32 to index
        %swap3A_1582 = arith.index_cast %mul3A_1579 : i32 to index
        %swap3A_1583 = tpu.vector_load %arg8[%swap3A_1581, %swap3A_1582] {strides = array<i32>} : memref<64x1024xf32, #tpu.memory_space<vmem>>, vector<16xf32>,
        tpu.vector_store %arg8[%swap3A_1581, %swap3A_1582], %gather3A_1526 {strides = array<i32>} : memref<64x1024xf32, #tpu.memory_space<vmem>>, vector<16xf32>,
        %mul3A_1584 = arith.constant 16 : i32
        %mul3A_1585 = arith.muli %scan3A_1289, %mul3A_1584 : i32
        %swap3A_1586 = arith.constant 31 : i32
        %swap3A_1587 = arith.index_cast %swap3A_1586 : i32 to index
        %swap3A_1588 = arith.index_cast %mul3A_1585 : i32 to index
        %swap3A_1589 = tpu.vector_load %arg8[%swap3A_1587, %swap3A_1588] {strides = array<i32>} : memref<64x1024xf32, #tpu.memory_space<vmem>>, vector<16xf32>,
        tpu.vector_store %arg8[%swap3A_1587, %swap3A_1588], %gather3A_1535 {strides = array<i32>} : memref<64x1024xf32, #tpu.memory_space<vmem>>, vector<16xf32>,
        %scan3A_1590 = arith.constant 0 : i32
        scf.yield %scan3A_1590 : i32
      }
      %scan3A_668 = arith.constant 64 : i32
      %mul3A_669 = arith.constant 32 : i32
      %mul3A_670 = arith.muli %mul3A_616, %mul3A_669 : i32
      %add3A_671 = arith.addi %add3A, %mul3A_670 : i32
      %jit3A_672 = arith.constant 4 : i32
      %div3A_673 = arith.divsi %add3A_671, %jit3A_672 : i32
      %sign3A_674 = arith.constant 0 : i32
      %sign3A_675 = arith.cmpi sgt, %add3A_671, %sign3A_674 : i32
      %sign3A_676 = arith.extui %sign3A_675 : i1 to i32
      %sign3A_677 = arith.constant 0 : i32
      %sign3A_678 = arith.cmpi slt, %add3A_671, %sign3A_677 : i32
      %sign3A_679 = arith.extui %sign3A_678 : i1 to i32
      %sign3A_680 = arith.subi %sign3A_676, %sign3A_679 : i32
      %sign3A_681 = arith.constant 0 : i32
      %sign3A_682 = arith.cmpi sgt, %jit3A_672, %sign3A_681 : i32
      %sign3A_683 = arith.extui %sign3A_682 : i1 to i32
      %sign3A_684 = arith.constant 0 : i32
      %sign3A_685 = arith.cmpi slt, %jit3A_672, %sign3A_684 : i32
      %sign3A_686 = arith.extui %sign3A_685 : i1 to i32
      %sign3A_687 = arith.subi %sign3A_683, %sign3A_686 : i32
      %ne3A_688 = arith.cmpi ne, %sign3A_680, %sign3A_687 : i32
      %rem3A_689 = arith.remsi %add3A_671, %jit3A_672 : i32
      %ne3A_690 = arith.constant 0 : i32
      %ne3A_691 = arith.cmpi ne, %rem3A_689, %ne3A_690 : i32
      %and3A_692 = arith.andi %ne3A_688, %ne3A_691 : i1
      %sub3A_693 = arith.constant 1 : i32
      %sub3A_694 = arith.subi %div3A_673, %sub3A_693 : i32
      %select_n3A_695 = arith.select %and3A_692, %sub3A_694, %div3A_673 : i32
      %jit3A_696 = arith.constant 4 : i32
      %eq3A_697 = arith.constant 0 : i32
      %eq3A_698 = arith.cmpi eq, %jit3A_696, %eq3A_697 : i32
      %jit3A_699 = arith.constant 1 : i32
      %select_n3A_700 = arith.select %eq3A_698, %jit3A_699, %jit3A_696 : i32
      %rem3A_701 = arith.remsi %add3A_671, %select_n3A_700 : i32
      %ne3A_702 = arith.constant 0 : i32
      %ne3A_703 = arith.cmpi ne, %rem3A_701, %ne3A_702 : i32
      %lt3A_704 = arith.constant 0 : i32
      %lt3A_705 = arith.cmpi slt, %rem3A_701, %lt3A_704 : i32
      %lt3A_706 = arith.constant 0 : i32
      %lt3A_707 = arith.cmpi slt, %select_n3A_700, %lt3A_706 : i32
      %ne3A_708 = arith.xori %lt3A_705, %lt3A_707 : i1
      %and3A_709 = arith.andi %ne3A_708, %ne3A_703 : i1
      %add3A_710 = arith.addi %rem3A_701, %select_n3A_700 : i32
      %select_n3A_711 = arith.select %and3A_709, %add3A_710, %rem3A_701 : i32
      %mul3A_712 = arith.constant 16 : i32
      %mul3A_713 = arith.muli %select_n3A_711, %mul3A_712 : i32
      %add3A_714 = arith.constant 0 : i32
      %add3A_715 = arith.addi %add3A_714, %select_n3A_695 : i32
      %dma_start3A_716 = arith.constant 0 : i32
      %dma_start3A_717 = arith.constant 0 : i32
      %dma_start3A_718 = tpu.memref_slice %arg8[%dma_start3A_716, %dma_start3A_717] : memref<64x1024xf32, #tpu.memory_space<vmem>> -> memref<16x1024xf32, #tpu.memory_space<vmem>>
      %dma_start3A_719 = arith.constant 0 : i32
      %dma_start3A_720 = tpu.memref_slice %arg4[%add3A_715, %mul3A_713, %dma_start3A_719] : memref<400x64x1024xf32, #tpu.memory_space<hbm>> -> memref<1x16x1024xf32, #tpu.memory_space<hbm>>
      %dma_start3A_721 = tpu.memref_squeeze %dma_start3A_720 : memref<1x16x1024xf32, #tpu.memory_space<hbm>> -> memref<16x1024xf32, #tpu.memory_space<hbm>>
      %dma_start3A_722 = arith.constant 0 : i32
      %dma_start3A_723 = tpu.memref_slice %arg4[%add3A_715, %mul3A_713, %dma_start3A_722] : memref<400x64x1024xf32, #tpu.memory_space<hbm>> -> memref<1x16x1024xf32, #tpu.memory_space<hbm>>
      %dma_start3A_724 = tpu.memref_squeeze %dma_start3A_723 : memref<1x16x1024xf32, #tpu.memory_space<hbm>> -> memref<16x1024xf32, #tpu.memory_space<hbm>>
      %dma_start3A_725 = arith.constant 0 : i32
      %dma_start3A_726 = arith.constant 0 : i32
      %dma_start3A_727 = tpu.memref_slice %arg8[%dma_start3A_725, %dma_start3A_726] : memref<64x1024xf32, #tpu.memory_space<vmem>> -> memref<16x1024xf32, #tpu.memory_space<vmem>>
      tpu.enqueue_dma source(%dma_start3A_727 : memref<16x1024xf32, #tpu.memory_space<vmem>>) target(%dma_start3A_724 : memref<16x1024xf32, #tpu.memory_space<hbm>>) target_semaphore(%arg11 : memref<!tpu.dma_semaphore, #tpu.memory_space<semaphore_mem>>)
      %add3A_728 = arith.constant 200 : i32
      %add3A_729 = arith.addi %add3A_728, %select_n3A_695 : i32
      %dma_start3A_730 = arith.constant 16 : i32
      %dma_start3A_731 = arith.constant 0 : i32
      %dma_start3A_732 = tpu.memref_slice %arg8[%dma_start3A_730, %dma_start3A_731] : memref<64x1024xf32, #tpu.memory_space<vmem>> -> memref<16x1024xf32, #tpu.memory_space<vmem>>
      %dma_start3A_733 = arith.constant 0 : i32
      %dma_start3A_734 = tpu.memref_slice %arg4[%add3A_729, %mul3A_713, %dma_start3A_733] : memref<400x64x1024xf32, #tpu.memory_space<hbm>> -> memref<1x16x1024xf32, #tpu.memory_space<hbm>>
      %dma_start3A_735 = tpu.memref_squeeze %dma_start3A_734 : memref<1x16x1024xf32, #tpu.memory_space<hbm>> -> memref<16x1024xf32, #tpu.memory_space<hbm>>
      %dma_start3A_736 = arith.constant 0 : i32
      %dma_start3A_737 = tpu.memref_slice %arg4[%add3A_729, %mul3A_713, %dma_start3A_736] : memref<400x64x1024xf32, #tpu.memory_space<hbm>> -> memref<1x16x1024xf32, #tpu.memory_space<hbm>>
      %dma_start3A_738 = tpu.memref_squeeze %dma_start3A_737 : memref<1x16x1024xf32, #tpu.memory_space<hbm>> -> memref<16x1024xf32, #tpu.memory_space<hbm>>
      %dma_start3A_739 = arith.constant 16 : i32
      %dma_start3A_740 = arith.constant 0 : i32
      %dma_start3A_741 = tpu.memref_slice %arg8[%dma_start3A_739, %dma_start3A_740] : memref<64x1024xf32, #tpu.memory_space<vmem>> -> memref<16x1024xf32, #tpu.memory_space<vmem>>
      tpu.enqueue_dma source(%dma_start3A_741 : memref<16x1024xf32, #tpu.memory_space<vmem>>) target(%dma_start3A_738 : memref<16x1024xf32, #tpu.memory_space<hbm>>) target_semaphore(%arg11 : memref<!tpu.dma_semaphore, #tpu.memory_space<semaphore_mem>>)
      %add3A_742 = arith.constant 2 : i32
      %add3A_743 = arith.addi %mul3A_616, %add3A_742 : i32
      %mul3A_744 = arith.constant 32 : i32
      %mul3A_745 = arith.muli %add3A_743, %mul3A_744 : i32
      %add3A_746 = arith.addi %add3A, %mul3A_745 : i32
      %jit3A_747 = arith.constant 4 : i32
      %div3A_748 = arith.divsi %add3A_746, %jit3A_747 : i32
      %sign3A_749 = arith.constant 0 : i32
      %sign3A_750 = arith.cmpi sgt, %add3A_746, %sign3A_749 : i32
      %sign3A_751 = arith.extui %sign3A_750 : i1 to i32
      %sign3A_752 = arith.constant 0 : i32
      %sign3A_753 = arith.cmpi slt, %add3A_746, %sign3A_752 : i32
      %sign3A_754 = arith.extui %sign3A_753 : i1 to i32
      %sign3A_755 = arith.subi %sign3A_751, %sign3A_754 : i32
      %sign3A_756 = arith.constant 0 : i32
      %sign3A_757 = arith.cmpi sgt, %jit3A_747, %sign3A_756 : i32
      %sign3A_758 = arith.extui %sign3A_757 : i1 to i32
      %sign3A_759 = arith.constant 0 : i32
      %sign3A_760 = arith.cmpi slt, %jit3A_747, %sign3A_759 : i32
      %sign3A_761 = arith.extui %sign3A_760 : i1 to i32
      %sign3A_762 = arith.subi %sign3A_758, %sign3A_761 : i32
      %ne3A_763 = arith.cmpi ne, %sign3A_755, %sign3A_762 : i32
      %rem3A_764 = arith.remsi %add3A_746, %jit3A_747 : i32
      %ne3A_765 = arith.constant 0 : i32
      %ne3A_766 = arith.cmpi ne, %rem3A_764, %ne3A_765 : i32
      %and3A_767 = arith.andi %ne3A_763, %ne3A_766 : i1
      %sub3A_768 = arith.constant 1 : i32
      %sub3A_769 = arith.subi %div3A_748, %sub3A_768 : i32
      %select_n3A_770 = arith.select %and3A_767, %sub3A_769, %div3A_748 : i32
      %jit3A_771 = arith.constant 4 : i32
      %eq3A_772 = arith.constant 0 : i32
      %eq3A_773 = arith.cmpi eq, %jit3A_771, %eq3A_772 : i32
      %jit3A_774 = arith.constant 1 : i32
      %select_n3A_775 = arith.select %eq3A_773, %jit3A_774, %jit3A_771 : i32
      %rem3A_776 = arith.remsi %add3A_746, %select_n3A_775 : i32
      %ne3A_777 = arith.constant 0 : i32
      %ne3A_778 = arith.cmpi ne, %rem3A_776, %ne3A_777 : i32
      %lt3A_779 = arith.constant 0 : i32
      %lt3A_780 = arith.cmpi slt, %rem3A_776, %lt3A_779 : i32
      %lt3A_781 = arith.constant 0 : i32
      %lt3A_782 = arith.cmpi slt, %select_n3A_775, %lt3A_781 : i32
      %ne3A_783 = arith.xori %lt3A_780, %lt3A_782 : i1
      %and3A_784 = arith.andi %ne3A_783, %ne3A_778 : i1
      %add3A_785 = arith.addi %rem3A_776, %select_n3A_775 : i32
      %select_n3A_786 = arith.select %and3A_784, %add3A_785, %rem3A_776 : i32
      %mul3A_787 = arith.constant 16 : i32
      %mul3A_788 = arith.muli %select_n3A_786, %mul3A_787 : i32
      %dma_start3A_789 = arith.constant 0 : i32
      %dma_start3A_790 = arith.constant 0 : i32
      %dma_start3A_791 = tpu.memref_slice %arg7[%dma_start3A_789, %dma_start3A_790] : memref<32x1000xf32, #tpu.memory_space<vmem>> -> memref<16x1000xf32, #tpu.memory_space<vmem>>
      %dma_start3A_792 = arith.constant 0 : i32
      %dma_start3A_793 = tpu.memref_slice %arg3[%select_n3A_770, %mul3A_788, %dma_start3A_792] : memref<200x64x1000xf32, #tpu.memory_space<hbm>> -> memref<1x16x1000xf32, #tpu.memory_space<hbm>>
      %dma_start3A_794 = tpu.memref_squeeze %dma_start3A_793 : memref<1x16x1000xf32, #tpu.memory_space<hbm>> -> memref<16x1000xf32, #tpu.memory_space<hbm>>
      %dma_start3A_795 = arith.constant 0 : i32
      %dma_start3A_796 = arith.constant 0 : i32
      %dma_start3A_797 = tpu.memref_slice %arg7[%dma_start3A_795, %dma_start3A_796] : memref<32x1000xf32, #tpu.memory_space<vmem>> -> memref<16x1000xf32, #tpu.memory_space<vmem>>
      %dma_start3A_798 = arith.constant 0 : i32
      %dma_start3A_799 = tpu.memref_slice %arg3[%select_n3A_770, %mul3A_788, %dma_start3A_798] : memref<200x64x1000xf32, #tpu.memory_space<hbm>> -> memref<1x16x1000xf32, #tpu.memory_space<hbm>>
      %dma_start3A_800 = tpu.memref_squeeze %dma_start3A_799 : memref<1x16x1000xf32, #tpu.memory_space<hbm>> -> memref<16x1000xf32, #tpu.memory_space<hbm>>
      tpu.enqueue_dma source(%dma_start3A_800 : memref<16x1000xf32, #tpu.memory_space<hbm>>) target(%dma_start3A_797 : memref<16x1000xf32, #tpu.memory_space<vmem>>) target_semaphore(%arg9 : memref<!tpu.dma_semaphore, #tpu.memory_space<semaphore_mem>>)
      %dma_wait3A_801 = arith.constant 0 : i32
      %dma_wait3A_802 = arith.constant 32 : i32
      %dma_wait3A_803 = arith.constant 0 : i32
      %dma_wait3A_804 = tpu.memref_slice %arg8[%dma_wait3A_802, %dma_wait3A_803] : memref<64x1024xf32, #tpu.memory_space<vmem>> -> memref<16x1024xf32, #tpu.memory_space<vmem>>
      %dma_wait3A_805 = arith.constant 0 : i32
      %dma_wait3A_806 = arith.constant 0 : i32
      %dma_wait3A_807 = tpu.memref_slice %arg4[%dma_wait3A_801, %dma_wait3A_805, %dma_wait3A_806] : memref<400x64x1024xf32, #tpu.memory_space<hbm>> -> memref<1x16x1024xf32, #tpu.memory_space<hbm>>
      %dma_wait3A_808 = tpu.memref_squeeze %dma_wait3A_807 : memref<1x16x1024xf32, #tpu.memory_space<hbm>> -> memref<16x1024xf32, #tpu.memory_space<hbm>>
      %dma_wait3A_809 = arith.constant 0 : i32
      %dma_wait3A_810 = arith.constant 0 : i32
      %dma_wait3A_811 = tpu.memref_slice %arg4[%dma_wait3A_801, %dma_wait3A_809, %dma_wait3A_810] : memref<400x64x1024xf32, #tpu.memory_space<hbm>> -> memref<1x16x1024xf32, #tpu.memory_space<hbm>>
      %dma_wait3A_812 = tpu.memref_squeeze %dma_wait3A_811 : memref<1x16x1024xf32, #tpu.memory_space<hbm>> -> memref<16x1024xf32, #tpu.memory_space<hbm>>
      %dma_wait3A_813 = arith.constant 32 : i32
      %dma_wait3A_814 = arith.constant 0 : i32
      %dma_wait3A_815 = tpu.memref_slice %arg8[%dma_wait3A_813, %dma_wait3A_814] : memref<64x1024xf32, #tpu.memory_space<vmem>> -> memref<16x1024xf32, #tpu.memory_space<vmem>>
      tpu.wait_dma2 semaphore(%arg12 : memref<!tpu.dma_semaphore, #tpu.memory_space<semaphore_mem>>) src(%dma_wait3A_815 : memref<16x1024xf32, #tpu.memory_space<vmem>>) dst(%dma_wait3A_812 : memref<16x1024xf32, #tpu.memory_space<hbm>>)
      %dma_wait3A_816 = arith.constant 0 : i32
      %dma_wait3A_817 = arith.constant 48 : i32
      %dma_wait3A_818 = arith.constant 0 : i32
      %dma_wait3A_819 = tpu.memref_slice %arg8[%dma_wait3A_817, %dma_wait3A_818] : memref<64x1024xf32, #tpu.memory_space<vmem>> -> memref<16x1024xf32, #tpu.memory_space<vmem>>
      %dma_wait3A_820 = arith.constant 0 : i32
      %dma_wait3A_821 = arith.constant 0 : i32
      %dma_wait3A_822 = tpu.memref_slice %arg4[%dma_wait3A_816, %dma_wait3A_820, %dma_wait3A_821] : memref<400x64x1024xf32, #tpu.memory_space<hbm>> -> memref<1x16x1024xf32, #tpu.memory_space<hbm>>
      %dma_wait3A_823 = tpu.memref_squeeze %dma_wait3A_822 : memref<1x16x1024xf32, #tpu.memory_space<hbm>> -> memref<16x1024xf32, #tpu.memory_space<hbm>>
      %dma_wait3A_824 = arith.constant 0 : i32
      %dma_wait3A_825 = arith.constant 0 : i32
      %dma_wait3A_826 = tpu.memref_slice %arg4[%dma_wait3A_816, %dma_wait3A_824, %dma_wait3A_825] : memref<400x64x1024xf32, #tpu.memory_space<hbm>> -> memref<1x16x1024xf32, #tpu.memory_space<hbm>>
      %dma_wait3A_827 = tpu.memref_squeeze %dma_wait3A_826 : memref<1x16x1024xf32, #tpu.memory_space<hbm>> -> memref<16x1024xf32, #tpu.memory_space<hbm>>
      %dma_wait3A_828 = arith.constant 48 : i32
      %dma_wait3A_829 = arith.constant 0 : i32
      %dma_wait3A_830 = tpu.memref_slice %arg8[%dma_wait3A_828, %dma_wait3A_829] : memref<64x1024xf32, #tpu.memory_space<vmem>> -> memref<16x1024xf32, #tpu.memory_space<vmem>>
      tpu.wait_dma2 semaphore(%arg12 : memref<!tpu.dma_semaphore, #tpu.memory_space<semaphore_mem>>) src(%dma_wait3A_830 : memref<16x1024xf32, #tpu.memory_space<vmem>>) dst(%dma_wait3A_827 : memref<16x1024xf32, #tpu.memory_space<hbm>>)
      %dma_wait3A_831 = arith.constant 0 : i32
      %dma_wait3A_832 = arith.constant 16 : i32
      %dma_wait3A_833 = arith.constant 0 : i32
      %dma_wait3A_834 = tpu.memref_slice %arg7[%dma_wait3A_832, %dma_wait3A_833] : memref<32x1000xf32, #tpu.memory_space<vmem>> -> memref<16x1000xf32, #tpu.memory_space<vmem>>
      %dma_wait3A_835 = arith.constant 0 : i32
      %dma_wait3A_836 = arith.constant 0 : i32
      %dma_wait3A_837 = tpu.memref_slice %arg3[%dma_wait3A_831, %dma_wait3A_835, %dma_wait3A_836] : memref<200x64x1000xf32, #tpu.memory_space<hbm>> -> memref<1x16x1000xf32, #tpu.memory_space<hbm>>
      %dma_wait3A_838 = tpu.memref_squeeze %dma_wait3A_837 : memref<1x16x1000xf32, #tpu.memory_space<hbm>> -> memref<16x1000xf32, #tpu.memory_space<hbm>>
      %dma_wait3A_839 = arith.constant 16 : i32
      %dma_wait3A_840 = arith.constant 0 : i32
      %dma_wait3A_841 = tpu.memref_slice %arg7[%dma_wait3A_839, %dma_wait3A_840] : memref<32x1000xf32, #tpu.memory_space<vmem>> -> memref<16x1000xf32, #tpu.memory_space<vmem>>
      %dma_wait3A_842 = arith.constant 0 : i32
      %dma_wait3A_843 = arith.constant 0 : i32
      %dma_wait3A_844 = tpu.memref_slice %arg3[%dma_wait3A_831, %dma_wait3A_842, %dma_wait3A_843] : memref<200x64x1000xf32, #tpu.memory_space<hbm>> -> memref<1x16x1000xf32, #tpu.memory_space<hbm>>
      %dma_wait3A_845 = tpu.memref_squeeze %dma_wait3A_844 : memref<1x16x1000xf32, #tpu.memory_space<hbm>> -> memref<16x1000xf32, #tpu.memory_space<hbm>>
      tpu.wait_dma2 semaphore(%arg10 : memref<!tpu.dma_semaphore, #tpu.memory_space<semaphore_mem>>) src(%dma_wait3A_845 : memref<16x1000xf32, #tpu.memory_space<hbm>>) dst(%dma_wait3A_841 : memref<16x1000xf32, #tpu.memory_space<vmem>>)
      %scan3A_846 = arith.constant 0 : i32
      %scan3A_847 = arith.constant 0 : i32
      %scan3A_848 = arith.constant 64 : i32
      %scan3A_849 = arith.addi %scan3A_847, %scan3A_848 : i32
      %scan3A_850 = arith.constant 2 : i32
      %scan3A_851 = scf.for %scan3A_989 = %scan3A_847 to %scan3A_849 step %scan3A_850 iter_args(%scan3A_990 = %scan3A_846) -> (i32)  : i32 {
        %mul3A_991 = arith.constant 16 : i32
        %mul3A_992 = arith.muli %scan3A_989, %mul3A_991 : i32
        %add3A_993 = arith.constant 0 : i32
        %add3A_994 = arith.addi %add3A_993, %mul3A_992 : i32
        %get3A = arith.index_cast %add3A_994 : i32 to index
        %get3A_995 = tpu.vector_load %arg6[%get3A] {strides = array<i32>} : memref<2048xi32, #tpu.memory_space<vmem>>, vector<16xi32>,
        %mul3A_996 = arith.constant 16 : i32
        %mul3A_997 = arith.muli %scan3A_989, %mul3A_996 : i32
        %add3A_998 = arith.constant 1024 : i32
        %add3A_999 = arith.addi %add3A_998, %mul3A_997 : i32
        %get3A_1000 = arith.index_cast %add3A_999 : i32 to index
        %get3A_1001 = tpu.vector_load %arg6[%get3A_1000] {strides = array<i32>} : memref<2048xi32, #tpu.memory_space<vmem>>, vector<16xi32>,
        %broadcast_in_dim3A = arith.constant 16 : i32
        %broadcast_in_dim3A_1002 = vector.broadcast %broadcast_in_dim3A : i32 to vector<16xi32>
        %gather3A = tpu.vector_load_idx %arg7[%broadcast_in_dim3A_1002, %get3A_995] : memref<32x1000xf32, #tpu.memory_space<vmem>>[vector<16xi32>, vector<16xi32>], vector<16xf32>,
        %broadcast_in_dim3A_1003 = arith.constant 17 : i32
        %broadcast_in_dim3A_1004 = vector.broadcast %broadcast_in_dim3A_1003 : i32 to vector<16xi32>
        %gather3A_1005 = tpu.vector_load_idx %arg7[%broadcast_in_dim3A_1004, %get3A_995] : memref<32x1000xf32, #tpu.memory_space<vmem>>[vector<16xi32>, vector<16xi32>], vector<16xf32>,
        %broadcast_in_dim3A_1006 = arith.constant 18 : i32
        %broadcast_in_dim3A_1007 = vector.broadcast %broadcast_in_dim3A_1006 : i32 to vector<16xi32>
        %gather3A_1008 = tpu.vector_load_idx %arg7[%broadcast_in_dim3A_1007, %get3A_995] : memref<32x1000xf32, #tpu.memory_space<vmem>>[vector<16xi32>, vector<16xi32>], vector<16xf32>,
        %broadcast_in_dim3A_1009 = arith.constant 19 : i32
        %broadcast_in_dim3A_1010 = vector.broadcast %broadcast_in_dim3A_1009 : i32 to vector<16xi32>
        %gather3A_1011 = tpu.vector_load_idx %arg7[%broadcast_in_dim3A_1010, %get3A_995] : memref<32x1000xf32, #tpu.memory_space<vmem>>[vector<16xi32>, vector<16xi32>], vector<16xf32>,
        %broadcast_in_dim3A_1012 = arith.constant 20 : i32
        %broadcast_in_dim3A_1013 = vector.broadcast %broadcast_in_dim3A_1012 : i32 to vector<16xi32>
        %gather3A_1014 = tpu.vector_load_idx %arg7[%broadcast_in_dim3A_1013, %get3A_995] : memref<32x1000xf32, #tpu.memory_space<vmem>>[vector<16xi32>, vector<16xi32>], vector<16xf32>,
        %broadcast_in_dim3A_1015 = arith.constant 21 : i32
        %broadcast_in_dim3A_1016 = vector.broadcast %broadcast_in_dim3A_1015 : i32 to vector<16xi32>
        %gather3A_1017 = tpu.vector_load_idx %arg7[%broadcast_in_dim3A_1016, %get3A_995] : memref<32x1000xf32, #tpu.memory_space<vmem>>[vector<16xi32>, vector<16xi32>], vector<16xf32>,
        %broadcast_in_dim3A_1018 = arith.constant 22 : i32
        %broadcast_in_dim3A_1019 = vector.broadcast %broadcast_in_dim3A_1018 : i32 to vector<16xi32>
        %gather3A_1020 = tpu.vector_load_idx %arg7[%broadcast_in_dim3A_1019, %get3A_995] : memref<32x1000xf32, #tpu.memory_space<vmem>>[vector<16xi32>, vector<16xi32>], vector<16xf32>,
        %broadcast_in_dim3A_1021 = arith.constant 23 : i32
        %broadcast_in_dim3A_1022 = vector.broadcast %broadcast_in_dim3A_1021 : i32 to vector<16xi32>
        %gather3A_1023 = tpu.vector_load_idx %arg7[%broadcast_in_dim3A_1022, %get3A_995] : memref<32x1000xf32, #tpu.memory_space<vmem>>[vector<16xi32>, vector<16xi32>], vector<16xf32>,
        %broadcast_in_dim3A_1024 = arith.constant 24 : i32
        %broadcast_in_dim3A_1025 = vector.broadcast %broadcast_in_dim3A_1024 : i32 to vector<16xi32>
        %gather3A_1026 = tpu.vector_load_idx %arg7[%broadcast_in_dim3A_1025, %get3A_995] : memref<32x1000xf32, #tpu.memory_space<vmem>>[vector<16xi32>, vector<16xi32>], vector<16xf32>,
        %mul3A_1027 = arith.constant 16 : i32
        %mul3A_1028 = arith.muli %scan3A_989, %mul3A_1027 : i32
        %swap3A = arith.constant 32 : i32
        %swap3A_1029 = arith.index_cast %swap3A : i32 to index
        %swap3A_1030 = arith.index_cast %mul3A_1028 : i32 to index
        %swap3A_1031 = tpu.vector_load %arg8[%swap3A_1029, %swap3A_1030] {strides = array<i32>} : memref<64x1024xf32, #tpu.memory_space<vmem>>, vector<16xf32>,
        tpu.vector_store %arg8[%swap3A_1029, %swap3A_1030], %gather3A {strides = array<i32>} : memref<64x1024xf32, #tpu.memory_space<vmem>>, vector<16xf32>,
        %broadcast_in_dim3A_1032 = arith.constant 25 : i32
        %broadcast_in_dim3A_1033 = vector.broadcast %broadcast_in_dim3A_1032 : i32 to vector<16xi32>
        %gather3A_1034 = tpu.vector_load_idx %arg7[%broadcast_in_dim3A_1033, %get3A_995] : memref<32x1000xf32, #tpu.memory_space<vmem>>[vector<16xi32>, vector<16xi32>], vector<16xf32>,
        %mul3A_1035 = arith.constant 16 : i32
        %mul3A_1036 = arith.muli %scan3A_989, %mul3A_1035 : i32
        %swap3A_1037 = arith.constant 33 : i32
        %swap3A_1038 = arith.index_cast %swap3A_1037 : i32 to index
        %swap3A_1039 = arith.index_cast %mul3A_1036 : i32 to index
        %swap3A_1040 = tpu.vector_load %arg8[%swap3A_1038, %swap3A_1039] {strides = array<i32>} : memref<64x1024xf32, #tpu.memory_space<vmem>>, vector<16xf32>,
        tpu.vector_store %arg8[%swap3A_1038, %swap3A_1039], %gather3A_1005 {strides = array<i32>} : memref<64x1024xf32, #tpu.memory_space<vmem>>, vector<16xf32>,
        %broadcast_in_dim3A_1041 = arith.constant 26 : i32
        %broadcast_in_dim3A_1042 = vector.broadcast %broadcast_in_dim3A_1041 : i32 to vector<16xi32>
        %gather3A_1043 = tpu.vector_load_idx %arg7[%broadcast_in_dim3A_1042, %get3A_995] : memref<32x1000xf32, #tpu.memory_space<vmem>>[vector<16xi32>, vector<16xi32>], vector<16xf32>,
        %mul3A_1044 = arith.constant 16 : i32
        %mul3A_1045 = arith.muli %scan3A_989, %mul3A_1044 : i32
        %swap3A_1046 = arith.constant 34 : i32
        %swap3A_1047 = arith.index_cast %swap3A_1046 : i32 to index
        %swap3A_1048 = arith.index_cast %mul3A_1045 : i32 to index
        %swap3A_1049 = tpu.vector_load %arg8[%swap3A_1047, %swap3A_1048] {strides = array<i32>} : memref<64x1024xf32, #tpu.memory_space<vmem>>, vector<16xf32>,
        tpu.vector_store %arg8[%swap3A_1047, %swap3A_1048], %gather3A_1008 {strides = array<i32>} : memref<64x1024xf32, #tpu.memory_space<vmem>>, vector<16xf32>,
        %broadcast_in_dim3A_1050 = arith.constant 27 : i32
        %broadcast_in_dim3A_1051 = vector.broadcast %broadcast_in_dim3A_1050 : i32 to vector<16xi32>
        %gather3A_1052 = tpu.vector_load_idx %arg7[%broadcast_in_dim3A_1051, %get3A_995] : memref<32x1000xf32, #tpu.memory_space<vmem>>[vector<16xi32>, vector<16xi32>], vector<16xf32>,
        %mul3A_1053 = arith.constant 16 : i32
        %mul3A_1054 = arith.muli %scan3A_989, %mul3A_1053 : i32
        %swap3A_1055 = arith.constant 35 : i32
        %swap3A_1056 = arith.index_cast %swap3A_1055 : i32 to index
        %swap3A_1057 = arith.index_cast %mul3A_1054 : i32 to index
        %swap3A_1058 = tpu.vector_load %arg8[%swap3A_1056, %swap3A_1057] {strides = array<i32>} : memref<64x1024xf32, #tpu.memory_space<vmem>>, vector<16xf32>,
        tpu.vector_store %arg8[%swap3A_1056, %swap3A_1057], %gather3A_1011 {strides = array<i32>} : memref<64x1024xf32, #tpu.memory_space<vmem>>, vector<16xf32>,
        %broadcast_in_dim3A_1059 = arith.constant 28 : i32
        %broadcast_in_dim3A_1060 = vector.broadcast %broadcast_in_dim3A_1059 : i32 to vector<16xi32>
        %gather3A_1061 = tpu.vector_load_idx %arg7[%broadcast_in_dim3A_1060, %get3A_995] : memref<32x1000xf32, #tpu.memory_space<vmem>>[vector<16xi32>, vector<16xi32>], vector<16xf32>,
        %mul3A_1062 = arith.constant 16 : i32
        %mul3A_1063 = arith.muli %scan3A_989, %mul3A_1062 : i32
        %swap3A_1064 = arith.constant 36 : i32
        %swap3A_1065 = arith.index_cast %swap3A_1064 : i32 to index
        %swap3A_1066 = arith.index_cast %mul3A_1063 : i32 to index
        %swap3A_1067 = tpu.vector_load %arg8[%swap3A_1065, %swap3A_1066] {strides = array<i32>} : memref<64x1024xf32, #tpu.memory_space<vmem>>, vector<16xf32>,
        tpu.vector_store %arg8[%swap3A_1065, %swap3A_1066], %gather3A_1014 {strides = array<i32>} : memref<64x1024xf32, #tpu.memory_space<vmem>>, vector<16xf32>,
        %broadcast_in_dim3A_1068 = arith.constant 29 : i32
        %broadcast_in_dim3A_1069 = vector.broadcast %broadcast_in_dim3A_1068 : i32 to vector<16xi32>
        %gather3A_1070 = tpu.vector_load_idx %arg7[%broadcast_in_dim3A_1069, %get3A_995] : memref<32x1000xf32, #tpu.memory_space<vmem>>[vector<16xi32>, vector<16xi32>], vector<16xf32>,
        %mul3A_1071 = arith.constant 16 : i32
        %mul3A_1072 = arith.muli %scan3A_989, %mul3A_1071 : i32
        %swap3A_1073 = arith.constant 37 : i32
        %swap3A_1074 = arith.index_cast %swap3A_1073 : i32 to index
        %swap3A_1075 = arith.index_cast %mul3A_1072 : i32 to index
        %swap3A_1076 = tpu.vector_load %arg8[%swap3A_1074, %swap3A_1075] {strides = array<i32>} : memref<64x1024xf32, #tpu.memory_space<vmem>>, vector<16xf32>,
        tpu.vector_store %arg8[%swap3A_1074, %swap3A_1075], %gather3A_1017 {strides = array<i32>} : memref<64x1024xf32, #tpu.memory_space<vmem>>, vector<16xf32>,
        %broadcast_in_dim3A_1077 = arith.constant 30 : i32
        %broadcast_in_dim3A_1078 = vector.broadcast %broadcast_in_dim3A_1077 : i32 to vector<16xi32>
        %gather3A_1079 = tpu.vector_load_idx %arg7[%broadcast_in_dim3A_1078, %get3A_995] : memref<32x1000xf32, #tpu.memory_space<vmem>>[vector<16xi32>, vector<16xi32>], vector<16xf32>,
        %mul3A_1080 = arith.constant 16 : i32
        %mul3A_1081 = arith.muli %scan3A_989, %mul3A_1080 : i32
        %swap3A_1082 = arith.constant 38 : i32
        %swap3A_1083 = arith.index_cast %swap3A_1082 : i32 to index
        %swap3A_1084 = arith.index_cast %mul3A_1081 : i32 to index
        %swap3A_1085 = tpu.vector_load %arg8[%swap3A_1083, %swap3A_1084] {strides = array<i32>} : memref<64x1024xf32, #tpu.memory_space<vmem>>, vector<16xf32>,
        tpu.vector_store %arg8[%swap3A_1083, %swap3A_1084], %gather3A_1020 {strides = array<i32>} : memref<64x1024xf32, #tpu.memory_space<vmem>>, vector<16xf32>,
        %broadcast_in_dim3A_1086 = arith.constant 31 : i32
        %broadcast_in_dim3A_1087 = vector.broadcast %broadcast_in_dim3A_1086 : i32 to vector<16xi32>
        %gather3A_1088 = tpu.vector_load_idx %arg7[%broadcast_in_dim3A_1087, %get3A_995] : memref<32x1000xf32, #tpu.memory_space<vmem>>[vector<16xi32>, vector<16xi32>], vector<16xf32>,
        %mul3A_1089 = arith.constant 16 : i32
        %mul3A_1090 = arith.muli %scan3A_989, %mul3A_1089 : i32
        %swap3A_1091 = arith.constant 39 : i32
        %swap3A_1092 = arith.index_cast %swap3A_1091 : i32 to index
        %swap3A_1093 = arith.index_cast %mul3A_1090 : i32 to index
        %swap3A_1094 = tpu.vector_load %arg8[%swap3A_1092, %swap3A_1093] {strides = array<i32>} : memref<64x1024xf32, #tpu.memory_space<vmem>>, vector<16xf32>,
        tpu.vector_store %arg8[%swap3A_1092, %swap3A_1093], %gather3A_1023 {strides = array<i32>} : memref<64x1024xf32, #tpu.memory_space<vmem>>, vector<16xf32>,
        %broadcast_in_dim3A_1095 = arith.constant 16 : i32
        %broadcast_in_dim3A_1096 = vector.broadcast %broadcast_in_dim3A_1095 : i32 to vector<16xi32>
        %gather3A_1097 = tpu.vector_load_idx %arg7[%broadcast_in_dim3A_1096, %get3A_1001] : memref<32x1000xf32, #tpu.memory_space<vmem>>[vector<16xi32>, vector<16xi32>], vector<16xf32>,
        %mul3A_1098 = arith.constant 16 : i32
        %mul3A_1099 = arith.muli %scan3A_989, %mul3A_1098 : i32
        %swap3A_1100 = arith.constant 40 : i32
        %swap3A_1101 = arith.index_cast %swap3A_1100 : i32 to index
        %swap3A_1102 = arith.index_cast %mul3A_1099 : i32 to index
        %swap3A_1103 = tpu.vector_load %arg8[%swap3A_1101, %swap3A_1102] {strides = array<i32>} : memref<64x1024xf32, #tpu.memory_space<vmem>>, vector<16xf32>,
        tpu.vector_store %arg8[%swap3A_1101, %swap3A_1102], %gather3A_1026 {strides = array<i32>} : memref<64x1024xf32, #tpu.memory_space<vmem>>, vector<16xf32>,
        %broadcast_in_dim3A_1104 = arith.constant 17 : i32
        %broadcast_in_dim3A_1105 = vector.broadcast %broadcast_in_dim3A_1104 : i32 to vector<16xi32>
        %gather3A_1106 = tpu.vector_load_idx %arg7[%broadcast_in_dim3A_1105, %get3A_1001] : memref<32x1000xf32, #tpu.memory_space<vmem>>[vector<16xi32>, vector<16xi32>], vector<16xf32>,
        %mul3A_1107 = arith.constant 16 : i32
        %mul3A_1108 = arith.muli %scan3A_989, %mul3A_1107 : i32
        %swap3A_1109 = arith.constant 41 : i32
        %swap3A_1110 = arith.index_cast %swap3A_1109 : i32 to index
        %swap3A_1111 = arith.index_cast %mul3A_1108 : i32 to index
        %swap3A_1112 = tpu.vector_load %arg8[%swap3A_1110, %swap3A_1111] {strides = array<i32>} : memref<64x1024xf32, #tpu.memory_space<vmem>>, vector<16xf32>,
        tpu.vector_store %arg8[%swap3A_1110, %swap3A_1111], %gather3A_1034 {strides = array<i32>} : memref<64x1024xf32, #tpu.memory_space<vmem>>, vector<16xf32>,
        %broadcast_in_dim3A_1113 = arith.constant 18 : i32
        %broadcast_in_dim3A_1114 = vector.broadcast %broadcast_in_dim3A_1113 : i32 to vector<16xi32>
        %gather3A_1115 = tpu.vector_load_idx %arg7[%broadcast_in_dim3A_1114, %get3A_1001] : memref<32x1000xf32, #tpu.memory_space<vmem>>[vector<16xi32>, vector<16xi32>], vector<16xf32>,
        %mul3A_1116 = arith.constant 16 : i32
        %mul3A_1117 = arith.muli %scan3A_989, %mul3A_1116 : i32
        %swap3A_1118 = arith.constant 42 : i32
        %swap3A_1119 = arith.index_cast %swap3A_1118 : i32 to index
        %swap3A_1120 = arith.index_cast %mul3A_1117 : i32 to index
        %swap3A_1121 = tpu.vector_load %arg8[%swap3A_1119, %swap3A_1120] {strides = array<i32>} : memref<64x1024xf32, #tpu.memory_space<vmem>>, vector<16xf32>,
        tpu.vector_store %arg8[%swap3A_1119, %swap3A_1120], %gather3A_1043 {strides = array<i32>} : memref<64x1024xf32, #tpu.memory_space<vmem>>, vector<16xf32>,
        %broadcast_in_dim3A_1122 = arith.constant 19 : i32
        %broadcast_in_dim3A_1123 = vector.broadcast %broadcast_in_dim3A_1122 : i32 to vector<16xi32>
        %gather3A_1124 = tpu.vector_load_idx %arg7[%broadcast_in_dim3A_1123, %get3A_1001] : memref<32x1000xf32, #tpu.memory_space<vmem>>[vector<16xi32>, vector<16xi32>], vector<16xf32>,
        %mul3A_1125 = arith.constant 16 : i32
        %mul3A_1126 = arith.muli %scan3A_989, %mul3A_1125 : i32
        %swap3A_1127 = arith.constant 43 : i32
        %swap3A_1128 = arith.index_cast %swap3A_1127 : i32 to index
        %swap3A_1129 = arith.index_cast %mul3A_1126 : i32 to index
        %swap3A_1130 = tpu.vector_load %arg8[%swap3A_1128, %swap3A_1129] {strides = array<i32>} : memref<64x1024xf32, #tpu.memory_space<vmem>>, vector<16xf32>,
        tpu.vector_store %arg8[%swap3A_1128, %swap3A_1129], %gather3A_1052 {strides = array<i32>} : memref<64x1024xf32, #tpu.memory_space<vmem>>, vector<16xf32>,
        %broadcast_in_dim3A_1131 = arith.constant 20 : i32
        %broadcast_in_dim3A_1132 = vector.broadcast %broadcast_in_dim3A_1131 : i32 to vector<16xi32>
        %gather3A_1133 = tpu.vector_load_idx %arg7[%broadcast_in_dim3A_1132, %get3A_1001] : memref<32x1000xf32, #tpu.memory_space<vmem>>[vector<16xi32>, vector<16xi32>], vector<16xf32>,
        %mul3A_1134 = arith.constant 16 : i32
        %mul3A_1135 = arith.muli %scan3A_989, %mul3A_1134 : i32
        %swap3A_1136 = arith.constant 44 : i32
        %swap3A_1137 = arith.index_cast %swap3A_1136 : i32 to index
        %swap3A_1138 = arith.index_cast %mul3A_1135 : i32 to index
        %swap3A_1139 = tpu.vector_load %arg8[%swap3A_1137, %swap3A_1138] {strides = array<i32>} : memref<64x1024xf32, #tpu.memory_space<vmem>>, vector<16xf32>,
        tpu.vector_store %arg8[%swap3A_1137, %swap3A_1138], %gather3A_1061 {strides = array<i32>} : memref<64x1024xf32, #tpu.memory_space<vmem>>, vector<16xf32>,
        %broadcast_in_dim3A_1140 = arith.constant 21 : i32
        %broadcast_in_dim3A_1141 = vector.broadcast %broadcast_in_dim3A_1140 : i32 to vector<16xi32>
        %gather3A_1142 = tpu.vector_load_idx %arg7[%broadcast_in_dim3A_1141, %get3A_1001] : memref<32x1000xf32, #tpu.memory_space<vmem>>[vector<16xi32>, vector<16xi32>], vector<16xf32>,
        %mul3A_1143 = arith.constant 16 : i32
        %mul3A_1144 = arith.muli %scan3A_989, %mul3A_1143 : i32
        %swap3A_1145 = arith.constant 45 : i32
        %swap3A_1146 = arith.index_cast %swap3A_1145 : i32 to index
        %swap3A_1147 = arith.index_cast %mul3A_1144 : i32 to index
        %swap3A_1148 = tpu.vector_load %arg8[%swap3A_1146, %swap3A_1147] {strides = array<i32>} : memref<64x1024xf32, #tpu.memory_space<vmem>>, vector<16xf32>,
        tpu.vector_store %arg8[%swap3A_1146, %swap3A_1147], %gather3A_1070 {strides = array<i32>} : memref<64x1024xf32, #tpu.memory_space<vmem>>, vector<16xf32>,
        %broadcast_in_dim3A_1149 = arith.constant 22 : i32
        %broadcast_in_dim3A_1150 = vector.broadcast %broadcast_in_dim3A_1149 : i32 to vector<16xi32>
        %gather3A_1151 = tpu.vector_load_idx %arg7[%broadcast_in_dim3A_1150, %get3A_1001] : memref<32x1000xf32, #tpu.memory_space<vmem>>[vector<16xi32>, vector<16xi32>], vector<16xf32>,
        %mul3A_1152 = arith.constant 16 : i32
        %mul3A_1153 = arith.muli %scan3A_989, %mul3A_1152 : i32
        %swap3A_1154 = arith.constant 46 : i32
        %swap3A_1155 = arith.index_cast %swap3A_1154 : i32 to index
        %swap3A_1156 = arith.index_cast %mul3A_1153 : i32 to index
        %swap3A_1157 = tpu.vector_load %arg8[%swap3A_1155, %swap3A_1156] {strides = array<i32>} : memref<64x1024xf32, #tpu.memory_space<vmem>>, vector<16xf32>,
        tpu.vector_store %arg8[%swap3A_1155, %swap3A_1156], %gather3A_1079 {strides = array<i32>} : memref<64x1024xf32, #tpu.memory_space<vmem>>, vector<16xf32>,
        %broadcast_in_dim3A_1158 = arith.constant 23 : i32
        %broadcast_in_dim3A_1159 = vector.broadcast %broadcast_in_dim3A_1158 : i32 to vector<16xi32>
        %gather3A_1160 = tpu.vector_load_idx %arg7[%broadcast_in_dim3A_1159, %get3A_1001] : memref<32x1000xf32, #tpu.memory_space<vmem>>[vector<16xi32>, vector<16xi32>], vector<16xf32>,
        %mul3A_1161 = arith.constant 16 : i32
        %mul3A_1162 = arith.muli %scan3A_989, %mul3A_1161 : i32
        %swap3A_1163 = arith.constant 47 : i32
        %swap3A_1164 = arith.index_cast %swap3A_1163 : i32 to index
        %swap3A_1165 = arith.index_cast %mul3A_1162 : i32 to index
        %swap3A_1166 = tpu.vector_load %arg8[%swap3A_1164, %swap3A_1165] {strides = array<i32>} : memref<64x1024xf32, #tpu.memory_space<vmem>>, vector<16xf32>,
        tpu.vector_store %arg8[%swap3A_1164, %swap3A_1165], %gather3A_1088 {strides = array<i32>} : memref<64x1024xf32, #tpu.memory_space<vmem>>, vector<16xf32>,
        %broadcast_in_dim3A_1167 = arith.constant 24 : i32
        %broadcast_in_dim3A_1168 = vector.broadcast %broadcast_in_dim3A_1167 : i32 to vector<16xi32>
        %gather3A_1169 = tpu.vector_load_idx %arg7[%broadcast_in_dim3A_1168, %get3A_1001] : memref<32x1000xf32, #tpu.memory_space<vmem>>[vector<16xi32>, vector<16xi32>], vector<16xf32>,
        %mul3A_1170 = arith.constant 16 : i32
        %mul3A_1171 = arith.muli %scan3A_989, %mul3A_1170 : i32
        %swap3A_1172 = arith.constant 48 : i32
        %swap3A_1173 = arith.index_cast %swap3A_1172 : i32 to index
        %swap3A_1174 = arith.index_cast %mul3A_1171 : i32 to index
        %swap3A_1175 = tpu.vector_load %arg8[%swap3A_1173, %swap3A_1174] {strides = array<i32>} : memref<64x1024xf32, #tpu.memory_space<vmem>>, vector<16xf32>,
        tpu.vector_store %arg8[%swap3A_1173, %swap3A_1174], %gather3A_1097 {strides = array<i32>} : memref<64x1024xf32, #tpu.memory_space<vmem>>, vector<16xf32>,
        %broadcast_in_dim3A_1176 = arith.constant 25 : i32
        %broadcast_in_dim3A_1177 = vector.broadcast %broadcast_in_dim3A_1176 : i32 to vector<16xi32>
        %gather3A_1178 = tpu.vector_load_idx %arg7[%broadcast_in_dim3A_1177, %get3A_1001] : memref<32x1000xf32, #tpu.memory_space<vmem>>[vector<16xi32>, vector<16xi32>], vector<16xf32>,
        %mul3A_1179 = arith.constant 16 : i32
        %mul3A_1180 = arith.muli %scan3A_989, %mul3A_1179 : i32
        %swap3A_1181 = arith.constant 49 : i32
        %swap3A_1182 = arith.index_cast %swap3A_1181 : i32 to index
        %swap3A_1183 = arith.index_cast %mul3A_1180 : i32 to index
        %swap3A_1184 = tpu.vector_load %arg8[%swap3A_1182, %swap3A_1183] {strides = array<i32>} : memref<64x1024xf32, #tpu.memory_space<vmem>>, vector<16xf32>,
        tpu.vector_store %arg8[%swap3A_1182, %swap3A_1183], %gather3A_1106 {strides = array<i32>} : memref<64x1024xf32, #tpu.memory_space<vmem>>, vector<16xf32>,
        %broadcast_in_dim3A_1185 = arith.constant 26 : i32
        %broadcast_in_dim3A_1186 = vector.broadcast %broadcast_in_dim3A_1185 : i32 to vector<16xi32>
        %gather3A_1187 = tpu.vector_load_idx %arg7[%broadcast_in_dim3A_1186, %get3A_1001] : memref<32x1000xf32, #tpu.memory_space<vmem>>[vector<16xi32>, vector<16xi32>], vector<16xf32>,
        %mul3A_1188 = arith.constant 16 : i32
        %mul3A_1189 = arith.muli %scan3A_989, %mul3A_1188 : i32
        %swap3A_1190 = arith.constant 50 : i32
        %swap3A_1191 = arith.index_cast %swap3A_1190 : i32 to index
        %swap3A_1192 = arith.index_cast %mul3A_1189 : i32 to index
        %swap3A_1193 = tpu.vector_load %arg8[%swap3A_1191, %swap3A_1192] {strides = array<i32>} : memref<64x1024xf32, #tpu.memory_space<vmem>>, vector<16xf32>,
        tpu.vector_store %arg8[%swap3A_1191, %swap3A_1192], %gather3A_1115 {strides = array<i32>} : memref<64x1024xf32, #tpu.memory_space<vmem>>, vector<16xf32>,
        %broadcast_in_dim3A_1194 = arith.constant 27 : i32
        %broadcast_in_dim3A_1195 = vector.broadcast %broadcast_in_dim3A_1194 : i32 to vector<16xi32>
        %gather3A_1196 = tpu.vector_load_idx %arg7[%broadcast_in_dim3A_1195, %get3A_1001] : memref<32x1000xf32, #tpu.memory_space<vmem>>[vector<16xi32>, vector<16xi32>], vector<16xf32>,
        %mul3A_1197 = arith.constant 16 : i32
        %mul3A_1198 = arith.muli %scan3A_989, %mul3A_1197 : i32
        %swap3A_1199 = arith.constant 51 : i32
        %swap3A_1200 = arith.index_cast %swap3A_1199 : i32 to index
        %swap3A_1201 = arith.index_cast %mul3A_1198 : i32 to index
        %swap3A_1202 = tpu.vector_load %arg8[%swap3A_1200, %swap3A_1201] {strides = array<i32>} : memref<64x1024xf32, #tpu.memory_space<vmem>>, vector<16xf32>,
        tpu.vector_store %arg8[%swap3A_1200, %swap3A_1201], %gather3A_1124 {strides = array<i32>} : memref<64x1024xf32, #tpu.memory_space<vmem>>, vector<16xf32>,
        %broadcast_in_dim3A_1203 = arith.constant 28 : i32
        %broadcast_in_dim3A_1204 = vector.broadcast %broadcast_in_dim3A_1203 : i32 to vector<16xi32>
        %gather3A_1205 = tpu.vector_load_idx %arg7[%broadcast_in_dim3A_1204, %get3A_1001] : memref<32x1000xf32, #tpu.memory_space<vmem>>[vector<16xi32>, vector<16xi32>], vector<16xf32>,
        %mul3A_1206 = arith.constant 16 : i32
        %mul3A_1207 = arith.muli %scan3A_989, %mul3A_1206 : i32
        %swap3A_1208 = arith.constant 52 : i32
        %swap3A_1209 = arith.index_cast %swap3A_1208 : i32 to index
        %swap3A_1210 = arith.index_cast %mul3A_1207 : i32 to index
        %swap3A_1211 = tpu.vector_load %arg8[%swap3A_1209, %swap3A_1210] {strides = array<i32>} : memref<64x1024xf32, #tpu.memory_space<vmem>>, vector<16xf32>,
        tpu.vector_store %arg8[%swap3A_1209, %swap3A_1210], %gather3A_1133 {strides = array<i32>} : memref<64x1024xf32, #tpu.memory_space<vmem>>, vector<16xf32>,
        %broadcast_in_dim3A_1212 = arith.constant 29 : i32
        %broadcast_in_dim3A_1213 = vector.broadcast %broadcast_in_dim3A_1212 : i32 to vector<16xi32>
        %gather3A_1214 = tpu.vector_load_idx %arg7[%broadcast_in_dim3A_1213, %get3A_1001] : memref<32x1000xf32, #tpu.memory_space<vmem>>[vector<16xi32>, vector<16xi32>], vector<16xf32>,
        %mul3A_1215 = arith.constant 16 : i32
        %mul3A_1216 = arith.muli %scan3A_989, %mul3A_1215 : i32
        %swap3A_1217 = arith.constant 53 : i32
        %swap3A_1218 = arith.index_cast %swap3A_1217 : i32 to index
        %swap3A_1219 = arith.index_cast %mul3A_1216 : i32 to index
        %swap3A_1220 = tpu.vector_load %arg8[%swap3A_1218, %swap3A_1219] {strides = array<i32>} : memref<64x1024xf32, #tpu.memory_space<vmem>>, vector<16xf32>,
        tpu.vector_store %arg8[%swap3A_1218, %swap3A_1219], %gather3A_1142 {strides = array<i32>} : memref<64x1024xf32, #tpu.memory_space<vmem>>, vector<16xf32>,
        %broadcast_in_dim3A_1221 = arith.constant 30 : i32
        %broadcast_in_dim3A_1222 = vector.broadcast %broadcast_in_dim3A_1221 : i32 to vector<16xi32>
        %gather3A_1223 = tpu.vector_load_idx %arg7[%broadcast_in_dim3A_1222, %get3A_1001] : memref<32x1000xf32, #tpu.memory_space<vmem>>[vector<16xi32>, vector<16xi32>], vector<16xf32>,
        %mul3A_1224 = arith.constant 16 : i32
        %mul3A_1225 = arith.muli %scan3A_989, %mul3A_1224 : i32
        %swap3A_1226 = arith.constant 54 : i32
        %swap3A_1227 = arith.index_cast %swap3A_1226 : i32 to index
        %swap3A_1228 = arith.index_cast %mul3A_1225 : i32 to index
        %swap3A_1229 = tpu.vector_load %arg8[%swap3A_1227, %swap3A_1228] {strides = array<i32>} : memref<64x1024xf32, #tpu.memory_space<vmem>>, vector<16xf32>,
        tpu.vector_store %arg8[%swap3A_1227, %swap3A_1228], %gather3A_1151 {strides = array<i32>} : memref<64x1024xf32, #tpu.memory_space<vmem>>, vector<16xf32>,
        %broadcast_in_dim3A_1230 = arith.constant 31 : i32
        %broadcast_in_dim3A_1231 = vector.broadcast %broadcast_in_dim3A_1230 : i32 to vector<16xi32>
        %gather3A_1232 = tpu.vector_load_idx %arg7[%broadcast_in_dim3A_1231, %get3A_1001] : memref<32x1000xf32, #tpu.memory_space<vmem>>[vector<16xi32>, vector<16xi32>], vector<16xf32>,
        %mul3A_1233 = arith.constant 16 : i32
        %mul3A_1234 = arith.muli %scan3A_989, %mul3A_1233 : i32
        %swap3A_1235 = arith.constant 55 : i32
        %swap3A_1236 = arith.index_cast %swap3A_1235 : i32 to index
        %swap3A_1237 = arith.index_cast %mul3A_1234 : i32 to index
        %swap3A_1238 = tpu.vector_load %arg8[%swap3A_1236, %swap3A_1237] {strides = array<i32>} : memref<64x1024xf32, #tpu.memory_space<vmem>>, vector<16xf32>,
        tpu.vector_store %arg8[%swap3A_1236, %swap3A_1237], %gather3A_1160 {strides = array<i32>} : memref<64x1024xf32, #tpu.memory_space<vmem>>, vector<16xf32>,
        %mul3A_1239 = arith.constant 16 : i32
        %mul3A_1240 = arith.muli %scan3A_989, %mul3A_1239 : i32
        %swap3A_1241 = arith.constant 56 : i32
        %swap3A_1242 = arith.index_cast %swap3A_1241 : i32 to index
        %swap3A_1243 = arith.index_cast %mul3A_1240 : i32 to index
        %swap3A_1244 = tpu.vector_load %arg8[%swap3A_1242, %swap3A_1243] {strides = array<i32>} : memref<64x1024xf32, #tpu.memory_space<vmem>>, vector<16xf32>,
        tpu.vector_store %arg8[%swap3A_1242, %swap3A_1243], %gather3A_1169 {strides = array<i32>} : memref<64x1024xf32, #tpu.memory_space<vmem>>, vector<16xf32>,
        %mul3A_1245 = arith.constant 16 : i32
        %mul3A_1246 = arith.muli %scan3A_989, %mul3A_1245 : i32
        %swap3A_1247 = arith.constant 57 : i32
        %swap3A_1248 = arith.index_cast %swap3A_1247 : i32 to index
        %swap3A_1249 = arith.index_cast %mul3A_1246 : i32 to index
        %swap3A_1250 = tpu.vector_load %arg8[%swap3A_1248, %swap3A_1249] {strides = array<i32>} : memref<64x1024xf32, #tpu.memory_space<vmem>>, vector<16xf32>,
        tpu.vector_store %arg8[%swap3A_1248, %swap3A_1249], %gather3A_1178 {strides = array<i32>} : memref<64x1024xf32, #tpu.memory_space<vmem>>, vector<16xf32>,
        %mul3A_1251 = arith.constant 16 : i32
        %mul3A_1252 = arith.muli %scan3A_989, %mul3A_1251 : i32
        %swap3A_1253 = arith.constant 58 : i32
        %swap3A_1254 = arith.index_cast %swap3A_1253 : i32 to index
        %swap3A_1255 = arith.index_cast %mul3A_1252 : i32 to index
        %swap3A_1256 = tpu.vector_load %arg8[%swap3A_1254, %swap3A_1255] {strides = array<i32>} : memref<64x1024xf32, #tpu.memory_space<vmem>>, vector<16xf32>,
        tpu.vector_store %arg8[%swap3A_1254, %swap3A_1255], %gather3A_1187 {strides = array<i32>} : memref<64x1024xf32, #tpu.memory_space<vmem>>, vector<16xf32>,
        %mul3A_1257 = arith.constant 16 : i32
        %mul3A_1258 = arith.muli %scan3A_989, %mul3A_1257 : i32
        %swap3A_1259 = arith.constant 59 : i32
        %swap3A_1260 = arith.index_cast %swap3A_1259 : i32 to index
        %swap3A_1261 = arith.index_cast %mul3A_1258 : i32 to index
        %swap3A_1262 = tpu.vector_load %arg8[%swap3A_1260, %swap3A_1261] {strides = array<i32>} : memref<64x1024xf32, #tpu.memory_space<vmem>>, vector<16xf32>,
        tpu.vector_store %arg8[%swap3A_1260, %swap3A_1261], %gather3A_1196 {strides = array<i32>} : memref<64x1024xf32, #tpu.memory_space<vmem>>, vector<16xf32>,
        %mul3A_1263 = arith.constant 16 : i32
        %mul3A_1264 = arith.muli %scan3A_989, %mul3A_1263 : i32
        %swap3A_1265 = arith.constant 60 : i32
        %swap3A_1266 = arith.index_cast %swap3A_1265 : i32 to index
        %swap3A_1267 = arith.index_cast %mul3A_1264 : i32 to index
        %swap3A_1268 = tpu.vector_load %arg8[%swap3A_1266, %swap3A_1267] {strides = array<i32>} : memref<64x1024xf32, #tpu.memory_space<vmem>>, vector<16xf32>,
        tpu.vector_store %arg8[%swap3A_1266, %swap3A_1267], %gather3A_1205 {strides = array<i32>} : memref<64x1024xf32, #tpu.memory_space<vmem>>, vector<16xf32>,
        %mul3A_1269 = arith.constant 16 : i32
        %mul3A_1270 = arith.muli %scan3A_989, %mul3A_1269 : i32
        %swap3A_1271 = arith.constant 61 : i32
        %swap3A_1272 = arith.index_cast %swap3A_1271 : i32 to index
        %swap3A_1273 = arith.index_cast %mul3A_1270 : i32 to index
        %swap3A_1274 = tpu.vector_load %arg8[%swap3A_1272, %swap3A_1273] {strides = array<i32>} : memref<64x1024xf32, #tpu.memory_space<vmem>>, vector<16xf32>,
        tpu.vector_store %arg8[%swap3A_1272, %swap3A_1273], %gather3A_1214 {strides = array<i32>} : memref<64x1024xf32, #tpu.memory_space<vmem>>, vector<16xf32>,
        %mul3A_1275 = arith.constant 16 : i32
        %mul3A_1276 = arith.muli %scan3A_989, %mul3A_1275 : i32
        %swap3A_1277 = arith.constant 62 : i32
        %swap3A_1278 = arith.index_cast %swap3A_1277 : i32 to index
        %swap3A_1279 = arith.index_cast %mul3A_1276 : i32 to index
        %swap3A_1280 = tpu.vector_load %arg8[%swap3A_1278, %swap3A_1279] {strides = array<i32>} : memref<64x1024xf32, #tpu.memory_space<vmem>>, vector<16xf32>,
        tpu.vector_store %arg8[%swap3A_1278, %swap3A_1279], %gather3A_1223 {strides = array<i32>} : memref<64x1024xf32, #tpu.memory_space<vmem>>, vector<16xf32>,
        %mul3A_1281 = arith.constant 16 : i32
        %mul3A_1282 = arith.muli %scan3A_989, %mul3A_1281 : i32
        %swap3A_1283 = arith.constant 63 : i32
        %swap3A_1284 = arith.index_cast %swap3A_1283 : i32 to index
        %swap3A_1285 = arith.index_cast %mul3A_1282 : i32 to index
        %swap3A_1286 = tpu.vector_load %arg8[%swap3A_1284, %swap3A_1285] {strides = array<i32>} : memref<64x1024xf32, #tpu.memory_space<vmem>>, vector<16xf32>,
        tpu.vector_store %arg8[%swap3A_1284, %swap3A_1285], %gather3A_1232 {strides = array<i32>} : memref<64x1024xf32, #tpu.memory_space<vmem>>, vector<16xf32>,
        %scan3A_1287 = arith.constant 0 : i32
        %scan3A_1288 = arith.constant 1 : i32
        %scan3A_1289 = arith.addi %scan3A_989, %scan3A_1288 : i32
        %mul3A_1290 = arith.constant 16 : i32
        %mul3A_1291 = arith.muli %scan3A_1289, %mul3A_1290 : i32
        %add3A_1292 = arith.constant 0 : i32
        %add3A_1293 = arith.addi %add3A_1292, %mul3A_1291 : i32
        %get3A_1294 = arith.index_cast %add3A_1293 : i32 to index
        %get3A_1295 = tpu.vector_load %arg6[%get3A_1294] {strides = array<i32>} : memref<2048xi32, #tpu.memory_space<vmem>>, vector<16xi32>,
        %mul3A_1296 = arith.constant 16 : i32
        %mul3A_1297 = arith.muli %scan3A_1289, %mul3A_1296 : i32
        %add3A_1298 = arith.constant 1024 : i32
        %add3A_1299 = arith.addi %add3A_1298, %mul3A_1297 : i32
        %get3A_1300 = arith.index_cast %add3A_1299 : i32 to index
        %get3A_1301 = tpu.vector_load %arg6[%get3A_1300] {strides = array<i32>} : memref<2048xi32, #tpu.memory_space<vmem>>, vector<16xi32>,
        %broadcast_in_dim3A_1302 = arith.constant 16 : i32
        %broadcast_in_dim3A_1303 = vector.broadcast %broadcast_in_dim3A_1302 : i32 to vector<16xi32>
        %gather3A_1304 = tpu.vector_load_idx %arg7[%broadcast_in_dim3A_1303, %get3A_1295] : memref<32x1000xf32, #tpu.memory_space<vmem>>[vector<16xi32>, vector<16xi32>], vector<16xf32>,
        %broadcast_in_dim3A_1305 = arith.constant 17 : i32
        %broadcast_in_dim3A_1306 = vector.broadcast %broadcast_in_dim3A_1305 : i32 to vector<16xi32>
        %gather3A_1307 = tpu.vector_load_idx %arg7[%broadcast_in_dim3A_1306, %get3A_1295] : memref<32x1000xf32, #tpu.memory_space<vmem>>[vector<16xi32>, vector<16xi32>], vector<16xf32>,
        %broadcast_in_dim3A_1308 = arith.constant 18 : i32
        %broadcast_in_dim3A_1309 = vector.broadcast %broadcast_in_dim3A_1308 : i32 to vector<16xi32>
        %gather3A_1310 = tpu.vector_load_idx %arg7[%broadcast_in_dim3A_1309, %get3A_1295] : memref<32x1000xf32, #tpu.memory_space<vmem>>[vector<16xi32>, vector<16xi32>], vector<16xf32>,
        %broadcast_in_dim3A_1311 = arith.constant 19 : i32
        %broadcast_in_dim3A_1312 = vector.broadcast %broadcast_in_dim3A_1311 : i32 to vector<16xi32>
        %gather3A_1313 = tpu.vector_load_idx %arg7[%broadcast_in_dim3A_1312, %get3A_1295] : memref<32x1000xf32, #tpu.memory_space<vmem>>[vector<16xi32>, vector<16xi32>], vector<16xf32>,
        %broadcast_in_dim3A_1314 = arith.constant 20 : i32
        %broadcast_in_dim3A_1315 = vector.broadcast %broadcast_in_dim3A_1314 : i32 to vector<16xi32>
        %gather3A_1316 = tpu.vector_load_idx %arg7[%broadcast_in_dim3A_1315, %get3A_1295] : memref<32x1000xf32, #tpu.memory_space<vmem>>[vector<16xi32>, vector<16xi32>], vector<16xf32>,
        %broadcast_in_dim3A_1317 = arith.constant 21 : i32
        %broadcast_in_dim3A_1318 = vector.broadcast %broadcast_in_dim3A_1317 : i32 to vector<16xi32>
        %gather3A_1319 = tpu.vector_load_idx %arg7[%broadcast_in_dim3A_1318, %get3A_1295] : memref<32x1000xf32, #tpu.memory_space<vmem>>[vector<16xi32>, vector<16xi32>], vector<16xf32>,
        %broadcast_in_dim3A_1320 = arith.constant 22 : i32
        %broadcast_in_dim3A_1321 = vector.broadcast %broadcast_in_dim3A_1320 : i32 to vector<16xi32>
        %gather3A_1322 = tpu.vector_load_idx %arg7[%broadcast_in_dim3A_1321, %get3A_1295] : memref<32x1000xf32, #tpu.memory_space<vmem>>[vector<16xi32>, vector<16xi32>], vector<16xf32>,
        %broadcast_in_dim3A_1323 = arith.constant 23 : i32
        %broadcast_in_dim3A_1324 = vector.broadcast %broadcast_in_dim3A_1323 : i32 to vector<16xi32>
        %gather3A_1325 = tpu.vector_load_idx %arg7[%broadcast_in_dim3A_1324, %get3A_1295] : memref<32x1000xf32, #tpu.memory_space<vmem>>[vector<16xi32>, vector<16xi32>], vector<16xf32>,
        %broadcast_in_dim3A_1326 = arith.constant 24 : i32
        %broadcast_in_dim3A_1327 = vector.broadcast %broadcast_in_dim3A_1326 : i32 to vector<16xi32>
        %gather3A_1328 = tpu.vector_load_idx %arg7[%broadcast_in_dim3A_1327, %get3A_1295] : memref<32x1000xf32, #tpu.memory_space<vmem>>[vector<16xi32>, vector<16xi32>], vector<16xf32>,
        %mul3A_1329 = arith.constant 16 : i32
        %mul3A_1330 = arith.muli %scan3A_1289, %mul3A_1329 : i32
        %swap3A_1331 = arith.constant 32 : i32
        %swap3A_1332 = arith.index_cast %swap3A_1331 : i32 to index
        %swap3A_1333 = arith.index_cast %mul3A_1330 : i32 to index
        %swap3A_1334 = tpu.vector_load %arg8[%swap3A_1332, %swap3A_1333] {strides = array<i32>} : memref<64x1024xf32, #tpu.memory_space<vmem>>, vector<16xf32>,
        tpu.vector_store %arg8[%swap3A_1332, %swap3A_1333], %gather3A_1304 {strides = array<i32>} : memref<64x1024xf32, #tpu.memory_space<vmem>>, vector<16xf32>,
        %broadcast_in_dim3A_1335 = arith.constant 25 : i32
        %broadcast_in_dim3A_1336 = vector.broadcast %broadcast_in_dim3A_1335 : i32 to vector<16xi32>
        %gather3A_1337 = tpu.vector_load_idx %arg7[%broadcast_in_dim3A_1336, %get3A_1295] : memref<32x1000xf32, #tpu.memory_space<vmem>>[vector<16xi32>, vector<16xi32>], vector<16xf32>,
        %mul3A_1338 = arith.constant 16 : i32
        %mul3A_1339 = arith.muli %scan3A_1289, %mul3A_1338 : i32
        %swap3A_1340 = arith.constant 33 : i32
        %swap3A_1341 = arith.index_cast %swap3A_1340 : i32 to index
        %swap3A_1342 = arith.index_cast %mul3A_1339 : i32 to index
        %swap3A_1343 = tpu.vector_load %arg8[%swap3A_1341, %swap3A_1342] {strides = array<i32>} : memref<64x1024xf32, #tpu.memory_space<vmem>>, vector<16xf32>,
        tpu.vector_store %arg8[%swap3A_1341, %swap3A_1342], %gather3A_1307 {strides = array<i32>} : memref<64x1024xf32, #tpu.memory_space<vmem>>, vector<16xf32>,
        %broadcast_in_dim3A_1344 = arith.constant 26 : i32
        %broadcast_in_dim3A_1345 = vector.broadcast %broadcast_in_dim3A_1344 : i32 to vector<16xi32>
        %gather3A_1346 = tpu.vector_load_idx %arg7[%broadcast_in_dim3A_1345, %get3A_1295] : memref<32x1000xf32, #tpu.memory_space<vmem>>[vector<16xi32>, vector<16xi32>], vector<16xf32>,
        %mul3A_1347 = arith.constant 16 : i32
        %mul3A_1348 = arith.muli %scan3A_1289, %mul3A_1347 : i32
        %swap3A_1349 = arith.constant 34 : i32
        %swap3A_1350 = arith.index_cast %swap3A_1349 : i32 to index
        %swap3A_1351 = arith.index_cast %mul3A_1348 : i32 to index
        %swap3A_1352 = tpu.vector_load %arg8[%swap3A_1350, %swap3A_1351] {strides = array<i32>} : memref<64x1024xf32, #tpu.memory_space<vmem>>, vector<16xf32>,
        tpu.vector_store %arg8[%swap3A_1350, %swap3A_1351], %gather3A_1310 {strides = array<i32>} : memref<64x1024xf32, #tpu.memory_space<vmem>>, vector<16xf32>,
        %broadcast_in_dim3A_1353 = arith.constant 27 : i32
        %broadcast_in_dim3A_1354 = vector.broadcast %broadcast_in_dim3A_1353 : i32 to vector<16xi32>
        %gather3A_1355 = tpu.vector_load_idx %arg7[%broadcast_in_dim3A_1354, %get3A_1295] : memref<32x1000xf32, #tpu.memory_space<vmem>>[vector<16xi32>, vector<16xi32>], vector<16xf32>,
        %mul3A_1356 = arith.constant 16 : i32
        %mul3A_1357 = arith.muli %scan3A_1289, %mul3A_1356 : i32
        %swap3A_1358 = arith.constant 35 : i32
        %swap3A_1359 = arith.index_cast %swap3A_1358 : i32 to index
        %swap3A_1360 = arith.index_cast %mul3A_1357 : i32 to index
        %swap3A_1361 = tpu.vector_load %arg8[%swap3A_1359, %swap3A_1360] {strides = array<i32>} : memref<64x1024xf32, #tpu.memory_space<vmem>>, vector<16xf32>,
        tpu.vector_store %arg8[%swap3A_1359, %swap3A_1360], %gather3A_1313 {strides = array<i32>} : memref<64x1024xf32, #tpu.memory_space<vmem>>, vector<16xf32>,
        %broadcast_in_dim3A_1362 = arith.constant 28 : i32
        %broadcast_in_dim3A_1363 = vector.broadcast %broadcast_in_dim3A_1362 : i32 to vector<16xi32>
        %gather3A_1364 = tpu.vector_load_idx %arg7[%broadcast_in_dim3A_1363, %get3A_1295] : memref<32x1000xf32, #tpu.memory_space<vmem>>[vector<16xi32>, vector<16xi32>], vector<16xf32>,
        %mul3A_1365 = arith.constant 16 : i32
        %mul3A_1366 = arith.muli %scan3A_1289, %mul3A_1365 : i32
        %swap3A_1367 = arith.constant 36 : i32
        %swap3A_1368 = arith.index_cast %swap3A_1367 : i32 to index
        %swap3A_1369 = arith.index_cast %mul3A_1366 : i32 to index
        %swap3A_1370 = tpu.vector_load %arg8[%swap3A_1368, %swap3A_1369] {strides = array<i32>} : memref<64x1024xf32, #tpu.memory_space<vmem>>, vector<16xf32>,
        tpu.vector_store %arg8[%swap3A_1368, %swap3A_1369], %gather3A_1316 {strides = array<i32>} : memref<64x1024xf32, #tpu.memory_space<vmem>>, vector<16xf32>,
        %broadcast_in_dim3A_1371 = arith.constant 29 : i32
        %broadcast_in_dim3A_1372 = vector.broadcast %broadcast_in_dim3A_1371 : i32 to vector<16xi32>
        %gather3A_1373 = tpu.vector_load_idx %arg7[%broadcast_in_dim3A_1372, %get3A_1295] : memref<32x1000xf32, #tpu.memory_space<vmem>>[vector<16xi32>, vector<16xi32>], vector<16xf32>,
        %mul3A_1374 = arith.constant 16 : i32
        %mul3A_1375 = arith.muli %scan3A_1289, %mul3A_1374 : i32
        %swap3A_1376 = arith.constant 37 : i32
        %swap3A_1377 = arith.index_cast %swap3A_1376 : i32 to index
        %swap3A_1378 = arith.index_cast %mul3A_1375 : i32 to index
        %swap3A_1379 = tpu.vector_load %arg8[%swap3A_1377, %swap3A_1378] {strides = array<i32>} : memref<64x1024xf32, #tpu.memory_space<vmem>>, vector<16xf32>,
        tpu.vector_store %arg8[%swap3A_1377, %swap3A_1378], %gather3A_1319 {strides = array<i32>} : memref<64x1024xf32, #tpu.memory_space<vmem>>, vector<16xf32>,
        %broadcast_in_dim3A_1380 = arith.constant 30 : i32
        %broadcast_in_dim3A_1381 = vector.broadcast %broadcast_in_dim3A_1380 : i32 to vector<16xi32>
        %gather3A_1382 = tpu.vector_load_idx %arg7[%broadcast_in_dim3A_1381, %get3A_1295] : memref<32x1000xf32, #tpu.memory_space<vmem>>[vector<16xi32>, vector<16xi32>], vector<16xf32>,
        %mul3A_1383 = arith.constant 16 : i32
        %mul3A_1384 = arith.muli %scan3A_1289, %mul3A_1383 : i32
        %swap3A_1385 = arith.constant 38 : i32
        %swap3A_1386 = arith.index_cast %swap3A_1385 : i32 to index
        %swap3A_1387 = arith.index_cast %mul3A_1384 : i32 to index
        %swap3A_1388 = tpu.vector_load %arg8[%swap3A_1386, %swap3A_1387] {strides = array<i32>} : memref<64x1024xf32, #tpu.memory_space<vmem>>, vector<16xf32>,
        tpu.vector_store %arg8[%swap3A_1386, %swap3A_1387], %gather3A_1322 {strides = array<i32>} : memref<64x1024xf32, #tpu.memory_space<vmem>>, vector<16xf32>,
        %broadcast_in_dim3A_1389 = arith.constant 31 : i32
        %broadcast_in_dim3A_1390 = vector.broadcast %broadcast_in_dim3A_1389 : i32 to vector<16xi32>
        %gather3A_1391 = tpu.vector_load_idx %arg7[%broadcast_in_dim3A_1390, %get3A_1295] : memref<32x1000xf32, #tpu.memory_space<vmem>>[vector<16xi32>, vector<16xi32>], vector<16xf32>,
        %mul3A_1392 = arith.constant 16 : i32
        %mul3A_1393 = arith.muli %scan3A_1289, %mul3A_1392 : i32
        %swap3A_1394 = arith.constant 39 : i32
        %swap3A_1395 = arith.index_cast %swap3A_1394 : i32 to index
        %swap3A_1396 = arith.index_cast %mul3A_1393 : i32 to index
        %swap3A_1397 = tpu.vector_load %arg8[%swap3A_1395, %swap3A_1396] {strides = array<i32>} : memref<64x1024xf32, #tpu.memory_space<vmem>>, vector<16xf32>,
        tpu.vector_store %arg8[%swap3A_1395, %swap3A_1396], %gather3A_1325 {strides = array<i32>} : memref<64x1024xf32, #tpu.memory_space<vmem>>, vector<16xf32>,
        %broadcast_in_dim3A_1398 = arith.constant 16 : i32
        %broadcast_in_dim3A_1399 = vector.broadcast %broadcast_in_dim3A_1398 : i32 to vector<16xi32>
        %gather3A_1400 = tpu.vector_load_idx %arg7[%broadcast_in_dim3A_1399, %get3A_1301] : memref<32x1000xf32, #tpu.memory_space<vmem>>[vector<16xi32>, vector<16xi32>], vector<16xf32>,
        %mul3A_1401 = arith.constant 16 : i32
        %mul3A_1402 = arith.muli %scan3A_1289, %mul3A_1401 : i32
        %swap3A_1403 = arith.constant 40 : i32
        %swap3A_1404 = arith.index_cast %swap3A_1403 : i32 to index
        %swap3A_1405 = arith.index_cast %mul3A_1402 : i32 to index
        %swap3A_1406 = tpu.vector_load %arg8[%swap3A_1404, %swap3A_1405] {strides = array<i32>} : memref<64x1024xf32, #tpu.memory_space<vmem>>, vector<16xf32>,
        tpu.vector_store %arg8[%swap3A_1404, %swap3A_1405], %gather3A_1328 {strides = array<i32>} : memref<64x1024xf32, #tpu.memory_space<vmem>>, vector<16xf32>,
        %broadcast_in_dim3A_1407 = arith.constant 17 : i32
        %broadcast_in_dim3A_1408 = vector.broadcast %broadcast_in_dim3A_1407 : i32 to vector<16xi32>
        %gather3A_1409 = tpu.vector_load_idx %arg7[%broadcast_in_dim3A_1408, %get3A_1301] : memref<32x1000xf32, #tpu.memory_space<vmem>>[vector<16xi32>, vector<16xi32>], vector<16xf32>,
        %mul3A_1410 = arith.constant 16 : i32
        %mul3A_1411 = arith.muli %scan3A_1289, %mul3A_1410 : i32
        %swap3A_1412 = arith.constant 41 : i32
        %swap3A_1413 = arith.index_cast %swap3A_1412 : i32 to index
        %swap3A_1414 = arith.index_cast %mul3A_1411 : i32 to index
        %swap3A_1415 = tpu.vector_load %arg8[%swap3A_1413, %swap3A_1414] {strides = array<i32>} : memref<64x1024xf32, #tpu.memory_space<vmem>>, vector<16xf32>,
        tpu.vector_store %arg8[%swap3A_1413, %swap3A_1414], %gather3A_1337 {strides = array<i32>} : memref<64x1024xf32, #tpu.memory_space<vmem>>, vector<16xf32>,
        %broadcast_in_dim3A_1416 = arith.constant 18 : i32
        %broadcast_in_dim3A_1417 = vector.broadcast %broadcast_in_dim3A_1416 : i32 to vector<16xi32>
        %gather3A_1418 = tpu.vector_load_idx %arg7[%broadcast_in_dim3A_1417, %get3A_1301] : memref<32x1000xf32, #tpu.memory_space<vmem>>[vector<16xi32>, vector<16xi32>], vector<16xf32>,
        %mul3A_1419 = arith.constant 16 : i32
        %mul3A_1420 = arith.muli %scan3A_1289, %mul3A_1419 : i32
        %swap3A_1421 = arith.constant 42 : i32
        %swap3A_1422 = arith.index_cast %swap3A_1421 : i32 to index
        %swap3A_1423 = arith.index_cast %mul3A_1420 : i32 to index
        %swap3A_1424 = tpu.vector_load %arg8[%swap3A_1422, %swap3A_1423] {strides = array<i32>} : memref<64x1024xf32, #tpu.memory_space<vmem>>, vector<16xf32>,
        tpu.vector_store %arg8[%swap3A_1422, %swap3A_1423], %gather3A_1346 {strides = array<i32>} : memref<64x1024xf32, #tpu.memory_space<vmem>>, vector<16xf32>,
        %broadcast_in_dim3A_1425 = arith.constant 19 : i32
        %broadcast_in_dim3A_1426 = vector.broadcast %broadcast_in_dim3A_1425 : i32 to vector<16xi32>
        %gather3A_1427 = tpu.vector_load_idx %arg7[%broadcast_in_dim3A_1426, %get3A_1301] : memref<32x1000xf32, #tpu.memory_space<vmem>>[vector<16xi32>, vector<16xi32>], vector<16xf32>,
        %mul3A_1428 = arith.constant 16 : i32
        %mul3A_1429 = arith.muli %scan3A_1289, %mul3A_1428 : i32
        %swap3A_1430 = arith.constant 43 : i32
        %swap3A_1431 = arith.index_cast %swap3A_1430 : i32 to index
        %swap3A_1432 = arith.index_cast %mul3A_1429 : i32 to index
        %swap3A_1433 = tpu.vector_load %arg8[%swap3A_1431, %swap3A_1432] {strides = array<i32>} : memref<64x1024xf32, #tpu.memory_space<vmem>>, vector<16xf32>,
        tpu.vector_store %arg8[%swap3A_1431, %swap3A_1432], %gather3A_1355 {strides = array<i32>} : memref<64x1024xf32, #tpu.memory_space<vmem>>, vector<16xf32>,
        %broadcast_in_dim3A_1434 = arith.constant 20 : i32
        %broadcast_in_dim3A_1435 = vector.broadcast %broadcast_in_dim3A_1434 : i32 to vector<16xi32>
        %gather3A_1436 = tpu.vector_load_idx %arg7[%broadcast_in_dim3A_1435, %get3A_1301] : memref<32x1000xf32, #tpu.memory_space<vmem>>[vector<16xi32>, vector<16xi32>], vector<16xf32>,
        %mul3A_1437 = arith.constant 16 : i32
        %mul3A_1438 = arith.muli %scan3A_1289, %mul3A_1437 : i32
        %swap3A_1439 = arith.constant 44 : i32
        %swap3A_1440 = arith.index_cast %swap3A_1439 : i32 to index
        %swap3A_1441 = arith.index_cast %mul3A_1438 : i32 to index
        %swap3A_1442 = tpu.vector_load %arg8[%swap3A_1440, %swap3A_1441] {strides = array<i32>} : memref<64x1024xf32, #tpu.memory_space<vmem>>, vector<16xf32>,
        tpu.vector_store %arg8[%swap3A_1440, %swap3A_1441], %gather3A_1364 {strides = array<i32>} : memref<64x1024xf32, #tpu.memory_space<vmem>>, vector<16xf32>,
        %broadcast_in_dim3A_1443 = arith.constant 21 : i32
        %broadcast_in_dim3A_1444 = vector.broadcast %broadcast_in_dim3A_1443 : i32 to vector<16xi32>
        %gather3A_1445 = tpu.vector_load_idx %arg7[%broadcast_in_dim3A_1444, %get3A_1301] : memref<32x1000xf32, #tpu.memory_space<vmem>>[vector<16xi32>, vector<16xi32>], vector<16xf32>,
        %mul3A_1446 = arith.constant 16 : i32
        %mul3A_1447 = arith.muli %scan3A_1289, %mul3A_1446 : i32
        %swap3A_1448 = arith.constant 45 : i32
        %swap3A_1449 = arith.index_cast %swap3A_1448 : i32 to index
        %swap3A_1450 = arith.index_cast %mul3A_1447 : i32 to index
        %swap3A_1451 = tpu.vector_load %arg8[%swap3A_1449, %swap3A_1450] {strides = array<i32>} : memref<64x1024xf32, #tpu.memory_space<vmem>>, vector<16xf32>,
        tpu.vector_store %arg8[%swap3A_1449, %swap3A_1450], %gather3A_1373 {strides = array<i32>} : memref<64x1024xf32, #tpu.memory_space<vmem>>, vector<16xf32>,
        %broadcast_in_dim3A_1452 = arith.constant 22 : i32
        %broadcast_in_dim3A_1453 = vector.broadcast %broadcast_in_dim3A_1452 : i32 to vector<16xi32>
        %gather3A_1454 = tpu.vector_load_idx %arg7[%broadcast_in_dim3A_1453, %get3A_1301] : memref<32x1000xf32, #tpu.memory_space<vmem>>[vector<16xi32>, vector<16xi32>], vector<16xf32>,
        %mul3A_1455 = arith.constant 16 : i32
        %mul3A_1456 = arith.muli %scan3A_1289, %mul3A_1455 : i32
        %swap3A_1457 = arith.constant 46 : i32
        %swap3A_1458 = arith.index_cast %swap3A_1457 : i32 to index
        %swap3A_1459 = arith.index_cast %mul3A_1456 : i32 to index
        %swap3A_1460 = tpu.vector_load %arg8[%swap3A_1458, %swap3A_1459] {strides = array<i32>} : memref<64x1024xf32, #tpu.memory_space<vmem>>, vector<16xf32>,
        tpu.vector_store %arg8[%swap3A_1458, %swap3A_1459], %gather3A_1382 {strides = array<i32>} : memref<64x1024xf32, #tpu.memory_space<vmem>>, vector<16xf32>,
        %broadcast_in_dim3A_1461 = arith.constant 23 : i32
        %broadcast_in_dim3A_1462 = vector.broadcast %broadcast_in_dim3A_1461 : i32 to vector<16xi32>
        %gather3A_1463 = tpu.vector_load_idx %arg7[%broadcast_in_dim3A_1462, %get3A_1301] : memref<32x1000xf32, #tpu.memory_space<vmem>>[vector<16xi32>, vector<16xi32>], vector<16xf32>,
        %mul3A_1464 = arith.constant 16 : i32
        %mul3A_1465 = arith.muli %scan3A_1289, %mul3A_1464 : i32
        %swap3A_1466 = arith.constant 47 : i32
        %swap3A_1467 = arith.index_cast %swap3A_1466 : i32 to index
        %swap3A_1468 = arith.index_cast %mul3A_1465 : i32 to index
        %swap3A_1469 = tpu.vector_load %arg8[%swap3A_1467, %swap3A_1468] {strides = array<i32>} : memref<64x1024xf32, #tpu.memory_space<vmem>>, vector<16xf32>,
        tpu.vector_store %arg8[%swap3A_1467, %swap3A_1468], %gather3A_1391 {strides = array<i32>} : memref<64x1024xf32, #tpu.memory_space<vmem>>, vector<16xf32>,
        %broadcast_in_dim3A_1470 = arith.constant 24 : i32
        %broadcast_in_dim3A_1471 = vector.broadcast %broadcast_in_dim3A_1470 : i32 to vector<16xi32>
        %gather3A_1472 = tpu.vector_load_idx %arg7[%broadcast_in_dim3A_1471, %get3A_1301] : memref<32x1000xf32, #tpu.memory_space<vmem>>[vector<16xi32>, vector<16xi32>], vector<16xf32>,
        %mul3A_1473 = arith.constant 16 : i32
        %mul3A_1474 = arith.muli %scan3A_1289, %mul3A_1473 : i32
        %swap3A_1475 = arith.constant 48 : i32
        %swap3A_1476 = arith.index_cast %swap3A_1475 : i32 to index
        %swap3A_1477 = arith.index_cast %mul3A_1474 : i32 to index
        %swap3A_1478 = tpu.vector_load %arg8[%swap3A_1476, %swap3A_1477] {strides = array<i32>} : memref<64x1024xf32, #tpu.memory_space<vmem>>, vector<16xf32>,
        tpu.vector_store %arg8[%swap3A_1476, %swap3A_1477], %gather3A_1400 {strides = array<i32>} : memref<64x1024xf32, #tpu.memory_space<vmem>>, vector<16xf32>,
        %broadcast_in_dim3A_1479 = arith.constant 25 : i32
        %broadcast_in_dim3A_1480 = vector.broadcast %broadcast_in_dim3A_1479 : i32 to vector<16xi32>
        %gather3A_1481 = tpu.vector_load_idx %arg7[%broadcast_in_dim3A_1480, %get3A_1301] : memref<32x1000xf32, #tpu.memory_space<vmem>>[vector<16xi32>, vector<16xi32>], vector<16xf32>,
        %mul3A_1482 = arith.constant 16 : i32
        %mul3A_1483 = arith.muli %scan3A_1289, %mul3A_1482 : i32
        %swap3A_1484 = arith.constant 49 : i32
        %swap3A_1485 = arith.index_cast %swap3A_1484 : i32 to index
        %swap3A_1486 = arith.index_cast %mul3A_1483 : i32 to index
        %swap3A_1487 = tpu.vector_load %arg8[%swap3A_1485, %swap3A_1486] {strides = array<i32>} : memref<64x1024xf32, #tpu.memory_space<vmem>>, vector<16xf32>,
        tpu.vector_store %arg8[%swap3A_1485, %swap3A_1486], %gather3A_1409 {strides = array<i32>} : memref<64x1024xf32, #tpu.memory_space<vmem>>, vector<16xf32>,
        %broadcast_in_dim3A_1488 = arith.constant 26 : i32
        %broadcast_in_dim3A_1489 = vector.broadcast %broadcast_in_dim3A_1488 : i32 to vector<16xi32>
        %gather3A_1490 = tpu.vector_load_idx %arg7[%broadcast_in_dim3A_1489, %get3A_1301] : memref<32x1000xf32, #tpu.memory_space<vmem>>[vector<16xi32>, vector<16xi32>], vector<16xf32>,
        %mul3A_1491 = arith.constant 16 : i32
        %mul3A_1492 = arith.muli %scan3A_1289, %mul3A_1491 : i32
        %swap3A_1493 = arith.constant 50 : i32
        %swap3A_1494 = arith.index_cast %swap3A_1493 : i32 to index
        %swap3A_1495 = arith.index_cast %mul3A_1492 : i32 to index
        %swap3A_1496 = tpu.vector_load %arg8[%swap3A_1494, %swap3A_1495] {strides = array<i32>} : memref<64x1024xf32, #tpu.memory_space<vmem>>, vector<16xf32>,
        tpu.vector_store %arg8[%swap3A_1494, %swap3A_1495], %gather3A_1418 {strides = array<i32>} : memref<64x1024xf32, #tpu.memory_space<vmem>>, vector<16xf32>,
        %broadcast_in_dim3A_1497 = arith.constant 27 : i32
        %broadcast_in_dim3A_1498 = vector.broadcast %broadcast_in_dim3A_1497 : i32 to vector<16xi32>
        %gather3A_1499 = tpu.vector_load_idx %arg7[%broadcast_in_dim3A_1498, %get3A_1301] : memref<32x1000xf32, #tpu.memory_space<vmem>>[vector<16xi32>, vector<16xi32>], vector<16xf32>,
        %mul3A_1500 = arith.constant 16 : i32
        %mul3A_1501 = arith.muli %scan3A_1289, %mul3A_1500 : i32
        %swap3A_1502 = arith.constant 51 : i32
        %swap3A_1503 = arith.index_cast %swap3A_1502 : i32 to index
        %swap3A_1504 = arith.index_cast %mul3A_1501 : i32 to index
        %swap3A_1505 = tpu.vector_load %arg8[%swap3A_1503, %swap3A_1504] {strides = array<i32>} : memref<64x1024xf32, #tpu.memory_space<vmem>>, vector<16xf32>,
        tpu.vector_store %arg8[%swap3A_1503, %swap3A_1504], %gather3A_1427 {strides = array<i32>} : memref<64x1024xf32, #tpu.memory_space<vmem>>, vector<16xf32>,
        %broadcast_in_dim3A_1506 = arith.constant 28 : i32
        %broadcast_in_dim3A_1507 = vector.broadcast %broadcast_in_dim3A_1506 : i32 to vector<16xi32>
        %gather3A_1508 = tpu.vector_load_idx %arg7[%broadcast_in_dim3A_1507, %get3A_1301] : memref<32x1000xf32, #tpu.memory_space<vmem>>[vector<16xi32>, vector<16xi32>], vector<16xf32>,
        %mul3A_1509 = arith.constant 16 : i32
        %mul3A_1510 = arith.muli %scan3A_1289, %mul3A_1509 : i32
        %swap3A_1511 = arith.constant 52 : i32
        %swap3A_1512 = arith.index_cast %swap3A_1511 : i32 to index
        %swap3A_1513 = arith.index_cast %mul3A_1510 : i32 to index
        %swap3A_1514 = tpu.vector_load %arg8[%swap3A_1512, %swap3A_1513] {strides = array<i32>} : memref<64x1024xf32, #tpu.memory_space<vmem>>, vector<16xf32>,
        tpu.vector_store %arg8[%swap3A_1512, %swap3A_1513], %gather3A_1436 {strides = array<i32>} : memref<64x1024xf32, #tpu.memory_space<vmem>>, vector<16xf32>,
        %broadcast_in_dim3A_1515 = arith.constant 29 : i32
        %broadcast_in_dim3A_1516 = vector.broadcast %broadcast_in_dim3A_1515 : i32 to vector<16xi32>
        %gather3A_1517 = tpu.vector_load_idx %arg7[%broadcast_in_dim3A_1516, %get3A_1301] : memref<32x1000xf32, #tpu.memory_space<vmem>>[vector<16xi32>, vector<16xi32>], vector<16xf32>,
        %mul3A_1518 = arith.constant 16 : i32
        %mul3A_1519 = arith.muli %scan3A_1289, %mul3A_1518 : i32
        %swap3A_1520 = arith.constant 53 : i32
        %swap3A_1521 = arith.index_cast %swap3A_1520 : i32 to index
        %swap3A_1522 = arith.index_cast %mul3A_1519 : i32 to index
        %swap3A_1523 = tpu.vector_load %arg8[%swap3A_1521, %swap3A_1522] {strides = array<i32>} : memref<64x1024xf32, #tpu.memory_space<vmem>>, vector<16xf32>,
        tpu.vector_store %arg8[%swap3A_1521, %swap3A_1522], %gather3A_1445 {strides = array<i32>} : memref<64x1024xf32, #tpu.memory_space<vmem>>, vector<16xf32>,
        %broadcast_in_dim3A_1524 = arith.constant 30 : i32
        %broadcast_in_dim3A_1525 = vector.broadcast %broadcast_in_dim3A_1524 : i32 to vector<16xi32>
        %gather3A_1526 = tpu.vector_load_idx %arg7[%broadcast_in_dim3A_1525, %get3A_1301] : memref<32x1000xf32, #tpu.memory_space<vmem>>[vector<16xi32>, vector<16xi32>], vector<16xf32>,
        %mul3A_1527 = arith.constant 16 : i32
        %mul3A_1528 = arith.muli %scan3A_1289, %mul3A_1527 : i32
        %swap3A_1529 = arith.constant 54 : i32
        %swap3A_1530 = arith.index_cast %swap3A_1529 : i32 to index
        %swap3A_1531 = arith.index_cast %mul3A_1528 : i32 to index
        %swap3A_1532 = tpu.vector_load %arg8[%swap3A_1530, %swap3A_1531] {strides = array<i32>} : memref<64x1024xf32, #tpu.memory_space<vmem>>, vector<16xf32>,
        tpu.vector_store %arg8[%swap3A_1530, %swap3A_1531], %gather3A_1454 {strides = array<i32>} : memref<64x1024xf32, #tpu.memory_space<vmem>>, vector<16xf32>,
        %broadcast_in_dim3A_1533 = arith.constant 31 : i32
        %broadcast_in_dim3A_1534 = vector.broadcast %broadcast_in_dim3A_1533 : i32 to vector<16xi32>
        %gather3A_1535 = tpu.vector_load_idx %arg7[%broadcast_in_dim3A_1534, %get3A_1301] : memref<32x1000xf32, #tpu.memory_space<vmem>>[vector<16xi32>, vector<16xi32>], vector<16xf32>,
        %mul3A_1536 = arith.constant 16 : i32
        %mul3A_1537 = arith.muli %scan3A_1289, %mul3A_1536 : i32
        %swap3A_1538 = arith.constant 55 : i32
        %swap3A_1539 = arith.index_cast %swap3A_1538 : i32 to index
        %swap3A_1540 = arith.index_cast %mul3A_1537 : i32 to index
        %swap3A_1541 = tpu.vector_load %arg8[%swap3A_1539, %swap3A_1540] {strides = array<i32>} : memref<64x1024xf32, #tpu.memory_space<vmem>>, vector<16xf32>,
        tpu.vector_store %arg8[%swap3A_1539, %swap3A_1540], %gather3A_1463 {strides = array<i32>} : memref<64x1024xf32, #tpu.memory_space<vmem>>, vector<16xf32>,
        %mul3A_1542 = arith.constant 16 : i32
        %mul3A_1543 = arith.muli %scan3A_1289, %mul3A_1542 : i32
        %swap3A_1544 = arith.constant 56 : i32
        %swap3A_1545 = arith.index_cast %swap3A_1544 : i32 to index
        %swap3A_1546 = arith.index_cast %mul3A_1543 : i32 to index
        %swap3A_1547 = tpu.vector_load %arg8[%swap3A_1545, %swap3A_1546] {strides = array<i32>} : memref<64x1024xf32, #tpu.memory_space<vmem>>, vector<16xf32>,
        tpu.vector_store %arg8[%swap3A_1545, %swap3A_1546], %gather3A_1472 {strides = array<i32>} : memref<64x1024xf32, #tpu.memory_space<vmem>>, vector<16xf32>,
        %mul3A_1548 = arith.constant 16 : i32
        %mul3A_1549 = arith.muli %scan3A_1289, %mul3A_1548 : i32
        %swap3A_1550 = arith.constant 57 : i32
        %swap3A_1551 = arith.index_cast %swap3A_1550 : i32 to index
        %swap3A_1552 = arith.index_cast %mul3A_1549 : i32 to index
        %swap3A_1553 = tpu.vector_load %arg8[%swap3A_1551, %swap3A_1552] {strides = array<i32>} : memref<64x1024xf32, #tpu.memory_space<vmem>>, vector<16xf32>,
        tpu.vector_store %arg8[%swap3A_1551, %swap3A_1552], %gather3A_1481 {strides = array<i32>} : memref<64x1024xf32, #tpu.memory_space<vmem>>, vector<16xf32>,
        %mul3A_1554 = arith.constant 16 : i32
        %mul3A_1555 = arith.muli %scan3A_1289, %mul3A_1554 : i32
        %swap3A_1556 = arith.constant 58 : i32
        %swap3A_1557 = arith.index_cast %swap3A_1556 : i32 to index
        %swap3A_1558 = arith.index_cast %mul3A_1555 : i32 to index
        %swap3A_1559 = tpu.vector_load %arg8[%swap3A_1557, %swap3A_1558] {strides = array<i32>} : memref<64x1024xf32, #tpu.memory_space<vmem>>, vector<16xf32>,
        tpu.vector_store %arg8[%swap3A_1557, %swap3A_1558], %gather3A_1490 {strides = array<i32>} : memref<64x1024xf32, #tpu.memory_space<vmem>>, vector<16xf32>,
        %mul3A_1560 = arith.constant 16 : i32
        %mul3A_1561 = arith.muli %scan3A_1289, %mul3A_1560 : i32
        %swap3A_1562 = arith.constant 59 : i32
        %swap3A_1563 = arith.index_cast %swap3A_1562 : i32 to index
        %swap3A_1564 = arith.index_cast %mul3A_1561 : i32 to index
        %swap3A_1565 = tpu.vector_load %arg8[%swap3A_1563, %swap3A_1564] {strides = array<i32>} : memref<64x1024xf32, #tpu.memory_space<vmem>>, vector<16xf32>,
        tpu.vector_store %arg8[%swap3A_1563, %swap3A_1564], %gather3A_1499 {strides = array<i32>} : memref<64x1024xf32, #tpu.memory_space<vmem>>, vector<16xf32>,
        %mul3A_1566 = arith.constant 16 : i32
        %mul3A_1567 = arith.muli %scan3A_1289, %mul3A_1566 : i32
        %swap3A_1568 = arith.constant 60 : i32
        %swap3A_1569 = arith.index_cast %swap3A_1568 : i32 to index
        %swap3A_1570 = arith.index_cast %mul3A_1567 : i32 to index
        %swap3A_1571 = tpu.vector_load %arg8[%swap3A_1569, %swap3A_1570] {strides = array<i32>} : memref<64x1024xf32, #tpu.memory_space<vmem>>, vector<16xf32>,
        tpu.vector_store %arg8[%swap3A_1569, %swap3A_1570], %gather3A_1508 {strides = array<i32>} : memref<64x1024xf32, #tpu.memory_space<vmem>>, vector<16xf32>,
        %mul3A_1572 = arith.constant 16 : i32
        %mul3A_1573 = arith.muli %scan3A_1289, %mul3A_1572 : i32
        %swap3A_1574 = arith.constant 61 : i32
        %swap3A_1575 = arith.index_cast %swap3A_1574 : i32 to index
        %swap3A_1576 = arith.index_cast %mul3A_1573 : i32 to index
        %swap3A_1577 = tpu.vector_load %arg8[%swap3A_1575, %swap3A_1576] {strides = array<i32>} : memref<64x1024xf32, #tpu.memory_space<vmem>>, vector<16xf32>,
        tpu.vector_store %arg8[%swap3A_1575, %swap3A_1576], %gather3A_1517 {strides = array<i32>} : memref<64x1024xf32, #tpu.memory_space<vmem>>, vector<16xf32>,
        %mul3A_1578 = arith.constant 16 : i32
        %mul3A_1579 = arith.muli %scan3A_1289, %mul3A_1578 : i32
        %swap3A_1580 = arith.constant 62 : i32
        %swap3A_1581 = arith.index_cast %swap3A_1580 : i32 to index
        %swap3A_1582 = arith.index_cast %mul3A_1579 : i32 to index
        %swap3A_1583 = tpu.vector_load %arg8[%swap3A_1581, %swap3A_1582] {strides = array<i32>} : memref<64x1024xf32, #tpu.memory_space<vmem>>, vector<16xf32>,
        tpu.vector_store %arg8[%swap3A_1581, %swap3A_1582], %gather3A_1526 {strides = array<i32>} : memref<64x1024xf32, #tpu.memory_space<vmem>>, vector<16xf32>,
        %mul3A_1584 = arith.constant 16 : i32
        %mul3A_1585 = arith.muli %scan3A_1289, %mul3A_1584 : i32
        %swap3A_1586 = arith.constant 63 : i32
        %swap3A_1587 = arith.index_cast %swap3A_1586 : i32 to index
        %swap3A_1588 = arith.index_cast %mul3A_1585 : i32 to index
        %swap3A_1589 = tpu.vector_load %arg8[%swap3A_1587, %swap3A_1588] {strides = array<i32>} : memref<64x1024xf32, #tpu.memory_space<vmem>>, vector<16xf32>,
        tpu.vector_store %arg8[%swap3A_1587, %swap3A_1588], %gather3A_1535 {strides = array<i32>} : memref<64x1024xf32, #tpu.memory_space<vmem>>, vector<16xf32>,
        %scan3A_1590 = arith.constant 0 : i32
        scf.yield %scan3A_1590 : i32
      }
      %scan3A_852 = arith.constant 64 : i32
      %add3A_853 = arith.constant 1 : i32
      %add3A_854 = arith.addi %mul3A_616, %add3A_853 : i32
      %mul3A_855 = arith.constant 32 : i32
      %mul3A_856 = arith.muli %add3A_854, %mul3A_855 : i32
      %add3A_857 = arith.addi %add3A, %mul3A_856 : i32
      %jit3A_858 = arith.constant 4 : i32
      %div3A_859 = arith.divsi %add3A_857, %jit3A_858 : i32
      %sign3A_860 = arith.constant 0 : i32
      %sign3A_861 = arith.cmpi sgt, %add3A_857, %sign3A_860 : i32
      %sign3A_862 = arith.extui %sign3A_861 : i1 to i32
      %sign3A_863 = arith.constant 0 : i32
      %sign3A_864 = arith.cmpi slt, %add3A_857, %sign3A_863 : i32
      %sign3A_865 = arith.extui %sign3A_864 : i1 to i32
      %sign3A_866 = arith.subi %sign3A_862, %sign3A_865 : i32
      %sign3A_867 = arith.constant 0 : i32
      %sign3A_868 = arith.cmpi sgt, %jit3A_858, %sign3A_867 : i32
      %sign3A_869 = arith.extui %sign3A_868 : i1 to i32
      %sign3A_870 = arith.constant 0 : i32
      %sign3A_871 = arith.cmpi slt, %jit3A_858, %sign3A_870 : i32
      %sign3A_872 = arith.extui %sign3A_871 : i1 to i32
      %sign3A_873 = arith.subi %sign3A_869, %sign3A_872 : i32
      %ne3A_874 = arith.cmpi ne, %sign3A_866, %sign3A_873 : i32
      %rem3A_875 = arith.remsi %add3A_857, %jit3A_858 : i32
      %ne3A_876 = arith.constant 0 : i32
      %ne3A_877 = arith.cmpi ne, %rem3A_875, %ne3A_876 : i32
      %and3A_878 = arith.andi %ne3A_874, %ne3A_877 : i1
      %sub3A_879 = arith.constant 1 : i32
      %sub3A_880 = arith.subi %div3A_859, %sub3A_879 : i32
      %select_n3A_881 = arith.select %and3A_878, %sub3A_880, %div3A_859 : i32
      %jit3A_882 = arith.constant 4 : i32
      %eq3A_883 = arith.constant 0 : i32
      %eq3A_884 = arith.cmpi eq, %jit3A_882, %eq3A_883 : i32
      %jit3A_885 = arith.constant 1 : i32
      %select_n3A_886 = arith.select %eq3A_884, %jit3A_885, %jit3A_882 : i32
      %rem3A_887 = arith.remsi %add3A_857, %select_n3A_886 : i32
      %ne3A_888 = arith.constant 0 : i32
      %ne3A_889 = arith.cmpi ne, %rem3A_887, %ne3A_888 : i32
      %lt3A_890 = arith.constant 0 : i32
      %lt3A_891 = arith.cmpi slt, %rem3A_887, %lt3A_890 : i32
      %lt3A_892 = arith.constant 0 : i32
      %lt3A_893 = arith.cmpi slt, %select_n3A_886, %lt3A_892 : i32
      %ne3A_894 = arith.xori %lt3A_891, %lt3A_893 : i1
      %and3A_895 = arith.andi %ne3A_894, %ne3A_889 : i1
      %add3A_896 = arith.addi %rem3A_887, %select_n3A_886 : i32
      %select_n3A_897 = arith.select %and3A_895, %add3A_896, %rem3A_887 : i32
      %mul3A_898 = arith.constant 16 : i32
      %mul3A_899 = arith.muli %select_n3A_897, %mul3A_898 : i32
      %add3A_900 = arith.constant 0 : i32
      %add3A_901 = arith.addi %add3A_900, %select_n3A_881 : i32
      %dma_start3A_902 = arith.constant 32 : i32
      %dma_start3A_903 = arith.constant 0 : i32
      %dma_start3A_904 = tpu.memref_slice %arg8[%dma_start3A_902, %dma_start3A_903] : memref<64x1024xf32, #tpu.memory_space<vmem>> -> memref<16x1024xf32, #tpu.memory_space<vmem>>
      %dma_start3A_905 = arith.constant 0 : i32
      %dma_start3A_906 = tpu.memref_slice %arg4[%add3A_901, %mul3A_899, %dma_start3A_905] : memref<400x64x1024xf32, #tpu.memory_space<hbm>> -> memref<1x16x1024xf32, #tpu.memory_space<hbm>>
      %dma_start3A_907 = tpu.memref_squeeze %dma_start3A_906 : memref<1x16x1024xf32, #tpu.memory_space<hbm>> -> memref<16x1024xf32, #tpu.memory_space<hbm>>
      %dma_start3A_908 = arith.constant 0 : i32
      %dma_start3A_909 = tpu.memref_slice %arg4[%add3A_901, %mul3A_899, %dma_start3A_908] : memref<400x64x1024xf32, #tpu.memory_space<hbm>> -> memref<1x16x1024xf32, #tpu.memory_space<hbm>>
      %dma_start3A_910 = tpu.memref_squeeze %dma_start3A_909 : memref<1x16x1024xf32, #tpu.memory_space<hbm>> -> memref<16x1024xf32, #tpu.memory_space<hbm>>
      %dma_start3A_911 = arith.constant 32 : i32
      %dma_start3A_912 = arith.constant 0 : i32
      %dma_start3A_913 = tpu.memref_slice %arg8[%dma_start3A_911, %dma_start3A_912] : memref<64x1024xf32, #tpu.memory_space<vmem>> -> memref<16x1024xf32, #tpu.memory_space<vmem>>
      tpu.enqueue_dma source(%dma_start3A_913 : memref<16x1024xf32, #tpu.memory_space<vmem>>) target(%dma_start3A_910 : memref<16x1024xf32, #tpu.memory_space<hbm>>) target_semaphore(%arg12 : memref<!tpu.dma_semaphore, #tpu.memory_space<semaphore_mem>>)
      %add3A_914 = arith.constant 200 : i32
      %add3A_915 = arith.addi %add3A_914, %select_n3A_881 : i32
      %dma_start3A_916 = arith.constant 48 : i32
      %dma_start3A_917 = arith.constant 0 : i32
      %dma_start3A_918 = tpu.memref_slice %arg8[%dma_start3A_916, %dma_start3A_917] : memref<64x1024xf32, #tpu.memory_space<vmem>> -> memref<16x1024xf32, #tpu.memory_space<vmem>>
      %dma_start3A_919 = arith.constant 0 : i32
      %dma_start3A_920 = tpu.memref_slice %arg4[%add3A_915, %mul3A_899, %dma_start3A_919] : memref<400x64x1024xf32, #tpu.memory_space<hbm>> -> memref<1x16x1024xf32, #tpu.memory_space<hbm>>
      %dma_start3A_921 = tpu.memref_squeeze %dma_start3A_920 : memref<1x16x1024xf32, #tpu.memory_space<hbm>> -> memref<16x1024xf32, #tpu.memory_space<hbm>>
      %dma_start3A_922 = arith.constant 0 : i32
      %dma_start3A_923 = tpu.memref_slice %arg4[%add3A_915, %mul3A_899, %dma_start3A_922] : memref<400x64x1024xf32, #tpu.memory_space<hbm>> -> memref<1x16x1024xf32, #tpu.memory_space<hbm>>
      %dma_start3A_924 = tpu.memref_squeeze %dma_start3A_923 : memref<1x16x1024xf32, #tpu.memory_space<hbm>> -> memref<16x1024xf32, #tpu.memory_space<hbm>>
      %dma_start3A_925 = arith.constant 48 : i32
      %dma_start3A_926 = arith.constant 0 : i32
      %dma_start3A_927 = tpu.memref_slice %arg8[%dma_start3A_925, %dma_start3A_926] : memref<64x1024xf32, #tpu.memory_space<vmem>> -> memref<16x1024xf32, #tpu.memory_space<vmem>>
      tpu.enqueue_dma source(%dma_start3A_927 : memref<16x1024xf32, #tpu.memory_space<vmem>>) target(%dma_start3A_924 : memref<16x1024xf32, #tpu.memory_space<hbm>>) target_semaphore(%arg12 : memref<!tpu.dma_semaphore, #tpu.memory_space<semaphore_mem>>)
      %add3A_928 = arith.constant 3 : i32
      %add3A_929 = arith.addi %mul3A_616, %add3A_928 : i32
      %min3A = arith.constant 24 : i32
      %min3A_930 = arith.minsi %add3A_929, %min3A : i32
      %mul3A_931 = arith.constant 32 : i32
      %mul3A_932 = arith.muli %min3A_930, %mul3A_931 : i32
      %add3A_933 = arith.addi %add3A, %mul3A_932 : i32
      %jit3A_934 = arith.constant 4 : i32
      %div3A_935 = arith.divsi %add3A_933, %jit3A_934 : i32
      %sign3A_936 = arith.constant 0 : i32
      %sign3A_937 = arith.cmpi sgt, %add3A_933, %sign3A_936 : i32
      %sign3A_938 = arith.extui %sign3A_937 : i1 to i32
      %sign3A_939 = arith.constant 0 : i32
      %sign3A_940 = arith.cmpi slt, %add3A_933, %sign3A_939 : i32
      %sign3A_941 = arith.extui %sign3A_940 : i1 to i32
      %sign3A_942 = arith.subi %sign3A_938, %sign3A_941 : i32
      %sign3A_943 = arith.constant 0 : i32
      %sign3A_944 = arith.cmpi sgt, %jit3A_934, %sign3A_943 : i32
      %sign3A_945 = arith.extui %sign3A_944 : i1 to i32
      %sign3A_946 = arith.constant 0 : i32
      %sign3A_947 = arith.cmpi slt, %jit3A_934, %sign3A_946 : i32
      %sign3A_948 = arith.extui %sign3A_947 : i1 to i32
      %sign3A_949 = arith.subi %sign3A_945, %sign3A_948 : i32
      %ne3A_950 = arith.cmpi ne, %sign3A_942, %sign3A_949 : i32
      %rem3A_951 = arith.remsi %add3A_933, %jit3A_934 : i32
      %ne3A_952 = arith.constant 0 : i32
      %ne3A_953 = arith.cmpi ne, %rem3A_951, %ne3A_952 : i32
      %and3A_954 = arith.andi %ne3A_950, %ne3A_953 : i1
      %sub3A_955 = arith.constant 1 : i32
      %sub3A_956 = arith.subi %div3A_935, %sub3A_955 : i32
      %select_n3A_957 = arith.select %and3A_954, %sub3A_956, %div3A_935 : i32
      %jit3A_958 = arith.constant 4 : i32
      %eq3A_959 = arith.constant 0 : i32
      %eq3A_960 = arith.cmpi eq, %jit3A_958, %eq3A_959 : i32
      %jit3A_961 = arith.constant 1 : i32
      %select_n3A_962 = arith.select %eq3A_960, %jit3A_961, %jit3A_958 : i32
      %rem3A_963 = arith.remsi %add3A_933, %select_n3A_962 : i32
      %ne3A_964 = arith.constant 0 : i32
      %ne3A_965 = arith.cmpi ne, %rem3A_963, %ne3A_964 : i32
      %lt3A_966 = arith.constant 0 : i32
      %lt3A_967 = arith.cmpi slt, %rem3A_963, %lt3A_966 : i32
      %lt3A_968 = arith.constant 0 : i32
      %lt3A_969 = arith.cmpi slt, %select_n3A_962, %lt3A_968 : i32
      %ne3A_970 = arith.xori %lt3A_967, %lt3A_969 : i1
      %and3A_971 = arith.andi %ne3A_970, %ne3A_965 : i1
      %add3A_972 = arith.addi %rem3A_963, %select_n3A_962 : i32
      %select_n3A_973 = arith.select %and3A_971, %add3A_972, %rem3A_963 : i32
      %mul3A_974 = arith.constant 16 : i32
      %mul3A_975 = arith.muli %select_n3A_973, %mul3A_974 : i32
      %dma_start3A_976 = arith.constant 16 : i32
      %dma_start3A_977 = arith.constant 0 : i32
      %dma_start3A_978 = tpu.memref_slice %arg7[%dma_start3A_976, %dma_start3A_977] : memref<32x1000xf32, #tpu.memory_space<vmem>> -> memref<16x1000xf32, #tpu.memory_space<vmem>>
      %dma_start3A_979 = arith.constant 0 : i32
      %dma_start3A_980 = tpu.memref_slice %arg3[%select_n3A_957, %mul3A_975, %dma_start3A_979] : memref<200x64x1000xf32, #tpu.memory_space<hbm>> -> memref<1x16x1000xf32, #tpu.memory_space<hbm>>
      %dma_start3A_981 = tpu.memref_squeeze %dma_start3A_980 : memref<1x16x1000xf32, #tpu.memory_space<hbm>> -> memref<16x1000xf32, #tpu.memory_space<hbm>>
      %dma_start3A_982 = arith.constant 16 : i32
      %dma_start3A_983 = arith.constant 0 : i32
      %dma_start3A_984 = tpu.memref_slice %arg7[%dma_start3A_982, %dma_start3A_983] : memref<32x1000xf32, #tpu.memory_space<vmem>> -> memref<16x1000xf32, #tpu.memory_space<vmem>>
      %dma_start3A_985 = arith.constant 0 : i32
      %dma_start3A_986 = tpu.memref_slice %arg3[%select_n3A_957, %mul3A_975, %dma_start3A_985] : memref<200x64x1000xf32, #tpu.memory_space<hbm>> -> memref<1x16x1000xf32, #tpu.memory_space<hbm>>
      %dma_start3A_987 = tpu.memref_squeeze %dma_start3A_986 : memref<1x16x1000xf32, #tpu.memory_space<hbm>> -> memref<16x1000xf32, #tpu.memory_space<hbm>>
      tpu.enqueue_dma source(%dma_start3A_987 : memref<16x1000xf32, #tpu.memory_space<hbm>>) target(%dma_start3A_984 : memref<16x1000xf32, #tpu.memory_space<vmem>>) target_semaphore(%arg10 : memref<!tpu.dma_semaphore, #tpu.memory_space<semaphore_mem>>)
      %scan3A_988 = arith.constant 0 : i32
      scf.yield %scan3A_988 : i32
    }
    %scan3A_413 = arith.constant 11 : i32
    %dma_wait3A_414 = arith.constant 0 : i32
    %dma_wait3A_415 = arith.constant 0 : i32
    %dma_wait3A_416 = arith.constant 0 : i32
    %dma_wait3A_417 = tpu.memref_slice %arg8[%dma_wait3A_415, %dma_wait3A_416] : memref<64x1024xf32, #tpu.memory_space<vmem>> -> memref<16x1024xf32, #tpu.memory_space<vmem>>
    %dma_wait3A_418 = arith.constant 0 : i32
    %dma_wait3A_419 = arith.constant 0 : i32
    %dma_wait3A_420 = tpu.memref_slice %arg4[%dma_wait3A_414, %dma_wait3A_418, %dma_wait3A_419] : memref<400x64x1024xf32, #tpu.memory_space<hbm>> -> memref<1x16x1024xf32, #tpu.memory_space<hbm>>
    %dma_wait3A_421 = tpu.memref_squeeze %dma_wait3A_420 : memref<1x16x1024xf32, #tpu.memory_space<hbm>> -> memref<16x1024xf32, #tpu.memory_space<hbm>>
    %dma_wait3A_422 = arith.constant 0 : i32
    %dma_wait3A_423 = arith.constant 0 : i32
    %dma_wait3A_424 = tpu.memref_slice %arg4[%dma_wait3A_414, %dma_wait3A_422, %dma_wait3A_423] : memref<400x64x1024xf32, #tpu.memory_space<hbm>> -> memref<1x16x1024xf32, #tpu.memory_space<hbm>>
    %dma_wait3A_425 = tpu.memref_squeeze %dma_wait3A_424 : memref<1x16x1024xf32, #tpu.memory_space<hbm>> -> memref<16x1024xf32, #tpu.memory_space<hbm>>
    %dma_wait3A_426 = arith.constant 0 : i32
    %dma_wait3A_427 = arith.constant 0 : i32
    %dma_wait3A_428 = tpu.memref_slice %arg8[%dma_wait3A_426, %dma_wait3A_427] : memref<64x1024xf32, #tpu.memory_space<vmem>> -> memref<16x1024xf32, #tpu.memory_space<vmem>>
    tpu.wait_dma2 semaphore(%arg11 : memref<!tpu.dma_semaphore, #tpu.memory_space<semaphore_mem>>) src(%dma_wait3A_428 : memref<16x1024xf32, #tpu.memory_space<vmem>>) dst(%dma_wait3A_425 : memref<16x1024xf32, #tpu.memory_space<hbm>>)
    %dma_wait3A_429 = arith.constant 0 : i32
    %dma_wait3A_430 = arith.constant 16 : i32
    %dma_wait3A_431 = arith.constant 0 : i32
    %dma_wait3A_432 = tpu.memref_slice %arg8[%dma_wait3A_430, %dma_wait3A_431] : memref<64x1024xf32, #tpu.memory_space<vmem>> -> memref<16x1024xf32, #tpu.memory_space<vmem>>
    %dma_wait3A_433 = arith.constant 0 : i32
    %dma_wait3A_434 = arith.constant 0 : i32
    %dma_wait3A_435 = tpu.memref_slice %arg4[%dma_wait3A_429, %dma_wait3A_433, %dma_wait3A_434] : memref<400x64x1024xf32, #tpu.memory_space<hbm>> -> memref<1x16x1024xf32, #tpu.memory_space<hbm>>
    %dma_wait3A_436 = tpu.memref_squeeze %dma_wait3A_435 : memref<1x16x1024xf32, #tpu.memory_space<hbm>> -> memref<16x1024xf32, #tpu.memory_space<hbm>>
    %dma_wait3A_437 = arith.constant 0 : i32
    %dma_wait3A_438 = arith.constant 0 : i32
    %dma_wait3A_439 = tpu.memref_slice %arg4[%dma_wait3A_429, %dma_wait3A_437, %dma_wait3A_438] : memref<400x64x1024xf32, #tpu.memory_space<hbm>> -> memref<1x16x1024xf32, #tpu.memory_space<hbm>>
    %dma_wait3A_440 = tpu.memref_squeeze %dma_wait3A_439 : memref<1x16x1024xf32, #tpu.memory_space<hbm>> -> memref<16x1024xf32, #tpu.memory_space<hbm>>
    %dma_wait3A_441 = arith.constant 16 : i32
    %dma_wait3A_442 = arith.constant 0 : i32
    %dma_wait3A_443 = tpu.memref_slice %arg8[%dma_wait3A_441, %dma_wait3A_442] : memref<64x1024xf32, #tpu.memory_space<vmem>> -> memref<16x1024xf32, #tpu.memory_space<vmem>>
    tpu.wait_dma2 semaphore(%arg11 : memref<!tpu.dma_semaphore, #tpu.memory_space<semaphore_mem>>) src(%dma_wait3A_443 : memref<16x1024xf32, #tpu.memory_space<vmem>>) dst(%dma_wait3A_440 : memref<16x1024xf32, #tpu.memory_space<hbm>>)
    %dma_wait3A_444 = arith.constant 0 : i32
    %dma_wait3A_445 = arith.constant 0 : i32
    %dma_wait3A_446 = arith.constant 0 : i32
    %dma_wait3A_447 = tpu.memref_slice %arg7[%dma_wait3A_445, %dma_wait3A_446] : memref<32x1000xf32, #tpu.memory_space<vmem>> -> memref<16x1000xf32, #tpu.memory_space<vmem>>
    %dma_wait3A_448 = arith.constant 0 : i32
    %dma_wait3A_449 = arith.constant 0 : i32
    %dma_wait3A_450 = tpu.memref_slice %arg3[%dma_wait3A_444, %dma_wait3A_448, %dma_wait3A_449] : memref<200x64x1000xf32, #tpu.memory_space<hbm>> -> memref<1x16x1000xf32, #tpu.memory_space<hbm>>
    %dma_wait3A_451 = tpu.memref_squeeze %dma_wait3A_450 : memref<1x16x1000xf32, #tpu.memory_space<hbm>> -> memref<16x1000xf32, #tpu.memory_space<hbm>>
    %dma_wait3A_452 = arith.constant 0 : i32
    %dma_wait3A_453 = arith.constant 0 : i32
    %dma_wait3A_454 = tpu.memref_slice %arg7[%dma_wait3A_452, %dma_wait3A_453] : memref<32x1000xf32, #tpu.memory_space<vmem>> -> memref<16x1000xf32, #tpu.memory_space<vmem>>
    %dma_wait3A_455 = arith.constant 0 : i32
    %dma_wait3A_456 = arith.constant 0 : i32
    %dma_wait3A_457 = tpu.memref_slice %arg3[%dma_wait3A_444, %dma_wait3A_455, %dma_wait3A_456] : memref<200x64x1000xf32, #tpu.memory_space<hbm>> -> memref<1x16x1000xf32, #tpu.memory_space<hbm>>
    %dma_wait3A_458 = tpu.memref_squeeze %dma_wait3A_457 : memref<1x16x1000xf32, #tpu.memory_space<hbm>> -> memref<16x1000xf32, #tpu.memory_space<hbm>>
    tpu.wait_dma2 semaphore(%arg9 : memref<!tpu.dma_semaphore, #tpu.memory_space<semaphore_mem>>) src(%dma_wait3A_458 : memref<16x1000xf32, #tpu.memory_space<hbm>>) dst(%dma_wait3A_454 : memref<16x1000xf32, #tpu.memory_space<vmem>>)
    %scan3A_459 = arith.constant 0 : i32
    %scan3A_460 = arith.constant 0 : i32
    %scan3A_461 = arith.constant 64 : i32
    %scan3A_462 = arith.addi %scan3A_460, %scan3A_461 : i32
    %scan3A_463 = arith.constant 2 : i32
    %scan3A_464 = scf.for %scan3A_613 = %scan3A_460 to %scan3A_462 step %scan3A_463 iter_args(%scan3A_614 = %scan3A_459) -> (i32)  : i32 {
      %mul3A_615 = arith.constant 16 : i32
      %mul3A_616 = arith.muli %scan3A_613, %mul3A_615 : i32
      %add3A_617 = arith.constant 0 : i32
      %add3A_618 = arith.addi %add3A_617, %mul3A_616 : i32
      %get3A = arith.index_cast %add3A_618 : i32 to index
      %get3A_619 = tpu.vector_load %arg6[%get3A] {strides = array<i32>} : memref<2048xi32, #tpu.memory_space<vmem>>, vector<16xi32>,
      %mul3A_620 = arith.constant 16 : i32
      %mul3A_621 = arith.muli %scan3A_613, %mul3A_620 : i32
      %add3A_622 = arith.constant 1024 : i32
      %add3A_623 = arith.addi %add3A_622, %mul3A_621 : i32
      %get3A_624 = arith.index_cast %add3A_623 : i32 to index
      %get3A_625 = tpu.vector_load %arg6[%get3A_624] {strides = array<i32>} : memref<2048xi32, #tpu.memory_space<vmem>>, vector<16xi32>,
      %broadcast_in_dim3A = arith.constant 0 : i32
      %broadcast_in_dim3A_626 = vector.broadcast %broadcast_in_dim3A : i32 to vector<16xi32>
      %gather3A = tpu.vector_load_idx %arg7[%broadcast_in_dim3A_626, %get3A_619] : memref<32x1000xf32, #tpu.memory_space<vmem>>[vector<16xi32>, vector<16xi32>], vector<16xf32>,
      %broadcast_in_dim3A_627 = arith.constant 1 : i32
      %broadcast_in_dim3A_628 = vector.broadcast %broadcast_in_dim3A_627 : i32 to vector<16xi32>
      %gather3A_629 = tpu.vector_load_idx %arg7[%broadcast_in_dim3A_628, %get3A_619] : memref<32x1000xf32, #tpu.memory_space<vmem>>[vector<16xi32>, vector<16xi32>], vector<16xf32>,
      %broadcast_in_dim3A_630 = arith.constant 2 : i32
      %broadcast_in_dim3A_631 = vector.broadcast %broadcast_in_dim3A_630 : i32 to vector<16xi32>
      %gather3A_632 = tpu.vector_load_idx %arg7[%broadcast_in_dim3A_631, %get3A_619] : memref<32x1000xf32, #tpu.memory_space<vmem>>[vector<16xi32>, vector<16xi32>], vector<16xf32>,
      %broadcast_in_dim3A_633 = arith.constant 3 : i32
      %broadcast_in_dim3A_634 = vector.broadcast %broadcast_in_dim3A_633 : i32 to vector<16xi32>
      %gather3A_635 = tpu.vector_load_idx %arg7[%broadcast_in_dim3A_634, %get3A_619] : memref<32x1000xf32, #tpu.memory_space<vmem>>[vector<16xi32>, vector<16xi32>], vector<16xf32>,
      %broadcast_in_dim3A_636 = arith.constant 4 : i32
      %broadcast_in_dim3A_637 = vector.broadcast %broadcast_in_dim3A_636 : i32 to vector<16xi32>
      %gather3A_638 = tpu.vector_load_idx %arg7[%broadcast_in_dim3A_637, %get3A_619] : memref<32x1000xf32, #tpu.memory_space<vmem>>[vector<16xi32>, vector<16xi32>], vector<16xf32>,
      %broadcast_in_dim3A_639 = arith.constant 5 : i32
      %broadcast_in_dim3A_640 = vector.broadcast %broadcast_in_dim3A_639 : i32 to vector<16xi32>
      %gather3A_641 = tpu.vector_load_idx %arg7[%broadcast_in_dim3A_640, %get3A_619] : memref<32x1000xf32, #tpu.memory_space<vmem>>[vector<16xi32>, vector<16xi32>], vector<16xf32>,
      %broadcast_in_dim3A_642 = arith.constant 6 : i32
      %broadcast_in_dim3A_643 = vector.broadcast %broadcast_in_dim3A_642 : i32 to vector<16xi32>
      %gather3A_644 = tpu.vector_load_idx %arg7[%broadcast_in_dim3A_643, %get3A_619] : memref<32x1000xf32, #tpu.memory_space<vmem>>[vector<16xi32>, vector<16xi32>], vector<16xf32>,
      %broadcast_in_dim3A_645 = arith.constant 7 : i32
      %broadcast_in_dim3A_646 = vector.broadcast %broadcast_in_dim3A_645 : i32 to vector<16xi32>
      %gather3A_647 = tpu.vector_load_idx %arg7[%broadcast_in_dim3A_646, %get3A_619] : memref<32x1000xf32, #tpu.memory_space<vmem>>[vector<16xi32>, vector<16xi32>], vector<16xf32>,
      %broadcast_in_dim3A_648 = arith.constant 8 : i32
      %broadcast_in_dim3A_649 = vector.broadcast %broadcast_in_dim3A_648 : i32 to vector<16xi32>
      %gather3A_650 = tpu.vector_load_idx %arg7[%broadcast_in_dim3A_649, %get3A_619] : memref<32x1000xf32, #tpu.memory_space<vmem>>[vector<16xi32>, vector<16xi32>], vector<16xf32>,
      %mul3A_651 = arith.constant 16 : i32
      %mul3A_652 = arith.muli %scan3A_613, %mul3A_651 : i32
      %swap3A = arith.constant 0 : i32
      %swap3A_653 = arith.index_cast %swap3A : i32 to index
      %swap3A_654 = arith.index_cast %mul3A_652 : i32 to index
      %swap3A_655 = tpu.vector_load %arg8[%swap3A_653, %swap3A_654] {strides = array<i32>} : memref<64x1024xf32, #tpu.memory_space<vmem>>, vector<16xf32>,
      tpu.vector_store %arg8[%swap3A_653, %swap3A_654], %gather3A {strides = array<i32>} : memref<64x1024xf32, #tpu.memory_space<vmem>>, vector<16xf32>,
      %broadcast_in_dim3A_656 = arith.constant 9 : i32
      %broadcast_in_dim3A_657 = vector.broadcast %broadcast_in_dim3A_656 : i32 to vector<16xi32>
      %gather3A_658 = tpu.vector_load_idx %arg7[%broadcast_in_dim3A_657, %get3A_619] : memref<32x1000xf32, #tpu.memory_space<vmem>>[vector<16xi32>, vector<16xi32>], vector<16xf32>,
      %mul3A_659 = arith.constant 16 : i32
      %mul3A_660 = arith.muli %scan3A_613, %mul3A_659 : i32
      %swap3A_661 = arith.constant 1 : i32
      %swap3A_662 = arith.index_cast %swap3A_661 : i32 to index
      %swap3A_663 = arith.index_cast %mul3A_660 : i32 to index
      %swap3A_664 = tpu.vector_load %arg8[%swap3A_662, %swap3A_663] {strides = array<i32>} : memref<64x1024xf32, #tpu.memory_space<vmem>>, vector<16xf32>,
      tpu.vector_store %arg8[%swap3A_662, %swap3A_663], %gather3A_629 {strides = array<i32>} : memref<64x1024xf32, #tpu.memory_space<vmem>>, vector<16xf32>,
      %broadcast_in_dim3A_665 = arith.constant 10 : i32
      %broadcast_in_dim3A_666 = vector.broadcast %broadcast_in_dim3A_665 : i32 to vector<16xi32>
      %gather3A_667 = tpu.vector_load_idx %arg7[%broadcast_in_dim3A_666, %get3A_619] : memref<32x1000xf32, #tpu.memory_space<vmem>>[vector<16xi32>, vector<16xi32>], vector<16xf32>,
      %mul3A_668 = arith.constant 16 : i32
      %mul3A_669 = arith.muli %scan3A_613, %mul3A_668 : i32
      %swap3A_670 = arith.constant 2 : i32
      %swap3A_671 = arith.index_cast %swap3A_670 : i32 to index
      %swap3A_672 = arith.index_cast %mul3A_669 : i32 to index
      %swap3A_673 = tpu.vector_load %arg8[%swap3A_671, %swap3A_672] {strides = array<i32>} : memref<64x1024xf32, #tpu.memory_space<vmem>>, vector<16xf32>,
      tpu.vector_store %arg8[%swap3A_671, %swap3A_672], %gather3A_632 {strides = array<i32>} : memref<64x1024xf32, #tpu.memory_space<vmem>>, vector<16xf32>,
      %broadcast_in_dim3A_674 = arith.constant 11 : i32
      %broadcast_in_dim3A_675 = vector.broadcast %broadcast_in_dim3A_674 : i32 to vector<16xi32>
      %gather3A_676 = tpu.vector_load_idx %arg7[%broadcast_in_dim3A_675, %get3A_619] : memref<32x1000xf32, #tpu.memory_space<vmem>>[vector<16xi32>, vector<16xi32>], vector<16xf32>,
      %mul3A_677 = arith.constant 16 : i32
      %mul3A_678 = arith.muli %scan3A_613, %mul3A_677 : i32
      %swap3A_679 = arith.constant 3 : i32
      %swap3A_680 = arith.index_cast %swap3A_679 : i32 to index
      %swap3A_681 = arith.index_cast %mul3A_678 : i32 to index
      %swap3A_682 = tpu.vector_load %arg8[%swap3A_680, %swap3A_681] {strides = array<i32>} : memref<64x1024xf32, #tpu.memory_space<vmem>>, vector<16xf32>,
      tpu.vector_store %arg8[%swap3A_680, %swap3A_681], %gather3A_635 {strides = array<i32>} : memref<64x1024xf32, #tpu.memory_space<vmem>>, vector<16xf32>,
      %broadcast_in_dim3A_683 = arith.constant 12 : i32
      %broadcast_in_dim3A_684 = vector.broadcast %broadcast_in_dim3A_683 : i32 to vector<16xi32>
      %gather3A_685 = tpu.vector_load_idx %arg7[%broadcast_in_dim3A_684, %get3A_619] : memref<32x1000xf32, #tpu.memory_space<vmem>>[vector<16xi32>, vector<16xi32>], vector<16xf32>,
      %mul3A_686 = arith.constant 16 : i32
      %mul3A_687 = arith.muli %scan3A_613, %mul3A_686 : i32
      %swap3A_688 = arith.constant 4 : i32
      %swap3A_689 = arith.index_cast %swap3A_688 : i32 to index
      %swap3A_690 = arith.index_cast %mul3A_687 : i32 to index
      %swap3A_691 = tpu.vector_load %arg8[%swap3A_689, %swap3A_690] {strides = array<i32>} : memref<64x1024xf32, #tpu.memory_space<vmem>>, vector<16xf32>,
      tpu.vector_store %arg8[%swap3A_689, %swap3A_690], %gather3A_638 {strides = array<i32>} : memref<64x1024xf32, #tpu.memory_space<vmem>>, vector<16xf32>,
      %broadcast_in_dim3A_692 = arith.constant 13 : i32
      %broadcast_in_dim3A_693 = vector.broadcast %broadcast_in_dim3A_692 : i32 to vector<16xi32>
      %gather3A_694 = tpu.vector_load_idx %arg7[%broadcast_in_dim3A_693, %get3A_619] : memref<32x1000xf32, #tpu.memory_space<vmem>>[vector<16xi32>, vector<16xi32>], vector<16xf32>,
      %mul3A_695 = arith.constant 16 : i32
      %mul3A_696 = arith.muli %scan3A_613, %mul3A_695 : i32
      %swap3A_697 = arith.constant 5 : i32
      %swap3A_698 = arith.index_cast %swap3A_697 : i32 to index
      %swap3A_699 = arith.index_cast %mul3A_696 : i32 to index
      %swap3A_700 = tpu.vector_load %arg8[%swap3A_698, %swap3A_699] {strides = array<i32>} : memref<64x1024xf32, #tpu.memory_space<vmem>>, vector<16xf32>,
      tpu.vector_store %arg8[%swap3A_698, %swap3A_699], %gather3A_641 {strides = array<i32>} : memref<64x1024xf32, #tpu.memory_space<vmem>>, vector<16xf32>,
      %broadcast_in_dim3A_701 = arith.constant 14 : i32
      %broadcast_in_dim3A_702 = vector.broadcast %broadcast_in_dim3A_701 : i32 to vector<16xi32>
      %gather3A_703 = tpu.vector_load_idx %arg7[%broadcast_in_dim3A_702, %get3A_619] : memref<32x1000xf32, #tpu.memory_space<vmem>>[vector<16xi32>, vector<16xi32>], vector<16xf32>,
      %mul3A_704 = arith.constant 16 : i32
      %mul3A_705 = arith.muli %scan3A_613, %mul3A_704 : i32
      %swap3A_706 = arith.constant 6 : i32
      %swap3A_707 = arith.index_cast %swap3A_706 : i32 to index
      %swap3A_708 = arith.index_cast %mul3A_705 : i32 to index
      %swap3A_709 = tpu.vector_load %arg8[%swap3A_707, %swap3A_708] {strides = array<i32>} : memref<64x1024xf32, #tpu.memory_space<vmem>>, vector<16xf32>,
      tpu.vector_store %arg8[%swap3A_707, %swap3A_708], %gather3A_644 {strides = array<i32>} : memref<64x1024xf32, #tpu.memory_space<vmem>>, vector<16xf32>,
      %broadcast_in_dim3A_710 = arith.constant 15 : i32
      %broadcast_in_dim3A_711 = vector.broadcast %broadcast_in_dim3A_710 : i32 to vector<16xi32>
      %gather3A_712 = tpu.vector_load_idx %arg7[%broadcast_in_dim3A_711, %get3A_619] : memref<32x1000xf32, #tpu.memory_space<vmem>>[vector<16xi32>, vector<16xi32>], vector<16xf32>,
      %mul3A_713 = arith.constant 16 : i32
      %mul3A_714 = arith.muli %scan3A_613, %mul3A_713 : i32
      %swap3A_715 = arith.constant 7 : i32
      %swap3A_716 = arith.index_cast %swap3A_715 : i32 to index
      %swap3A_717 = arith.index_cast %mul3A_714 : i32 to index
      %swap3A_718 = tpu.vector_load %arg8[%swap3A_716, %swap3A_717] {strides = array<i32>} : memref<64x1024xf32, #tpu.memory_space<vmem>>, vector<16xf32>,
      tpu.vector_store %arg8[%swap3A_716, %swap3A_717], %gather3A_647 {strides = array<i32>} : memref<64x1024xf32, #tpu.memory_space<vmem>>, vector<16xf32>,
      %broadcast_in_dim3A_719 = arith.constant 0 : i32
      %broadcast_in_dim3A_720 = vector.broadcast %broadcast_in_dim3A_719 : i32 to vector<16xi32>
      %gather3A_721 = tpu.vector_load_idx %arg7[%broadcast_in_dim3A_720, %get3A_625] : memref<32x1000xf32, #tpu.memory_space<vmem>>[vector<16xi32>, vector<16xi32>], vector<16xf32>,
      %mul3A_722 = arith.constant 16 : i32
      %mul3A_723 = arith.muli %scan3A_613, %mul3A_722 : i32
      %swap3A_724 = arith.constant 8 : i32
      %swap3A_725 = arith.index_cast %swap3A_724 : i32 to index
      %swap3A_726 = arith.index_cast %mul3A_723 : i32 to index
      %swap3A_727 = tpu.vector_load %arg8[%swap3A_725, %swap3A_726] {strides = array<i32>} : memref<64x1024xf32, #tpu.memory_space<vmem>>, vector<16xf32>,
      tpu.vector_store %arg8[%swap3A_725, %swap3A_726], %gather3A_650 {strides = array<i32>} : memref<64x1024xf32, #tpu.memory_space<vmem>>, vector<16xf32>,
      %broadcast_in_dim3A_728 = arith.constant 1 : i32
      %broadcast_in_dim3A_729 = vector.broadcast %broadcast_in_dim3A_728 : i32 to vector<16xi32>
      %gather3A_730 = tpu.vector_load_idx %arg7[%broadcast_in_dim3A_729, %get3A_625] : memref<32x1000xf32, #tpu.memory_space<vmem>>[vector<16xi32>, vector<16xi32>], vector<16xf32>,
      %mul3A_731 = arith.constant 16 : i32
      %mul3A_732 = arith.muli %scan3A_613, %mul3A_731 : i32
      %swap3A_733 = arith.constant 9 : i32
      %swap3A_734 = arith.index_cast %swap3A_733 : i32 to index
      %swap3A_735 = arith.index_cast %mul3A_732 : i32 to index
      %swap3A_736 = tpu.vector_load %arg8[%swap3A_734, %swap3A_735] {strides = array<i32>} : memref<64x1024xf32, #tpu.memory_space<vmem>>, vector<16xf32>,
      tpu.vector_store %arg8[%swap3A_734, %swap3A_735], %gather3A_658 {strides = array<i32>} : memref<64x1024xf32, #tpu.memory_space<vmem>>, vector<16xf32>,
      %broadcast_in_dim3A_737 = arith.constant 2 : i32
      %broadcast_in_dim3A_738 = vector.broadcast %broadcast_in_dim3A_737 : i32 to vector<16xi32>
      %gather3A_739 = tpu.vector_load_idx %arg7[%broadcast_in_dim3A_738, %get3A_625] : memref<32x1000xf32, #tpu.memory_space<vmem>>[vector<16xi32>, vector<16xi32>], vector<16xf32>,
      %mul3A_740 = arith.constant 16 : i32
      %mul3A_741 = arith.muli %scan3A_613, %mul3A_740 : i32
      %swap3A_742 = arith.constant 10 : i32
      %swap3A_743 = arith.index_cast %swap3A_742 : i32 to index
      %swap3A_744 = arith.index_cast %mul3A_741 : i32 to index
      %swap3A_745 = tpu.vector_load %arg8[%swap3A_743, %swap3A_744] {strides = array<i32>} : memref<64x1024xf32, #tpu.memory_space<vmem>>, vector<16xf32>,
      tpu.vector_store %arg8[%swap3A_743, %swap3A_744], %gather3A_667 {strides = array<i32>} : memref<64x1024xf32, #tpu.memory_space<vmem>>, vector<16xf32>,
      %broadcast_in_dim3A_746 = arith.constant 3 : i32
      %broadcast_in_dim3A_747 = vector.broadcast %broadcast_in_dim3A_746 : i32 to vector<16xi32>
      %gather3A_748 = tpu.vector_load_idx %arg7[%broadcast_in_dim3A_747, %get3A_625] : memref<32x1000xf32, #tpu.memory_space<vmem>>[vector<16xi32>, vector<16xi32>], vector<16xf32>,
      %mul3A_749 = arith.constant 16 : i32
      %mul3A_750 = arith.muli %scan3A_613, %mul3A_749 : i32
      %swap3A_751 = arith.constant 11 : i32
      %swap3A_752 = arith.index_cast %swap3A_751 : i32 to index
      %swap3A_753 = arith.index_cast %mul3A_750 : i32 to index
      %swap3A_754 = tpu.vector_load %arg8[%swap3A_752, %swap3A_753] {strides = array<i32>} : memref<64x1024xf32, #tpu.memory_space<vmem>>, vector<16xf32>,
      tpu.vector_store %arg8[%swap3A_752, %swap3A_753], %gather3A_676 {strides = array<i32>} : memref<64x1024xf32, #tpu.memory_space<vmem>>, vector<16xf32>,
      %broadcast_in_dim3A_755 = arith.constant 4 : i32
      %broadcast_in_dim3A_756 = vector.broadcast %broadcast_in_dim3A_755 : i32 to vector<16xi32>
      %gather3A_757 = tpu.vector_load_idx %arg7[%broadcast_in_dim3A_756, %get3A_625] : memref<32x1000xf32, #tpu.memory_space<vmem>>[vector<16xi32>, vector<16xi32>], vector<16xf32>,
      %mul3A_758 = arith.constant 16 : i32
      %mul3A_759 = arith.muli %scan3A_613, %mul3A_758 : i32
      %swap3A_760 = arith.constant 12 : i32
      %swap3A_761 = arith.index_cast %swap3A_760 : i32 to index
      %swap3A_762 = arith.index_cast %mul3A_759 : i32 to index
      %swap3A_763 = tpu.vector_load %arg8[%swap3A_761, %swap3A_762] {strides = array<i32>} : memref<64x1024xf32, #tpu.memory_space<vmem>>, vector<16xf32>,
      tpu.vector_store %arg8[%swap3A_761, %swap3A_762], %gather3A_685 {strides = array<i32>} : memref<64x1024xf32, #tpu.memory_space<vmem>>, vector<16xf32>,
      %broadcast_in_dim3A_764 = arith.constant 5 : i32
      %broadcast_in_dim3A_765 = vector.broadcast %broadcast_in_dim3A_764 : i32 to vector<16xi32>
      %gather3A_766 = tpu.vector_load_idx %arg7[%broadcast_in_dim3A_765, %get3A_625] : memref<32x1000xf32, #tpu.memory_space<vmem>>[vector<16xi32>, vector<16xi32>], vector<16xf32>,
      %mul3A_767 = arith.constant 16 : i32
      %mul3A_768 = arith.muli %scan3A_613, %mul3A_767 : i32
      %swap3A_769 = arith.constant 13 : i32
      %swap3A_770 = arith.index_cast %swap3A_769 : i32 to index
      %swap3A_771 = arith.index_cast %mul3A_768 : i32 to index
      %swap3A_772 = tpu.vector_load %arg8[%swap3A_770, %swap3A_771] {strides = array<i32>} : memref<64x1024xf32, #tpu.memory_space<vmem>>, vector<16xf32>,
      tpu.vector_store %arg8[%swap3A_770, %swap3A_771], %gather3A_694 {strides = array<i32>} : memref<64x1024xf32, #tpu.memory_space<vmem>>, vector<16xf32>,
      %broadcast_in_dim3A_773 = arith.constant 6 : i32
      %broadcast_in_dim3A_774 = vector.broadcast %broadcast_in_dim3A_773 : i32 to vector<16xi32>
      %gather3A_775 = tpu.vector_load_idx %arg7[%broadcast_in_dim3A_774, %get3A_625] : memref<32x1000xf32, #tpu.memory_space<vmem>>[vector<16xi32>, vector<16xi32>], vector<16xf32>,
      %mul3A_776 = arith.constant 16 : i32
      %mul3A_777 = arith.muli %scan3A_613, %mul3A_776 : i32
      %swap3A_778 = arith.constant 14 : i32
      %swap3A_779 = arith.index_cast %swap3A_778 : i32 to index
      %swap3A_780 = arith.index_cast %mul3A_777 : i32 to index
      %swap3A_781 = tpu.vector_load %arg8[%swap3A_779, %swap3A_780] {strides = array<i32>} : memref<64x1024xf32, #tpu.memory_space<vmem>>, vector<16xf32>,
      tpu.vector_store %arg8[%swap3A_779, %swap3A_780], %gather3A_703 {strides = array<i32>} : memref<64x1024xf32, #tpu.memory_space<vmem>>, vector<16xf32>,
      %broadcast_in_dim3A_782 = arith.constant 7 : i32
      %broadcast_in_dim3A_783 = vector.broadcast %broadcast_in_dim3A_782 : i32 to vector<16xi32>
      %gather3A_784 = tpu.vector_load_idx %arg7[%broadcast_in_dim3A_783, %get3A_625] : memref<32x1000xf32, #tpu.memory_space<vmem>>[vector<16xi32>, vector<16xi32>], vector<16xf32>,
      %mul3A_785 = arith.constant 16 : i32
      %mul3A_786 = arith.muli %scan3A_613, %mul3A_785 : i32
      %swap3A_787 = arith.constant 15 : i32
      %swap3A_788 = arith.index_cast %swap3A_787 : i32 to index
      %swap3A_789 = arith.index_cast %mul3A_786 : i32 to index
      %swap3A_790 = tpu.vector_load %arg8[%swap3A_788, %swap3A_789] {strides = array<i32>} : memref<64x1024xf32, #tpu.memory_space<vmem>>, vector<16xf32>,
      tpu.vector_store %arg8[%swap3A_788, %swap3A_789], %gather3A_712 {strides = array<i32>} : memref<64x1024xf32, #tpu.memory_space<vmem>>, vector<16xf32>,
      %broadcast_in_dim3A_791 = arith.constant 8 : i32
      %broadcast_in_dim3A_792 = vector.broadcast %broadcast_in_dim3A_791 : i32 to vector<16xi32>
      %gather3A_793 = tpu.vector_load_idx %arg7[%broadcast_in_dim3A_792, %get3A_625] : memref<32x1000xf32, #tpu.memory_space<vmem>>[vector<16xi32>, vector<16xi32>], vector<16xf32>,
      %mul3A_794 = arith.constant 16 : i32
      %mul3A_795 = arith.muli %scan3A_613, %mul3A_794 : i32
      %swap3A_796 = arith.constant 16 : i32
      %swap3A_797 = arith.index_cast %swap3A_796 : i32 to index
      %swap3A_798 = arith.index_cast %mul3A_795 : i32 to index
      %swap3A_799 = tpu.vector_load %arg8[%swap3A_797, %swap3A_798] {strides = array<i32>} : memref<64x1024xf32, #tpu.memory_space<vmem>>, vector<16xf32>,
      tpu.vector_store %arg8[%swap3A_797, %swap3A_798], %gather3A_721 {strides = array<i32>} : memref<64x1024xf32, #tpu.memory_space<vmem>>, vector<16xf32>,
      %broadcast_in_dim3A_800 = arith.constant 9 : i32
      %broadcast_in_dim3A_801 = vector.broadcast %broadcast_in_dim3A_800 : i32 to vector<16xi32>
      %gather3A_802 = tpu.vector_load_idx %arg7[%broadcast_in_dim3A_801, %get3A_625] : memref<32x1000xf32, #tpu.memory_space<vmem>>[vector<16xi32>, vector<16xi32>], vector<16xf32>,
      %mul3A_803 = arith.constant 16 : i32
      %mul3A_804 = arith.muli %scan3A_613, %mul3A_803 : i32
      %swap3A_805 = arith.constant 17 : i32
      %swap3A_806 = arith.index_cast %swap3A_805 : i32 to index
      %swap3A_807 = arith.index_cast %mul3A_804 : i32 to index
      %swap3A_808 = tpu.vector_load %arg8[%swap3A_806, %swap3A_807] {strides = array<i32>} : memref<64x1024xf32, #tpu.memory_space<vmem>>, vector<16xf32>,
      tpu.vector_store %arg8[%swap3A_806, %swap3A_807], %gather3A_730 {strides = array<i32>} : memref<64x1024xf32, #tpu.memory_space<vmem>>, vector<16xf32>,
      %broadcast_in_dim3A_809 = arith.constant 10 : i32
      %broadcast_in_dim3A_810 = vector.broadcast %broadcast_in_dim3A_809 : i32 to vector<16xi32>
      %gather3A_811 = tpu.vector_load_idx %arg7[%broadcast_in_dim3A_810, %get3A_625] : memref<32x1000xf32, #tpu.memory_space<vmem>>[vector<16xi32>, vector<16xi32>], vector<16xf32>,
      %mul3A_812 = arith.constant 16 : i32
      %mul3A_813 = arith.muli %scan3A_613, %mul3A_812 : i32
      %swap3A_814 = arith.constant 18 : i32
      %swap3A_815 = arith.index_cast %swap3A_814 : i32 to index
      %swap3A_816 = arith.index_cast %mul3A_813 : i32 to index
      %swap3A_817 = tpu.vector_load %arg8[%swap3A_815, %swap3A_816] {strides = array<i32>} : memref<64x1024xf32, #tpu.memory_space<vmem>>, vector<16xf32>,
      tpu.vector_store %arg8[%swap3A_815, %swap3A_816], %gather3A_739 {strides = array<i32>} : memref<64x1024xf32, #tpu.memory_space<vmem>>, vector<16xf32>,
      %broadcast_in_dim3A_818 = arith.constant 11 : i32
      %broadcast_in_dim3A_819 = vector.broadcast %broadcast_in_dim3A_818 : i32 to vector<16xi32>
      %gather3A_820 = tpu.vector_load_idx %arg7[%broadcast_in_dim3A_819, %get3A_625] : memref<32x1000xf32, #tpu.memory_space<vmem>>[vector<16xi32>, vector<16xi32>], vector<16xf32>,
      %mul3A_821 = arith.constant 16 : i32
      %mul3A_822 = arith.muli %scan3A_613, %mul3A_821 : i32
      %swap3A_823 = arith.constant 19 : i32
      %swap3A_824 = arith.index_cast %swap3A_823 : i32 to index
      %swap3A_825 = arith.index_cast %mul3A_822 : i32 to index
      %swap3A_826 = tpu.vector_load %arg8[%swap3A_824, %swap3A_825] {strides = array<i32>} : memref<64x1024xf32, #tpu.memory_space<vmem>>, vector<16xf32>,
      tpu.vector_store %arg8[%swap3A_824, %swap3A_825], %gather3A_748 {strides = array<i32>} : memref<64x1024xf32, #tpu.memory_space<vmem>>, vector<16xf32>,
      %broadcast_in_dim3A_827 = arith.constant 12 : i32
      %broadcast_in_dim3A_828 = vector.broadcast %broadcast_in_dim3A_827 : i32 to vector<16xi32>
      %gather3A_829 = tpu.vector_load_idx %arg7[%broadcast_in_dim3A_828, %get3A_625] : memref<32x1000xf32, #tpu.memory_space<vmem>>[vector<16xi32>, vector<16xi32>], vector<16xf32>,
      %mul3A_830 = arith.constant 16 : i32
      %mul3A_831 = arith.muli %scan3A_613, %mul3A_830 : i32
      %swap3A_832 = arith.constant 20 : i32
      %swap3A_833 = arith.index_cast %swap3A_832 : i32 to index
      %swap3A_834 = arith.index_cast %mul3A_831 : i32 to index
      %swap3A_835 = tpu.vector_load %arg8[%swap3A_833, %swap3A_834] {strides = array<i32>} : memref<64x1024xf32, #tpu.memory_space<vmem>>, vector<16xf32>,
      tpu.vector_store %arg8[%swap3A_833, %swap3A_834], %gather3A_757 {strides = array<i32>} : memref<64x1024xf32, #tpu.memory_space<vmem>>, vector<16xf32>,
      %broadcast_in_dim3A_836 = arith.constant 13 : i32
      %broadcast_in_dim3A_837 = vector.broadcast %broadcast_in_dim3A_836 : i32 to vector<16xi32>
      %gather3A_838 = tpu.vector_load_idx %arg7[%broadcast_in_dim3A_837, %get3A_625] : memref<32x1000xf32, #tpu.memory_space<vmem>>[vector<16xi32>, vector<16xi32>], vector<16xf32>,
      %mul3A_839 = arith.constant 16 : i32
      %mul3A_840 = arith.muli %scan3A_613, %mul3A_839 : i32
      %swap3A_841 = arith.constant 21 : i32
      %swap3A_842 = arith.index_cast %swap3A_841 : i32 to index
      %swap3A_843 = arith.index_cast %mul3A_840 : i32 to index
      %swap3A_844 = tpu.vector_load %arg8[%swap3A_842, %swap3A_843] {strides = array<i32>} : memref<64x1024xf32, #tpu.memory_space<vmem>>, vector<16xf32>,
      tpu.vector_store %arg8[%swap3A_842, %swap3A_843], %gather3A_766 {strides = array<i32>} : memref<64x1024xf32, #tpu.memory_space<vmem>>, vector<16xf32>,
      %broadcast_in_dim3A_845 = arith.constant 14 : i32
      %broadcast_in_dim3A_846 = vector.broadcast %broadcast_in_dim3A_845 : i32 to vector<16xi32>
      %gather3A_847 = tpu.vector_load_idx %arg7[%broadcast_in_dim3A_846, %get3A_625] : memref<32x1000xf32, #tpu.memory_space<vmem>>[vector<16xi32>, vector<16xi32>], vector<16xf32>,
      %mul3A_848 = arith.constant 16 : i32
      %mul3A_849 = arith.muli %scan3A_613, %mul3A_848 : i32
      %swap3A_850 = arith.constant 22 : i32
      %swap3A_851 = arith.index_cast %swap3A_850 : i32 to index
      %swap3A_852 = arith.index_cast %mul3A_849 : i32 to index
      %swap3A_853 = tpu.vector_load %arg8[%swap3A_851, %swap3A_852] {strides = array<i32>} : memref<64x1024xf32, #tpu.memory_space<vmem>>, vector<16xf32>,
      tpu.vector_store %arg8[%swap3A_851, %swap3A_852], %gather3A_775 {strides = array<i32>} : memref<64x1024xf32, #tpu.memory_space<vmem>>, vector<16xf32>,
      %broadcast_in_dim3A_854 = arith.constant 15 : i32
      %broadcast_in_dim3A_855 = vector.broadcast %broadcast_in_dim3A_854 : i32 to vector<16xi32>
      %gather3A_856 = tpu.vector_load_idx %arg7[%broadcast_in_dim3A_855, %get3A_625] : memref<32x1000xf32, #tpu.memory_space<vmem>>[vector<16xi32>, vector<16xi32>], vector<16xf32>,
      %mul3A_857 = arith.constant 16 : i32
      %mul3A_858 = arith.muli %scan3A_613, %mul3A_857 : i32
      %swap3A_859 = arith.constant 23 : i32
      %swap3A_860 = arith.index_cast %swap3A_859 : i32 to index
      %swap3A_861 = arith.index_cast %mul3A_858 : i32 to index
      %swap3A_862 = tpu.vector_load %arg8[%swap3A_860, %swap3A_861] {strides = array<i32>} : memref<64x1024xf32, #tpu.memory_space<vmem>>, vector<16xf32>,
      tpu.vector_store %arg8[%swap3A_860, %swap3A_861], %gather3A_784 {strides = array<i32>} : memref<64x1024xf32, #tpu.memory_space<vmem>>, vector<16xf32>,
      %mul3A_863 = arith.constant 16 : i32
      %mul3A_864 = arith.muli %scan3A_613, %mul3A_863 : i32
      %swap3A_865 = arith.constant 24 : i32
      %swap3A_866 = arith.index_cast %swap3A_865 : i32 to index
      %swap3A_867 = arith.index_cast %mul3A_864 : i32 to index
      %swap3A_868 = tpu.vector_load %arg8[%swap3A_866, %swap3A_867] {strides = array<i32>} : memref<64x1024xf32, #tpu.memory_space<vmem>>, vector<16xf32>,
      tpu.vector_store %arg8[%swap3A_866, %swap3A_867], %gather3A_793 {strides = array<i32>} : memref<64x1024xf32, #tpu.memory_space<vmem>>, vector<16xf32>,
      %mul3A_869 = arith.constant 16 : i32
      %mul3A_870 = arith.muli %scan3A_613, %mul3A_869 : i32
      %swap3A_871 = arith.constant 25 : i32
      %swap3A_872 = arith.index_cast %swap3A_871 : i32 to index
      %swap3A_873 = arith.index_cast %mul3A_870 : i32 to index
      %swap3A_874 = tpu.vector_load %arg8[%swap3A_872, %swap3A_873] {strides = array<i32>} : memref<64x1024xf32, #tpu.memory_space<vmem>>, vector<16xf32>,
      tpu.vector_store %arg8[%swap3A_872, %swap3A_873], %gather3A_802 {strides = array<i32>} : memref<64x1024xf32, #tpu.memory_space<vmem>>, vector<16xf32>,
      %mul3A_875 = arith.constant 16 : i32
      %mul3A_876 = arith.muli %scan3A_613, %mul3A_875 : i32
      %swap3A_877 = arith.constant 26 : i32
      %swap3A_878 = arith.index_cast %swap3A_877 : i32 to index
      %swap3A_879 = arith.index_cast %mul3A_876 : i32 to index
      %swap3A_880 = tpu.vector_load %arg8[%swap3A_878, %swap3A_879] {strides = array<i32>} : memref<64x1024xf32, #tpu.memory_space<vmem>>, vector<16xf32>,
      tpu.vector_store %arg8[%swap3A_878, %swap3A_879], %gather3A_811 {strides = array<i32>} : memref<64x1024xf32, #tpu.memory_space<vmem>>, vector<16xf32>,
      %mul3A_881 = arith.constant 16 : i32
      %mul3A_882 = arith.muli %scan3A_613, %mul3A_881 : i32
      %swap3A_883 = arith.constant 27 : i32
      %swap3A_884 = arith.index_cast %swap3A_883 : i32 to index
      %swap3A_885 = arith.index_cast %mul3A_882 : i32 to index
      %swap3A_886 = tpu.vector_load %arg8[%swap3A_884, %swap3A_885] {strides = array<i32>} : memref<64x1024xf32, #tpu.memory_space<vmem>>, vector<16xf32>,
      tpu.vector_store %arg8[%swap3A_884, %swap3A_885], %gather3A_820 {strides = array<i32>} : memref<64x1024xf32, #tpu.memory_space<vmem>>, vector<16xf32>,
      %mul3A_887 = arith.constant 16 : i32
      %mul3A_888 = arith.muli %scan3A_613, %mul3A_887 : i32
      %swap3A_889 = arith.constant 28 : i32
      %swap3A_890 = arith.index_cast %swap3A_889 : i32 to index
      %swap3A_891 = arith.index_cast %mul3A_888 : i32 to index
      %swap3A_892 = tpu.vector_load %arg8[%swap3A_890, %swap3A_891] {strides = array<i32>} : memref<64x1024xf32, #tpu.memory_space<vmem>>, vector<16xf32>,
      tpu.vector_store %arg8[%swap3A_890, %swap3A_891], %gather3A_829 {strides = array<i32>} : memref<64x1024xf32, #tpu.memory_space<vmem>>, vector<16xf32>,
      %mul3A_893 = arith.constant 16 : i32
      %mul3A_894 = arith.muli %scan3A_613, %mul3A_893 : i32
      %swap3A_895 = arith.constant 29 : i32
      %swap3A_896 = arith.index_cast %swap3A_895 : i32 to index
      %swap3A_897 = arith.index_cast %mul3A_894 : i32 to index
      %swap3A_898 = tpu.vector_load %arg8[%swap3A_896, %swap3A_897] {strides = array<i32>} : memref<64x1024xf32, #tpu.memory_space<vmem>>, vector<16xf32>,
      tpu.vector_store %arg8[%swap3A_896, %swap3A_897], %gather3A_838 {strides = array<i32>} : memref<64x1024xf32, #tpu.memory_space<vmem>>, vector<16xf32>,
      %mul3A_899 = arith.constant 16 : i32
      %mul3A_900 = arith.muli %scan3A_613, %mul3A_899 : i32
      %swap3A_901 = arith.constant 30 : i32
      %swap3A_902 = arith.index_cast %swap3A_901 : i32 to index
      %swap3A_903 = arith.index_cast %mul3A_900 : i32 to index
      %swap3A_904 = tpu.vector_load %arg8[%swap3A_902, %swap3A_903] {strides = array<i32>} : memref<64x1024xf32, #tpu.memory_space<vmem>>, vector<16xf32>,
      tpu.vector_store %arg8[%swap3A_902, %swap3A_903], %gather3A_847 {strides = array<i32>} : memref<64x1024xf32, #tpu.memory_space<vmem>>, vector<16xf32>,
      %mul3A_905 = arith.constant 16 : i32
      %mul3A_906 = arith.muli %scan3A_613, %mul3A_905 : i32
      %swap3A_907 = arith.constant 31 : i32
      %swap3A_908 = arith.index_cast %swap3A_907 : i32 to index
      %swap3A_909 = arith.index_cast %mul3A_906 : i32 to index
      %swap3A_910 = tpu.vector_load %arg8[%swap3A_908, %swap3A_909] {strides = array<i32>} : memref<64x1024xf32, #tpu.memory_space<vmem>>, vector<16xf32>,
      tpu.vector_store %arg8[%swap3A_908, %swap3A_909], %gather3A_856 {strides = array<i32>} : memref<64x1024xf32, #tpu.memory_space<vmem>>, vector<16xf32>,
      %scan3A_911 = arith.constant 0 : i32
      %scan3A_912 = arith.constant 1 : i32
      %scan3A_913 = arith.addi %scan3A_613, %scan3A_912 : i32
      %mul3A_914 = arith.constant 16 : i32
      %mul3A_915 = arith.muli %scan3A_913, %mul3A_914 : i32
      %add3A_916 = arith.constant 0 : i32
      %add3A_917 = arith.addi %add3A_916, %mul3A_915 : i32
      %get3A_918 = arith.index_cast %add3A_917 : i32 to index
      %get3A_919 = tpu.vector_load %arg6[%get3A_918] {strides = array<i32>} : memref<2048xi32, #tpu.memory_space<vmem>>, vector<16xi32>,
      %mul3A_920 = arith.constant 16 : i32
      %mul3A_921 = arith.muli %scan3A_913, %mul3A_920 : i32
      %add3A_922 = arith.constant 1024 : i32
      %add3A_923 = arith.addi %add3A_922, %mul3A_921 : i32
      %get3A_924 = arith.index_cast %add3A_923 : i32 to index
      %get3A_925 = tpu.vector_load %arg6[%get3A_924] {strides = array<i32>} : memref<2048xi32, #tpu.memory_space<vmem>>, vector<16xi32>,
      %broadcast_in_dim3A_926 = arith.constant 0 : i32
      %broadcast_in_dim3A_927 = vector.broadcast %broadcast_in_dim3A_926 : i32 to vector<16xi32>
      %gather3A_928 = tpu.vector_load_idx %arg7[%broadcast_in_dim3A_927, %get3A_919] : memref<32x1000xf32, #tpu.memory_space<vmem>>[vector<16xi32>, vector<16xi32>], vector<16xf32>,
      %broadcast_in_dim3A_929 = arith.constant 1 : i32
      %broadcast_in_dim3A_930 = vector.broadcast %broadcast_in_dim3A_929 : i32 to vector<16xi32>
      %gather3A_931 = tpu.vector_load_idx %arg7[%broadcast_in_dim3A_930, %get3A_919] : memref<32x1000xf32, #tpu.memory_space<vmem>>[vector<16xi32>, vector<16xi32>], vector<16xf32>,
      %broadcast_in_dim3A_932 = arith.constant 2 : i32
      %broadcast_in_dim3A_933 = vector.broadcast %broadcast_in_dim3A_932 : i32 to vector<16xi32>
      %gather3A_934 = tpu.vector_load_idx %arg7[%broadcast_in_dim3A_933, %get3A_919] : memref<32x1000xf32, #tpu.memory_space<vmem>>[vector<16xi32>, vector<16xi32>], vector<16xf32>,
      %broadcast_in_dim3A_935 = arith.constant 3 : i32
      %broadcast_in_dim3A_936 = vector.broadcast %broadcast_in_dim3A_935 : i32 to vector<16xi32>
      %gather3A_937 = tpu.vector_load_idx %arg7[%broadcast_in_dim3A_936, %get3A_919] : memref<32x1000xf32, #tpu.memory_space<vmem>>[vector<16xi32>, vector<16xi32>], vector<16xf32>,
      %broadcast_in_dim3A_938 = arith.constant 4 : i32
      %broadcast_in_dim3A_939 = vector.broadcast %broadcast_in_dim3A_938 : i32 to vector<16xi32>
      %gather3A_940 = tpu.vector_load_idx %arg7[%broadcast_in_dim3A_939, %get3A_919] : memref<32x1000xf32, #tpu.memory_space<vmem>>[vector<16xi32>, vector<16xi32>], vector<16xf32>,
      %broadcast_in_dim3A_941 = arith.constant 5 : i32
      %broadcast_in_dim3A_942 = vector.broadcast %broadcast_in_dim3A_941 : i32 to vector<16xi32>
      %gather3A_943 = tpu.vector_load_idx %arg7[%broadcast_in_dim3A_942, %get3A_919] : memref<32x1000xf32, #tpu.memory_space<vmem>>[vector<16xi32>, vector<16xi32>], vector<16xf32>,
      %broadcast_in_dim3A_944 = arith.constant 6 : i32
      %broadcast_in_dim3A_945 = vector.broadcast %broadcast_in_dim3A_944 : i32 to vector<16xi32>
      %gather3A_946 = tpu.vector_load_idx %arg7[%broadcast_in_dim3A_945, %get3A_919] : memref<32x1000xf32, #tpu.memory_space<vmem>>[vector<16xi32>, vector<16xi32>], vector<16xf32>,
      %broadcast_in_dim3A_947 = arith.constant 7 : i32
      %broadcast_in_dim3A_948 = vector.broadcast %broadcast_in_dim3A_947 : i32 to vector<16xi32>
      %gather3A_949 = tpu.vector_load_idx %arg7[%broadcast_in_dim3A_948, %get3A_919] : memref<32x1000xf32, #tpu.memory_space<vmem>>[vector<16xi32>, vector<16xi32>], vector<16xf32>,
      %broadcast_in_dim3A_950 = arith.constant 8 : i32
      %broadcast_in_dim3A_951 = vector.broadcast %broadcast_in_dim3A_950 : i32 to vector<16xi32>
      %gather3A_952 = tpu.vector_load_idx %arg7[%broadcast_in_dim3A_951, %get3A_919] : memref<32x1000xf32, #tpu.memory_space<vmem>>[vector<16xi32>, vector<16xi32>], vector<16xf32>,
      %mul3A_953 = arith.constant 16 : i32
      %mul3A_954 = arith.muli %scan3A_913, %mul3A_953 : i32
      %swap3A_955 = arith.constant 0 : i32
      %swap3A_956 = arith.index_cast %swap3A_955 : i32 to index
      %swap3A_957 = arith.index_cast %mul3A_954 : i32 to index
      %swap3A_958 = tpu.vector_load %arg8[%swap3A_956, %swap3A_957] {strides = array<i32>} : memref<64x1024xf32, #tpu.memory_space<vmem>>, vector<16xf32>,
      tpu.vector_store %arg8[%swap3A_956, %swap3A_957], %gather3A_928 {strides = array<i32>} : memref<64x1024xf32, #tpu.memory_space<vmem>>, vector<16xf32>,
      %broadcast_in_dim3A_959 = arith.constant 9 : i32
      %broadcast_in_dim3A_960 = vector.broadcast %broadcast_in_dim3A_959 : i32 to vector<16xi32>
      %gather3A_961 = tpu.vector_load_idx %arg7[%broadcast_in_dim3A_960, %get3A_919] : memref<32x1000xf32, #tpu.memory_space<vmem>>[vector<16xi32>, vector<16xi32>], vector<16xf32>,
      %mul3A_962 = arith.constant 16 : i32
      %mul3A_963 = arith.muli %scan3A_913, %mul3A_962 : i32
      %swap3A_964 = arith.constant 1 : i32
      %swap3A_965 = arith.index_cast %swap3A_964 : i32 to index
      %swap3A_966 = arith.index_cast %mul3A_963 : i32 to index
      %swap3A_967 = tpu.vector_load %arg8[%swap3A_965, %swap3A_966] {strides = array<i32>} : memref<64x1024xf32, #tpu.memory_space<vmem>>, vector<16xf32>,
      tpu.vector_store %arg8[%swap3A_965, %swap3A_966], %gather3A_931 {strides = array<i32>} : memref<64x1024xf32, #tpu.memory_space<vmem>>, vector<16xf32>,
      %broadcast_in_dim3A_968 = arith.constant 10 : i32
      %broadcast_in_dim3A_969 = vector.broadcast %broadcast_in_dim3A_968 : i32 to vector<16xi32>
      %gather3A_970 = tpu.vector_load_idx %arg7[%broadcast_in_dim3A_969, %get3A_919] : memref<32x1000xf32, #tpu.memory_space<vmem>>[vector<16xi32>, vector<16xi32>], vector<16xf32>,
      %mul3A_971 = arith.constant 16 : i32
      %mul3A_972 = arith.muli %scan3A_913, %mul3A_971 : i32
      %swap3A_973 = arith.constant 2 : i32
      %swap3A_974 = arith.index_cast %swap3A_973 : i32 to index
      %swap3A_975 = arith.index_cast %mul3A_972 : i32 to index
      %swap3A_976 = tpu.vector_load %arg8[%swap3A_974, %swap3A_975] {strides = array<i32>} : memref<64x1024xf32, #tpu.memory_space<vmem>>, vector<16xf32>,
      tpu.vector_store %arg8[%swap3A_974, %swap3A_975], %gather3A_934 {strides = array<i32>} : memref<64x1024xf32, #tpu.memory_space<vmem>>, vector<16xf32>,
      %broadcast_in_dim3A_977 = arith.constant 11 : i32
      %broadcast_in_dim3A_978 = vector.broadcast %broadcast_in_dim3A_977 : i32 to vector<16xi32>
      %gather3A_979 = tpu.vector_load_idx %arg7[%broadcast_in_dim3A_978, %get3A_919] : memref<32x1000xf32, #tpu.memory_space<vmem>>[vector<16xi32>, vector<16xi32>], vector<16xf32>,
      %mul3A_980 = arith.constant 16 : i32
      %mul3A_981 = arith.muli %scan3A_913, %mul3A_980 : i32
      %swap3A_982 = arith.constant 3 : i32
      %swap3A_983 = arith.index_cast %swap3A_982 : i32 to index
      %swap3A_984 = arith.index_cast %mul3A_981 : i32 to index
      %swap3A_985 = tpu.vector_load %arg8[%swap3A_983, %swap3A_984] {strides = array<i32>} : memref<64x1024xf32, #tpu.memory_space<vmem>>, vector<16xf32>,
      tpu.vector_store %arg8[%swap3A_983, %swap3A_984], %gather3A_937 {strides = array<i32>} : memref<64x1024xf32, #tpu.memory_space<vmem>>, vector<16xf32>,
      %broadcast_in_dim3A_986 = arith.constant 12 : i32
      %broadcast_in_dim3A_987 = vector.broadcast %broadcast_in_dim3A_986 : i32 to vector<16xi32>
      %gather3A_988 = tpu.vector_load_idx %arg7[%broadcast_in_dim3A_987, %get3A_919] : memref<32x1000xf32, #tpu.memory_space<vmem>>[vector<16xi32>, vector<16xi32>], vector<16xf32>,
      %mul3A_989 = arith.constant 16 : i32
      %mul3A_990 = arith.muli %scan3A_913, %mul3A_989 : i32
      %swap3A_991 = arith.constant 4 : i32
      %swap3A_992 = arith.index_cast %swap3A_991 : i32 to index
      %swap3A_993 = arith.index_cast %mul3A_990 : i32 to index
      %swap3A_994 = tpu.vector_load %arg8[%swap3A_992, %swap3A_993] {strides = array<i32>} : memref<64x1024xf32, #tpu.memory_space<vmem>>, vector<16xf32>,
      tpu.vector_store %arg8[%swap3A_992, %swap3A_993], %gather3A_940 {strides = array<i32>} : memref<64x1024xf32, #tpu.memory_space<vmem>>, vector<16xf32>,
      %broadcast_in_dim3A_995 = arith.constant 13 : i32
      %broadcast_in_dim3A_996 = vector.broadcast %broadcast_in_dim3A_995 : i32 to vector<16xi32>
      %gather3A_997 = tpu.vector_load_idx %arg7[%broadcast_in_dim3A_996, %get3A_919] : memref<32x1000xf32, #tpu.memory_space<vmem>>[vector<16xi32>, vector<16xi32>], vector<16xf32>,
      %mul3A_998 = arith.constant 16 : i32
      %mul3A_999 = arith.muli %scan3A_913, %mul3A_998 : i32
      %swap3A_1000 = arith.constant 5 : i32
      %swap3A_1001 = arith.index_cast %swap3A_1000 : i32 to index
      %swap3A_1002 = arith.index_cast %mul3A_999 : i32 to index
      %swap3A_1003 = tpu.vector_load %arg8[%swap3A_1001, %swap3A_1002] {strides = array<i32>} : memref<64x1024xf32, #tpu.memory_space<vmem>>, vector<16xf32>,
      tpu.vector_store %arg8[%swap3A_1001, %swap3A_1002], %gather3A_943 {strides = array<i32>} : memref<64x1024xf32, #tpu.memory_space<vmem>>, vector<16xf32>,
      %broadcast_in_dim3A_1004 = arith.constant 14 : i32
      %broadcast_in_dim3A_1005 = vector.broadcast %broadcast_in_dim3A_1004 : i32 to vector<16xi32>
      %gather3A_1006 = tpu.vector_load_idx %arg7[%broadcast_in_dim3A_1005, %get3A_919] : memref<32x1000xf32, #tpu.memory_space<vmem>>[vector<16xi32>, vector<16xi32>], vector<16xf32>,
      %mul3A_1007 = arith.constant 16 : i32
      %mul3A_1008 = arith.muli %scan3A_913, %mul3A_1007 : i32
      %swap3A_1009 = arith.constant 6 : i32
      %swap3A_1010 = arith.index_cast %swap3A_1009 : i32 to index
      %swap3A_1011 = arith.index_cast %mul3A_1008 : i32 to index
      %swap3A_1012 = tpu.vector_load %arg8[%swap3A_1010, %swap3A_1011] {strides = array<i32>} : memref<64x1024xf32, #tpu.memory_space<vmem>>, vector<16xf32>,
      tpu.vector_store %arg8[%swap3A_1010, %swap3A_1011], %gather3A_946 {strides = array<i32>} : memref<64x1024xf32, #tpu.memory_space<vmem>>, vector<16xf32>,
      %broadcast_in_dim3A_1013 = arith.constant 15 : i32
      %broadcast_in_dim3A_1014 = vector.broadcast %broadcast_in_dim3A_1013 : i32 to vector<16xi32>
      %gather3A_1015 = tpu.vector_load_idx %arg7[%broadcast_in_dim3A_1014, %get3A_919] : memref<32x1000xf32, #tpu.memory_space<vmem>>[vector<16xi32>, vector<16xi32>], vector<16xf32>,
      %mul3A_1016 = arith.constant 16 : i32
      %mul3A_1017 = arith.muli %scan3A_913, %mul3A_1016 : i32
      %swap3A_1018 = arith.constant 7 : i32
      %swap3A_1019 = arith.index_cast %swap3A_1018 : i32 to index
      %swap3A_1020 = arith.index_cast %mul3A_1017 : i32 to index
      %swap3A_1021 = tpu.vector_load %arg8[%swap3A_1019, %swap3A_1020] {strides = array<i32>} : memref<64x1024xf32, #tpu.memory_space<vmem>>, vector<16xf32>,
      tpu.vector_store %arg8[%swap3A_1019, %swap3A_1020], %gather3A_949 {strides = array<i32>} : memref<64x1024xf32, #tpu.memory_space<vmem>>, vector<16xf32>,
      %broadcast_in_dim3A_1022 = arith.constant 0 : i32
      %broadcast_in_dim3A_1023 = vector.broadcast %broadcast_in_dim3A_1022 : i32 to vector<16xi32>
      %gather3A_1024 = tpu.vector_load_idx %arg7[%broadcast_in_dim3A_1023, %get3A_925] : memref<32x1000xf32, #tpu.memory_space<vmem>>[vector<16xi32>, vector<16xi32>], vector<16xf32>,
      %mul3A_1025 = arith.constant 16 : i32
      %mul3A_1026 = arith.muli %scan3A_913, %mul3A_1025 : i32
      %swap3A_1027 = arith.constant 8 : i32
      %swap3A_1028 = arith.index_cast %swap3A_1027 : i32 to index
      %swap3A_1029 = arith.index_cast %mul3A_1026 : i32 to index
      %swap3A_1030 = tpu.vector_load %arg8[%swap3A_1028, %swap3A_1029] {strides = array<i32>} : memref<64x1024xf32, #tpu.memory_space<vmem>>, vector<16xf32>,
      tpu.vector_store %arg8[%swap3A_1028, %swap3A_1029], %gather3A_952 {strides = array<i32>} : memref<64x1024xf32, #tpu.memory_space<vmem>>, vector<16xf32>,
      %broadcast_in_dim3A_1031 = arith.constant 1 : i32
      %broadcast_in_dim3A_1032 = vector.broadcast %broadcast_in_dim3A_1031 : i32 to vector<16xi32>
      %gather3A_1033 = tpu.vector_load_idx %arg7[%broadcast_in_dim3A_1032, %get3A_925] : memref<32x1000xf32, #tpu.memory_space<vmem>>[vector<16xi32>, vector<16xi32>], vector<16xf32>,
      %mul3A_1034 = arith.constant 16 : i32
      %mul3A_1035 = arith.muli %scan3A_913, %mul3A_1034 : i32
      %swap3A_1036 = arith.constant 9 : i32
      %swap3A_1037 = arith.index_cast %swap3A_1036 : i32 to index
      %swap3A_1038 = arith.index_cast %mul3A_1035 : i32 to index
      %swap3A_1039 = tpu.vector_load %arg8[%swap3A_1037, %swap3A_1038] {strides = array<i32>} : memref<64x1024xf32, #tpu.memory_space<vmem>>, vector<16xf32>,
      tpu.vector_store %arg8[%swap3A_1037, %swap3A_1038], %gather3A_961 {strides = array<i32>} : memref<64x1024xf32, #tpu.memory_space<vmem>>, vector<16xf32>,
      %broadcast_in_dim3A_1040 = arith.constant 2 : i32
      %broadcast_in_dim3A_1041 = vector.broadcast %broadcast_in_dim3A_1040 : i32 to vector<16xi32>
      %gather3A_1042 = tpu.vector_load_idx %arg7[%broadcast_in_dim3A_1041, %get3A_925] : memref<32x1000xf32, #tpu.memory_space<vmem>>[vector<16xi32>, vector<16xi32>], vector<16xf32>,
      %mul3A_1043 = arith.constant 16 : i32
      %mul3A_1044 = arith.muli %scan3A_913, %mul3A_1043 : i32
      %swap3A_1045 = arith.constant 10 : i32
      %swap3A_1046 = arith.index_cast %swap3A_1045 : i32 to index
      %swap3A_1047 = arith.index_cast %mul3A_1044 : i32 to index
      %swap3A_1048 = tpu.vector_load %arg8[%swap3A_1046, %swap3A_1047] {strides = array<i32>} : memref<64x1024xf32, #tpu.memory_space<vmem>>, vector<16xf32>,
      tpu.vector_store %arg8[%swap3A_1046, %swap3A_1047], %gather3A_970 {strides = array<i32>} : memref<64x1024xf32, #tpu.memory_space<vmem>>, vector<16xf32>,
      %broadcast_in_dim3A_1049 = arith.constant 3 : i32
      %broadcast_in_dim3A_1050 = vector.broadcast %broadcast_in_dim3A_1049 : i32 to vector<16xi32>
      %gather3A_1051 = tpu.vector_load_idx %arg7[%broadcast_in_dim3A_1050, %get3A_925] : memref<32x1000xf32, #tpu.memory_space<vmem>>[vector<16xi32>, vector<16xi32>], vector<16xf32>,
      %mul3A_1052 = arith.constant 16 : i32
      %mul3A_1053 = arith.muli %scan3A_913, %mul3A_1052 : i32
      %swap3A_1054 = arith.constant 11 : i32
      %swap3A_1055 = arith.index_cast %swap3A_1054 : i32 to index
      %swap3A_1056 = arith.index_cast %mul3A_1053 : i32 to index
      %swap3A_1057 = tpu.vector_load %arg8[%swap3A_1055, %swap3A_1056] {strides = array<i32>} : memref<64x1024xf32, #tpu.memory_space<vmem>>, vector<16xf32>,
      tpu.vector_store %arg8[%swap3A_1055, %swap3A_1056], %gather3A_979 {strides = array<i32>} : memref<64x1024xf32, #tpu.memory_space<vmem>>, vector<16xf32>,
      %broadcast_in_dim3A_1058 = arith.constant 4 : i32
      %broadcast_in_dim3A_1059 = vector.broadcast %broadcast_in_dim3A_1058 : i32 to vector<16xi32>
      %gather3A_1060 = tpu.vector_load_idx %arg7[%broadcast_in_dim3A_1059, %get3A_925] : memref<32x1000xf32, #tpu.memory_space<vmem>>[vector<16xi32>, vector<16xi32>], vector<16xf32>,
      %mul3A_1061 = arith.constant 16 : i32
      %mul3A_1062 = arith.muli %scan3A_913, %mul3A_1061 : i32
      %swap3A_1063 = arith.constant 12 : i32
      %swap3A_1064 = arith.index_cast %swap3A_1063 : i32 to index
      %swap3A_1065 = arith.index_cast %mul3A_1062 : i32 to index
      %swap3A_1066 = tpu.vector_load %arg8[%swap3A_1064, %swap3A_1065] {strides = array<i32>} : memref<64x1024xf32, #tpu.memory_space<vmem>>, vector<16xf32>,
      tpu.vector_store %arg8[%swap3A_1064, %swap3A_1065], %gather3A_988 {strides = array<i32>} : memref<64x1024xf32, #tpu.memory_space<vmem>>, vector<16xf32>,
      %broadcast_in_dim3A_1067 = arith.constant 5 : i32
      %broadcast_in_dim3A_1068 = vector.broadcast %broadcast_in_dim3A_1067 : i32 to vector<16xi32>
      %gather3A_1069 = tpu.vector_load_idx %arg7[%broadcast_in_dim3A_1068, %get3A_925] : memref<32x1000xf32, #tpu.memory_space<vmem>>[vector<16xi32>, vector<16xi32>], vector<16xf32>,
      %mul3A_1070 = arith.constant 16 : i32
      %mul3A_1071 = arith.muli %scan3A_913, %mul3A_1070 : i32
      %swap3A_1072 = arith.constant 13 : i32
      %swap3A_1073 = arith.index_cast %swap3A_1072 : i32 to index
      %swap3A_1074 = arith.index_cast %mul3A_1071 : i32 to index
      %swap3A_1075 = tpu.vector_load %arg8[%swap3A_1073, %swap3A_1074] {strides = array<i32>} : memref<64x1024xf32, #tpu.memory_space<vmem>>, vector<16xf32>,
      tpu.vector_store %arg8[%swap3A_1073, %swap3A_1074], %gather3A_997 {strides = array<i32>} : memref<64x1024xf32, #tpu.memory_space<vmem>>, vector<16xf32>,
      %broadcast_in_dim3A_1076 = arith.constant 6 : i32
      %broadcast_in_dim3A_1077 = vector.broadcast %broadcast_in_dim3A_1076 : i32 to vector<16xi32>
      %gather3A_1078 = tpu.vector_load_idx %arg7[%broadcast_in_dim3A_1077, %get3A_925] : memref<32x1000xf32, #tpu.memory_space<vmem>>[vector<16xi32>, vector<16xi32>], vector<16xf32>,
      %mul3A_1079 = arith.constant 16 : i32
      %mul3A_1080 = arith.muli %scan3A_913, %mul3A_1079 : i32
      %swap3A_1081 = arith.constant 14 : i32
      %swap3A_1082 = arith.index_cast %swap3A_1081 : i32 to index
      %swap3A_1083 = arith.index_cast %mul3A_1080 : i32 to index
      %swap3A_1084 = tpu.vector_load %arg8[%swap3A_1082, %swap3A_1083] {strides = array<i32>} : memref<64x1024xf32, #tpu.memory_space<vmem>>, vector<16xf32>,
      tpu.vector_store %arg8[%swap3A_1082, %swap3A_1083], %gather3A_1006 {strides = array<i32>} : memref<64x1024xf32, #tpu.memory_space<vmem>>, vector<16xf32>,
      %broadcast_in_dim3A_1085 = arith.constant 7 : i32
      %broadcast_in_dim3A_1086 = vector.broadcast %broadcast_in_dim3A_1085 : i32 to vector<16xi32>
      %gather3A_1087 = tpu.vector_load_idx %arg7[%broadcast_in_dim3A_1086, %get3A_925] : memref<32x1000xf32, #tpu.memory_space<vmem>>[vector<16xi32>, vector<16xi32>], vector<16xf32>,
      %mul3A_1088 = arith.constant 16 : i32
      %mul3A_1089 = arith.muli %scan3A_913, %mul3A_1088 : i32
      %swap3A_1090 = arith.constant 15 : i32
      %swap3A_1091 = arith.index_cast %swap3A_1090 : i32 to index
      %swap3A_1092 = arith.index_cast %mul3A_1089 : i32 to index
      %swap3A_1093 = tpu.vector_load %arg8[%swap3A_1091, %swap3A_1092] {strides = array<i32>} : memref<64x1024xf32, #tpu.memory_space<vmem>>, vector<16xf32>,
      tpu.vector_store %arg8[%swap3A_1091, %swap3A_1092], %gather3A_1015 {strides = array<i32>} : memref<64x1024xf32, #tpu.memory_space<vmem>>, vector<16xf32>,
      %broadcast_in_dim3A_1094 = arith.constant 8 : i32
      %broadcast_in_dim3A_1095 = vector.broadcast %broadcast_in_dim3A_1094 : i32 to vector<16xi32>
      %gather3A_1096 = tpu.vector_load_idx %arg7[%broadcast_in_dim3A_1095, %get3A_925] : memref<32x1000xf32, #tpu.memory_space<vmem>>[vector<16xi32>, vector<16xi32>], vector<16xf32>,
      %mul3A_1097 = arith.constant 16 : i32
      %mul3A_1098 = arith.muli %scan3A_913, %mul3A_1097 : i32
      %swap3A_1099 = arith.constant 16 : i32
      %swap3A_1100 = arith.index_cast %swap3A_1099 : i32 to index
      %swap3A_1101 = arith.index_cast %mul3A_1098 : i32 to index
      %swap3A_1102 = tpu.vector_load %arg8[%swap3A_1100, %swap3A_1101] {strides = array<i32>} : memref<64x1024xf32, #tpu.memory_space<vmem>>, vector<16xf32>,
      tpu.vector_store %arg8[%swap3A_1100, %swap3A_1101], %gather3A_1024 {strides = array<i32>} : memref<64x1024xf32, #tpu.memory_space<vmem>>, vector<16xf32>,
      %broadcast_in_dim3A_1103 = arith.constant 9 : i32
      %broadcast_in_dim3A_1104 = vector.broadcast %broadcast_in_dim3A_1103 : i32 to vector<16xi32>
      %gather3A_1105 = tpu.vector_load_idx %arg7[%broadcast_in_dim3A_1104, %get3A_925] : memref<32x1000xf32, #tpu.memory_space<vmem>>[vector<16xi32>, vector<16xi32>], vector<16xf32>,
      %mul3A_1106 = arith.constant 16 : i32
      %mul3A_1107 = arith.muli %scan3A_913, %mul3A_1106 : i32
      %swap3A_1108 = arith.constant 17 : i32
      %swap3A_1109 = arith.index_cast %swap3A_1108 : i32 to index
      %swap3A_1110 = arith.index_cast %mul3A_1107 : i32 to index
      %swap3A_1111 = tpu.vector_load %arg8[%swap3A_1109, %swap3A_1110] {strides = array<i32>} : memref<64x1024xf32, #tpu.memory_space<vmem>>, vector<16xf32>,
      tpu.vector_store %arg8[%swap3A_1109, %swap3A_1110], %gather3A_1033 {strides = array<i32>} : memref<64x1024xf32, #tpu.memory_space<vmem>>, vector<16xf32>,
      %broadcast_in_dim3A_1112 = arith.constant 10 : i32
      %broadcast_in_dim3A_1113 = vector.broadcast %broadcast_in_dim3A_1112 : i32 to vector<16xi32>
      %gather3A_1114 = tpu.vector_load_idx %arg7[%broadcast_in_dim3A_1113, %get3A_925] : memref<32x1000xf32, #tpu.memory_space<vmem>>[vector<16xi32>, vector<16xi32>], vector<16xf32>,
      %mul3A_1115 = arith.constant 16 : i32
      %mul3A_1116 = arith.muli %scan3A_913, %mul3A_1115 : i32
      %swap3A_1117 = arith.constant 18 : i32
      %swap3A_1118 = arith.index_cast %swap3A_1117 : i32 to index
      %swap3A_1119 = arith.index_cast %mul3A_1116 : i32 to index
      %swap3A_1120 = tpu.vector_load %arg8[%swap3A_1118, %swap3A_1119] {strides = array<i32>} : memref<64x1024xf32, #tpu.memory_space<vmem>>, vector<16xf32>,
      tpu.vector_store %arg8[%swap3A_1118, %swap3A_1119], %gather3A_1042 {strides = array<i32>} : memref<64x1024xf32, #tpu.memory_space<vmem>>, vector<16xf32>,
      %broadcast_in_dim3A_1121 = arith.constant 11 : i32
      %broadcast_in_dim3A_1122 = vector.broadcast %broadcast_in_dim3A_1121 : i32 to vector<16xi32>
      %gather3A_1123 = tpu.vector_load_idx %arg7[%broadcast_in_dim3A_1122, %get3A_925] : memref<32x1000xf32, #tpu.memory_space<vmem>>[vector<16xi32>, vector<16xi32>], vector<16xf32>,
      %mul3A_1124 = arith.constant 16 : i32
      %mul3A_1125 = arith.muli %scan3A_913, %mul3A_1124 : i32
      %swap3A_1126 = arith.constant 19 : i32
      %swap3A_1127 = arith.index_cast %swap3A_1126 : i32 to index
      %swap3A_1128 = arith.index_cast %mul3A_1125 : i32 to index
      %swap3A_1129 = tpu.vector_load %arg8[%swap3A_1127, %swap3A_1128] {strides = array<i32>} : memref<64x1024xf32, #tpu.memory_space<vmem>>, vector<16xf32>,
      tpu.vector_store %arg8[%swap3A_1127, %swap3A_1128], %gather3A_1051 {strides = array<i32>} : memref<64x1024xf32, #tpu.memory_space<vmem>>, vector<16xf32>,
      %broadcast_in_dim3A_1130 = arith.constant 12 : i32
      %broadcast_in_dim3A_1131 = vector.broadcast %broadcast_in_dim3A_1130 : i32 to vector<16xi32>
      %gather3A_1132 = tpu.vector_load_idx %arg7[%broadcast_in_dim3A_1131, %get3A_925] : memref<32x1000xf32, #tpu.memory_space<vmem>>[vector<16xi32>, vector<16xi32>], vector<16xf32>,
      %mul3A_1133 = arith.constant 16 : i32
      %mul3A_1134 = arith.muli %scan3A_913, %mul3A_1133 : i32
      %swap3A_1135 = arith.constant 20 : i32
      %swap3A_1136 = arith.index_cast %swap3A_1135 : i32 to index
      %swap3A_1137 = arith.index_cast %mul3A_1134 : i32 to index
      %swap3A_1138 = tpu.vector_load %arg8[%swap3A_1136, %swap3A_1137] {strides = array<i32>} : memref<64x1024xf32, #tpu.memory_space<vmem>>, vector<16xf32>,
      tpu.vector_store %arg8[%swap3A_1136, %swap3A_1137], %gather3A_1060 {strides = array<i32>} : memref<64x1024xf32, #tpu.memory_space<vmem>>, vector<16xf32>,
      %broadcast_in_dim3A_1139 = arith.constant 13 : i32
      %broadcast_in_dim3A_1140 = vector.broadcast %broadcast_in_dim3A_1139 : i32 to vector<16xi32>
      %gather3A_1141 = tpu.vector_load_idx %arg7[%broadcast_in_dim3A_1140, %get3A_925] : memref<32x1000xf32, #tpu.memory_space<vmem>>[vector<16xi32>, vector<16xi32>], vector<16xf32>,
      %mul3A_1142 = arith.constant 16 : i32
      %mul3A_1143 = arith.muli %scan3A_913, %mul3A_1142 : i32
      %swap3A_1144 = arith.constant 21 : i32
      %swap3A_1145 = arith.index_cast %swap3A_1144 : i32 to index
      %swap3A_1146 = arith.index_cast %mul3A_1143 : i32 to index
      %swap3A_1147 = tpu.vector_load %arg8[%swap3A_1145, %swap3A_1146] {strides = array<i32>} : memref<64x1024xf32, #tpu.memory_space<vmem>>, vector<16xf32>,
      tpu.vector_store %arg8[%swap3A_1145, %swap3A_1146], %gather3A_1069 {strides = array<i32>} : memref<64x1024xf32, #tpu.memory_space<vmem>>, vector<16xf32>,
      %broadcast_in_dim3A_1148 = arith.constant 14 : i32
      %broadcast_in_dim3A_1149 = vector.broadcast %broadcast_in_dim3A_1148 : i32 to vector<16xi32>
      %gather3A_1150 = tpu.vector_load_idx %arg7[%broadcast_in_dim3A_1149, %get3A_925] : memref<32x1000xf32, #tpu.memory_space<vmem>>[vector<16xi32>, vector<16xi32>], vector<16xf32>,
      %mul3A_1151 = arith.constant 16 : i32
      %mul3A_1152 = arith.muli %scan3A_913, %mul3A_1151 : i32
      %swap3A_1153 = arith.constant 22 : i32
      %swap3A_1154 = arith.index_cast %swap3A_1153 : i32 to index
      %swap3A_1155 = arith.index_cast %mul3A_1152 : i32 to index
      %swap3A_1156 = tpu.vector_load %arg8[%swap3A_1154, %swap3A_1155] {strides = array<i32>} : memref<64x1024xf32, #tpu.memory_space<vmem>>, vector<16xf32>,
      tpu.vector_store %arg8[%swap3A_1154, %swap3A_1155], %gather3A_1078 {strides = array<i32>} : memref<64x1024xf32, #tpu.memory_space<vmem>>, vector<16xf32>,
      %broadcast_in_dim3A_1157 = arith.constant 15 : i32
      %broadcast_in_dim3A_1158 = vector.broadcast %broadcast_in_dim3A_1157 : i32 to vector<16xi32>
      %gather3A_1159 = tpu.vector_load_idx %arg7[%broadcast_in_dim3A_1158, %get3A_925] : memref<32x1000xf32, #tpu.memory_space<vmem>>[vector<16xi32>, vector<16xi32>], vector<16xf32>,
      %mul3A_1160 = arith.constant 16 : i32
      %mul3A_1161 = arith.muli %scan3A_913, %mul3A_1160 : i32
      %swap3A_1162 = arith.constant 23 : i32
      %swap3A_1163 = arith.index_cast %swap3A_1162 : i32 to index
      %swap3A_1164 = arith.index_cast %mul3A_1161 : i32 to index
      %swap3A_1165 = tpu.vector_load %arg8[%swap3A_1163, %swap3A_1164] {strides = array<i32>} : memref<64x1024xf32, #tpu.memory_space<vmem>>, vector<16xf32>,
      tpu.vector_store %arg8[%swap3A_1163, %swap3A_1164], %gather3A_1087 {strides = array<i32>} : memref<64x1024xf32, #tpu.memory_space<vmem>>, vector<16xf32>,
      %mul3A_1166 = arith.constant 16 : i32
      %mul3A_1167 = arith.muli %scan3A_913, %mul3A_1166 : i32
      %swap3A_1168 = arith.constant 24 : i32
      %swap3A_1169 = arith.index_cast %swap3A_1168 : i32 to index
      %swap3A_1170 = arith.index_cast %mul3A_1167 : i32 to index
      %swap3A_1171 = tpu.vector_load %arg8[%swap3A_1169, %swap3A_1170] {strides = array<i32>} : memref<64x1024xf32, #tpu.memory_space<vmem>>, vector<16xf32>,
      tpu.vector_store %arg8[%swap3A_1169, %swap3A_1170], %gather3A_1096 {strides = array<i32>} : memref<64x1024xf32, #tpu.memory_space<vmem>>, vector<16xf32>,
      %mul3A_1172 = arith.constant 16 : i32
      %mul3A_1173 = arith.muli %scan3A_913, %mul3A_1172 : i32
      %swap3A_1174 = arith.constant 25 : i32
      %swap3A_1175 = arith.index_cast %swap3A_1174 : i32 to index
      %swap3A_1176 = arith.index_cast %mul3A_1173 : i32 to index
      %swap3A_1177 = tpu.vector_load %arg8[%swap3A_1175, %swap3A_1176] {strides = array<i32>} : memref<64x1024xf32, #tpu.memory_space<vmem>>, vector<16xf32>,
      tpu.vector_store %arg8[%swap3A_1175, %swap3A_1176], %gather3A_1105 {strides = array<i32>} : memref<64x1024xf32, #tpu.memory_space<vmem>>, vector<16xf32>,
      %mul3A_1178 = arith.constant 16 : i32
      %mul3A_1179 = arith.muli %scan3A_913, %mul3A_1178 : i32
      %swap3A_1180 = arith.constant 26 : i32
      %swap3A_1181 = arith.index_cast %swap3A_1180 : i32 to index
      %swap3A_1182 = arith.index_cast %mul3A_1179 : i32 to index
      %swap3A_1183 = tpu.vector_load %arg8[%swap3A_1181, %swap3A_1182] {strides = array<i32>} : memref<64x1024xf32, #tpu.memory_space<vmem>>, vector<16xf32>,
      tpu.vector_store %arg8[%swap3A_1181, %swap3A_1182], %gather3A_1114 {strides = array<i32>} : memref<64x1024xf32, #tpu.memory_space<vmem>>, vector<16xf32>,
      %mul3A_1184 = arith.constant 16 : i32
      %mul3A_1185 = arith.muli %scan3A_913, %mul3A_1184 : i32
      %swap3A_1186 = arith.constant 27 : i32
      %swap3A_1187 = arith.index_cast %swap3A_1186 : i32 to index
      %swap3A_1188 = arith.index_cast %mul3A_1185 : i32 to index
      %swap3A_1189 = tpu.vector_load %arg8[%swap3A_1187, %swap3A_1188] {strides = array<i32>} : memref<64x1024xf32, #tpu.memory_space<vmem>>, vector<16xf32>,
      tpu.vector_store %arg8[%swap3A_1187, %swap3A_1188], %gather3A_1123 {strides = array<i32>} : memref<64x1024xf32, #tpu.memory_space<vmem>>, vector<16xf32>,
      %mul3A_1190 = arith.constant 16 : i32
      %mul3A_1191 = arith.muli %scan3A_913, %mul3A_1190 : i32
      %swap3A_1192 = arith.constant 28 : i32
      %swap3A_1193 = arith.index_cast %swap3A_1192 : i32 to index
      %swap3A_1194 = arith.index_cast %mul3A_1191 : i32 to index
      %swap3A_1195 = tpu.vector_load %arg8[%swap3A_1193, %swap3A_1194] {strides = array<i32>} : memref<64x1024xf32, #tpu.memory_space<vmem>>, vector<16xf32>,
      tpu.vector_store %arg8[%swap3A_1193, %swap3A_1194], %gather3A_1132 {strides = array<i32>} : memref<64x1024xf32, #tpu.memory_space<vmem>>, vector<16xf32>,
      %mul3A_1196 = arith.constant 16 : i32
      %mul3A_1197 = arith.muli %scan3A_913, %mul3A_1196 : i32
      %swap3A_1198 = arith.constant 29 : i32
      %swap3A_1199 = arith.index_cast %swap3A_1198 : i32 to index
      %swap3A_1200 = arith.index_cast %mul3A_1197 : i32 to index
      %swap3A_1201 = tpu.vector_load %arg8[%swap3A_1199, %swap3A_1200] {strides = array<i32>} : memref<64x1024xf32, #tpu.memory_space<vmem>>, vector<16xf32>,
      tpu.vector_store %arg8[%swap3A_1199, %swap3A_1200], %gather3A_1141 {strides = array<i32>} : memref<64x1024xf32, #tpu.memory_space<vmem>>, vector<16xf32>,
      %mul3A_1202 = arith.constant 16 : i32
      %mul3A_1203 = arith.muli %scan3A_913, %mul3A_1202 : i32
      %swap3A_1204 = arith.constant 30 : i32
      %swap3A_1205 = arith.index_cast %swap3A_1204 : i32 to index
      %swap3A_1206 = arith.index_cast %mul3A_1203 : i32 to index
      %swap3A_1207 = tpu.vector_load %arg8[%swap3A_1205, %swap3A_1206] {strides = array<i32>} : memref<64x1024xf32, #tpu.memory_space<vmem>>, vector<16xf32>,
      tpu.vector_store %arg8[%swap3A_1205, %swap3A_1206], %gather3A_1150 {strides = array<i32>} : memref<64x1024xf32, #tpu.memory_space<vmem>>, vector<16xf32>,
      %mul3A_1208 = arith.constant 16 : i32
      %mul3A_1209 = arith.muli %scan3A_913, %mul3A_1208 : i32
      %swap3A_1210 = arith.constant 31 : i32
      %swap3A_1211 = arith.index_cast %swap3A_1210 : i32 to index
      %swap3A_1212 = arith.index_cast %mul3A_1209 : i32 to index
      %swap3A_1213 = tpu.vector_load %arg8[%swap3A_1211, %swap3A_1212] {strides = array<i32>} : memref<64x1024xf32, #tpu.memory_space<vmem>>, vector<16xf32>,
      tpu.vector_store %arg8[%swap3A_1211, %swap3A_1212], %gather3A_1159 {strides = array<i32>} : memref<64x1024xf32, #tpu.memory_space<vmem>>, vector<16xf32>,
      %scan3A_1214 = arith.constant 0 : i32
      scf.yield %scan3A_1214 : i32
    }
    %scan3A_465 = arith.constant 64 : i32
    %add3A_466 = arith.constant 768 : i32
    %add3A_467 = arith.addi %add3A, %add3A_466 : i32
    %jit3A_468 = arith.constant 4 : i32
    %div3A_469 = arith.divsi %add3A_467, %jit3A_468 : i32
    %sign3A_470 = arith.constant 0 : i32
    %sign3A_471 = arith.cmpi sgt, %add3A_467, %sign3A_470 : i32
    %sign3A_472 = arith.extui %sign3A_471 : i1 to i32
    %sign3A_473 = arith.constant 0 : i32
    %sign3A_474 = arith.cmpi slt, %add3A_467, %sign3A_473 : i32
    %sign3A_475 = arith.extui %sign3A_474 : i1 to i32
    %sign3A_476 = arith.subi %sign3A_472, %sign3A_475 : i32
    %sign3A_477 = arith.constant 0 : i32
    %sign3A_478 = arith.cmpi sgt, %jit3A_468, %sign3A_477 : i32
    %sign3A_479 = arith.extui %sign3A_478 : i1 to i32
    %sign3A_480 = arith.constant 0 : i32
    %sign3A_481 = arith.cmpi slt, %jit3A_468, %sign3A_480 : i32
    %sign3A_482 = arith.extui %sign3A_481 : i1 to i32
    %sign3A_483 = arith.subi %sign3A_479, %sign3A_482 : i32
    %ne3A_484 = arith.cmpi ne, %sign3A_476, %sign3A_483 : i32
    %rem3A_485 = arith.remsi %add3A_467, %jit3A_468 : i32
    %ne3A_486 = arith.constant 0 : i32
    %ne3A_487 = arith.cmpi ne, %rem3A_485, %ne3A_486 : i32
    %and3A_488 = arith.andi %ne3A_484, %ne3A_487 : i1
    %sub3A_489 = arith.constant 1 : i32
    %sub3A_490 = arith.subi %div3A_469, %sub3A_489 : i32
    %select_n3A_491 = arith.select %and3A_488, %sub3A_490, %div3A_469 : i32
    %jit3A_492 = arith.constant 4 : i32
    %eq3A_493 = arith.constant 0 : i32
    %eq3A_494 = arith.cmpi eq, %jit3A_492, %eq3A_493 : i32
    %jit3A_495 = arith.constant 1 : i32
    %select_n3A_496 = arith.select %eq3A_494, %jit3A_495, %jit3A_492 : i32
    %rem3A_497 = arith.remsi %add3A_467, %select_n3A_496 : i32
    %ne3A_498 = arith.constant 0 : i32
    %ne3A_499 = arith.cmpi ne, %rem3A_497, %ne3A_498 : i32
    %lt3A_500 = arith.constant 0 : i32
    %lt3A_501 = arith.cmpi slt, %rem3A_497, %lt3A_500 : i32
    %lt3A_502 = arith.constant 0 : i32
    %lt3A_503 = arith.cmpi slt, %select_n3A_496, %lt3A_502 : i32
    %ne3A_504 = arith.xori %lt3A_501, %lt3A_503 : i1
    %and3A_505 = arith.andi %ne3A_504, %ne3A_499 : i1
    %add3A_506 = arith.addi %rem3A_497, %select_n3A_496 : i32
    %select_n3A_507 = arith.select %and3A_505, %add3A_506, %rem3A_497 : i32
    %mul3A_508 = arith.constant 16 : i32
    %mul3A_509 = arith.muli %select_n3A_507, %mul3A_508 : i32
    %add3A_510 = arith.constant 0 : i32
    %add3A_511 = arith.addi %add3A_510, %select_n3A_491 : i32
    %dma_start3A_512 = arith.constant 0 : i32
    %dma_start3A_513 = arith.constant 0 : i32
    %dma_start3A_514 = tpu.memref_slice %arg8[%dma_start3A_512, %dma_start3A_513] : memref<64x1024xf32, #tpu.memory_space<vmem>> -> memref<16x1024xf32, #tpu.memory_space<vmem>>
    %dma_start3A_515 = arith.constant 0 : i32
    %dma_start3A_516 = tpu.memref_slice %arg4[%add3A_511, %mul3A_509, %dma_start3A_515] : memref<400x64x1024xf32, #tpu.memory_space<hbm>> -> memref<1x16x1024xf32, #tpu.memory_space<hbm>>
    %dma_start3A_517 = tpu.memref_squeeze %dma_start3A_516 : memref<1x16x1024xf32, #tpu.memory_space<hbm>> -> memref<16x1024xf32, #tpu.memory_space<hbm>>
    %dma_start3A_518 = arith.constant 0 : i32
    %dma_start3A_519 = tpu.memref_slice %arg4[%add3A_511, %mul3A_509, %dma_start3A_518] : memref<400x64x1024xf32, #tpu.memory_space<hbm>> -> memref<1x16x1024xf32, #tpu.memory_space<hbm>>
    %dma_start3A_520 = tpu.memref_squeeze %dma_start3A_519 : memref<1x16x1024xf32, #tpu.memory_space<hbm>> -> memref<16x1024xf32, #tpu.memory_space<hbm>>
    %dma_start3A_521 = arith.constant 0 : i32
    %dma_start3A_522 = arith.constant 0 : i32
    %dma_start3A_523 = tpu.memref_slice %arg8[%dma_start3A_521, %dma_start3A_522] : memref<64x1024xf32, #tpu.memory_space<vmem>> -> memref<16x1024xf32, #tpu.memory_space<vmem>>
    tpu.enqueue_dma source(%dma_start3A_523 : memref<16x1024xf32, #tpu.memory_space<vmem>>) target(%dma_start3A_520 : memref<16x1024xf32, #tpu.memory_space<hbm>>) target_semaphore(%arg11 : memref<!tpu.dma_semaphore, #tpu.memory_space<semaphore_mem>>)
    %add3A_524 = arith.constant 200 : i32
    %add3A_525 = arith.addi %add3A_524, %select_n3A_491 : i32
    %dma_start3A_526 = arith.constant 16 : i32
    %dma_start3A_527 = arith.constant 0 : i32
    %dma_start3A_528 = tpu.memref_slice %arg8[%dma_start3A_526, %dma_start3A_527] : memref<64x1024xf32, #tpu.memory_space<vmem>> -> memref<16x1024xf32, #tpu.memory_space<vmem>>
    %dma_start3A_529 = arith.constant 0 : i32
    %dma_start3A_530 = tpu.memref_slice %arg4[%add3A_525, %mul3A_509, %dma_start3A_529] : memref<400x64x1024xf32, #tpu.memory_space<hbm>> -> memref<1x16x1024xf32, #tpu.memory_space<hbm>>
    %dma_start3A_531 = tpu.memref_squeeze %dma_start3A_530 : memref<1x16x1024xf32, #tpu.memory_space<hbm>> -> memref<16x1024xf32, #tpu.memory_space<hbm>>
    %dma_start3A_532 = arith.constant 0 : i32
    %dma_start3A_533 = tpu.memref_slice %arg4[%add3A_525, %mul3A_509, %dma_start3A_532] : memref<400x64x1024xf32, #tpu.memory_space<hbm>> -> memref<1x16x1024xf32, #tpu.memory_space<hbm>>
    %dma_start3A_534 = tpu.memref_squeeze %dma_start3A_533 : memref<1x16x1024xf32, #tpu.memory_space<hbm>> -> memref<16x1024xf32, #tpu.memory_space<hbm>>
    %dma_start3A_535 = arith.constant 16 : i32
    %dma_start3A_536 = arith.constant 0 : i32
    %dma_start3A_537 = tpu.memref_slice %arg8[%dma_start3A_535, %dma_start3A_536] : memref<64x1024xf32, #tpu.memory_space<vmem>> -> memref<16x1024xf32, #tpu.memory_space<vmem>>
    tpu.enqueue_dma source(%dma_start3A_537 : memref<16x1024xf32, #tpu.memory_space<vmem>>) target(%dma_start3A_534 : memref<16x1024xf32, #tpu.memory_space<hbm>>) target_semaphore(%arg11 : memref<!tpu.dma_semaphore, #tpu.memory_space<semaphore_mem>>)
    %dma_wait3A_538 = arith.constant 0 : i32
    %dma_wait3A_539 = arith.constant 16 : i32
    %dma_wait3A_540 = arith.constant 0 : i32
    %dma_wait3A_541 = tpu.memref_slice %arg7[%dma_wait3A_539, %dma_wait3A_540] : memref<32x1000xf32, #tpu.memory_space<vmem>> -> memref<16x1000xf32, #tpu.memory_space<vmem>>
    %dma_wait3A_542 = arith.constant 0 : i32
    %dma_wait3A_543 = arith.constant 0 : i32
    %dma_wait3A_544 = tpu.memref_slice %arg3[%dma_wait3A_538, %dma_wait3A_542, %dma_wait3A_543] : memref<200x64x1000xf32, #tpu.memory_space<hbm>> -> memref<1x16x1000xf32, #tpu.memory_space<hbm>>
    %dma_wait3A_545 = tpu.memref_squeeze %dma_wait3A_544 : memref<1x16x1000xf32, #tpu.memory_space<hbm>> -> memref<16x1000xf32, #tpu.memory_space<hbm>>
    %dma_wait3A_546 = arith.constant 16 : i32
    %dma_wait3A_547 = arith.constant 0 : i32
    %dma_wait3A_548 = tpu.memref_slice %arg7[%dma_wait3A_546, %dma_wait3A_547] : memref<32x1000xf32, #tpu.memory_space<vmem>> -> memref<16x1000xf32, #tpu.memory_space<vmem>>
    %dma_wait3A_549 = arith.constant 0 : i32
    %dma_wait3A_550 = arith.constant 0 : i32
    %dma_wait3A_551 = tpu.memref_slice %arg3[%dma_wait3A_538, %dma_wait3A_549, %dma_wait3A_550] : memref<200x64x1000xf32, #tpu.memory_space<hbm>> -> memref<1x16x1000xf32, #tpu.memory_space<hbm>>
    %dma_wait3A_552 = tpu.memref_squeeze %dma_wait3A_551 : memref<1x16x1000xf32, #tpu.memory_space<hbm>> -> memref<16x1000xf32, #tpu.memory_space<hbm>>
    tpu.wait_dma2 semaphore(%arg10 : memref<!tpu.dma_semaphore, #tpu.memory_space<semaphore_mem>>) src(%dma_wait3A_552 : memref<16x1000xf32, #tpu.memory_space<hbm>>) dst(%dma_wait3A_548 : memref<16x1000xf32, #tpu.memory_space<vmem>>)
    %dma_wait3A_553 = arith.constant 0 : i32
    %dma_wait3A_554 = arith.constant 32 : i32
    %dma_wait3A_555 = arith.constant 0 : i32
    %dma_wait3A_556 = tpu.memref_slice %arg8[%dma_wait3A_554, %dma_wait3A_555] : memref<64x1024xf32, #tpu.memory_space<vmem>> -> memref<16x1024xf32, #tpu.memory_space<vmem>>
    %dma_wait3A_557 = arith.constant 0 : i32
    %dma_wait3A_558 = arith.constant 0 : i32
    %dma_wait3A_559 = tpu.memref_slice %arg4[%dma_wait3A_553, %dma_wait3A_557, %dma_wait3A_558] : memref<400x64x1024xf32, #tpu.memory_space<hbm>> -> memref<1x16x1024xf32, #tpu.memory_space<hbm>>
    %dma_wait3A_560 = tpu.memref_squeeze %dma_wait3A_559 : memref<1x16x1024xf32, #tpu.memory_space<hbm>> -> memref<16x1024xf32, #tpu.memory_space<hbm>>
    %dma_wait3A_561 = arith.constant 0 : i32
    %dma_wait3A_562 = arith.constant 0 : i32
    %dma_wait3A_563 = tpu.memref_slice %arg4[%dma_wait3A_553, %dma_wait3A_561, %dma_wait3A_562] : memref<400x64x1024xf32, #tpu.memory_space<hbm>> -> memref<1x16x1024xf32, #tpu.memory_space<hbm>>
    %dma_wait3A_564 = tpu.memref_squeeze %dma_wait3A_563 : memref<1x16x1024xf32, #tpu.memory_space<hbm>> -> memref<16x1024xf32, #tpu.memory_space<hbm>>
    %dma_wait3A_565 = arith.constant 32 : i32
    %dma_wait3A_566 = arith.constant 0 : i32
    %dma_wait3A_567 = tpu.memref_slice %arg8[%dma_wait3A_565, %dma_wait3A_566] : memref<64x1024xf32, #tpu.memory_space<vmem>> -> memref<16x1024xf32, #tpu.memory_space<vmem>>
    tpu.wait_dma2 semaphore(%arg12 : memref<!tpu.dma_semaphore, #tpu.memory_space<semaphore_mem>>) src(%dma_wait3A_567 : memref<16x1024xf32, #tpu.memory_space<vmem>>) dst(%dma_wait3A_564 : memref<16x1024xf32, #tpu.memory_space<hbm>>)
    %dma_wait3A_568 = arith.constant 0 : i32
    %dma_wait3A_569 = arith.constant 48 : i32
    %dma_wait3A_570 = arith.constant 0 : i32
    %dma_wait3A_571 = tpu.memref_slice %arg8[%dma_wait3A_569, %dma_wait3A_570] : memref<64x1024xf32, #tpu.memory_space<vmem>> -> memref<16x1024xf32, #tpu.memory_space<vmem>>
    %dma_wait3A_572 = arith.constant 0 : i32
    %dma_wait3A_573 = arith.constant 0 : i32
    %dma_wait3A_574 = tpu.memref_slice %arg4[%dma_wait3A_568, %dma_wait3A_572, %dma_wait3A_573] : memref<400x64x1024xf32, #tpu.memory_space<hbm>> -> memref<1x16x1024xf32, #tpu.memory_space<hbm>>
    %dma_wait3A_575 = tpu.memref_squeeze %dma_wait3A_574 : memref<1x16x1024xf32, #tpu.memory_space<hbm>> -> memref<16x1024xf32, #tpu.memory_space<hbm>>
    %dma_wait3A_576 = arith.constant 0 : i32
    %dma_wait3A_577 = arith.constant 0 : i32
    %dma_wait3A_578 = tpu.memref_slice %arg4[%dma_wait3A_568, %dma_wait3A_576, %dma_wait3A_577] : memref<400x64x1024xf32, #tpu.memory_space<hbm>> -> memref<1x16x1024xf32, #tpu.memory_space<hbm>>
    %dma_wait3A_579 = tpu.memref_squeeze %dma_wait3A_578 : memref<1x16x1024xf32, #tpu.memory_space<hbm>> -> memref<16x1024xf32, #tpu.memory_space<hbm>>
    %dma_wait3A_580 = arith.constant 48 : i32
    %dma_wait3A_581 = arith.constant 0 : i32
    %dma_wait3A_582 = tpu.memref_slice %arg8[%dma_wait3A_580, %dma_wait3A_581] : memref<64x1024xf32, #tpu.memory_space<vmem>> -> memref<16x1024xf32, #tpu.memory_space<vmem>>
    tpu.wait_dma2 semaphore(%arg12 : memref<!tpu.dma_semaphore, #tpu.memory_space<semaphore_mem>>) src(%dma_wait3A_582 : memref<16x1024xf32, #tpu.memory_space<vmem>>) dst(%dma_wait3A_579 : memref<16x1024xf32, #tpu.memory_space<hbm>>)
    %dma_wait3A_583 = arith.constant 0 : i32
    %dma_wait3A_584 = arith.constant 0 : i32
    %dma_wait3A_585 = arith.constant 0 : i32
    %dma_wait3A_586 = tpu.memref_slice %arg8[%dma_wait3A_584, %dma_wait3A_585] : memref<64x1024xf32, #tpu.memory_space<vmem>> -> memref<16x1024xf32, #tpu.memory_space<vmem>>
    %dma_wait3A_587 = arith.constant 0 : i32
    %dma_wait3A_588 = arith.constant 0 : i32
    %dma_wait3A_589 = tpu.memref_slice %arg4[%dma_wait3A_583, %dma_wait3A_587, %dma_wait3A_588] : memref<400x64x1024xf32, #tpu.memory_space<hbm>> -> memref<1x16x1024xf32, #tpu.memory_space<hbm>>
    %dma_wait3A_590 = tpu.memref_squeeze %dma_wait3A_589 : memref<1x16x1024xf32, #tpu.memory_space<hbm>> -> memref<16x1024xf32, #tpu.memory_space<hbm>>
    %dma_wait3A_591 = arith.constant 0 : i32
    %dma_wait3A_592 = arith.constant 0 : i32
    %dma_wait3A_593 = tpu.memref_slice %arg4[%dma_wait3A_583, %dma_wait3A_591, %dma_wait3A_592] : memref<400x64x1024xf32, #tpu.memory_space<hbm>> -> memref<1x16x1024xf32, #tpu.memory_space<hbm>>
    %dma_wait3A_594 = tpu.memref_squeeze %dma_wait3A_593 : memref<1x16x1024xf32, #tpu.memory_space<hbm>> -> memref<16x1024xf32, #tpu.memory_space<hbm>>
    %dma_wait3A_595 = arith.constant 0 : i32
    %dma_wait3A_596 = arith.constant 0 : i32
    %dma_wait3A_597 = tpu.memref_slice %arg8[%dma_wait3A_595, %dma_wait3A_596] : memref<64x1024xf32, #tpu.memory_space<vmem>> -> memref<16x1024xf32, #tpu.memory_space<vmem>>
    tpu.wait_dma2 semaphore(%arg11 : memref<!tpu.dma_semaphore, #tpu.memory_space<semaphore_mem>>) src(%dma_wait3A_597 : memref<16x1024xf32, #tpu.memory_space<vmem>>) dst(%dma_wait3A_594 : memref<16x1024xf32, #tpu.memory_space<hbm>>)
    %dma_wait3A_598 = arith.constant 0 : i32
    %dma_wait3A_599 = arith.constant 16 : i32
    %dma_wait3A_600 = arith.constant 0 : i32
    %dma_wait3A_601 = tpu.memref_slice %arg8[%dma_wait3A_599, %dma_wait3A_600] : memref<64x1024xf32, #tpu.memory_space<vmem>> -> memref<16x1024xf32, #tpu.memory_space<vmem>>
    %dma_wait3A_602 = arith.constant 0 : i32
    %dma_wait3A_603 = arith.constant 0 : i32
    %dma_wait3A_604 = tpu.memref_slice %arg4[%dma_wait3A_598, %dma_wait3A_602, %dma_wait3A_603] : memref<400x64x1024xf32, #tpu.memory_space<hbm>> -> memref<1x16x1024xf32, #tpu.memory_space<hbm>>
    %dma_wait3A_605 = tpu.memref_squeeze %dma_wait3A_604 : memref<1x16x1024xf32, #tpu.memory_space<hbm>> -> memref<16x1024xf32, #tpu.memory_space<hbm>>
    %dma_wait3A_606 = arith.constant 0 : i32
    %dma_wait3A_607 = arith.constant 0 : i32
    %dma_wait3A_608 = tpu.memref_slice %arg4[%dma_wait3A_598, %dma_wait3A_606, %dma_wait3A_607] : memref<400x64x1024xf32, #tpu.memory_space<hbm>> -> memref<1x16x1024xf32, #tpu.memory_space<hbm>>
    %dma_wait3A_609 = tpu.memref_squeeze %dma_wait3A_608 : memref<1x16x1024xf32, #tpu.memory_space<hbm>> -> memref<16x1024xf32, #tpu.memory_space<hbm>>
    %dma_wait3A_610 = arith.constant 16 : i32
    %dma_wait3A_611 = arith.constant 0 : i32
    %dma_wait3A_612 = tpu.memref_slice %arg8[%dma_wait3A_610, %dma_wait3A_611] : memref<64x1024xf32, #tpu.memory_space<vmem>> -> memref<16x1024xf32, #tpu.memory_space<vmem>>
    tpu.wait_dma2 semaphore(%arg11 : memref<!tpu.dma_semaphore, #tpu.memory_space<semaphore_mem>>) src(%dma_wait3A_612 : memref<16x1024xf32, #tpu.memory_space<vmem>>) dst(%dma_wait3A_609 : memref<16x1024xf32, #tpu.memory_space<hbm>>)
    return
  }
}

module attributes {stable_mosaic.version = 14 : i64} {
  func.func @_topk_body(%arg0: memref<1024x128xf32, #tpu.memory_space<vmem>>, %arg1: memref<1024x128xf32, #tpu.memory_space<vmem>>, %arg2: memref<1024x2xi32, #tpu.memory_space<vmem>>) attributes {dimension_semantics = [], scalar_prefetch = 0 : i64, scratch_operands = 0 : i64, tpu.core_type = #tpu.core_type<tc>} {
    %get3A = arith.constant 0 : index
    %get3A_0 = arith.constant 0 : index
    %get3A_1 = vector.load %arg0[%get3A, %get3A_0] : memref<1024x128xf32, #tpu.memory_space<vmem>>, vector<1024x128xf32>
    %get3A_2 = arith.constant 0 : index
    %get3A_3 = arith.constant 0 : index
    %get3A_4 = vector.load %arg1[%get3A_2, %get3A_3] : memref<1024x128xf32, #tpu.memory_space<vmem>>, vector<1024x128xf32>
    %mul3A = arith.mulf %get3A_4, %get3A_4 : vector<1024x128xf32>
    %reduce_sum3A = arith.constant dense<0.000000e+00> : vector<1024xf32>
    %reduce_sum3A_5 = vector.multi_reduction <add>, %mul3A, %reduce_sum3A [1] : vector<1024x128xf32> to vector<1024xf32>
    %broadcast_in_dim3A = vector.shape_cast %reduce_sum3A_5 : vector<1024xf32> to vector<1024x1xf32>
    %max3A = arith.constant 9.99999996E-13 : f32
    %max3A_6 = vector.broadcast %max3A : f32 to vector<1024x1xf32>
    %max3A_7 = arith.maximumf %broadcast_in_dim3A, %max3A_6 : vector<1024x1xf32>
    %rsqrt3A = math.rsqrt %max3A_7 : vector<1024x1xf32>
    %mul3A_8 = vector.broadcast %rsqrt3A : vector<1024x1xf32> to vector<1024x128xf32>
    %mul3A_9 = arith.mulf %get3A_4, %mul3A_8 : vector<1024x128xf32>
    %dot_general3A = arith.constant dense<0.000000e+00> : vector<1024x1024xf32>
    %dot_general3A_10 = tpu.matmul %get3A_1, %mul3A_9, %dot_general3A {dimension_numbers = #tpu.dot_dimension_numbers<[1], [1], [0], [0], [0, 0, 1, 0], [], []>, precision = #tpu.contract_precision<fp32>, transpose_lhs_hint = false} : vector<1024x128xf32>, vector<1024x128xf32>, vector<1024x1024xf32> -> vector<1024x1024xf32>
    %iota3A = tpu.iota {dimensions = array<i32: 1>} : vector<1024x1024xi32>
    %ge3A = arith.constant 1000 : i32
    %ge3A_11 = vector.broadcast %ge3A : i32 to vector<1024x1024xi32>
    %ge3A_12 = arith.cmpi sge, %iota3A, %ge3A_11 : vector<1024x1024xi32>
    %jit3A = arith.constant 0x7F800000 : f32
    %broadcast_in_dim3A_13 = vector.broadcast %jit3A : f32 to vector<1024x1024xf32>
    %select_n3A = arith.select %ge3A_12, %broadcast_in_dim3A_13, %dot_general3A_10 : vector<1024x1024xi1>, vector<1024x1024xf32>
    %reduce_min3A = arith.constant dense<0x7F800000> : vector<1024xf32>
    %reduce_min3A_14 = vector.multi_reduction <minimumf>, %select_n3A, %reduce_min3A [1] : vector<1024x1024xf32> to vector<1024xf32>
    %broadcast_in_dim3A_15 = vector.shape_cast %reduce_min3A_14 : vector<1024xf32> to vector<1024x1xf32>
    %eq3A = vector.broadcast %broadcast_in_dim3A_15 : vector<1024x1xf32> to vector<1024x1024xf32>
    %eq3A_16 = arith.cmpf oeq, %select_n3A, %eq3A : vector<1024x1024xf32>
    %jit3A_17 = arith.constant 1024 : i32
    %broadcast_in_dim3A_18 = vector.broadcast %jit3A_17 : i32 to vector<1024x1024xi32>
    %select_n3A_19 = arith.select %eq3A_16, %iota3A, %broadcast_in_dim3A_18 : vector<1024x1024xi1>, vector<1024x1024xi32>
    %reduce_min3A_20 = arith.constant dense<2147483647> : vector<1024xi32>
    %reduce_min3A_21 = vector.multi_reduction <minsi>, %select_n3A_19, %reduce_min3A_20 [1] : vector<1024x1024xi32> to vector<1024xi32>
    %broadcast_in_dim3A_22 = vector.shape_cast %reduce_min3A_21 : vector<1024xi32> to vector<1024x1xi32>
    %eq3A_23 = vector.broadcast %broadcast_in_dim3A_22 : vector<1024x1xi32> to vector<1024x1024xi32>
    %eq3A_24 = arith.cmpi eq, %iota3A, %eq3A_23 : vector<1024x1024xi32>
    %jit3A_25 = arith.constant 0x7F800000 : f32
    %broadcast_in_dim3A_26 = vector.broadcast %jit3A_25 : f32 to vector<1024x1024xf32>
    %select_n3A_27 = arith.select %eq3A_24, %broadcast_in_dim3A_26, %select_n3A : vector<1024x1024xi1>, vector<1024x1024xf32>
    %reduce_min3A_28 = arith.constant dense<0x7F800000> : vector<1024xf32>
    %reduce_min3A_29 = vector.multi_reduction <minimumf>, %select_n3A_27, %reduce_min3A_28 [1] : vector<1024x1024xf32> to vector<1024xf32>
    %broadcast_in_dim3A_30 = vector.shape_cast %reduce_min3A_29 : vector<1024xf32> to vector<1024x1xf32>
    %eq3A_31 = vector.broadcast %broadcast_in_dim3A_30 : vector<1024x1xf32> to vector<1024x1024xf32>
    %eq3A_32 = arith.cmpf oeq, %select_n3A_27, %eq3A_31 : vector<1024x1024xf32>
    %jit3A_33 = arith.constant 1024 : i32
    %broadcast_in_dim3A_34 = vector.broadcast %jit3A_33 : i32 to vector<1024x1024xi32>
    %select_n3A_35 = arith.select %eq3A_32, %iota3A, %broadcast_in_dim3A_34 : vector<1024x1024xi1>, vector<1024x1024xi32>
    %reduce_min3A_36 = arith.constant dense<2147483647> : vector<1024xi32>
    %reduce_min3A_37 = vector.multi_reduction <minsi>, %select_n3A_35, %reduce_min3A_36 [1] : vector<1024x1024xi32> to vector<1024xi32>
    %broadcast_in_dim3A_38 = vector.shape_cast %reduce_min3A_37 : vector<1024xi32> to vector<1024x1xi32>
    %concatenate3A = tpu.concatenate %broadcast_in_dim3A_22, %broadcast_in_dim3A_38 in 1 : vector<1024x1xi32>, vector<1024x1xi32> -> vector<1024x2xi32>
    %swap3A = arith.constant 0 : index
    %swap3A_39 = arith.constant 0 : index
    %swap3A_40 = vector.load %arg2[%swap3A, %swap3A_39] : memref<1024x2xi32, #tpu.memory_space<vmem>>, vector<1024x2xi32>
    tpu.vector_store %arg2[%swap3A, %swap3A_39], %concatenate3A {strides = array<i32>} : memref<1024x2xi32, #tpu.memory_space<vmem>>, vector<1024x2xi32>,
    return
  }
}

</mosaic_0001>

<sc_bundles>
// kernel: kernel.4.cloned.1.call-start
scs
__scs_entry_jumppad:
0x0: {  	(pc) =	sbr.rel $0x88, $3  }
0x1: {  	(tag) =	ssettag $0x0;
	lr =	simm.s32 $0x1  }
0x2: {  	[smem:$0x3F9E] =	sst lr;
	_ =	strace $0xD0000000  }
0x3: {  	_ = 	snop  }
0x4: {  	_ = 	snop  }
0x5: {  	_ = 	snop  }
0x6: {  	_ = 	snop  }
0x7: {  	_ = 	snop  }
__scs_overlays_trampoline_lowered:
0x8: {  	[smem:$0x3FAD] =	sst s0  }
0x9: {  	[smem:$0x3FAE] =	sst s1  }
0xa: {  	[smem:$0x3FAF] =	sst s2  }
0xb: {  	[smem:$0x3FB0] =	sst s3  }
0xc: {  	[smem:$0x3FB1] =	sst s4  }
0xd: {  	[smem:$0x3FB2] =	sst s5  }
0xe: {  	[smem:$0x3FB3] =	sst s6  }
0xf: {  	[smem:$0x3FB4] =	sst s7  }
0x10: {  	[smem:$0x3FB5] =	sst s8  }
0x11: {  	[smem:$0x3FB6] =	sst s9;
	s0 =	simm.s32 @!p0 $0x0  }
0x12: {  	s1 =	sld [smem:$0x3F9C];
	s0 =	simm.s32 @p0 $0x1  }
0x13: {  	[smem:$0x3FB7] =	sst s0;
	s0 =	simm.s32 @!p1 $0x0  }
0x14: {  	s2 =	sld [smem:$0x3F9B];
	s0 =	simm.s32 @p1 $0x1  }
0x15: {  	[smem:$0x3FB8] =	sst s0;
	s0 =	simm.s32 @!p2 $0x0  }
0x16: {  	s3 =	sld [smem:$0x3FDB];
	s0 =	simm.s32 @p2 $0x1  }
0x17: {  	s4 =	simm.s32 $0x1BF5;
	[smem:$0x3FBA] =	sst s0  }
0x18: {  	s0 =	sld [smem:$0x3F9D];
	_ =	swait.ge [sflag:s4], $0x0  }
0x19: {  	s7 =	sld [smem:$0x3F9E]  }
0x1a: {  	s8 =	sadd.s32 $0xFFFFE003, lr  }
0x1b: {  	s9 =	sadd.s32 $0xFFFFFEF7, lr;
	s5 =	simm.s32 $0xFFFFFFFF;
	p2 =	slt.u32 s8, $0xFFFFF086  }
0x1c: {  	p1 =	slt.u32 s9, $0xF7A;
	s5 =	simm.s32 @!p2 $0x0  }
0x1d: {  	s5 =	simm.s32 @p1 $0x1;
	p0 =	seq.s32 s7, s2  }
0x1e: {  	s7 =	smul.u32 @!p0 $0xF7A, s2;
	p2 =	seq.s32 @!p0 s5, $0x0  }
0x1f: {  	s9 =	smul.u32 $0xF7A, s1;
	s8 =	simm.s32 @!p0 $0x1BF5;
	p2 =	por !p2, p0  }
0x20: {  	[sflag:s8] =	ssyncset.s32 @!p0 $0xFFFFF086;
	s6 =	sadd.s32 @!p0 s3, s7;
	s7 =	simm.s32 @!p0 $0x108  }
0x21: {  	s3 =	sadd.s32 s3, s9;
	s6 =	sadd.s32 @!p0 $0x88, s6;
	s7 =	simm.s32 @p2 $0x1082  }
0x22: {  	[simem:s7], [sflag:s8] =	dma.local @!p0 [hbm:s6], $0xF7A  }
0x23: {  	s9 =	sor.u32 $0xD0000000, s2;
	s6 =	simm.s32 $0x108;
	_ =	swait.ge @!p0 [sflag:s8], $0x0  }
0x24: {  	s3 =	sadd.s32 $0x88, s3;
	s6 =	simm.s32 @!p1 $0x1082;
	[sflag:s4] =	ssyncset.s32 $0xFFFFF086  }
0x25: {  	[simem:s6], [sflag:s4] =	dma.local [hbm:s3], $0xF7A  }
0x26: {  	[smem:$0x3F9E] =	sst s1;
	(tag) =	ssettag s2;
	_ =	strace s9  }
0x27: {  	s1 =	sld [smem:$0x3FAE]  }
0x28: {  	s2 =	sld [smem:$0x3FAF]  }
0x29: {  	s4 =	sld [smem:$0x3FB1]  }
0x2a: {  	p0 =	seq.s32 s5, $0x0;
	s5 =	sld [smem:$0x3FB2]  }
0x2b: {  	s6 =	sld [smem:$0x3FB3]  }
0x2c: {  	s7 =	sld [smem:$0x3FB4]  }
0x2d: {  	s3 =	simm.s32 $0x108;
	s8 =	sld [smem:$0x3FB5]  }
0x2e: {  	s3 =	simm.s32 @!p0 $0x1082;
	s9 =	sld [smem:$0x3FB6]  }
0x2f: {  	lr =	sadd.s32 s0, s3;
	s0 =	sld [smem:$0x3FAD]  }
0x30: {  	s3 =	sld [smem:$0x3FB0]  }
0x31: {  	[smem:$0x3FB9] =	sst s10  }
0x32: {  	s10 =	sld [smem:$0x3FB7];
	_ =	sdelay $0x3  }
0x33: {  	p0 =	seq.s32 s10, $0x1;
	s10 =	sld [smem:$0x3FB9];
	_ =	sdelay $0x3  }
0x34: {  	[smem:$0x3FB9] =	sst s10  }
0x35: {  	s10 =	sld [smem:$0x3FB8];
	_ =	sdelay $0x3  }
0x36: {  	p1 =	seq.s32 s10, $0x1;
	s10 =	sld [smem:$0x3FB9];
	_ =	sdelay $0x3  }
0x37: {  	[smem:$0x3FB9] =	sst s10  }
0x38: {  	s10 =	sld [smem:$0x3FBA]  }
0x39: {  	_ = 	snop;
	(pc) =	sbr.ind lr, $3  }
0x3a: {  	_ = 	snop  }
0x3b: {  	_ = 	snop  }
0x3c: {  	p2 =	seq.s32 s10, $0x1;
	s10 =	sld [smem:$0x3FB9]  }
0x3d: {  	_ =	shalt  }
0x3e: {  	_ =	shalt  }
0x3f: {  	_ =	shalt  }
0x40: {  	_ =	shalt  }
0x41: {  	_ =	shalt  }
0x42: {  	_ =	shalt  }
0x43: {  	_ =	shalt  }
0x44: {  	_ =	shalt  }
0x45: {  	_ =	shalt  }
0x46: {  	_ =	shalt  }
0x47: {  	_ =	shalt  }
0x48: {  	_ =	shalt  }
0x49: {  	_ =	shalt  }
0x4a: {  	_ =	shalt  }
0x4b: {  	_ =	shalt  }
0x4c: {  	_ =	shalt  }
0x4d: {  	_ =	shalt  }
0x4e: {  	_ =	shalt  }
0x4f: {  	_ =	shalt  }
0x50: {  	_ =	shalt  }
0x51: {  	_ =	shalt  }
0x52: {  	_ =	shalt  }
0x53: {  	_ =	shalt  }
0x54: {  	_ =	shalt  }
0x55: {  	_ =	shalt  }
0x56: {  	_ =	shalt  }
0x57: {  	_ =	shalt  }
0x58: {  	_ =	shalt  }
0x59: {  	_ =	shalt  }
0x5a: {  	_ =	shalt  }
0x5b: {  	_ =	shalt  }
0x5c: {  	_ =	shalt  }
0x5d: {  	_ =	shalt  }
0x5e: {  	_ =	shalt  }
0x5f: {  	_ =	shalt  }
0x60: {  	_ =	shalt  }
0x61: {  	_ =	shalt  }
0x62: {  	_ =	shalt  }
0x63: {  	_ =	shalt  }
0x64: {  	_ =	shalt  }
0x65: {  	_ =	shalt  }
0x66: {  	_ =	shalt  }
0x67: {  	_ =	shalt  }
0x68: {  	_ =	shalt  }
0x69: {  	_ =	shalt  }
0x6a: {  	_ =	shalt  }
0x6b: {  	_ =	shalt  }
0x6c: {  	_ =	shalt  }
0x6d: {  	_ =	shalt  }
0x6e: {  	_ =	shalt  }
0x6f: {  	_ =	shalt  }
0x70: {  	_ =	shalt  }
0x71: {  	_ =	shalt  }
0x72: {  	_ =	shalt  }
0x73: {  	_ =	shalt  }
0x74: {  	_ =	shalt  }
0x75: {  	_ =	shalt  }
0x76: {  	_ =	shalt  }
0x77: {  	_ =	shalt  }
0x78: {  	_ =	shalt  }
0x79: {  	_ =	shalt  }
0x7a: {  	_ =	shalt  }
0x7b: {  	_ =	shalt  }
0x7c: {  	_ =	shalt  }
0x7d: {  	_ =	shalt  }
0x7e: {  	_ =	shalt  }
0x7f: {  	_ =	shalt  }
0x80: {  	_ =	shalt  }
0x81: {  	_ =	shalt  }
0x82: {  	_ =	shalt  }
0x83: {  	_ =	shalt  }
0x84: {  	_ =	shalt  }
0x85: {  	_ =	shalt  }
0x86: {  	_ =	shalt  }
0x87: {  	_ =	shalt  }
.Lfunc_end0:
.L_simem_size_0:
called_computation_lowered:
.L_overlay_start_0:
0x88: {  	s2 =	sld [smem:$0x3FD9]  }
0x89: {  	s3 =	sld [smem:$0x3FFE];
	_ =	sdelay $0x1  }
0x8a: {  	s1 =	srdreg.scid  }
0x8b: {  	s0 =	sand.u32 $0x1, s1  }
0x8c: {  	s17 =	sshll.u32 s0, $0xA;
	s2 =	sadd.s32 s3, s2  }
0x8d: {  	s2 =	sadd.s32 s2, s17  }
0x8e: {  	[smem:$0x3FC5] =	sst s2  }
0x8f: {  	_ = 	snop  }
0x90: {  	s2 =	sld [smem:$0x3FC7]  }
0x91: {  	s18 =	sld [smem:$0x3FD0];
	(tm) =	ssettm $0x1  }
0x92: {  	s4 =	sld [smem:$0x3FFB];
	_ =	sdelay $0x3  }
0x93: {  	_ =	strace s4  }
0x94: {  	s4 =	sld [smem:$0x3FFC];
	_ =	sdelay $0x3  }
0x95: {  	_ =	strace s4  }
0x96: {  	s4 =	sld [smem:$0x3FFD];
	_ =	sdelay $0x3  }
0x97: {  	_ =	strace s4  }
0x98: {  	_ =	strace $0x8FFFFFFF  }
0x99: {  	s19 =	sld [smem:$0x3FDB];
	_ =	sdelay $0x1  }
0x9a: {  	s5 =	simm.s32 $_scs_section_size  }
0x9b: {  	s6 =	simm.s32 $_size__tile_overlayer_lowered;
	s7 =	simm.s32 $_tile_overlayer_lowered  }
0x9c: {  	s22 =	simm.s32 $0x1BFF;
	s21 =	sshll.u32 s7, $0x1;
	s4 =	sadd.s32 s5, s19  }
0x9d: {  	s8 =	simm.s32 $0x0;
	s20 =	sshll.u32 s6, $0x1;
	s6 =	sadd.s32 s21, s4  }
0x9e: {  	[timem:s8], [sflag:s22] =	dma.local [hbm:s6], s20  }
0x9f: {  	_ =	swait.ge [sflag:s22], s20  }
0xa0: {  	s5 =	ssub.s32 $0x0, s20;
	[sflag:s22] =	ssyncset.done $0x0  }
0xa1: {  	[sflag:s22] =	ssyncadd.s32 s5;
	_ =	sdelay $0x1  }
0xa2: {  	s23 =	simm.s32 $0x1B8B  }
0xa3: {  	_ =	swait.ge [sflag:s23], $0x1  }
0xa4: {  	[sflag:s23] =	ssyncset.done $0x0  }
0xa5: {  	s25 =	simm.s32 $0x1B8E;
	s24 =	sld [smem:$0x3FFE];
	[sflag:s23] =	ssyncadd.s32 $0xFFFFFFFF  }
0xa6: {  	s26 =	simm.s32 $execute0_lowered;
	[smem:$0x3FD2] =	sst s25  }
0xa7: {  	s6 =	sshll.u32 s26, $0x1;
	_ =	strace $0x80000046;
	[dreg:$0x1] =	wrdreg $0xFFFFFFFF  }
0xa8: {  	s28 =	simm.s32 $_size_execute0_lowered;
	s4 =	sadd.s32 s4, s6;
	[dreg:$0x0] =	wrdreg $0x0  }
0xa9: {  	s6 =	sshll.u32 s28, $0x1;
	[dreg:$0x2] =	wrdreg s4  }
0xaa: {  	[dreg:$0x3] =	wrdreg s6  }
0xab: {  	[dreg:$0x4] =	wrdreg $0xC0  }
0xac: {  	_ =	task [dreg:s8], $0x5FFFF  }
0xad: {  	[dreg:$0x1] =	wrdreg $0xFFFFFFFF  }
0xae: {  	[dreg:$0x0] =	wrdreg $0x60  }
0xaf: {  	[dreg:$0x2] =	wrdreg s24  }
0xb0: {  	[dreg:$0x3] =	wrdreg s2  }
0xb1: {  	[dreg:$0x4] =	wrdreg s18  }
0xb2: {  	[dreg:$0x5] =	wrdreg $0x9  }
0xb3: {  	_ =	task.clear_ibuf [dreg:s8], $0x6FFFF;
	_ =	strace $0x90000046  }
0xb4: {  	s29 =	simm.s32 $0x9;
	_ =	strace $0x80000048  }
0xb5: {  	_ =	swait.ge [sflag:s29], $0x1  }
0xb6: {  	[sflag:s29] =	ssyncadd.s32 $0xFFFFFFFF  }
0xb7: {  	_ =	strace $0x90000048  }
0xb8: {  	_ =	sfence  }
0xb9: {  	s30 =	sld [smem:$0x0];
	_ =	sdelay $0x2  }
0xba: {  	s31 =	sshll.u32 s1, $0xD;
	s1 =	sshrl.u32 s1, $0x2  }
0xbb: {  	s3 =	sand.u32 $0x4000, s31;
	s1 =	sadd.s32 s1, s30  }
0xbc: {  	s0 =	sor.u32 s3, s0;
	s1 =	sshll.u32 s1, $0x11  }
0xbd: {  	s0 =	sor.u32 s1, s0  }
0xbe: {  	s0 =	sadd.s32 $0x8F2B, s0  }
0xbf: {  	[sflag:s0] =	ssyncadd.remote.s32 $0x1  }
0xc0: {  	_ =	sfence.sel $0xFFFF  }
0xc1: {  	[dreg:$0x0] =	wrdreg $0xFFFFFFFF;
	(pc) =	sbr.abs _section_cstart, $3  }
0xc2: {  	[dreg:$0x1] =	wrdreg $0xFFFFFFFF  }
0xc3: {  	_ =	task.clear_ibuf [dreg:s8], $0x2FFFF;
	_ =	strace $0x9FFFFFFF  }
0xc4: {  	(tm) =	ssettm $0x7FFFFFFF  }
0xc5: {  	_ =	shalt  }
tec
execute0_lowered:
.L_overlay_start_1:
0x0: {  	(tag) =	ssettag $0x1  }
0x1: {  	s0 =	rddreg [dreg:$0x0]  }
0x2: {  	s1 =	rddreg [dreg:$0x1]  }
0x3: {  	s7 =	rddreg [dreg:$0x2]  }
0x4: {  	s8 =	simm.s32 $0x0;
	s2 =	srdreg.scid;
	s6 =	stileid.u32  }
0x5: {  	[smem:$0x7FF] =	sst s8;
	s2 =	sand.u32 $0x1, s2;
	s9 =	sshll.u32 s6, $0x1  }
0x6: {  	s0 =	sadd.s32 $0x600, s0;
	s5 =	sshll.u32 s6, $0xF;
	s16 =	sshll.u32 s6, $0xC  }
0x7: {  	_ =	strace $0x80000047;
	[dreg:$0x5] =	wrdreg s0;
	s14 =	ssub.s32 $0x2, s2  }
0x8: {  	s2 =	sor.u32 s2, s9;
	s15 =	sand.u32 $0x70000, s5;
	s17 =	sand.u32 $0xE000, s16  }
0x9: {  	[dreg:$0x4] =	wrdreg s9;
	s28 =	sor.u32 $0x40, s9;
	s31 =	sor.u32 $0x30000, s16  }
0xa: {  	s3 =	sshrl.u32 s14, $0x1;
	s4 =	sshll.u32 s2, $0xE;
	[dreg:$0x10] =	wrdreg s28  }
0xb: {  	s2 =	sshll.u32 s2, $0xB;
	[dreg:$0x15] =	wrdreg s31;
	s10 =	sand.u32 $0xC000, s4  }
0xc: {  	s0 =	ssub.s32 s14, s3;
	s2 =	sand.u32 $0x1800, s2;
	s3 =	sor.u32 s15, s10  }
0xd: {  	s5 =	sor.u32 s17, s2;
	[dreg:$0x6] =	wrdreg s10;
	s26 =	sor.u32 $0xC80000, s10  }
0xe: {  	s0 =	smax.u32 s0, $0x1;
	s3 =	sshrl.u32 s3, $0x3;
	[dreg:$0xf] =	wrdreg s26  }
0xf: {  	s21 =	sadd.s32 s5, s1;
	[dreg:$0x14] =	wrdreg s0;
	s18 =	sadd.s32 s1, s3  }
0x10: {  	s19 =	sor.u32 $0x10000, s3;
	s23 =	sadd.s32 $0x20000, s21;
	[dreg:$0x7] =	wrdreg s18  }
0x11: {  	s20 =	sadd.s32 s7, s3;
	s3 =	sadd.s32 $0x30000, s21;
	[dreg:$0xb] =	wrdreg s23  }
0x12: {  	[dreg:$0xe] =	wrdreg s3  }
0x13: {  	s11 =	sadd.s32 s1, s19;
	[dreg:$0x9] =	wrdreg s20  }
0x14: {  	s22 =	sadd.s32 $0x190000, s20;
	[dreg:$0x8] =	wrdreg s11  }
0x15: {  	s24 =	sadd.s32 s7, s19;
	[dreg:$0xa] =	wrdreg s22  }
0x16: {  	s25 =	sadd.s32 $0x1A0000, s20;
	[dreg:$0xc] =	wrdreg s24  }
0x17: {  	s1 =	sadd.s32 s1, s2;
	[dreg:$0xd] =	wrdreg s25  }
0x18: {  	s29 =	sadd.s32 $0x180000, s20;
	[dreg:$0x11] =	wrdreg s1  }
0x19: {  	v0 =	vlaneseq.u32;
	s30 =	sadd.s32 $0x310000, s20;
	[dreg:$0x12] =	wrdreg s29  }
0x1a: {  	v0 =	vmul.u32 $0x2, v0;
	s23 =	simm.s32 $0x1000;
	s2 =	simm.s32 $0x0;
	[dreg:$0x13] =	wrdreg s30  }
.LBB2_1:
0x1b: {  	s1 =	simm.s32 $0x0  }
0x1c: {  	v1 =	vmov s1  }
0x1d: {  	[dreg:$0x16] =	wrdreg s2;
	v1 =	vshll.u32 v1, $0x1  }
0x1e: {  	s0 =	rddreg [dreg:$0x5];
	s28 =	simm.s32 $0x5;
	v1 =	vor.u32 v0, v1  }
0x1f: {  	[tilespmem:s8], [sflag:$0x5] =	stream.linear.gather [hbm4b:s0+s8], $0x800, $0x38;
	[tilespmem:$0x19000] =	vst v63  }
0x20: {  	_ =	swait.ge [sflag:s28], $0x800  }
0x21: {  	[sflag:s28] =	ssyncset.done $0x0  }
0x22: {  	[sflag:s28] =	ssyncadd.s32 $0xFFFFF800  }
0x23: {  	v2 =	vld.idx.msk [tilespmem:v1+s8+$0x0], $0xffff  }
0x24: {  	v1 =	vor.u32 $0x1, v1;
	_ =	sdelay $0x2  }
0x25: {  	s29 =	simm.s32 $0x10;
	s0 =	simm.s32 $0x800  }
0x26: {  	[tilespmem:s0+$0x0] =	vst v2;
	v2 =	vmov s29  }
0x27: {  	v1 =	vld.idx.msk [tilespmem:v1+s8+$0x0], $0xffff;
	v2 =	vshll.u32 v2, $0x1  }
0x28: {  	v2 =	vor.u32 v0, v2;
	_ =	sdelay $0x2  }
0x29: {  	s1 =	sand.u32 $0x3C0, s1  }
0x2a: {  	[tilespmem:s1+$0xC00] =	vst v1  }
0x2b: {  	v1 =	vld.idx.msk [tilespmem:v2+s8+$0x0], $0xffff  }
0x2c: {  	v2 =	vor.u32 $0x1, v2;
	_ =	sdelay $0x2  }
0x2d: {  	s30 =	simm.s32 $0x20  }
0x2e: {  	[tilespmem:s0+$0x10] =	vst v1;
	v1 =	vmov s30  }
0x2f: {  	v2 =	vld.idx.msk [tilespmem:v2+s8+$0x0], $0xffff;
	v1 =	vshll.u32 v1, $0x1  }
0x30: {  	v1 =	vor.u32 v0, v1;
	_ =	sdelay $0x3  }
0x31: {  	[tilespmem:s0+$0x410] =	vst v2  }
0x32: {  	v2 =	vld.idx.msk [tilespmem:v1+s8+$0x0], $0xffff  }
0x33: {  	v1 =	vor.u32 $0x1, v1;
	_ =	sdelay $0x2  }
0x34: {  	s31 =	simm.s32 $0x30  }
0x35: {  	[tilespmem:s0+$0x20] =	vst v2;
	v2 =	vmov s31  }
0x36: {  	v1 =	vld.idx.msk [tilespmem:v1+s8+$0x0], $0xffff;
	v2 =	vshll.u32 v2, $0x1  }
0x37: {  	v3 =	vor.u32 v0, v2;
	_ =	sdelay $0x3  }
0x38: {  	[tilespmem:s0+$0x420] =	vst v1  }
0x39: {  	v2 =	vld.idx.msk [tilespmem:v3+s8+$0x0], $0xffff  }
0x3a: {  	v1 =	vor.u32 $0x1, v3;
	_ =	sdelay $0x2  }
0x3b: {  	s2 =	simm.s32 $0x70;
	s1 =	simm.s32 $0x0  }
.LBB2_2:
0x3c: {  	s3 =	sadd.s32 $0xFFFFFFD0, s2;
	s1 =	sadd.s32 $0x4, s1;
	[tilespmem:s0+$0x30] =	vst v2  }
0x3d: {  	v2 =	vmov s3;
	p0 =	slt.u32 s1, $0x3C;
	v1 =	vld.idx.msk [tilespmem:v1+s8+$0x0], $0xffff  }
0x3e: {  	v2 =	vshll.u32 v2, $0x1  }
0x3f: {  	v2 =	vor.u32 v0, v2;
	_ =	sdelay $0x3  }
0x40: {  	[tilespmem:s0+$0x430] =	vst v1  }
0x41: {  	v1 =	vld.idx.msk [tilespmem:v2+s8+$0x0], $0xffff;
	_ =	sdelay $0x1  }
0x42: {  	v2 =	vor.u32 $0x1, v2;
	_ =	sdelay $0x2  }
0x43: {  	s0 =	sadd.s32 $0x40, s0  }
0x44: {  	s4 =	sadd.s32 $0xFFFFFFE0, s2;
	[tilespmem:s0+$0x0] =	vst v1  }
0x45: {  	v1 =	vld.idx.msk [tilespmem:v2+s8+$0x0], $0xffff;
	v2 =	vmov s4  }
0x46: {  	v2 =	vshll.u32 v2, $0x1  }
0x47: {  	v2 =	vor.u32 v0, v2;
	_ =	sdelay $0x2  }
0x48: {  	s3 =	sand.u32 $0x3C0, s3  }
0x49: {  	[tilespmem:s3+$0xC00] =	vst v1  }
0x4a: {  	v1 =	vld.idx.msk [tilespmem:v2+s8+$0x0], $0xffff;
	_ =	sdelay $0x1  }
0x4b: {  	v2 =	vor.u32 $0x1, v2;
	_ =	sdelay $0x3  }
0x4c: {  	s3 =	sadd.s32 $0xFFFFFFF0, s2;
	[tilespmem:s0+$0x10] =	vst v1  }
0x4d: {  	v1 =	vld.idx.msk [tilespmem:v2+s8+$0x0], $0xffff;
	v2 =	vmov s3  }
0x4e: {  	v2 =	vshll.u32 v2, $0x1  }
0x4f: {  	v2 =	vor.u32 v0, v2;
	_ =	sdelay $0x3  }
0x50: {  	[tilespmem:s0+$0x410] =	vst v1  }
0x51: {  	v1 =	vld.idx.msk [tilespmem:v2+s8+$0x0], $0xffff;
	_ =	sdelay $0x1  }
0x52: {  	v2 =	vor.u32 $0x1, v2;
	_ =	sdelay $0x3  }
0x53: {  	[tilespmem:s0+$0x20] =	vst v1  }
0x54: {  	v1 =	vld.idx.msk [tilespmem:v2+s8+$0x0], $0xffff;
	v2 =	vmov s2  }
0x55: {  	v2 =	vshll.u32 v2, $0x1  }
0x56: {  	v3 =	vor.u32 v0, v2;
	_ =	sdelay $0x3  }
0x57: {  	[tilespmem:s0+$0x420] =	vst v1  }
0x58: {  	v2 =	vld.idx.msk [tilespmem:v3+s8+$0x0], $0xffff  }
.Ltmp0:
0x59: {  	(pc) =	sbr.rel @p0 .LBB2_2-.Ltmp0, $2  }
0x5a: {  	v1 =	vor.u32 $0x1, v3;
	_ =	sdelay $0x2  }
0x5b: {  	s2 =	sadd.s32 $0x40, s2  }
0x5c: {  	_ =	sdelay $0x2  }
0x5d: {  	[tilespmem:s0+$0x30] =	vst v2  }
0x5e: {  	v1 =	vld.idx.msk [tilespmem:v1+s8+$0x0], $0xffff;
	_ =	sdelay $0x4  }
0x5f: {  	s7 =	simm.s32 $0x0;
	s29 =	rddreg [dreg:$0x7];
	[tilespmem:s0+$0x430] =	vst v1  }
0x60: {  	[tilespmem:s23], [sflag:$0x1] =	stream.linear.gather [hbm4b:s29+s7], $0x4000, $0x38;
	[tilespmem:$0x19000] =	vst v63  }
0x61: {  	s30 =	rddreg [dreg:$0x8];
	s1 =	simm.s32 $0x5000;
	s31 =	simm.s32 $0x1  }
0x62: {  	[tilespmem:s1], [sflag:$0x2] =	stream.linear.gather [hbm4b:s30+s7], $0x4000, $0x38;
	[tilespmem:$0x19000] =	vst v63  }
0x63: {  	s10 =	simm.s32 $0x800;
	_ =	swait.ge [sflag:s31], $0x4000  }
0x64: {  	s11 =	simm.s32 $0x0;
	s12 =	simm.s32 $0x0;
	[sflag:s31] =	ssyncset.done $0x0  }
0x65: {  	s13 =	simm.s32 $0x0;
	s8 =	simm.s32 $0xFFFFFFFE;
	[sflag:s31] =	ssyncadd.s32 $0xFFFFC000  }
.LBB2_4:
0x66: {  	v1 =	vld [tilespmem:s10+$0x0];
	_ =	sdelay $0x4  }
0x67: {  	v2 =	vshll.u32 v1, $0x3  }
0x68: {  	v1 =	vand.u32 $0x7F, v1;
	v2 =	vand.u32 $0xFFFFFC00, v2  }
0x69: {  	v1 =	vor.u32 v1, v2  }
0x6a: {  	v2 =	vor.u32 $0x80, v1  }
0x6b: {  	v3 =	vor.u32 $0x100, v1  }
0x6c: {  	s0 =	sand.u32 $0x3E0, s7;
	v4 =	vor.u32 $0x180, v1  }
0x6d: {  	v5 =	vld [tilespmem:s0+$0xC00];
	v6 =	vor.u32 $0x200, v1  }
0x6e: {  	v8 =	vor.u32 $0x280, v1;
	v7 =	vld.idx.msk [tilespmem:v1+s23+$0x0], $0xffff  }
0x6f: {  	v9 =	vor.u32 $0x300, v1;
	v2 =	vld.idx.msk [tilespmem:v2+s23+$0x0], $0xffff  }
0x70: {  	v10 =	vor.u32 $0x380, v1;
	v3 =	vld.idx.msk [tilespmem:v3+s23+$0x0], $0xffff  }
0x71: {  	v11 =	vadd.s32 $0x2000, v1;
	v4 =	vld.idx.msk [tilespmem:v4+s23+$0x0], $0xffff  }
0x72: {  	v12 =	vadd.s32 $0x2080, v1;
	v6 =	vld.idx.msk [tilespmem:v6+s23+$0x0], $0xffff  }
0x73: {  	s1 =	sand.u32 $0x1C00, s13;
	v8 =	vld.idx.msk [tilespmem:v8+s23+$0x0], $0xffff  }
0x74: {  	s0 =	sand.u32 $0x60, s7;
	s19 =	sadd.s32 $0x9000, s1;
	v9 =	vld.idx.msk [tilespmem:v9+s23+$0x0], $0xffff  }
0x75: {  	s2 =	sor.u32 s0, s19;
	v13 =	vadd.s32 $0x2100, v1;
	v10 =	vld.idx.msk [tilespmem:v10+s23+$0x0], $0xffff  }
0x76: {  	v30 =	vadd.s32 $0x2180, v1;
	v11 =	vld.idx.msk [tilespmem:v11+s23+$0x0], $0xffff;
	[tilespmem:s2+$0x0] =	vst v7  }
0x77: {  	v12 =	vld.idx.msk [tilespmem:v12+s23+$0x0], $0xffff;
	[tilespmem:s2+$0x80] =	vst v2;
	v2 =	vadd.s32 $0x2200, v1;
	_ =	sdelay $0x2  }
0x78: {  	v13 =	vld.idx.msk [tilespmem:v13+s23+$0x0], $0xffff;
	[tilespmem:s2+$0x100] =	vst v3;
	v3 =	vadd.s32 $0x2280, v1  }
0x79: {  	v32 =	vshll.u32 v5, $0x3;
	v31 =	vadd.s32 $0x2300, v1;
	v7 =	vld.idx.msk [tilespmem:v30+s23+$0x0], $0xffff;
	[tilespmem:s2+$0x180] =	vst v4  }
0x7a: {  	s3 =	sand.u32 $0x3, s11;
	v5 =	vand.u32 $0x7F, v5;
	v1 =	vadd.s32 $0x2380, v1;
	v2 =	vld.idx.msk [tilespmem:v2+s23+$0x0], $0xffff;
	[tilespmem:s2+$0x200] =	vst v6;
	v6 =	vand.u32 $0xFFFFFC00, v32  }
0x7b: {  	s3 =	sshll.u32 s3, $0x5;
	v5 =	vor.u32 v5, v6  }
0x7c: {  	s5 =	sadd.s32 s3, s13;
	v6 =	vor.u32 $0x80, v5  }
0x7d: {  	s6 =	sor.u32 s7, s13;
	v3 =	vld.idx.msk [tilespmem:v3+s23+$0x0], $0xffff;
	[tilespmem:s2+$0x280] =	vst v8;
	s2 =	sor.u32 $0x300, s5;
	v33 =	vor.u32 $0x100, v5  }
0x7e: {  	s9 =	sadd.s32 $0xB000, s1;
	v4 =	vld.idx.msk [tilespmem:v31+s23+$0x0], $0xffff;
	[tilespmem:s2+$0x9000] =	vst v9;
	s2 =	sor.u32 $0x380, s6;
	v34 =	vor.u32 $0x180, v5  }
0x7f: {  	s14 =	sadd.s32 $0xB080, s1;
	v35 =	vor.u32 $0x200, v5;
	v1 =	vld.idx.msk [tilespmem:v1+s23+$0x0], $0xffff;
	[tilespmem:s2+$0x9000] =	vst v10;
	s2 =	sor.u32 s0, s9  }
0x80: {  	s15 =	sadd.s32 $0xB100, s1;
	v36 =	vor.u32 $0x280, v5;
	v9 =	vld.idx.msk [tilespmem:v5+s23+$0x0], $0xffff;
	[tilespmem:s2+$0x0] =	vst v11;
	s2 =	sor.u32 s0, s14  }
0x81: {  	s16 =	sadd.s32 $0xB180, s1;
	v6 =	vld.idx.msk [tilespmem:v6+s23+$0x0], $0xffff;
	[tilespmem:s2+$0x0] =	vst v12;
	s2 =	sor.u32 s0, s15  }
0x82: {  	s18 =	sadd.s32 $0xB200, s1;
	v37 =	vor.u32 $0x300, v5;
	v8 =	vld.idx.msk [tilespmem:v33+s23+$0x0], $0xffff;
	[tilespmem:s2+$0x0] =	vst v13;
	s2 =	sor.u32 s0, s16  }
0x83: {  	[smem:$0x7FD] =	sst s16;
	s17 =	sor.u32 s0, s18;
	s16 =	sadd.s32 $0xB280, s1;
	v10 =	vld.idx.msk [tilespmem:v34+s23+$0x0], $0xffff;
	[tilespmem:s2+$0x0] =	vst v7  }
0x84: {  	s20 =	sor.u32 s0, s16;
	v11 =	vld.idx.msk [tilespmem:v35+s23+$0x0], $0xffff;
	[tilespmem:s17+$0x0] =	vst v2;
	v2 =	vor.u32 $0x380, v5  }
0x85: {  	v12 =	vld.idx.msk [tilespmem:v36+s23+$0x0], $0xffff;
	[tilespmem:s20+$0x0] =	vst v3;
	s20 =	sadd.s32 $0xB300, s1  }
0x86: {  	s21 =	sor.u32 s0, s20  }
0x87: {  	v3 =	vadd.s32 $0x2000, v5;
	v7 =	vld.idx.msk [tilespmem:v37+s23+$0x0], $0xffff;
	[tilespmem:s21+$0x0] =	vst v4;
	s21 =	sadd.s32 $0xB380, s1  }
0x88: {  	v38 =	vadd.s32 $0x2080, v5;
	s22 =	sor.u32 s0, s21  }
0x89: {  	v2 =	vld.idx.msk [tilespmem:v2+s23+$0x0], $0xffff;
	[tilespmem:s22+$0x0] =	vst v1;
	v1 =	vadd.s32 $0x2100, v5  }
0x8a: {  	v39 =	vadd.s32 $0x2180, v5;
	s22 =	sadd.s32 $0xD000, s1  }
0x8b: {  	[smem:$0x7FB] =	sst s14;
	v40 =	vadd.s32 $0x2200, v5;
	s14 =	sadd.s32 $0xD080, s1;
	s24 =	sor.u32 s0, s22  }
0x8c: {  	[smem:$0x7FA] =	sst s9;
	v41 =	vadd.s32 $0x2280, v5;
	s9 =	sadd.s32 $0xD100, s1;
	s25 =	sor.u32 s0, s14;
	v3 =	vld.idx.msk [tilespmem:v3+s23+$0x0], $0xffff;
	[tilespmem:s24+$0x0] =	vst v9  }
0x8d: {  	[smem:$0x7FC] =	sst s15;
	v42 =	vadd.s32 $0x2300, v5;
	s26 =	sor.u32 s0, s9;
	s15 =	sadd.s32 $0xD180, s1;
	v4 =	vld.idx.msk [tilespmem:v38+s23+$0x0], $0xffff;
	[tilespmem:s25+$0x0] =	vst v6  }
0x8e: {  	s28 =	sor.u32 s0, s15;
	s17 =	sadd.s32 $0xD200, s1;
	v5 =	vadd.s32 $0x2380, v5;
	v1 =	vld.idx.msk [tilespmem:v1+s23+$0x0], $0xffff;
	[tilespmem:s26+$0x0] =	vst v8  }
0x8f: {  	s6 =	sadd.s32 $0xD280, s1;
	s29 =	sor.u32 s0, s17;
	v9 =	vld.idx.msk [tilespmem:v39+s23+$0x0], $0xffff;
	[tilespmem:s28+$0x0] =	vst v10  }
0x90: {  	s5 =	sadd.s32 $0xD300, s1;
	s30 =	sor.u32 s0, s6;
	v6 =	vld.idx.msk [tilespmem:v40+s23+$0x0], $0xffff;
	[tilespmem:s29+$0x0] =	vst v11  }
0x91: {  	s31 =	sor.u32 s0, s5;
	s24 =	sadd.s32 $0xD380, s1;
	v8 =	vld.idx.msk [tilespmem:v41+s23+$0x0], $0xffff;
	[tilespmem:s30+$0x0] =	vst v12  }
0x92: {  	s2 =	sor.u32 s0, s24;
	s25 =	sadd.s32 $0xF000, s1;
	v10 =	vld.idx.msk [tilespmem:v42+s23+$0x0], $0xffff;
	[tilespmem:s31+$0x0] =	vst v7  }
0x93: {  	s4 =	sadd.s32 $0xF080, s1;
	s26 =	sor.u32 s0, s25;
	v5 =	vld.idx.msk [tilespmem:v5+s23+$0x0], $0xffff;
	[tilespmem:s2+$0x0] =	vst v2  }
0x94: {  	s28 =	sor.u32 s0, s4;
	[tilespmem:s26+$0x0] =	vst v3;
	s26 =	sadd.s32 $0xF100, s1  }
0x95: {  	[tilespmem:s28+$0x0] =	vst v4;
	s29 =	sor.u32 s0, s26;
	s28 =	sadd.s32 $0xF180, s1  }
0x96: {  	[tilespmem:s29+$0x0] =	vst v1;
	s30 =	sor.u32 s0, s28;
	s29 =	sadd.s32 $0xF200, s1  }
0x97: {  	[tilespmem:s30+$0x0] =	vst v9;
	s31 =	sor.u32 s0, s29;
	s30 =	sadd.s32 $0xF280, s1  }
0x98: {  	[tilespmem:s31+$0x0] =	vst v6;
	s3 =	sor.u32 s0, s30;
	s31 =	sadd.s32 $0xF300, s1  }
0x99: {  	[tilespmem:s3+$0x0] =	vst v8;
	s3 =	sadd.s32 $0xF380, s1;
	s1 =	sor.u32 s0, s31  }
0x9a: {  	[tilespmem:s1+$0x0] =	vst v10;
	s0 =	sor.u32 s0, s3  }
0x9b: {  	[tilespmem:s0+$0x0] =	vst v5  }
0x9c: {  	v1 =	vld [tilespmem:s10+$0x10];
	_ =	sdelay $0x4  }
0x9d: {  	v2 =	vshll.u32 v1, $0x3  }
0x9e: {  	v1 =	vand.u32 $0x7F, v1;
	v2 =	vand.u32 $0xFFFFFC00, v2  }
0x9f: {  	v1 =	vor.u32 v1, v2  }
0xa0: {  	v2 =	vor.u32 $0x80, v1  }
0xa1: {  	v3 =	vor.u32 $0x100, v1  }
0xa2: {  	v43 =	vor.u32 $0x180, v1  }
0xa3: {  	v5 =	vld [tilespmem:s10+$0x410];
	v44 =	vor.u32 $0x200, v1  }
0xa4: {  	v45 =	vor.u32 $0x280, v1;
	v7 =	vld.idx.msk [tilespmem:v1+s23+$0x0], $0xffff  }
0xa5: {  	v46 =	vor.u32 $0x300, v1;
	v2 =	vld.idx.msk [tilespmem:v2+s23+$0x0], $0xffff  }
0xa6: {  	v47 =	vor.u32 $0x380, v1;
	v3 =	vld.idx.msk [tilespmem:v3+s23+$0x0], $0xffff  }
0xa7: {  	v48 =	vadd.s32 $0x2000, v1;
	v4 =	vld.idx.msk [tilespmem:v43+s23+$0x0], $0xffff  }
0xa8: {  	v49 =	vadd.s32 $0x2080, v1;
	v6 =	vld.idx.msk [tilespmem:v44+s23+$0x0], $0xffff  }
0xa9: {  	s2 =	sadd.s32 $0x10, s7;
	v8 =	vld.idx.msk [tilespmem:v45+s23+$0x0], $0xffff  }
0xaa: {  	s0 =	sand.u32 $0x70, s2;
	v50 =	vadd.s32 $0x2100, v1;
	v9 =	vld.idx.msk [tilespmem:v46+s23+$0x0], $0xffff  }
0xab: {  	s1 =	sor.u32 s0, s19;
	v10 =	vld.idx.msk [tilespmem:v47+s23+$0x0], $0xffff  }
0xac: {  	v51 =	vadd.s32 $0x2180, v1;
	v11 =	vld.idx.msk [tilespmem:v48+s23+$0x0], $0xffff;
	[tilespmem:s1+$0x0] =	vst v7  }
0xad: {  	v12 =	vld.idx.msk [tilespmem:v49+s23+$0x0], $0xffff;
	[tilespmem:s1+$0x80] =	vst v2;
	v2 =	vadd.s32 $0x2200, v1;
	_ =	sdelay $0x1  }
0xae: {  	v13 =	vld.idx.msk [tilespmem:v50+s23+$0x0], $0xffff;
	[tilespmem:s1+$0x100] =	vst v3;
	v3 =	vadd.s32 $0x2280, v1  }
0xaf: {  	s19 =	sand.u32 $0x7, s12;
	v52 =	vadd.s32 $0x2300, v1  }
0xb0: {  	s19 =	sshll.u32 s19, $0x4;
	v53 =	vshll.u32 v5, $0x3;
	v7 =	vld.idx.msk [tilespmem:v51+s23+$0x0], $0xffff;
	[tilespmem:s1+$0x180] =	vst v4  }
0xb1: {  	s19 =	sadd.s32 s13, s19;
	v5 =	vand.u32 $0x7F, v5;
	v1 =	vadd.s32 $0x2380, v1;
	v2 =	vld.idx.msk [tilespmem:v2+s23+$0x0], $0xffff;
	[tilespmem:s1+$0x200] =	vst v6;
	v6 =	vand.u32 $0xFFFFFC00, v53  }
0xb2: {  	s19 =	sadd.s32 $0x10, s19;
	v5 =	vor.u32 v5, v6  }
0xb3: {  	s2 =	sor.u32 s2, s13;
	v3 =	vld.idx.msk [tilespmem:v3+s23+$0x0], $0xffff;
	[tilespmem:s1+$0x280] =	vst v8;
	s1 =	sor.u32 $0x300, s19;
	s19 =	sld [smem:$0x7FA]  }
0xb4: {  	v4 =	vld.idx.msk [tilespmem:v52+s23+$0x0], $0xffff;
	[tilespmem:s1+$0x9000] =	vst v9;
	v6 =	vor.u32 $0x80, v5;
	s1 =	sor.u32 $0x380, s2;
	s2 =	sld [smem:$0x7FB]  }
0xb5: {  	v54 =	vor.u32 $0x100, v5  }
0xb6: {  	v55 =	vor.u32 $0x180, v5;
	v1 =	vld.idx.msk [tilespmem:v1+s23+$0x0], $0xffff;
	[tilespmem:s1+$0x9000] =	vst v10;
	s1 =	sor.u32 s0, s19;
	s19 =	sld [smem:$0x7FC]  }
0xb7: {  	v56 =	vor.u32 $0x200, v5;
	v9 =	vld.idx.msk [tilespmem:v5+s23+$0x0], $0xffff;
	[tilespmem:s1+$0x0] =	vst v11;
	s1 =	sor.u32 s0, s2;
	s2 =	sld [smem:$0x7FD];
	_ =	sdelay $0x1  }
0xb8: {  	v6 =	vld.idx.msk [tilespmem:v6+s23+$0x0], $0xffff;
	[tilespmem:s1+$0x0] =	vst v12;
	s1 =	sor.u32 s0, s19  }
0xb9: {  	v57 =	vor.u32 $0x280, v5;
	v8 =	vld.idx.msk [tilespmem:v54+s23+$0x0], $0xffff;
	[tilespmem:s1+$0x0] =	vst v13;
	s1 =	sor.u32 s0, s2  }
0xba: {  	s18 =	sor.u32 s0, s18;
	v58 =	vor.u32 $0x300, v5;
	v10 =	vld.idx.msk [tilespmem:v55+s23+$0x0], $0xffff;
	[tilespmem:s1+$0x0] =	vst v7  }
0xbb: {  	v11 =	vld.idx.msk [tilespmem:v56+s23+$0x0], $0xffff;
	[tilespmem:s18+$0x0] =	vst v2;
	v2 =	vor.u32 $0x380, v5;
	_ =	sdelay $0x1  }
0xbc: {  	s19 =	sor.u32 s0, s16  }
0xbd: {  	s20 =	sor.u32 s0, s20;
	v12 =	vld.idx.msk [tilespmem:v57+s23+$0x0], $0xffff;
	[tilespmem:s19+$0x0] =	vst v3;
	v3 =	vadd.s32 $0x2000, v5  }
0xbe: {  	s21 =	sor.u32 s0, s21;
	v59 =	vadd.s32 $0x2080, v5;
	v7 =	vld.idx.msk [tilespmem:v58+s23+$0x0], $0xffff;
	[tilespmem:s20+$0x0] =	vst v4  }
0xbf: {  	v2 =	vld.idx.msk [tilespmem:v2+s23+$0x0], $0xffff;
	[tilespmem:s21+$0x0] =	vst v1;
	v1 =	vadd.s32 $0x2100, v5  }
0xc0: {  	v60 =	vadd.s32 $0x2180, v5  }
0xc1: {  	v61 =	vadd.s32 $0x2200, v5;
	s2 =	sor.u32 s0, s22  }
0xc2: {  	s14 =	sor.u32 s0, s14;
	v62 =	vadd.s32 $0x2280, v5;
	v3 =	vld.idx.msk [tilespmem:v3+s23+$0x0], $0xffff;
	[tilespmem:s2+$0x0] =	vst v9  }
0xc3: {  	v63 =	vadd.s32 $0x2300, v5;
	s16 =	sor.u32 s0, s9;
	v4 =	vld.idx.msk [tilespmem:v59+s23+$0x0], $0xffff;
	[tilespmem:s14+$0x0] =	vst v6  }
0xc4: {  	s18 =	sor.u32 s0, s15;
	v5 =	vadd.s32 $0x2380, v5;
	v1 =	vld.idx.msk [tilespmem:v1+s23+$0x0], $0xffff;
	[tilespmem:s16+$0x0] =	vst v8  }
0xc5: {  	s19 =	sor.u32 s0, s17;
	v9 =	vld.idx.msk [tilespmem:v60+s23+$0x0], $0xffff;
	[tilespmem:s18+$0x0] =	vst v10  }
0xc6: {  	s20 =	sor.u32 s0, s6;
	v6 =	vld.idx.msk [tilespmem:v61+s23+$0x0], $0xffff;
	[tilespmem:s19+$0x0] =	vst v11  }
0xc7: {  	s21 =	sor.u32 s0, s5;
	v8 =	vld.idx.msk [tilespmem:v62+s23+$0x0], $0xffff;
	[tilespmem:s20+$0x0] =	vst v12  }
0xc8: {  	s22 =	sor.u32 s0, s24;
	v10 =	vld.idx.msk [tilespmem:v63+s23+$0x0], $0xffff;
	[tilespmem:s21+$0x0] =	vst v7  }
0xc9: {  	s24 =	sor.u32 s0, s25;
	v5 =	vld.idx.msk [tilespmem:v5+s23+$0x0], $0xffff;
	[tilespmem:s22+$0x0] =	vst v2  }
0xca: {  	s25 =	sor.u32 s0, s4;
	[tilespmem:s24+$0x0] =	vst v3  }
0xcb: {  	s8 =	sadd.s32 $0x2, s8;
	s26 =	sor.u32 s0, s26;
	[tilespmem:s25+$0x0] =	vst v4  }
0xcc: {  	p0 =	slt.u32 s8, $0x3E;
	s28 =	sor.u32 s0, s28;
	[tilespmem:s26+$0x0] =	vst v1  }
.Ltmp1:
0xcd: {  	s29 =	sor.u32 s0, s29;
	[tilespmem:s28+$0x0] =	vst v9;
	(pc) =	sbr.rel @p0 .LBB2_4-.Ltmp1, $4  }
0xce: {  	s30 =	sor.u32 s0, s30;
	[tilespmem:s29+$0x0] =	vst v6  }
0xcf: {  	s31 =	sor.u32 s0, s31;
	[tilespmem:s30+$0x0] =	vst v8  }
0xd0: {  	s11 =	sadd.s32 $0x1, s11;
	s7 =	sadd.s32 $0x20, s7;
	s0 =	sor.u32 s0, s3;
	[tilespmem:s31+$0x0] =	vst v10  }
0xd1: {  	s12 =	sadd.s32 $0x2, s12;
	s10 =	sadd.s32 $0x20, s10;
	s13 =	sadd.s32 $0x100, s13;
	[tilespmem:s0+$0x0] =	vst v5  }
0xd2: {  	s7 =	simm.s32 $0x0;
	s0 =	rddreg [dreg:$0x9];
	s1 =	simm.s32 $0x9000  }
0xd3: {  	[hbm4b:s0+s7] =	stream.linear.scatter [tilespmem:s1], [sflag:$0x3], $0x4000, $0x38;
	[tilespmem:$0x19000] =	vst v63  }
0xd4: {  	s28 =	rddreg [dreg:$0xa];
	s29 =	simm.s32 $0xD000  }
0xd5: {  	[hbm4b:s28+s7] =	stream.linear.scatter [tilespmem:s29], [sflag:$0x3], $0x4000, $0x38;
	[tilespmem:$0x19000] =	vst v63  }
0xd6: {  	s30 =	rddreg [dreg:$0xb];
	s31 =	simm.s32 $0x2  }
0xd7: {  	[tilespmem:s23], [sflag:$0x1] =	stream.linear.gather [hbm4b:s30+s7], $0x4000, $0x38;
	[tilespmem:$0x19000] =	vst v63  }
0xd8: {  	_ =	swait.ge [sflag:s31], $0x4000  }
0xd9: {  	s8 =	simm.s32 $0xFFFFFFFE;
	[sflag:s31] =	ssyncset.done $0x0  }
0xda: {  	s10 =	simm.s32 $0x800;
	s11 =	simm.s32 $0x10;
	[sflag:s31] =	ssyncadd.s32 $0xFFFFC000  }
.LBB2_6:
0xdb: {  	v1 =	vld [tilespmem:s10+$0x0];
	_ =	sdelay $0x4  }
0xdc: {  	v2 =	vshll.u32 v1, $0x3  }
0xdd: {  	v1 =	vand.u32 $0x7F, v1;
	v2 =	vand.u32 $0xFFFFFC00, v2  }
0xde: {  	v1 =	vor.u32 v1, v2  }
0xdf: {  	v2 =	vadd.s32 $0x4000, v1  }
0xe0: {  	v3 =	vadd.s32 $0x4080, v1  }
0xe1: {  	s1 =	sadd.s32 $0xFFFFFFF0, s11;
	v4 =	vadd.s32 $0x4100, v1  }
0xe2: {  	s0 =	sand.u32 $0x3E0, s1;
	v5 =	vadd.s32 $0x4180, v1  }
0xe3: {  	v6 =	vld [tilespmem:s0+$0xC00];
	v7 =	vadd.s32 $0x4200, v1  }
0xe4: {  	v8 =	vadd.s32 $0x4280, v1;
	v2 =	vld.idx.msk [tilespmem:v2+s23+$0x0], $0xffff  }
0xe5: {  	v9 =	vadd.s32 $0x4300, v1;
	v3 =	vld.idx.msk [tilespmem:v3+s23+$0x0], $0xffff  }
0xe6: {  	v10 =	vadd.s32 $0x4380, v1;
	v4 =	vld.idx.msk [tilespmem:v4+s23+$0x0], $0xffff  }
0xe7: {  	v11 =	vadd.s32 $0x6000, v1;
	v5 =	vld.idx.msk [tilespmem:v5+s23+$0x0], $0xffff  }
0xe8: {  	v12 =	vadd.s32 $0x6080, v1;
	v7 =	vld.idx.msk [tilespmem:v7+s23+$0x0], $0xffff  }
0xe9: {  	s0 =	sand.u32 $0x1C00, s7;
	v8 =	vld.idx.msk [tilespmem:v8+s23+$0x0], $0xffff  }
0xea: {  	s3 =	sand.u32 $0x60, s1;
	s18 =	sadd.s32 $0x11000, s0;
	v9 =	vld.idx.msk [tilespmem:v9+s23+$0x0], $0xffff  }
0xeb: {  	s19 =	sadd.s32 $0x11080, s0;
	s1 =	sor.u32 s3, s18;
	v13 =	vadd.s32 $0x6100, v1;
	v10 =	vld.idx.msk [tilespmem:v10+s23+$0x0], $0xffff  }
0xec: {  	v11 =	vld.idx.msk [tilespmem:v11+s23+$0x0], $0xffff;
	[tilespmem:s1+$0x0] =	vst v2;
	v2 =	vadd.s32 $0x6180, v1;
	s1 =	sor.u32 s3, s19  }
0xed: {  	v12 =	vld.idx.msk [tilespmem:v12+s23+$0x0], $0xffff;
	[tilespmem:s1+$0x0] =	vst v3;
	v3 =	vadd.s32 $0x6200, v1  }
0xee: {  	s20 =	sadd.s32 $0x11100, s0  }
0xef: {  	s21 =	sadd.s32 $0x11180, s0;
	v14 =	vshll.u32 v6, $0x3;
	v25 =	vadd.s32 $0x6280, v1;
	s1 =	sor.u32 s3, s20  }
0xf0: {  	s22 =	sadd.s32 $0x11200, s0;
	v6 =	vand.u32 $0x7F, v6;
	v26 =	vadd.s32 $0x6300, v1;
	v27 =	vand.u32 $0xFFFFFC00, v14;
	v13 =	vld.idx.msk [tilespmem:v13+s23+$0x0], $0xffff;
	[tilespmem:s1+$0x0] =	vst v4;
	s1 =	sor.u32 s3, s21  }
0xf1: {  	v6 =	vor.u32 v6, v27;
	v1 =	vadd.s32 $0x6380, v1;
	v2 =	vld.idx.msk [tilespmem:v2+s23+$0x0], $0xffff;
	[tilespmem:s1+$0x0] =	vst v5;
	s1 =	sor.u32 s3, s22  }
0xf2: {  	s24 =	sadd.s32 $0x11280, s0;
	v3 =	vld.idx.msk [tilespmem:v3+s23+$0x0], $0xffff;
	[tilespmem:s1+$0x0] =	vst v7;
	v7 =	vadd.s32 $0x4000, v6  }
0xf3: {  	s25 =	sadd.s32 $0x11300, s0;
	v28 =	vadd.s32 $0x4080, v6;
	s1 =	sor.u32 s3, s24  }
0xf4: {  	s26 =	sadd.s32 $0x11380, s0;
	v29 =	vadd.s32 $0x4100, v6;
	v4 =	vld.idx.msk [tilespmem:v25+s23+$0x0], $0xffff;
	[tilespmem:s1+$0x0] =	vst v8;
	s1 =	sor.u32 s3, s25  }
0xf5: {  	[smem:$0x7F6] =	sst s22;
	v30 =	vadd.s32 $0x4180, v6;
	s22 =	sadd.s32 $0x13000, s0;
	v5 =	vld.idx.msk [tilespmem:v26+s23+$0x0], $0xffff;
	[tilespmem:s1+$0x0] =	vst v9;
	s1 =	sor.u32 s3, s26  }
0xf6: {  	s30 =	sadd.s32 $0x13080, s0;
	v31 =	vadd.s32 $0x4200, v6;
	s28 =	sor.u32 s3, s22;
	v1 =	vld.idx.msk [tilespmem:v1+s23+$0x0], $0xffff;
	[tilespmem:s1+$0x0] =	vst v10  }
0xf7: {  	[smem:$0x7F7] =	sst s24;
	s29 =	sor.u32 s3, s30;
	s24 =	sadd.s32 $0x13100, s0;
	v7 =	vld.idx.msk [tilespmem:v7+s23+$0x0], $0xffff;
	[tilespmem:s28+$0x0] =	vst v11  }
0xf8: {  	[smem:$0x7F9] =	sst s26;
	s31 =	sor.u32 s3, s24;
	s26 =	sadd.s32 $0x13180, s0;
	v8 =	vld.idx.msk [tilespmem:v28+s23+$0x0], $0xffff;
	[tilespmem:s29+$0x0] =	vst v12  }
0xf9: {  	v32 =	vadd.s32 $0x4280, v6;
	s2 =	sor.u32 s3, s26;
	s28 =	sadd.s32 $0x13200, s0;
	v9 =	vld.idx.msk [tilespmem:v29+s23+$0x0], $0xffff;
	[tilespmem:s31+$0x0] =	vst v13  }
0xfa: {  	s4 =	sor.u32 s3, s28;
	v10 =	vld.idx.msk [tilespmem:v30+s23+$0x0], $0xffff;
	[tilespmem:s2+$0x0] =	vst v2;
	v2 =	vadd.s32 $0x4300, v6  }
0xfb: {  	v11 =	vld.idx.msk [tilespmem:v31+s23+$0x0], $0xffff;
	[tilespmem:s4+$0x0] =	vst v3;
	v3 =	vadd.s32 $0x4380, v6  }
0xfc: {  	[dreg:$0x1d] =	wrdreg s20;
	s20 =	sadd.s32 $0x13280, s0  }
0xfd: {  	[dreg:$0x1b] =	wrdreg s19;
	s19 =	sadd.s32 $0x13300, s0;
	s5 =	sor.u32 s3, s20  }
0xfe: {  	[dreg:$0x1f] =	wrdreg s21;
	v33 =	vadd.s32 $0x6000, v6;
	s6 =	sor.u32 s3, s19;
	s21 =	sadd.s32 $0x13380, s0;
	v12 =	vld.idx.msk [tilespmem:v32+s23+$0x0], $0xffff;
	[tilespmem:s5+$0x0] =	vst v4  }
0xff: {  	v34 =	vadd.s32 $0x6080, v6;
	s9 =	sor.u32 s3, s21;
	v2 =	vld.idx.msk [tilespmem:v2+s23+$0x0], $0xffff;
	[tilespmem:s6+$0x0] =	vst v5  }
0x100: {  	v3 =	vld.idx.msk [tilespmem:v3+s23+$0x0], $0xffff;
	[tilespmem:s9+$0x0] =	vst v1;
	v1 =	vadd.s32 $0x6100, v6  }
0x101: {  	[smem:$0x7F8] =	sst s25;
	v35 =	vadd.s32 $0x6180, v6;
	s25 =	sadd.s32 $0x15000, s0  }
0x102: {  	s12 =	sor.u32 s3, s25;
	s29 =	sadd.s32 $0x15080, s0  }
0x103: {  	[dreg:$0x19] =	wrdreg s18;
	s18 =	sadd.s32 $0x15100, s0;
	v36 =	vadd.s32 $0x6200, v6;
	s13 =	sor.u32 s3, s29;
	v4 =	vld.idx.msk [tilespmem:v33+s23+$0x0], $0xffff;
	[tilespmem:s12+$0x0] =	vst v7  }
0x104: {  	s16 =	sadd.s32 $0x15180, s0;
	s14 =	sor.u32 s3, s18;
	v5 =	vld.idx.msk [tilespmem:v34+s23+$0x0], $0xffff;
	[tilespmem:s13+$0x0] =	vst v8  }
0x105: {  	s15 =	sor.u32 s3, s16;
	v37 =	vadd.s32 $0x6280, v6;
	v1 =	vld.idx.msk [tilespmem:v1+s23+$0x0], $0xffff;
	[tilespmem:s14+$0x0] =	vst v9  }
0x106: {  	v38 =	vadd.s32 $0x6300, v6;
	v7 =	vld.idx.msk [tilespmem:v35+s23+$0x0], $0xffff;
	[tilespmem:s15+$0x0] =	vst v10;
	s15 =	sadd.s32 $0x15200, s0  }
0x107: {  	v6 =	vadd.s32 $0x6380, v6;
	s17 =	sor.u32 s3, s15  }
0x108: {  	v8 =	vld.idx.msk [tilespmem:v36+s23+$0x0], $0xffff;
	[tilespmem:s17+$0x0] =	vst v11;
	s17 =	sadd.s32 $0x15280, s0  }
0x109: {  	s14 =	sadd.s32 $0x15300, s0;
	s31 =	sor.u32 s3, s17  }
0x10a: {  	s13 =	sadd.s32 $0x15380, s0;
	s2 =	sor.u32 s3, s14;
	v9 =	vld.idx.msk [tilespmem:v37+s23+$0x0], $0xffff;
	[tilespmem:s31+$0x0] =	vst v12  }
0x10b: {  	s4 =	sor.u32 s3, s13;
	s31 =	sadd.s32 $0x17000, s0;
	v10 =	vld.idx.msk [tilespmem:v38+s23+$0x0], $0xffff;
	[tilespmem:s2+$0x0] =	vst v2  }
0x10c: {  	s12 =	sadd.s32 $0x17080, s0;
	s5 =	sor.u32 s3, s31;
	v2 =	vld.idx.msk [tilespmem:v6+s23+$0x0], $0xffff;
	[tilespmem:s4+$0x0] =	vst v3  }
0x10d: {  	s9 =	sadd.s32 $0x17100, s0;
	s6 =	sor.u32 s3, s12;
	[tilespmem:s5+$0x0] =	vst v4  }
0x10e: {  	s2 =	sor.u32 s3, s9;
	[tilespmem:s6+$0x0] =	vst v5;
	s6 =	sadd.s32 $0x17180, s0  }
0x10f: {  	s5 =	sadd.s32 $0x17200, s0;
	[tilespmem:s2+$0x0] =	vst v1;
	s4 =	sor.u32 s3, s6  }
0x110: {  	s2 =	sor.u32 s3, s5;
	[tilespmem:s4+$0x0] =	vst v7;
	s4 =	sadd.s32 $0x17280, s0  }
0x111: {  	[tilespmem:s2+$0x0] =	vst v8;
	s1 =	sor.u32 s3, s4;
	s2 =	sadd.s32 $0x17300, s0  }
0x112: {  	s0 =	sadd.s32 $0x17380, s0;
	[tilespmem:s1+$0x0] =	vst v9;
	s1 =	sor.u32 s3, s2  }
0x113: {  	s3 =	sor.u32 s3, s0;
	[tilespmem:s1+$0x0] =	vst v10  }
0x114: {  	[tilespmem:s3+$0x0] =	vst v2  }
0x115: {  	v1 =	vld [tilespmem:s10+$0x10];
	_ =	sdelay $0x4  }
0x116: {  	v2 =	vshll.u32 v1, $0x3  }
0x117: {  	v1 =	vand.u32 $0x7F, v1;
	v2 =	vand.u32 $0xFFFFFC00, v2  }
0x118: {  	v1 =	vor.u32 v1, v2  }
0x119: {  	v2 =	vadd.s32 $0x4000, v1  }
0x11a: {  	v3 =	vadd.s32 $0x4080, v1  }
0x11b: {  	v39 =	vadd.s32 $0x4100, v1  }
0x11c: {  	v40 =	vadd.s32 $0x4180, v1  }
0x11d: {  	v41 =	vld [tilespmem:s10+$0x410];
	v42 =	vadd.s32 $0x4200, v1  }
0x11e: {  	v43 =	vadd.s32 $0x4280, v1;
	v2 =	vld.idx.msk [tilespmem:v2+s23+$0x0], $0xffff  }
0x11f: {  	v44 =	vadd.s32 $0x4300, v1;
	v3 =	vld.idx.msk [tilespmem:v3+s23+$0x0], $0xffff  }
0x120: {  	v45 =	vadd.s32 $0x4380, v1;
	v4 =	vld.idx.msk [tilespmem:v39+s23+$0x0], $0xffff  }
0x121: {  	v46 =	vadd.s32 $0x6000, v1;
	v5 =	vld.idx.msk [tilespmem:v40+s23+$0x0], $0xffff  }
0x122: {  	v7 =	vld.idx.msk [tilespmem:v42+s23+$0x0], $0xffff  }
0x123: {  	v47 =	vadd.s32 $0x6080, v1;
	v8 =	vld.idx.msk [tilespmem:v43+s23+$0x0], $0xffff  }
0x124: {  	s1 =	rddreg [dreg:$0x19];
	s3 =	sand.u32 $0x70, s11;
	v9 =	vld.idx.msk [tilespmem:v44+s23+$0x0], $0xffff  }
0x125: {  	s1 =	sor.u32 s3, s1;
	v48 =	vadd.s32 $0x6100, v1;
	v10 =	vld.idx.msk [tilespmem:v45+s23+$0x0], $0xffff  }
0x126: {  	v11 =	vld.idx.msk [tilespmem:v46+s23+$0x0], $0xffff;
	[tilespmem:s1+$0x0] =	vst v2;
	s1 =	rddreg [dreg:$0x1b]  }
0x127: {  	v2 =	vadd.s32 $0x6180, v1;
	s1 =	sor.u32 s3, s1  }
0x128: {  	v12 =	vld.idx.msk [tilespmem:v47+s23+$0x0], $0xffff;
	[tilespmem:s1+$0x0] =	vst v3;
	s1 =	rddreg [dreg:$0x1d]  }
0x129: {  	s1 =	sor.u32 s3, s1  }
0x12a: {  	v13 =	vld.idx.msk [tilespmem:v48+s23+$0x0], $0xffff;
	[tilespmem:s1+$0x0] =	vst v4;
	s1 =	rddreg [dreg:$0x1f]  }
0x12b: {  	v3 =	vadd.s32 $0x6200, v1;
	s1 =	sor.u32 s3, s1  }
0x12c: {  	v2 =	vld.idx.msk [tilespmem:v2+s23+$0x0], $0xffff;
	[tilespmem:s1+$0x0] =	vst v5;
	s1 =	sld [smem:$0x7F6];
	_ =	sdelay $0x2  }
0x12d: {  	v49 =	vadd.s32 $0x6280, v1;
	s1 =	sor.u32 s3, s1  }
0x12e: {  	v3 =	vld.idx.msk [tilespmem:v3+s23+$0x0], $0xffff;
	[tilespmem:s1+$0x0] =	vst v7;
	s1 =	sld [smem:$0x7F7];
	_ =	sdelay $0x2  }
0x12f: {  	v50 =	vadd.s32 $0x6300, v1;
	s1 =	sor.u32 s3, s1  }
0x130: {  	v4 =	vld.idx.msk [tilespmem:v49+s23+$0x0], $0xffff;
	[tilespmem:s1+$0x0] =	vst v8;
	s1 =	sld [smem:$0x7F8]  }
0x131: {  	v51 =	vshll.u32 v41, $0x3  }
0x132: {  	v6 =	vand.u32 $0x7F, v41;
	v52 =	vand.u32 $0xFFFFFC00, v51  }
0x133: {  	v6 =	vor.u32 v6, v52;
	v1 =	vadd.s32 $0x6380, v1;
	s1 =	sor.u32 s3, s1  }
0x134: {  	v7 =	vadd.s32 $0x4000, v6;
	v5 =	vld.idx.msk [tilespmem:v50+s23+$0x0], $0xffff;
	[tilespmem:s1+$0x0] =	vst v9;
	s1 =	sld [smem:$0x7F9]  }
0x135: {  	v53 =	vadd.s32 $0x4080, v6  }
0x136: {  	v54 =	vadd.s32 $0x4100, v6  }
0x137: {  	v55 =	vadd.s32 $0x4180, v6;
	s1 =	sor.u32 s3, s1  }
0x138: {  	s22 =	sor.u32 s3, s22;
	v56 =	vadd.s32 $0x4200, v6;
	v1 =	vld.idx.msk [tilespmem:v1+s23+$0x0], $0xffff;
	[tilespmem:s1+$0x0] =	vst v10  }
0x139: {  	v7 =	vld.idx.msk [tilespmem:v7+s23+$0x0], $0xffff;
	[tilespmem:s22+$0x0] =	vst v11;
	s22 =	sor.u32 s3, s30  }
0x13a: {  	s24 =	sor.u32 s3, s24;
	v8 =	vld.idx.msk [tilespmem:v53+s23+$0x0], $0xffff;
	[tilespmem:s22+$0x0] =	vst v12  }
0x13b: {  	s26 =	sor.u32 s3, s26;
	v57 =	vadd.s32 $0x4280, v6;
	v9 =	vld.idx.msk [tilespmem:v54+s23+$0x0], $0xffff;
	[tilespmem:s24+$0x0] =	vst v13  }
0x13c: {  	s30 =	sor.u32 s3, s28;
	v10 =	vld.idx.msk [tilespmem:v55+s23+$0x0], $0xffff;
	[tilespmem:s26+$0x0] =	vst v2;
	v2 =	vadd.s32 $0x4300, v6  }
0x13d: {  	v11 =	vld.idx.msk [tilespmem:v56+s23+$0x0], $0xffff;
	[tilespmem:s30+$0x0] =	vst v3;
	v3 =	vadd.s32 $0x4380, v6;
	_ =	sdelay $0x1  }
0x13e: {  	s22 =	sor.u32 s3, s20  }
0x13f: {  	v58 =	vadd.s32 $0x6000, v6;
	s24 =	sor.u32 s3, s19;
	v12 =	vld.idx.msk [tilespmem:v57+s23+$0x0], $0xffff;
	[tilespmem:s22+$0x0] =	vst v4  }
0x140: {  	v59 =	vadd.s32 $0x6080, v6;
	s26 =	sor.u32 s3, s21;
	v2 =	vld.idx.msk [tilespmem:v2+s23+$0x0], $0xffff;
	[tilespmem:s24+$0x0] =	vst v5  }
0x141: {  	v3 =	vld.idx.msk [tilespmem:v3+s23+$0x0], $0xffff;
	[tilespmem:s26+$0x0] =	vst v1;
	v1 =	vadd.s32 $0x6100, v6  }
0x142: {  	v60 =	vadd.s32 $0x6180, v6  }
0x143: {  	v61 =	vadd.s32 $0x6200, v6;
	s28 =	sor.u32 s3, s25  }
0x144: {  	s29 =	sor.u32 s3, s29;
	v62 =	vadd.s32 $0x6280, v6;
	v4 =	vld.idx.msk [tilespmem:v58+s23+$0x0], $0xffff;
	[tilespmem:s28+$0x0] =	vst v7  }
0x145: {  	v63 =	vadd.s32 $0x6300, v6;
	s30 =	sor.u32 s3, s18;
	v5 =	vld.idx.msk [tilespmem:v59+s23+$0x0], $0xffff;
	[tilespmem:s29+$0x0] =	vst v8  }
0x146: {  	s18 =	sor.u32 s3, s16;
	v6 =	vadd.s32 $0x6380, v6;
	v1 =	vld.idx.msk [tilespmem:v1+s23+$0x0], $0xffff;
	[tilespmem:s30+$0x0] =	vst v9  }
0x147: {  	s19 =	sor.u32 s3, s15;
	v7 =	vld.idx.msk [tilespmem:v60+s23+$0x0], $0xffff;
	[tilespmem:s18+$0x0] =	vst v10  }
0x148: {  	s20 =	sor.u32 s3, s17;
	v8 =	vld.idx.msk [tilespmem:v61+s23+$0x0], $0xffff;
	[tilespmem:s19+$0x0] =	vst v11  }
0x149: {  	s21 =	sor.u32 s3, s14;
	v9 =	vld.idx.msk [tilespmem:v62+s23+$0x0], $0xffff;
	[tilespmem:s20+$0x0] =	vst v12  }
0x14a: {  	s22 =	sor.u32 s3, s13;
	v10 =	vld.idx.msk [tilespmem:v63+s23+$0x0], $0xffff;
	[tilespmem:s21+$0x0] =	vst v2  }
0x14b: {  	s24 =	sor.u32 s3, s31;
	v2 =	vld.idx.msk [tilespmem:v6+s23+$0x0], $0xffff;
	[tilespmem:s22+$0x0] =	vst v3  }
0x14c: {  	s25 =	sor.u32 s3, s12;
	[tilespmem:s24+$0x0] =	vst v4  }
0x14d: {  	s8 =	sadd.s32 $0x2, s8;
	s26 =	sor.u32 s3, s9;
	[tilespmem:s25+$0x0] =	vst v5  }
0x14e: {  	p0 =	slt.u32 s8, $0x3E;
	s28 =	sor.u32 s3, s6;
	[tilespmem:s26+$0x0] =	vst v1  }
.Ltmp2:
0x14f: {  	s29 =	sor.u32 s3, s5;
	[tilespmem:s28+$0x0] =	vst v7;
	(pc) =	sbr.rel @p0 .LBB2_6-.Ltmp2, $4  }
0x150: {  	s30 =	sor.u32 s3, s4;
	[tilespmem:s29+$0x0] =	vst v8  }
0x151: {  	s31 =	sor.u32 s3, s2;
	[tilespmem:s30+$0x0] =	vst v9  }
0x152: {  	s0 =	sor.u32 s3, s0;
	[tilespmem:s31+$0x0] =	vst v10  }
0x153: {  	s7 =	sadd.s32 $0x100, s7;
	s11 =	sadd.s32 $0x20, s11;
	s10 =	sadd.s32 $0x20, s10;
	[tilespmem:s0+$0x0] =	vst v2  }
0x154: {  	s1 =	rddreg [dreg:$0xc]  }
0x155: {  	s0 =	simm.s32 $0x0;
	s2 =	simm.s32 $0x11000;
	s26 =	rddreg [dreg:$0xd]  }
0x156: {  	[hbm4b:s1+s0] =	stream.linear.scatter [tilespmem:s2], [sflag:$0x4], $0x4000, $0x38;
	[tilespmem:$0x19000] =	vst v63  }
0x157: {  	s28 =	simm.s32 $0x15000;
	s29 =	rddreg [dreg:$0xe];
	s31 =	simm.s32 $0x1  }
0x158: {  	[hbm4b:s26+s0] =	stream.linear.scatter [tilespmem:s28], [sflag:$0x4], $0x4000, $0x38;
	[tilespmem:$0x19000] =	vst v63  }
0x159: {  	s30 =	simm.s32 $0x5000;
	[dreg:$0x17] =	wrdreg s31  }
0x15a: {  	[tilespmem:s30], [sflag:$0x2] =	stream.linear.gather [hbm4b:s29+s0], $0x4000, $0x38;
	[tilespmem:$0x19000] =	vst v63  }
.LBB2_8:
0x15b: {  	s0 =	simm.s32 $0x3  }
0x15c: {  	_ =	swait.ge [sflag:s0], $0x4000  }
0x15d: {  	[sflag:s0] =	ssyncset.done $0x0  }
0x15e: {  	[sflag:s0] =	ssyncadd.s32 $0xFFFFC000  }
0x15f: {  	_ =	swait.ge [sflag:s0], $0x4000  }
0x160: {  	[sflag:s0] =	ssyncset.done $0x0  }
0x161: {  	s31 =	simm.s32 $0x1;
	[sflag:s0] =	ssyncadd.s32 $0xFFFFC000  }
0x162: {  	s8 =	simm.s32 $0xFFFFFFFE;
	s10 =	simm.s32 $0x0;
	_ =	swait.ge [sflag:s31], $0x4000  }
0x163: {  	s11 =	simm.s32 $0x800;
	s12 =	simm.s32 $0x0;
	[sflag:s31] =	ssyncset.done $0x0  }
0x164: {  	s13 =	simm.s32 $0x0;
	s14 =	simm.s32 $0x0;
	[sflag:s31] =	ssyncadd.s32 $0xFFFFC000  }
.LBB2_9:
0x165: {  	v1 =	vld [tilespmem:s11+$0x0];
	_ =	sdelay $0x4  }
0x166: {  	v2 =	vshll.u32 v1, $0x3  }
0x167: {  	v1 =	vand.u32 $0x7F, v1;
	v2 =	vand.u32 $0xFFFFFC00, v2  }
0x168: {  	v1 =	vor.u32 v1, v2  }
0x169: {  	v2 =	vor.u32 $0x80, v1  }
0x16a: {  	v3 =	vor.u32 $0x100, v1  }
0x16b: {  	s0 =	sand.u32 $0x3E0, s10;
	v4 =	vor.u32 $0x180, v1  }
0x16c: {  	v5 =	vld [tilespmem:s0+$0xC00];
	v6 =	vor.u32 $0x200, v1  }
0x16d: {  	v8 =	vor.u32 $0x280, v1;
	v7 =	vld.idx.msk [tilespmem:v1+s23+$0x0], $0xffff  }
0x16e: {  	v9 =	vor.u32 $0x300, v1;
	v2 =	vld.idx.msk [tilespmem:v2+s23+$0x0], $0xffff  }
0x16f: {  	v10 =	vor.u32 $0x380, v1;
	v3 =	vld.idx.msk [tilespmem:v3+s23+$0x0], $0xffff  }
0x170: {  	v11 =	vadd.s32 $0x2000, v1;
	v4 =	vld.idx.msk [tilespmem:v4+s23+$0x0], $0xffff  }
0x171: {  	v12 =	vadd.s32 $0x2080, v1;
	v6 =	vld.idx.msk [tilespmem:v6+s23+$0x0], $0xffff  }
0x172: {  	s1 =	sand.u32 $0x1C00, s14;
	v8 =	vld.idx.msk [tilespmem:v8+s23+$0x0], $0xffff  }
0x173: {  	s0 =	sand.u32 $0x60, s10;
	s20 =	sadd.s32 $0x9000, s1;
	v9 =	vld.idx.msk [tilespmem:v9+s23+$0x0], $0xffff  }
0x174: {  	s2 =	sor.u32 s0, s20;
	v13 =	vadd.s32 $0x2100, v1;
	v10 =	vld.idx.msk [tilespmem:v10+s23+$0x0], $0xffff  }
0x175: {  	v30 =	vadd.s32 $0x2180, v1;
	v11 =	vld.idx.msk [tilespmem:v11+s23+$0x0], $0xffff;
	[tilespmem:s2+$0x0] =	vst v7  }
0x176: {  	v12 =	vld.idx.msk [tilespmem:v12+s23+$0x0], $0xffff;
	[tilespmem:s2+$0x80] =	vst v2;
	v2 =	vadd.s32 $0x2200, v1;
	_ =	sdelay $0x2  }
0x177: {  	v13 =	vld.idx.msk [tilespmem:v13+s23+$0x0], $0xffff;
	[tilespmem:s2+$0x100] =	vst v3;
	v3 =	vadd.s32 $0x2280, v1  }
0x178: {  	v32 =	vshll.u32 v5, $0x3;
	v31 =	vadd.s32 $0x2300, v1;
	v7 =	vld.idx.msk [tilespmem:v30+s23+$0x0], $0xffff;
	[tilespmem:s2+$0x180] =	vst v4  }
0x179: {  	s3 =	sand.u32 $0x3, s12;
	v5 =	vand.u32 $0x7F, v5;
	v1 =	vadd.s32 $0x2380, v1;
	v2 =	vld.idx.msk [tilespmem:v2+s23+$0x0], $0xffff;
	[tilespmem:s2+$0x200] =	vst v6;
	v6 =	vand.u32 $0xFFFFFC00, v32  }
0x17a: {  	s3 =	sshll.u32 s3, $0x5;
	v5 =	vor.u32 v5, v6  }
0x17b: {  	s30 =	sadd.s32 s3, s14;
	v6 =	vor.u32 $0x80, v5  }
0x17c: {  	s31 =	sor.u32 s10, s14;
	v3 =	vld.idx.msk [tilespmem:v3+s23+$0x0], $0xffff;
	[tilespmem:s2+$0x280] =	vst v8;
	s2 =	sor.u32 $0x300, s30;
	v33 =	vor.u32 $0x100, v5  }
0x17d: {  	s3 =	sadd.s32 $0xB000, s1;
	v4 =	vld.idx.msk [tilespmem:v31+s23+$0x0], $0xffff;
	[tilespmem:s2+$0x9000] =	vst v9;
	s2 =	sor.u32 $0x380, s31;
	v34 =	vor.u32 $0x180, v5  }
0x17e: {  	s4 =	sadd.s32 $0xB080, s1;
	v35 =	vor.u32 $0x200, v5;
	v1 =	vld.idx.msk [tilespmem:v1+s23+$0x0], $0xffff;
	[tilespmem:s2+$0x9000] =	vst v10;
	s2 =	sor.u32 s0, s3  }
0x17f: {  	s5 =	sadd.s32 $0xB100, s1;
	v9 =	vld.idx.msk [tilespmem:v5+s23+$0x0], $0xffff;
	[tilespmem:s2+$0x0] =	vst v11;
	s2 =	sor.u32 s0, s4  }
0x180: {  	s6 =	sadd.s32 $0xB180, s1;
	v6 =	vld.idx.msk [tilespmem:v6+s23+$0x0], $0xffff;
	[tilespmem:s2+$0x0] =	vst v12;
	s2 =	sor.u32 s0, s5  }
0x181: {  	s19 =	sadd.s32 $0xB200, s1;
	v36 =	vor.u32 $0x280, v5;
	v8 =	vld.idx.msk [tilespmem:v33+s23+$0x0], $0xffff;
	[tilespmem:s2+$0x0] =	vst v13;
	s2 =	sor.u32 s0, s6  }
0x182: {  	s7 =	sor.u32 s0, s19;
	v37 =	vor.u32 $0x300, v5;
	v10 =	vld.idx.msk [tilespmem:v34+s23+$0x0], $0xffff;
	[tilespmem:s2+$0x0] =	vst v7  }
0x183: {  	v11 =	vld.idx.msk [tilespmem:v35+s23+$0x0], $0xffff;
	[tilespmem:s7+$0x0] =	vst v2;
	v2 =	vor.u32 $0x380, v5  }
0x184: {  	s18 =	sadd.s32 $0xB280, s1  }
0x185: {  	s21 =	sadd.s32 $0xB300, s1;
	s9 =	sor.u32 s0, s18  }
0x186: {  	s22 =	sadd.s32 $0xB380, s1;
	s15 =	sor.u32 s0, s21;
	v12 =	vld.idx.msk [tilespmem:v36+s23+$0x0], $0xffff;
	[tilespmem:s9+$0x0] =	vst v3;
	v3 =	vadd.s32 $0x2000, v5  }
0x187: {  	s16 =	sor.u32 s0, s22;
	v38 =	vadd.s32 $0x2080, v5;
	v7 =	vld.idx.msk [tilespmem:v37+s23+$0x0], $0xffff;
	[tilespmem:s15+$0x0] =	vst v4  }
0x188: {  	v2 =	vld.idx.msk [tilespmem:v2+s23+$0x0], $0xffff;
	[tilespmem:s16+$0x0] =	vst v1;
	v1 =	vadd.s32 $0x2100, v5  }
0x189: {  	s24 =	sadd.s32 $0xD000, s1;
	v39 =	vadd.s32 $0x2180, v5  }
0x18a: {  	s17 =	sor.u32 s0, s24;
	v40 =	vadd.s32 $0x2200, v5;
	s16 =	sadd.s32 $0xD080, s1  }
0x18b: {  	v41 =	vadd.s32 $0x2280, v5;
	s9 =	sadd.s32 $0xD100, s1;
	v3 =	vld.idx.msk [tilespmem:v3+s23+$0x0], $0xffff;
	[tilespmem:s17+$0x0] =	vst v9;
	s25 =	sor.u32 s0, s16  }
0x18c: {  	v42 =	vadd.s32 $0x2300, v5;
	s26 =	sor.u32 s0, s9;
	s15 =	sadd.s32 $0xD180, s1;
	v4 =	vld.idx.msk [tilespmem:v38+s23+$0x0], $0xffff;
	[tilespmem:s25+$0x0] =	vst v6  }
0x18d: {  	s28 =	sor.u32 s0, s15;
	v5 =	vadd.s32 $0x2380, v5;
	s17 =	sadd.s32 $0xD200, s1;
	v1 =	vld.idx.msk [tilespmem:v1+s23+$0x0], $0xffff;
	[tilespmem:s26+$0x0] =	vst v8  }
0x18e: {  	[smem:$0x7F5] =	sst s6;
	s6 =	sadd.s32 $0xD280, s1;
	s29 =	sor.u32 s0, s17;
	v9 =	vld.idx.msk [tilespmem:v39+s23+$0x0], $0xffff;
	[tilespmem:s28+$0x0] =	vst v10  }
0x18f: {  	[smem:$0x7F4] =	sst s5;
	s5 =	sadd.s32 $0xD300, s1;
	s30 =	sor.u32 s0, s6;
	v6 =	vld.idx.msk [tilespmem:v40+s23+$0x0], $0xffff;
	[tilespmem:s29+$0x0] =	vst v11  }
0x190: {  	s31 =	sor.u32 s0, s5;
	s25 =	sadd.s32 $0xD380, s1;
	v8 =	vld.idx.msk [tilespmem:v41+s23+$0x0], $0xffff;
	[tilespmem:s30+$0x0] =	vst v12  }
0x191: {  	s7 =	sadd.s32 $0xF000, s1;
	s2 =	sor.u32 s0, s25;
	v10 =	vld.idx.msk [tilespmem:v42+s23+$0x0], $0xffff;
	[tilespmem:s31+$0x0] =	vst v7  }
0x192: {  	[smem:$0x7F3] =	sst s4;
	s4 =	sadd.s32 $0xF080, s1;
	s26 =	sor.u32 s0, s7;
	v5 =	vld.idx.msk [tilespmem:v5+s23+$0x0], $0xffff;
	[tilespmem:s2+$0x0] =	vst v2  }
0x193: {  	s28 =	sor.u32 s0, s4;
	[tilespmem:s26+$0x0] =	vst v3;
	s26 =	sadd.s32 $0xF100, s1  }
0x194: {  	[tilespmem:s28+$0x0] =	vst v4;
	s29 =	sor.u32 s0, s26;
	s28 =	sadd.s32 $0xF180, s1  }
0x195: {  	[tilespmem:s29+$0x0] =	vst v1;
	s30 =	sor.u32 s0, s28;
	s29 =	sadd.s32 $0xF200, s1  }
0x196: {  	[tilespmem:s30+$0x0] =	vst v9;
	s31 =	sor.u32 s0, s29;
	s30 =	sadd.s32 $0xF280, s1  }
0x197: {  	[smem:$0x7F2] =	sst s3;
	[tilespmem:s31+$0x0] =	vst v6;
	s3 =	sor.u32 s0, s30;
	s31 =	sadd.s32 $0xF300, s1  }
0x198: {  	[tilespmem:s3+$0x0] =	vst v8;
	s3 =	sadd.s32 $0xF380, s1;
	s1 =	sor.u32 s0, s31  }
0x199: {  	[tilespmem:s1+$0x0] =	vst v10;
	s0 =	sor.u32 s0, s3  }
0x19a: {  	[tilespmem:s0+$0x0] =	vst v5  }
0x19b: {  	v1 =	vld [tilespmem:s11+$0x10];
	_ =	sdelay $0x4  }
0x19c: {  	v2 =	vshll.u32 v1, $0x3  }
0x19d: {  	v1 =	vand.u32 $0x7F, v1;
	v2 =	vand.u32 $0xFFFFFC00, v2  }
0x19e: {  	v1 =	vor.u32 v1, v2  }
0x19f: {  	v2 =	vor.u32 $0x80, v1  }
0x1a0: {  	v3 =	vor.u32 $0x100, v1  }
0x1a1: {  	v43 =	vor.u32 $0x180, v1  }
0x1a2: {  	v5 =	vld [tilespmem:s11+$0x410];
	v44 =	vor.u32 $0x200, v1  }
0x1a3: {  	v45 =	vor.u32 $0x280, v1;
	v7 =	vld.idx.msk [tilespmem:v1+s23+$0x0], $0xffff  }
0x1a4: {  	v46 =	vor.u32 $0x300, v1;
	v2 =	vld.idx.msk [tilespmem:v2+s23+$0x0], $0xffff  }
0x1a5: {  	v47 =	vor.u32 $0x380, v1;
	v3 =	vld.idx.msk [tilespmem:v3+s23+$0x0], $0xffff  }
0x1a6: {  	v48 =	vadd.s32 $0x2000, v1;
	v4 =	vld.idx.msk [tilespmem:v43+s23+$0x0], $0xffff  }
0x1a7: {  	v49 =	vadd.s32 $0x2080, v1;
	v6 =	vld.idx.msk [tilespmem:v44+s23+$0x0], $0xffff  }
0x1a8: {  	s2 =	sadd.s32 $0x10, s10;
	v8 =	vld.idx.msk [tilespmem:v45+s23+$0x0], $0xffff  }
0x1a9: {  	s0 =	sand.u32 $0x70, s2;
	v50 =	vadd.s32 $0x2100, v1;
	v9 =	vld.idx.msk [tilespmem:v46+s23+$0x0], $0xffff  }
0x1aa: {  	s1 =	sor.u32 s0, s20;
	v10 =	vld.idx.msk [tilespmem:v47+s23+$0x0], $0xffff  }
0x1ab: {  	v51 =	vadd.s32 $0x2180, v1;
	v11 =	vld.idx.msk [tilespmem:v48+s23+$0x0], $0xffff;
	[tilespmem:s1+$0x0] =	vst v7  }
0x1ac: {  	v12 =	vld.idx.msk [tilespmem:v49+s23+$0x0], $0xffff;
	[tilespmem:s1+$0x80] =	vst v2;
	v2 =	vadd.s32 $0x2200, v1;
	_ =	sdelay $0x1  }
0x1ad: {  	v13 =	vld.idx.msk [tilespmem:v50+s23+$0x0], $0xffff;
	[tilespmem:s1+$0x100] =	vst v3;
	v3 =	vadd.s32 $0x2280, v1  }
0x1ae: {  	s20 =	sand.u32 $0x7, s13;
	v52 =	vadd.s32 $0x2300, v1  }
0x1af: {  	s20 =	sshll.u32 s20, $0x4;
	v53 =	vshll.u32 v5, $0x3;
	v7 =	vld.idx.msk [tilespmem:v51+s23+$0x0], $0xffff;
	[tilespmem:s1+$0x180] =	vst v4  }
0x1b0: {  	s20 =	sadd.s32 s14, s20;
	v5 =	vand.u32 $0x7F, v5;
	v1 =	vadd.s32 $0x2380, v1;
	v2 =	vld.idx.msk [tilespmem:v2+s23+$0x0], $0xffff;
	[tilespmem:s1+$0x200] =	vst v6;
	v6 =	vand.u32 $0xFFFFFC00, v53  }
0x1b1: {  	s20 =	sadd.s32 $0x10, s20;
	v5 =	vor.u32 v5, v6  }
0x1b2: {  	s2 =	sor.u32 s2, s14;
	v3 =	vld.idx.msk [tilespmem:v3+s23+$0x0], $0xffff;
	[tilespmem:s1+$0x280] =	vst v8;
	s1 =	sor.u32 $0x300, s20;
	s20 =	sld [smem:$0x7F2]  }
0x1b3: {  	v4 =	vld.idx.msk [tilespmem:v52+s23+$0x0], $0xffff;
	[tilespmem:s1+$0x9000] =	vst v9;
	v6 =	vor.u32 $0x80, v5;
	s1 =	sor.u32 $0x380, s2;
	s2 =	sld [smem:$0x7F3]  }
0x1b4: {  	v54 =	vor.u32 $0x100, v5  }
0x1b5: {  	v55 =	vor.u32 $0x180, v5;
	v1 =	vld.idx.msk [tilespmem:v1+s23+$0x0], $0xffff;
	[tilespmem:s1+$0x9000] =	vst v10;
	s1 =	sor.u32 s0, s20;
	s20 =	sld [smem:$0x7F4]  }
0x1b6: {  	v56 =	vor.u32 $0x200, v5;
	v9 =	vld.idx.msk [tilespmem:v5+s23+$0x0], $0xffff;
	[tilespmem:s1+$0x0] =	vst v11;
	s1 =	sor.u32 s0, s2;
	s2 =	sld [smem:$0x7F5];
	_ =	sdelay $0x1  }
0x1b7: {  	v6 =	vld.idx.msk [tilespmem:v6+s23+$0x0], $0xffff;
	[tilespmem:s1+$0x0] =	vst v12;
	s1 =	sor.u32 s0, s20  }
0x1b8: {  	v57 =	vor.u32 $0x280, v5;
	v8 =	vld.idx.msk [tilespmem:v54+s23+$0x0], $0xffff;
	[tilespmem:s1+$0x0] =	vst v13;
	s1 =	sor.u32 s0, s2  }
0x1b9: {  	s19 =	sor.u32 s0, s19;
	v58 =	vor.u32 $0x300, v5;
	v10 =	vld.idx.msk [tilespmem:v55+s23+$0x0], $0xffff;
	[tilespmem:s1+$0x0] =	vst v7  }
0x1ba: {  	v11 =	vld.idx.msk [tilespmem:v56+s23+$0x0], $0xffff;
	[tilespmem:s19+$0x0] =	vst v2;
	v2 =	vor.u32 $0x380, v5;
	_ =	sdelay $0x1  }
0x1bb: {  	s20 =	sor.u32 s0, s18  }
0x1bc: {  	s21 =	sor.u32 s0, s21;
	v12 =	vld.idx.msk [tilespmem:v57+s23+$0x0], $0xffff;
	[tilespmem:s20+$0x0] =	vst v3;
	v3 =	vadd.s32 $0x2000, v5  }
0x1bd: {  	s22 =	sor.u32 s0, s22;
	v59 =	vadd.s32 $0x2080, v5;
	v7 =	vld.idx.msk [tilespmem:v58+s23+$0x0], $0xffff;
	[tilespmem:s21+$0x0] =	vst v4  }
0x1be: {  	v2 =	vld.idx.msk [tilespmem:v2+s23+$0x0], $0xffff;
	[tilespmem:s22+$0x0] =	vst v1;
	v1 =	vadd.s32 $0x2100, v5  }
0x1bf: {  	v60 =	vadd.s32 $0x2180, v5  }
0x1c0: {  	s24 =	sor.u32 s0, s24;
	v61 =	vadd.s32 $0x2200, v5  }
0x1c1: {  	v62 =	vadd.s32 $0x2280, v5;
	s2 =	sor.u32 s0, s16;
	v3 =	vld.idx.msk [tilespmem:v3+s23+$0x0], $0xffff;
	[tilespmem:s24+$0x0] =	vst v9  }
0x1c2: {  	v63 =	vadd.s32 $0x2300, v5;
	s16 =	sor.u32 s0, s9;
	v4 =	vld.idx.msk [tilespmem:v59+s23+$0x0], $0xffff;
	[tilespmem:s2+$0x0] =	vst v6  }
0x1c3: {  	s18 =	sor.u32 s0, s15;
	v5 =	vadd.s32 $0x2380, v5;
	v1 =	vld.idx.msk [tilespmem:v1+s23+$0x0], $0xffff;
	[tilespmem:s16+$0x0] =	vst v8  }
0x1c4: {  	s19 =	sor.u32 s0, s17;
	v9 =	vld.idx.msk [tilespmem:v60+s23+$0x0], $0xffff;
	[tilespmem:s18+$0x0] =	vst v10  }
0x1c5: {  	s20 =	sor.u32 s0, s6;
	v6 =	vld.idx.msk [tilespmem:v61+s23+$0x0], $0xffff;
	[tilespmem:s19+$0x0] =	vst v11  }
0x1c6: {  	s21 =	sor.u32 s0, s5;
	v8 =	vld.idx.msk [tilespmem:v62+s23+$0x0], $0xffff;
	[tilespmem:s20+$0x0] =	vst v12  }
0x1c7: {  	s22 =	sor.u32 s0, s25;
	v10 =	vld.idx.msk [tilespmem:v63+s23+$0x0], $0xffff;
	[tilespmem:s21+$0x0] =	vst v7  }
0x1c8: {  	s24 =	sor.u32 s0, s7;
	v5 =	vld.idx.msk [tilespmem:v5+s23+$0x0], $0xffff;
	[tilespmem:s22+$0x0] =	vst v2  }
0x1c9: {  	s25 =	sor.u32 s0, s4;
	[tilespmem:s24+$0x0] =	vst v3  }
0x1ca: {  	s8 =	sadd.s32 $0x2, s8;
	s26 =	sor.u32 s0, s26;
	[tilespmem:s25+$0x0] =	vst v4  }
0x1cb: {  	p0 =	slt.u32 s8, $0x3E;
	s28 =	sor.u32 s0, s28;
	[tilespmem:s26+$0x0] =	vst v1  }
.Ltmp3:
0x1cc: {  	s29 =	sor.u32 s0, s29;
	[tilespmem:s28+$0x0] =	vst v9;
	(pc) =	sbr.rel @p0 .LBB2_9-.Ltmp3, $4  }
0x1cd: {  	s30 =	sor.u32 s0, s30;
	[tilespmem:s29+$0x0] =	vst v6  }
0x1ce: {  	s31 =	sor.u32 s0, s31;
	[tilespmem:s30+$0x0] =	vst v8  }
0x1cf: {  	s12 =	sadd.s32 $0x1, s12;
	s10 =	sadd.s32 $0x20, s10;
	s0 =	sor.u32 s0, s3;
	[tilespmem:s31+$0x0] =	vst v10  }
0x1d0: {  	s13 =	sadd.s32 $0x2, s13;
	s11 =	sadd.s32 $0x20, s11;
	s14 =	sadd.s32 $0x100, s14;
	[tilespmem:s0+$0x0] =	vst v5  }
0x1d1: {  	s0 =	rddreg [dreg:$0x17]  }
0x1d2: {  	s1 =	rddreg [dreg:$0x4];
	s0 =	sshll.u32 s0, $0x6  }
0x1d3: {  	s1 =	sor.u32 s1, s0  }
0x1d4: {  	s1 =	sshll.u32 s1, $0xE  }
0x1d5: {  	s24 =	rddreg [dreg:$0x6];
	s4 =	sand.u32 $0xF70000, s1  }
0x1d6: {  	s2 =	rddreg [dreg:$0x2];
	s1 =	sor.u32 s24, s4  }
0x1d7: {  	s20 =	simm.s32 $0x0;
	s25 =	rddreg [dreg:$0xf];
	s1 =	sshrl.u32 s1, $0x3  }
0x1d8: {  	s3 =	simm.s32 $0x9000;
	s28 =	rddreg [dreg:$0x10];
	s1 =	sadd.s32 s2, s1  }
0x1d9: {  	[hbm4b:s1+s20] =	stream.linear.scatter [tilespmem:s3], [sflag:$0x3], $0x4000, $0x38;
	[tilespmem:$0x19000] =	vst v63  }
0x1da: {  	s0 =	sadd.s32 s28, s0;
	s1 =	sadd.s32 s25, s4  }
0x1db: {  	s26 =	simm.s32 $0xD000;
	s0 =	sshll.u32 s0, $0xB;
	s1 =	sshrl.u32 s1, $0x3  }
0x1dc: {  	s29 =	rddreg [dreg:$0x11];
	s0 =	sand.u32 $0x3EE000, s0;
	s1 =	sadd.s32 s2, s1  }
0x1dd: {  	[hbm4b:s1+s20] =	stream.linear.scatter [tilespmem:s26], [sflag:$0x3], $0x4000, $0x38;
	[tilespmem:$0x19000] =	vst v63  }
0x1de: {  	s30 =	simm.s32 $0x4;
	[dreg:$0x18] =	wrdreg s4;
	s0 =	sadd.s32 s0, s29  }
0x1df: {  	[tilespmem:s23], [sflag:$0x1] =	stream.linear.gather [hbm4b:s0+s20], $0x4000, $0x38;
	[tilespmem:$0x19000] =	vst v63  }
0x1e0: {  	_ =	swait.ge [sflag:s30], $0x4000  }
0x1e1: {  	[sflag:s30] =	ssyncset.done $0x0  }
0x1e2: {  	[sflag:s30] =	ssyncadd.s32 $0xFFFFC000  }
0x1e3: {  	_ =	swait.ge [sflag:s30], $0x4000  }
0x1e4: {  	[sflag:s30] =	ssyncset.done $0x0  }
0x1e5: {  	s31 =	simm.s32 $0x2;
	[sflag:s30] =	ssyncadd.s32 $0xFFFFC000  }
0x1e6: {  	_ =	swait.ge [sflag:s31], $0x4000  }
0x1e7: {  	s11 =	simm.s32 $0xFFFFFFFE;
	[sflag:s31] =	ssyncset.done $0x0  }
0x1e8: {  	s12 =	simm.s32 $0x800;
	s13 =	simm.s32 $0x10;
	[sflag:s31] =	ssyncadd.s32 $0xFFFFC000  }
.LBB2_11:
0x1e9: {  	v1 =	vld [tilespmem:s12+$0x0];
	_ =	sdelay $0x4  }
0x1ea: {  	v2 =	vshll.u32 v1, $0x3  }
0x1eb: {  	v1 =	vand.u32 $0x7F, v1;
	v2 =	vand.u32 $0xFFFFFC00, v2  }
0x1ec: {  	v1 =	vor.u32 v1, v2  }
0x1ed: {  	v2 =	vadd.s32 $0x4000, v1  }
0x1ee: {  	v3 =	vadd.s32 $0x4080, v1  }
0x1ef: {  	s0 =	sadd.s32 $0xFFFFFFF0, s13;
	v4 =	vadd.s32 $0x4100, v1  }
0x1f0: {  	s1 =	sand.u32 $0x3E0, s0;
	v5 =	vadd.s32 $0x4180, v1  }
0x1f1: {  	v6 =	vld [tilespmem:s1+$0xC00];
	v7 =	vadd.s32 $0x4200, v1  }
0x1f2: {  	v8 =	vadd.s32 $0x4280, v1;
	v2 =	vld.idx.msk [tilespmem:v2+s23+$0x0], $0xffff  }
0x1f3: {  	v9 =	vadd.s32 $0x4300, v1;
	v3 =	vld.idx.msk [tilespmem:v3+s23+$0x0], $0xffff  }
0x1f4: {  	v10 =	vadd.s32 $0x4380, v1;
	v4 =	vld.idx.msk [tilespmem:v4+s23+$0x0], $0xffff  }
0x1f5: {  	v11 =	vadd.s32 $0x6000, v1;
	v5 =	vld.idx.msk [tilespmem:v5+s23+$0x0], $0xffff  }
0x1f6: {  	v12 =	vadd.s32 $0x6080, v1;
	v7 =	vld.idx.msk [tilespmem:v7+s23+$0x0], $0xffff  }
0x1f7: {  	s10 =	sand.u32 $0x1C00, s20;
	v8 =	vld.idx.msk [tilespmem:v8+s23+$0x0], $0xffff  }
0x1f8: {  	s0 =	sand.u32 $0x60, s0;
	s8 =	sadd.s32 $0x11000, s10;
	v9 =	vld.idx.msk [tilespmem:v9+s23+$0x0], $0xffff  }
0x1f9: {  	s9 =	sadd.s32 $0x11080, s10;
	s1 =	sor.u32 s0, s8;
	v13 =	vadd.s32 $0x6100, v1;
	v10 =	vld.idx.msk [tilespmem:v10+s23+$0x0], $0xffff  }
0x1fa: {  	v11 =	vld.idx.msk [tilespmem:v11+s23+$0x0], $0xffff;
	[tilespmem:s1+$0x0] =	vst v2;
	v2 =	vadd.s32 $0x6180, v1;
	s1 =	sor.u32 s0, s9  }
0x1fb: {  	v12 =	vld.idx.msk [tilespmem:v12+s23+$0x0], $0xffff;
	[tilespmem:s1+$0x0] =	vst v3;
	v3 =	vadd.s32 $0x6200, v1  }
0x1fc: {  	s14 =	sadd.s32 $0x11100, s10  }
0x1fd: {  	s15 =	sadd.s32 $0x11180, s10;
	v14 =	vshll.u32 v6, $0x3;
	v25 =	vadd.s32 $0x6280, v1;
	s1 =	sor.u32 s0, s14  }
0x1fe: {  	s16 =	sadd.s32 $0x11200, s10;
	v6 =	vand.u32 $0x7F, v6;
	v26 =	vadd.s32 $0x6300, v1;
	v27 =	vand.u32 $0xFFFFFC00, v14;
	v13 =	vld.idx.msk [tilespmem:v13+s23+$0x0], $0xffff;
	[tilespmem:s1+$0x0] =	vst v4;
	s1 =	sor.u32 s0, s15  }
0x1ff: {  	v6 =	vor.u32 v6, v27;
	v1 =	vadd.s32 $0x6380, v1;
	v2 =	vld.idx.msk [tilespmem:v2+s23+$0x0], $0xffff;
	[tilespmem:s1+$0x0] =	vst v5;
	s1 =	sor.u32 s0, s16  }
0x200: {  	s17 =	sadd.s32 $0x11280, s10;
	v3 =	vld.idx.msk [tilespmem:v3+s23+$0x0], $0xffff;
	[tilespmem:s1+$0x0] =	vst v7;
	v7 =	vadd.s32 $0x4000, v6  }
0x201: {  	s18 =	sadd.s32 $0x11300, s10;
	v28 =	vadd.s32 $0x4080, v6;
	s1 =	sor.u32 s0, s17  }
0x202: {  	s19 =	sadd.s32 $0x11380, s10;
	v29 =	vadd.s32 $0x4100, v6;
	v4 =	vld.idx.msk [tilespmem:v25+s23+$0x0], $0xffff;
	[tilespmem:s1+$0x0] =	vst v8;
	s1 =	sor.u32 s0, s18  }
0x203: {  	s31 =	sadd.s32 $0x13000, s10;
	v30 =	vadd.s32 $0x4180, v6;
	v5 =	vld.idx.msk [tilespmem:v26+s23+$0x0], $0xffff;
	[tilespmem:s1+$0x0] =	vst v9;
	s1 =	sor.u32 s0, s19  }
0x204: {  	s30 =	sadd.s32 $0x13080, s10;
	s21 =	sor.u32 s0, s31;
	v31 =	vadd.s32 $0x4200, v6;
	v1 =	vld.idx.msk [tilespmem:v1+s23+$0x0], $0xffff;
	[tilespmem:s1+$0x0] =	vst v10  }
0x205: {  	s26 =	sadd.s32 $0x13100, s10;
	s22 =	sor.u32 s0, s30;
	v7 =	vld.idx.msk [tilespmem:v7+s23+$0x0], $0xffff;
	[tilespmem:s21+$0x0] =	vst v11  }
0x206: {  	s28 =	sadd.s32 $0x13180, s10;
	s24 =	sor.u32 s0, s26;
	v8 =	vld.idx.msk [tilespmem:v28+s23+$0x0], $0xffff;
	[tilespmem:s22+$0x0] =	vst v12  }
0x207: {  	s25 =	sor.u32 s0, s28;
	v32 =	vadd.s32 $0x4280, v6;
	v9 =	vld.idx.msk [tilespmem:v29+s23+$0x0], $0xffff;
	[tilespmem:s24+$0x0] =	vst v13;
	s24 =	sadd.s32 $0x13200, s10  }
0x208: {  	v10 =	vld.idx.msk [tilespmem:v30+s23+$0x0], $0xffff;
	[tilespmem:s25+$0x0] =	vst v2;
	v2 =	vadd.s32 $0x4300, v6;
	s29 =	sor.u32 s0, s24  }
0x209: {  	v11 =	vld.idx.msk [tilespmem:v31+s23+$0x0], $0xffff;
	[tilespmem:s29+$0x0] =	vst v3;
	v3 =	vadd.s32 $0x4380, v6  }
0x20a: {  	s22 =	sadd.s32 $0x13280, s10  }
0x20b: {  	s21 =	sadd.s32 $0x13300, s10;
	s2 =	sor.u32 s0, s22  }
0x20c: {  	v33 =	vadd.s32 $0x6000, v6;
	s3 =	sor.u32 s0, s21;
	s25 =	sadd.s32 $0x13380, s10;
	v12 =	vld.idx.msk [tilespmem:v32+s23+$0x0], $0xffff;
	[tilespmem:s2+$0x0] =	vst v4  }
0x20d: {  	v34 =	vadd.s32 $0x6080, v6;
	s4 =	sor.u32 s0, s25;
	v2 =	vld.idx.msk [tilespmem:v2+s23+$0x0], $0xffff;
	[tilespmem:s3+$0x0] =	vst v5  }
0x20e: {  	[dreg:$0x1a] =	wrdreg s8;
	v3 =	vld.idx.msk [tilespmem:v3+s23+$0x0], $0xffff;
	[tilespmem:s4+$0x0] =	vst v1;
	v1 =	vadd.s32 $0x6100, v6  }
0x20f: {  	[dreg:$0x1c] =	wrdreg s9;
	v35 =	vadd.s32 $0x6180, v6;
	s29 =	sadd.s32 $0x15000, s10  }
0x210: {  	[smem:$0x7F1] =	sst s19;
	v36 =	vadd.s32 $0x6200, v6;
	s19 =	sadd.s32 $0x15080, s10;
	s5 =	sor.u32 s0, s29  }
0x211: {  	[smem:$0x7F0] =	sst s18;
	v37 =	vadd.s32 $0x6280, v6;
	s18 =	sadd.s32 $0x15100, s10;
	s6 =	sor.u32 s0, s19;
	v4 =	vld.idx.msk [tilespmem:v33+s23+$0x0], $0xffff;
	[tilespmem:s5+$0x0] =	vst v7  }
0x212: {  	[smem:$0x7EE] =	sst s16;
	s16 =	sadd.s32 $0x15180, s10;
	s7 =	sor.u32 s0, s18;
	v5 =	vld.idx.msk [tilespmem:v34+s23+$0x0], $0xffff;
	[tilespmem:s6+$0x0] =	vst v8  }
0x213: {  	[smem:$0x7EF] =	sst s17;
	v38 =	vadd.s32 $0x6300, v6;
	s8 =	sor.u32 s0, s16;
	s17 =	sadd.s32 $0x15200, s10;
	v1 =	vld.idx.msk [tilespmem:v1+s23+$0x0], $0xffff;
	[tilespmem:s7+$0x0] =	vst v9  }
0x214: {  	[smem:$0x7ED] =	sst s15;
	s15 =	sadd.s32 $0x15280, s10;
	s9 =	sor.u32 s0, s17;
	v6 =	vadd.s32 $0x6380, v6;
	v7 =	vld.idx.msk [tilespmem:v35+s23+$0x0], $0xffff;
	[tilespmem:s8+$0x0] =	vst v10  }
0x215: {  	[dreg:$0x1e] =	wrdreg s14;
	s14 =	sor.u32 s0, s15;
	v8 =	vld.idx.msk [tilespmem:v36+s23+$0x0], $0xffff;
	[tilespmem:s9+$0x0] =	vst v11  }
0x216: {  	v9 =	vld.idx.msk [tilespmem:v37+s23+$0x0], $0xffff;
	[tilespmem:s14+$0x0] =	vst v12;
	s14 =	sadd.s32 $0x15300, s10  }
0x217: {  	s9 =	sadd.s32 $0x15380, s10;
	s2 =	sor.u32 s0, s14  }
0x218: {  	s8 =	sadd.s32 $0x17000, s10;
	s3 =	sor.u32 s0, s9;
	v10 =	vld.idx.msk [tilespmem:v38+s23+$0x0], $0xffff;
	[tilespmem:s2+$0x0] =	vst v2  }
0x219: {  	s7 =	sadd.s32 $0x17080, s10;
	s4 =	sor.u32 s0, s8;
	v2 =	vld.idx.msk [tilespmem:v6+s23+$0x0], $0xffff;
	[tilespmem:s3+$0x0] =	vst v3  }
0x21a: {  	s6 =	sadd.s32 $0x17100, s10;
	s5 =	sor.u32 s0, s7;
	[tilespmem:s4+$0x0] =	vst v4  }
0x21b: {  	s2 =	sor.u32 s0, s6;
	[tilespmem:s5+$0x0] =	vst v5;
	s5 =	sadd.s32 $0x17180, s10  }
0x21c: {  	s4 =	sadd.s32 $0x17200, s10;
	[tilespmem:s2+$0x0] =	vst v1;
	s3 =	sor.u32 s0, s5  }
0x21d: {  	s2 =	sor.u32 s0, s4;
	[tilespmem:s3+$0x0] =	vst v7;
	s3 =	sadd.s32 $0x17280, s10  }
0x21e: {  	[tilespmem:s2+$0x0] =	vst v8;
	s1 =	sor.u32 s0, s3;
	s2 =	sadd.s32 $0x17300, s10  }
0x21f: {  	s10 =	sadd.s32 $0x17380, s10;
	[tilespmem:s1+$0x0] =	vst v9;
	s1 =	sor.u32 s0, s2  }
0x220: {  	s0 =	sor.u32 s0, s10;
	[tilespmem:s1+$0x0] =	vst v10  }
0x221: {  	[tilespmem:s0+$0x0] =	vst v2  }
0x222: {  	v1 =	vld [tilespmem:s12+$0x10];
	_ =	sdelay $0x4  }
0x223: {  	v2 =	vshll.u32 v1, $0x3  }
0x224: {  	v1 =	vand.u32 $0x7F, v1;
	v2 =	vand.u32 $0xFFFFFC00, v2  }
0x225: {  	v1 =	vor.u32 v1, v2  }
0x226: {  	v2 =	vadd.s32 $0x4000, v1  }
0x227: {  	v3 =	vadd.s32 $0x4080, v1  }
0x228: {  	v39 =	vadd.s32 $0x4100, v1  }
0x229: {  	v40 =	vadd.s32 $0x4180, v1  }
0x22a: {  	v41 =	vld [tilespmem:s12+$0x410];
	v42 =	vadd.s32 $0x4200, v1  }
0x22b: {  	v43 =	vadd.s32 $0x4280, v1;
	v2 =	vld.idx.msk [tilespmem:v2+s23+$0x0], $0xffff  }
0x22c: {  	v44 =	vadd.s32 $0x4300, v1;
	v3 =	vld.idx.msk [tilespmem:v3+s23+$0x0], $0xffff  }
0x22d: {  	v45 =	vadd.s32 $0x4380, v1;
	v4 =	vld.idx.msk [tilespmem:v39+s23+$0x0], $0xffff  }
0x22e: {  	v46 =	vadd.s32 $0x6000, v1;
	v5 =	vld.idx.msk [tilespmem:v40+s23+$0x0], $0xffff  }
0x22f: {  	v7 =	vld.idx.msk [tilespmem:v42+s23+$0x0], $0xffff  }
0x230: {  	v47 =	vadd.s32 $0x6080, v1;
	v8 =	vld.idx.msk [tilespmem:v43+s23+$0x0], $0xffff  }
0x231: {  	s1 =	rddreg [dreg:$0x1a];
	s0 =	sand.u32 $0x70, s13;
	v9 =	vld.idx.msk [tilespmem:v44+s23+$0x0], $0xffff  }
0x232: {  	s1 =	sor.u32 s0, s1;
	v48 =	vadd.s32 $0x6100, v1;
	v10 =	vld.idx.msk [tilespmem:v45+s23+$0x0], $0xffff  }
0x233: {  	v11 =	vld.idx.msk [tilespmem:v46+s23+$0x0], $0xffff;
	[tilespmem:s1+$0x0] =	vst v2;
	s1 =	rddreg [dreg:$0x1c]  }
0x234: {  	s1 =	sor.u32 s0, s1  }
0x235: {  	v12 =	vld.idx.msk [tilespmem:v47+s23+$0x0], $0xffff;
	[tilespmem:s1+$0x0] =	vst v3;
	s1 =	rddreg [dreg:$0x1e]  }
0x236: {  	v2 =	vadd.s32 $0x6180, v1;
	s1 =	sor.u32 s0, s1  }
0x237: {  	v13 =	vld.idx.msk [tilespmem:v48+s23+$0x0], $0xffff;
	[tilespmem:s1+$0x0] =	vst v4;
	s1 =	sld [smem:$0x7ED];
	_ =	sdelay $0x2  }
0x238: {  	v3 =	vadd.s32 $0x6200, v1;
	s1 =	sor.u32 s0, s1  }
0x239: {  	v2 =	vld.idx.msk [tilespmem:v2+s23+$0x0], $0xffff;
	[tilespmem:s1+$0x0] =	vst v5;
	s1 =	sld [smem:$0x7EE];
	_ =	sdelay $0x2  }
0x23a: {  	v49 =	vadd.s32 $0x6280, v1;
	s1 =	sor.u32 s0, s1  }
0x23b: {  	v3 =	vld.idx.msk [tilespmem:v3+s23+$0x0], $0xffff;
	[tilespmem:s1+$0x0] =	vst v7;
	s1 =	sld [smem:$0x7EF];
	_ =	sdelay $0x2  }
0x23c: {  	v50 =	vadd.s32 $0x6300, v1;
	s1 =	sor.u32 s0, s1  }
0x23d: {  	v4 =	vld.idx.msk [tilespmem:v49+s23+$0x0], $0xffff;
	[tilespmem:s1+$0x0] =	vst v8;
	s1 =	sld [smem:$0x7F0]  }
0x23e: {  	v51 =	vshll.u32 v41, $0x3  }
0x23f: {  	v6 =	vand.u32 $0x7F, v41;
	v52 =	vand.u32 $0xFFFFFC00, v51  }
0x240: {  	v6 =	vor.u32 v6, v52;
	v1 =	vadd.s32 $0x6380, v1;
	s1 =	sor.u32 s0, s1  }
0x241: {  	v7 =	vadd.s32 $0x4000, v6;
	v5 =	vld.idx.msk [tilespmem:v50+s23+$0x0], $0xffff;
	[tilespmem:s1+$0x0] =	vst v9;
	s1 =	sld [smem:$0x7F1]  }
0x242: {  	v53 =	vadd.s32 $0x4080, v6  }
0x243: {  	v54 =	vadd.s32 $0x4100, v6  }
0x244: {  	v55 =	vadd.s32 $0x4180, v6;
	s1 =	sor.u32 s0, s1  }
0x245: {  	s31 =	sor.u32 s0, s31;
	v56 =	vadd.s32 $0x4200, v6;
	v1 =	vld.idx.msk [tilespmem:v1+s23+$0x0], $0xffff;
	[tilespmem:s1+$0x0] =	vst v10  }
0x246: {  	v7 =	vld.idx.msk [tilespmem:v7+s23+$0x0], $0xffff;
	[tilespmem:s31+$0x0] =	vst v11;
	s31 =	sor.u32 s0, s30  }
0x247: {  	s26 =	sor.u32 s0, s26;
	v8 =	vld.idx.msk [tilespmem:v53+s23+$0x0], $0xffff;
	[tilespmem:s31+$0x0] =	vst v12  }
0x248: {  	v57 =	vadd.s32 $0x4280, v6;
	s30 =	sor.u32 s0, s28;
	v9 =	vld.idx.msk [tilespmem:v54+s23+$0x0], $0xffff;
	[tilespmem:s26+$0x0] =	vst v13  }
0x249: {  	s31 =	sor.u32 s0, s24;
	v10 =	vld.idx.msk [tilespmem:v55+s23+$0x0], $0xffff;
	[tilespmem:s30+$0x0] =	vst v2;
	v2 =	vadd.s32 $0x4300, v6  }
0x24a: {  	v11 =	vld.idx.msk [tilespmem:v56+s23+$0x0], $0xffff;
	[tilespmem:s31+$0x0] =	vst v3;
	v3 =	vadd.s32 $0x4380, v6;
	_ =	sdelay $0x1  }
0x24b: {  	s24 =	sor.u32 s0, s22  }
0x24c: {  	v58 =	vadd.s32 $0x6000, v6;
	s26 =	sor.u32 s0, s21;
	v12 =	vld.idx.msk [tilespmem:v57+s23+$0x0], $0xffff;
	[tilespmem:s24+$0x0] =	vst v4  }
0x24d: {  	v59 =	vadd.s32 $0x6080, v6;
	s28 =	sor.u32 s0, s25;
	v2 =	vld.idx.msk [tilespmem:v2+s23+$0x0], $0xffff;
	[tilespmem:s26+$0x0] =	vst v5  }
0x24e: {  	v3 =	vld.idx.msk [tilespmem:v3+s23+$0x0], $0xffff;
	[tilespmem:s28+$0x0] =	vst v1;
	v1 =	vadd.s32 $0x6100, v6  }
0x24f: {  	v60 =	vadd.s32 $0x6180, v6  }
0x250: {  	s29 =	sor.u32 s0, s29;
	v61 =	vadd.s32 $0x6200, v6  }
0x251: {  	v62 =	vadd.s32 $0x6280, v6;
	s30 =	sor.u32 s0, s19;
	v4 =	vld.idx.msk [tilespmem:v58+s23+$0x0], $0xffff;
	[tilespmem:s29+$0x0] =	vst v7  }
0x252: {  	v63 =	vadd.s32 $0x6300, v6;
	s31 =	sor.u32 s0, s18;
	v5 =	vld.idx.msk [tilespmem:v59+s23+$0x0], $0xffff;
	[tilespmem:s30+$0x0] =	vst v8  }
0x253: {  	s16 =	sor.u32 s0, s16;
	v6 =	vadd.s32 $0x6380, v6;
	v1 =	vld.idx.msk [tilespmem:v1+s23+$0x0], $0xffff;
	[tilespmem:s31+$0x0] =	vst v9  }
0x254: {  	s18 =	sor.u32 s0, s17;
	v7 =	vld.idx.msk [tilespmem:v60+s23+$0x0], $0xffff;
	[tilespmem:s16+$0x0] =	vst v10  }
0x255: {  	s19 =	sor.u32 s0, s15;
	v8 =	vld.idx.msk [tilespmem:v61+s23+$0x0], $0xffff;
	[tilespmem:s18+$0x0] =	vst v11  }
0x256: {  	s21 =	sor.u32 s0, s14;
	v9 =	vld.idx.msk [tilespmem:v62+s23+$0x0], $0xffff;
	[tilespmem:s19+$0x0] =	vst v12  }
0x257: {  	s22 =	sor.u32 s0, s9;
	v10 =	vld.idx.msk [tilespmem:v63+s23+$0x0], $0xffff;
	[tilespmem:s21+$0x0] =	vst v2  }
0x258: {  	s24 =	sor.u32 s0, s8;
	v2 =	vld.idx.msk [tilespmem:v6+s23+$0x0], $0xffff;
	[tilespmem:s22+$0x0] =	vst v3  }
0x259: {  	s25 =	sor.u32 s0, s7;
	[tilespmem:s24+$0x0] =	vst v4  }
0x25a: {  	s11 =	sadd.s32 $0x2, s11;
	s26 =	sor.u32 s0, s6;
	[tilespmem:s25+$0x0] =	vst v5  }
0x25b: {  	p0 =	slt.u32 s11, $0x3E;
	s28 =	sor.u32 s0, s5;
	[tilespmem:s26+$0x0] =	vst v1  }
.Ltmp4:
0x25c: {  	s29 =	sor.u32 s0, s4;
	[tilespmem:s28+$0x0] =	vst v7;
	(pc) =	sbr.rel @p0 .LBB2_11-.Ltmp4, $4  }
0x25d: {  	s30 =	sor.u32 s0, s3;
	[tilespmem:s29+$0x0] =	vst v8  }
0x25e: {  	s31 =	sor.u32 s0, s2;
	[tilespmem:s30+$0x0] =	vst v9  }
0x25f: {  	s0 =	sor.u32 s0, s10;
	[tilespmem:s31+$0x0] =	vst v10  }
0x260: {  	s20 =	sadd.s32 $0x100, s20;
	s13 =	sadd.s32 $0x20, s13;
	s12 =	sadd.s32 $0x20, s12;
	[tilespmem:s0+$0x0] =	vst v2  }
0x261: {  	s0 =	rddreg [dreg:$0x18]  }
0x262: {  	s1 =	rddreg [dreg:$0x6]  }
0x263: {  	s2 =	rddreg [dreg:$0x2];
	s0 =	sor.u32 $0x80000, s0  }
0x264: {  	s3 =	simm.s32 $0x0;
	s22 =	rddreg [dreg:$0xf];
	s1 =	sor.u32 s1, s0  }
0x265: {  	s4 =	simm.s32 $0x11000;
	s24 =	rddreg [dreg:$0x17];
	s1 =	sshrl.u32 s1, $0x3  }
0x266: {  	s26 =	simm.s32 $0x15000;
	s0 =	sadd.s32 s22, s0;
	s1 =	sadd.s32 s2, s1  }
0x267: {  	[hbm4b:s1+s3] =	stream.linear.scatter [tilespmem:s4], [sflag:$0x4], $0x4000, $0x38;
	[tilespmem:$0x19000] =	vst v63  }
0x268: {  	s25 =	sshll.u32 s24, $0x1;
	s0 =	sshrl.u32 s0, $0x3;
	s4 =	sadd.s32 $0x1, s24  }
0x269: {  	s28 =	smin.u32 s25, $0x15;
	s0 =	sadd.s32 s2, s0;
	p0 =	sne.s32 s4, $0xC  }
0x26a: {  	[hbm4b:s0+s3] =	stream.linear.scatter [tilespmem:s26], [sflag:$0x4], $0x4000, $0x38;
	[tilespmem:$0x19000] =	vst v63  }
.Ltmp5:
0x26b: {  	s29 =	rddreg [dreg:$0x15];
	s0 =	sshll.u32 s28, $0x10;
	(pc) =	sbr.rel @p0 .LBB2_8-.Ltmp5, $4  }
0x26c: {  	s0 =	sadd.s32 s29, s0  }
0x26d: {  	s30 =	rddreg [dreg:$0x11];
	s0 =	sand.u32 $0x3FE000, s0  }
0x26e: {  	s31 =	simm.s32 $0x5000;
	[dreg:$0x17] =	wrdreg s4;
	s0 =	sadd.s32 s0, s30  }
0x26f: {  	[tilespmem:s31], [sflag:$0x2] =	stream.linear.gather [hbm4b:s0+s3], $0x4000, $0x38;
	[tilespmem:$0x19000] =	vst v63  }
0x270: {  	s0 =	simm.s32 $0x3  }
0x271: {  	_ =	swait.ge [sflag:s0], $0x4000  }
0x272: {  	[sflag:s0] =	ssyncset.done $0x0  }
0x273: {  	[sflag:s0] =	ssyncadd.s32 $0xFFFFC000  }
0x274: {  	_ =	swait.ge [sflag:s0], $0x4000  }
0x275: {  	[sflag:s0] =	ssyncset.done $0x0  }
0x276: {  	s31 =	simm.s32 $0x1;
	[sflag:s0] =	ssyncadd.s32 $0xFFFFC000  }
0x277: {  	s7 =	simm.s32 $0xFFFFFFFE;
	s8 =	simm.s32 $0x0;
	_ =	swait.ge [sflag:s31], $0x4000  }
0x278: {  	s10 =	simm.s32 $0x800;
	s11 =	simm.s32 $0x0;
	[sflag:s31] =	ssyncset.done $0x0  }
0x279: {  	s12 =	simm.s32 $0x0;
	s13 =	simm.s32 $0x0;
	[sflag:s31] =	ssyncadd.s32 $0xFFFFC000  }
.LBB2_14:
0x27a: {  	v1 =	vld [tilespmem:s10+$0x0];
	_ =	sdelay $0x4  }
0x27b: {  	v2 =	vshll.u32 v1, $0x3  }
0x27c: {  	v1 =	vand.u32 $0x7F, v1;
	v2 =	vand.u32 $0xFFFFFC00, v2  }
0x27d: {  	v1 =	vor.u32 v1, v2  }
0x27e: {  	v2 =	vor.u32 $0x80, v1  }
0x27f: {  	v3 =	vor.u32 $0x100, v1  }
0x280: {  	s0 =	sand.u32 $0x3E0, s8;
	v4 =	vor.u32 $0x180, v1  }
0x281: {  	v5 =	vld [tilespmem:s0+$0xC00];
	v6 =	vor.u32 $0x200, v1  }
0x282: {  	v8 =	vor.u32 $0x280, v1;
	v7 =	vld.idx.msk [tilespmem:v1+s23+$0x0], $0xffff  }
0x283: {  	v9 =	vor.u32 $0x300, v1;
	v2 =	vld.idx.msk [tilespmem:v2+s23+$0x0], $0xffff  }
0x284: {  	v10 =	vor.u32 $0x380, v1;
	v3 =	vld.idx.msk [tilespmem:v3+s23+$0x0], $0xffff  }
0x285: {  	v11 =	vadd.s32 $0x2000, v1;
	v4 =	vld.idx.msk [tilespmem:v4+s23+$0x0], $0xffff  }
0x286: {  	v12 =	vadd.s32 $0x2080, v1;
	v6 =	vld.idx.msk [tilespmem:v6+s23+$0x0], $0xffff  }
0x287: {  	s1 =	sand.u32 $0x1C00, s13;
	v8 =	vld.idx.msk [tilespmem:v8+s23+$0x0], $0xffff  }
0x288: {  	s0 =	sand.u32 $0x60, s8;
	s18 =	sadd.s32 $0x9000, s1;
	v9 =	vld.idx.msk [tilespmem:v9+s23+$0x0], $0xffff  }
0x289: {  	s2 =	sor.u32 s0, s18;
	v13 =	vadd.s32 $0x2100, v1;
	v10 =	vld.idx.msk [tilespmem:v10+s23+$0x0], $0xffff  }
0x28a: {  	v30 =	vadd.s32 $0x2180, v1;
	v11 =	vld.idx.msk [tilespmem:v11+s23+$0x0], $0xffff;
	[tilespmem:s2+$0x0] =	vst v7  }
0x28b: {  	v12 =	vld.idx.msk [tilespmem:v12+s23+$0x0], $0xffff;
	[tilespmem:s2+$0x80] =	vst v2;
	v2 =	vadd.s32 $0x2200, v1;
	_ =	sdelay $0x2  }
0x28c: {  	v13 =	vld.idx.msk [tilespmem:v13+s23+$0x0], $0xffff;
	[tilespmem:s2+$0x100] =	vst v3;
	v3 =	vadd.s32 $0x2280, v1  }
0x28d: {  	v32 =	vshll.u32 v5, $0x3;
	v31 =	vadd.s32 $0x2300, v1;
	v7 =	vld.idx.msk [tilespmem:v30+s23+$0x0], $0xffff;
	[tilespmem:s2+$0x180] =	vst v4  }
0x28e: {  	s3 =	sand.u32 $0x3, s11;
	v5 =	vand.u32 $0x7F, v5;
	v1 =	vadd.s32 $0x2380, v1;
	v2 =	vld.idx.msk [tilespmem:v2+s23+$0x0], $0xffff;
	[tilespmem:s2+$0x200] =	vst v6;
	v6 =	vand.u32 $0xFFFFFC00, v32  }
0x28f: {  	s3 =	sshll.u32 s3, $0x5;
	v5 =	vor.u32 v5, v6  }
0x290: {  	s9 =	sadd.s32 s3, s13;
	v6 =	vor.u32 $0x80, v5  }
0x291: {  	s14 =	sor.u32 s8, s13;
	v3 =	vld.idx.msk [tilespmem:v3+s23+$0x0], $0xffff;
	[tilespmem:s2+$0x280] =	vst v8;
	s2 =	sor.u32 $0x300, s9;
	v33 =	vor.u32 $0x100, v5  }
0x292: {  	s15 =	sadd.s32 $0xB000, s1;
	v4 =	vld.idx.msk [tilespmem:v31+s23+$0x0], $0xffff;
	[tilespmem:s2+$0x9000] =	vst v9;
	s2 =	sor.u32 $0x380, s14;
	v34 =	vor.u32 $0x180, v5  }
0x293: {  	s16 =	sadd.s32 $0xB080, s1;
	v35 =	vor.u32 $0x200, v5;
	v1 =	vld.idx.msk [tilespmem:v1+s23+$0x0], $0xffff;
	[tilespmem:s2+$0x9000] =	vst v10;
	s2 =	sor.u32 s0, s15  }
0x294: {  	s17 =	sadd.s32 $0xB100, s1;
	v9 =	vld.idx.msk [tilespmem:v5+s23+$0x0], $0xffff;
	[tilespmem:s2+$0x0] =	vst v11;
	s2 =	sor.u32 s0, s16  }
0x295: {  	s19 =	sadd.s32 $0xB180, s1;
	v6 =	vld.idx.msk [tilespmem:v6+s23+$0x0], $0xffff;
	[tilespmem:s2+$0x0] =	vst v12;
	s2 =	sor.u32 s0, s17  }
0x296: {  	[smem:$0x7EA] =	sst s16;
	v36 =	vor.u32 $0x280, v5;
	s16 =	sadd.s32 $0xB200, s1;
	v8 =	vld.idx.msk [tilespmem:v33+s23+$0x0], $0xffff;
	[tilespmem:s2+$0x0] =	vst v13;
	s2 =	sor.u32 s0, s19  }
0x297: {  	v37 =	vor.u32 $0x300, v5;
	s20 =	sor.u32 s0, s16;
	v10 =	vld.idx.msk [tilespmem:v34+s23+$0x0], $0xffff;
	[tilespmem:s2+$0x0] =	vst v7  }
0x298: {  	v11 =	vld.idx.msk [tilespmem:v35+s23+$0x0], $0xffff;
	[tilespmem:s20+$0x0] =	vst v2;
	v2 =	vor.u32 $0x380, v5  }
0x299: {  	[smem:$0x7EC] =	sst s19;
	s19 =	sadd.s32 $0xB280, s1  }
0x29a: {  	s21 =	sor.u32 s0, s19;
	s20 =	sadd.s32 $0xB300, s1  }
0x29b: {  	v12 =	vld.idx.msk [tilespmem:v36+s23+$0x0], $0xffff;
	[tilespmem:s21+$0x0] =	vst v3;
	v3 =	vadd.s32 $0x2000, v5;
	s22 =	sor.u32 s0, s20;
	s21 =	sadd.s32 $0xB380, s1  }
0x29c: {  	v38 =	vadd.s32 $0x2080, v5;
	v7 =	vld.idx.msk [tilespmem:v37+s23+$0x0], $0xffff;
	[tilespmem:s22+$0x0] =	vst v4;
	s24 =	sor.u32 s0, s21  }
0x29d: {  	v2 =	vld.idx.msk [tilespmem:v2+s23+$0x0], $0xffff;
	[tilespmem:s24+$0x0] =	vst v1;
	v1 =	vadd.s32 $0x2100, v5  }
0x29e: {  	s14 =	sadd.s32 $0xD000, s1;
	v39 =	vadd.s32 $0x2180, v5  }
0x29f: {  	s9 =	sadd.s32 $0xD080, s1;
	v40 =	vadd.s32 $0x2200, v5;
	s25 =	sor.u32 s0, s14  }
0x2a0: {  	[smem:$0x7E9] =	sst s15;
	s26 =	sor.u32 s0, s9;
	v41 =	vadd.s32 $0x2280, v5;
	s15 =	sadd.s32 $0xD100, s1;
	v3 =	vld.idx.msk [tilespmem:v3+s23+$0x0], $0xffff;
	[tilespmem:s25+$0x0] =	vst v9  }
0x2a1: {  	[smem:$0x7EB] =	sst s17;
	v42 =	vadd.s32 $0x2300, v5;
	s28 =	sor.u32 s0, s15;
	s17 =	sadd.s32 $0xD180, s1;
	v4 =	vld.idx.msk [tilespmem:v38+s23+$0x0], $0xffff;
	[tilespmem:s26+$0x0] =	vst v6  }
0x2a2: {  	s6 =	sadd.s32 $0xD200, s1;
	s29 =	sor.u32 s0, s17;
	v5 =	vadd.s32 $0x2380, v5;
	v1 =	vld.idx.msk [tilespmem:v1+s23+$0x0], $0xffff;
	[tilespmem:s28+$0x0] =	vst v8  }
0x2a3: {  	s30 =	sor.u32 s0, s6;
	s22 =	sadd.s32 $0xD280, s1;
	v9 =	vld.idx.msk [tilespmem:v39+s23+$0x0], $0xffff;
	[tilespmem:s29+$0x0] =	vst v10  }
0x2a4: {  	s5 =	sadd.s32 $0xD300, s1;
	s31 =	sor.u32 s0, s22;
	v6 =	vld.idx.msk [tilespmem:v40+s23+$0x0], $0xffff;
	[tilespmem:s30+$0x0] =	vst v11  }
0x2a5: {  	s2 =	sor.u32 s0, s5;
	s24 =	sadd.s32 $0xD380, s1;
	v8 =	vld.idx.msk [tilespmem:v41+s23+$0x0], $0xffff;
	[tilespmem:s31+$0x0] =	vst v12  }
0x2a6: {  	s4 =	sadd.s32 $0xF000, s1;
	s25 =	sor.u32 s0, s24;
	v10 =	vld.idx.msk [tilespmem:v42+s23+$0x0], $0xffff;
	[tilespmem:s2+$0x0] =	vst v7  }
0x2a7: {  	s26 =	sor.u32 s0, s4;
	v5 =	vld.idx.msk [tilespmem:v5+s23+$0x0], $0xffff;
	[tilespmem:s25+$0x0] =	vst v2;
	s25 =	sadd.s32 $0xF080, s1  }
0x2a8: {  	[tilespmem:s26+$0x0] =	vst v3;
	s28 =	sor.u32 s0, s25;
	s26 =	sadd.s32 $0xF100, s1  }
0x2a9: {  	[tilespmem:s28+$0x0] =	vst v4;
	s29 =	sor.u32 s0, s26;
	s28 =	sadd.s32 $0xF180, s1  }
0x2aa: {  	[tilespmem:s29+$0x0] =	vst v1;
	s30 =	sor.u32 s0, s28;
	s29 =	sadd.s32 $0xF200, s1  }
0x2ab: {  	[tilespmem:s30+$0x0] =	vst v9;
	s31 =	sor.u32 s0, s29;
	s30 =	sadd.s32 $0xF280, s1  }
0x2ac: {  	[tilespmem:s31+$0x0] =	vst v6;
	s3 =	sor.u32 s0, s30;
	s31 =	sadd.s32 $0xF300, s1  }
0x2ad: {  	[tilespmem:s3+$0x0] =	vst v8;
	s3 =	sadd.s32 $0xF380, s1;
	s1 =	sor.u32 s0, s31  }
0x2ae: {  	[tilespmem:s1+$0x0] =	vst v10;
	s0 =	sor.u32 s0, s3  }
0x2af: {  	[tilespmem:s0+$0x0] =	vst v5  }
0x2b0: {  	v1 =	vld [tilespmem:s10+$0x10];
	_ =	sdelay $0x4  }
0x2b1: {  	v2 =	vshll.u32 v1, $0x3  }
0x2b2: {  	v1 =	vand.u32 $0x7F, v1;
	v2 =	vand.u32 $0xFFFFFC00, v2  }
0x2b3: {  	v1 =	vor.u32 v1, v2  }
0x2b4: {  	v2 =	vor.u32 $0x80, v1  }
0x2b5: {  	v3 =	vor.u32 $0x100, v1  }
0x2b6: {  	v43 =	vor.u32 $0x180, v1  }
0x2b7: {  	v5 =	vld [tilespmem:s10+$0x410];
	v44 =	vor.u32 $0x200, v1  }
0x2b8: {  	v45 =	vor.u32 $0x280, v1;
	v7 =	vld.idx.msk [tilespmem:v1+s23+$0x0], $0xffff  }
0x2b9: {  	v46 =	vor.u32 $0x300, v1;
	v2 =	vld.idx.msk [tilespmem:v2+s23+$0x0], $0xffff  }
0x2ba: {  	v47 =	vor.u32 $0x380, v1;
	v3 =	vld.idx.msk [tilespmem:v3+s23+$0x0], $0xffff  }
0x2bb: {  	v48 =	vadd.s32 $0x2000, v1;
	v4 =	vld.idx.msk [tilespmem:v43+s23+$0x0], $0xffff  }
0x2bc: {  	v49 =	vadd.s32 $0x2080, v1;
	v6 =	vld.idx.msk [tilespmem:v44+s23+$0x0], $0xffff  }
0x2bd: {  	s2 =	sadd.s32 $0x10, s8;
	v8 =	vld.idx.msk [tilespmem:v45+s23+$0x0], $0xffff  }
0x2be: {  	s0 =	sand.u32 $0x70, s2;
	v50 =	vadd.s32 $0x2100, v1;
	v9 =	vld.idx.msk [tilespmem:v46+s23+$0x0], $0xffff  }
0x2bf: {  	s1 =	sor.u32 s0, s18;
	v10 =	vld.idx.msk [tilespmem:v47+s23+$0x0], $0xffff  }
0x2c0: {  	v51 =	vadd.s32 $0x2180, v1;
	v11 =	vld.idx.msk [tilespmem:v48+s23+$0x0], $0xffff;
	[tilespmem:s1+$0x0] =	vst v7  }
0x2c1: {  	v12 =	vld.idx.msk [tilespmem:v49+s23+$0x0], $0xffff;
	[tilespmem:s1+$0x80] =	vst v2;
	v2 =	vadd.s32 $0x2200, v1;
	_ =	sdelay $0x1  }
0x2c2: {  	v13 =	vld.idx.msk [tilespmem:v50+s23+$0x0], $0xffff;
	[tilespmem:s1+$0x100] =	vst v3;
	v3 =	vadd.s32 $0x2280, v1  }
0x2c3: {  	s18 =	sand.u32 $0x7, s12;
	v52 =	vadd.s32 $0x2300, v1  }
0x2c4: {  	s18 =	sshll.u32 s18, $0x4;
	v53 =	vshll.u32 v5, $0x3;
	v7 =	vld.idx.msk [tilespmem:v51+s23+$0x0], $0xffff;
	[tilespmem:s1+$0x180] =	vst v4  }
0x2c5: {  	s18 =	sadd.s32 s13, s18;
	v5 =	vand.u32 $0x7F, v5;
	v1 =	vadd.s32 $0x2380, v1;
	v2 =	vld.idx.msk [tilespmem:v2+s23+$0x0], $0xffff;
	[tilespmem:s1+$0x200] =	vst v6;
	v6 =	vand.u32 $0xFFFFFC00, v53  }
0x2c6: {  	s18 =	sadd.s32 $0x10, s18;
	v5 =	vor.u32 v5, v6  }
0x2c7: {  	s2 =	sor.u32 s2, s13;
	v3 =	vld.idx.msk [tilespmem:v3+s23+$0x0], $0xffff;
	[tilespmem:s1+$0x280] =	vst v8;
	s1 =	sor.u32 $0x300, s18;
	s18 =	sld [smem:$0x7E9]  }
0x2c8: {  	v4 =	vld.idx.msk [tilespmem:v52+s23+$0x0], $0xffff;
	[tilespmem:s1+$0x9000] =	vst v9;
	v6 =	vor.u32 $0x80, v5;
	s1 =	sor.u32 $0x380, s2;
	s2 =	sld [smem:$0x7EA]  }
0x2c9: {  	v54 =	vor.u32 $0x100, v5  }
0x2ca: {  	v55 =	vor.u32 $0x180, v5;
	v1 =	vld.idx.msk [tilespmem:v1+s23+$0x0], $0xffff;
	[tilespmem:s1+$0x9000] =	vst v10;
	s1 =	sor.u32 s0, s18;
	s18 =	sld [smem:$0x7EB]  }
0x2cb: {  	v56 =	vor.u32 $0x200, v5;
	v9 =	vld.idx.msk [tilespmem:v5+s23+$0x0], $0xffff;
	[tilespmem:s1+$0x0] =	vst v11;
	s1 =	sor.u32 s0, s2;
	s2 =	sld [smem:$0x7EC];
	_ =	sdelay $0x1  }
0x2cc: {  	v6 =	vld.idx.msk [tilespmem:v6+s23+$0x0], $0xffff;
	[tilespmem:s1+$0x0] =	vst v12;
	s1 =	sor.u32 s0, s18  }
0x2cd: {  	v57 =	vor.u32 $0x280, v5;
	v8 =	vld.idx.msk [tilespmem:v54+s23+$0x0], $0xffff;
	[tilespmem:s1+$0x0] =	vst v13;
	s1 =	sor.u32 s0, s2  }
0x2ce: {  	v58 =	vor.u32 $0x300, v5;
	s18 =	sor.u32 s0, s16;
	v10 =	vld.idx.msk [tilespmem:v55+s23+$0x0], $0xffff;
	[tilespmem:s1+$0x0] =	vst v7  }
0x2cf: {  	v11 =	vld.idx.msk [tilespmem:v56+s23+$0x0], $0xffff;
	[tilespmem:s18+$0x0] =	vst v2;
	v2 =	vor.u32 $0x380, v5;
	_ =	sdelay $0x1  }
0x2d0: {  	s19 =	sor.u32 s0, s19  }
0x2d1: {  	s20 =	sor.u32 s0, s20;
	v12 =	vld.idx.msk [tilespmem:v57+s23+$0x0], $0xffff;
	[tilespmem:s19+$0x0] =	vst v3;
	v3 =	vadd.s32 $0x2000, v5  }
0x2d2: {  	s21 =	sor.u32 s0, s21;
	v59 =	vadd.s32 $0x2080, v5;
	v7 =	vld.idx.msk [tilespmem:v58+s23+$0x0], $0xffff;
	[tilespmem:s20+$0x0] =	vst v4  }
0x2d3: {  	v2 =	vld.idx.msk [tilespmem:v2+s23+$0x0], $0xffff;
	[tilespmem:s21+$0x0] =	vst v1;
	v1 =	vadd.s32 $0x2100, v5  }
0x2d4: {  	v60 =	vadd.s32 $0x2180, v5  }
0x2d5: {  	v61 =	vadd.s32 $0x2200, v5;
	s2 =	sor.u32 s0, s14  }
0x2d6: {  	v62 =	vadd.s32 $0x2280, v5;
	s14 =	sor.u32 s0, s9;
	v3 =	vld.idx.msk [tilespmem:v3+s23+$0x0], $0xffff;
	[tilespmem:s2+$0x0] =	vst v9  }
0x2d7: {  	v63 =	vadd.s32 $0x2300, v5;
	s16 =	sor.u32 s0, s15;
	v4 =	vld.idx.msk [tilespmem:v59+s23+$0x0], $0xffff;
	[tilespmem:s14+$0x0] =	vst v6  }
0x2d8: {  	s18 =	sor.u32 s0, s17;
	v5 =	vadd.s32 $0x2380, v5;
	v1 =	vld.idx.msk [tilespmem:v1+s23+$0x0], $0xffff;
	[tilespmem:s16+$0x0] =	vst v8  }
0x2d9: {  	s19 =	sor.u32 s0, s6;
	v9 =	vld.idx.msk [tilespmem:v60+s23+$0x0], $0xffff;
	[tilespmem:s18+$0x0] =	vst v10  }
0x2da: {  	s20 =	sor.u32 s0, s22;
	v6 =	vld.idx.msk [tilespmem:v61+s23+$0x0], $0xffff;
	[tilespmem:s19+$0x0] =	vst v11  }
0x2db: {  	s21 =	sor.u32 s0, s5;
	v8 =	vld.idx.msk [tilespmem:v62+s23+$0x0], $0xffff;
	[tilespmem:s20+$0x0] =	vst v12  }
0x2dc: {  	s22 =	sor.u32 s0, s24;
	v10 =	vld.idx.msk [tilespmem:v63+s23+$0x0], $0xffff;
	[tilespmem:s21+$0x0] =	vst v7  }
0x2dd: {  	s24 =	sor.u32 s0, s4;
	v5 =	vld.idx.msk [tilespmem:v5+s23+$0x0], $0xffff;
	[tilespmem:s22+$0x0] =	vst v2  }
0x2de: {  	s25 =	sor.u32 s0, s25;
	[tilespmem:s24+$0x0] =	vst v3  }
0x2df: {  	s7 =	sadd.s32 $0x2, s7;
	s26 =	sor.u32 s0, s26;
	[tilespmem:s25+$0x0] =	vst v4  }
0x2e0: {  	p0 =	slt.u32 s7, $0x3E;
	s28 =	sor.u32 s0, s28;
	[tilespmem:s26+$0x0] =	vst v1  }
.Ltmp6:
0x2e1: {  	s29 =	sor.u32 s0, s29;
	[tilespmem:s28+$0x0] =	vst v9;
	(pc) =	sbr.rel @p0 .LBB2_14-.Ltmp6, $4  }
0x2e2: {  	s30 =	sor.u32 s0, s30;
	[tilespmem:s29+$0x0] =	vst v6  }
0x2e3: {  	s31 =	sor.u32 s0, s31;
	[tilespmem:s30+$0x0] =	vst v8  }
0x2e4: {  	s11 =	sadd.s32 $0x1, s11;
	s8 =	sadd.s32 $0x20, s8;
	s0 =	sor.u32 s0, s3;
	[tilespmem:s31+$0x0] =	vst v10  }
0x2e5: {  	s12 =	sadd.s32 $0x2, s12;
	s10 =	sadd.s32 $0x20, s10;
	s13 =	sadd.s32 $0x100, s13;
	[tilespmem:s0+$0x0] =	vst v5  }
0x2e6: {  	s8 =	simm.s32 $0x0;
	s0 =	rddreg [dreg:$0x12];
	s1 =	simm.s32 $0x9000  }
0x2e7: {  	[hbm4b:s0+s8] =	stream.linear.scatter [tilespmem:s1], [sflag:$0x3], $0x4000, $0x38;
	[tilespmem:$0x19000] =	vst v63  }
0x2e8: {  	s25 =	rddreg [dreg:$0x13];
	s26 =	simm.s32 $0xD000;
	s28 =	simm.s32 $0x2  }
0x2e9: {  	[hbm4b:s25+s8] =	stream.linear.scatter [tilespmem:s26], [sflag:$0x3], $0x4000, $0x38;
	[tilespmem:$0x19000] =	vst v63  }
0x2ea: {  	_ =	swait.ge [sflag:s28], $0x4000  }
0x2eb: {  	[sflag:s28] =	ssyncset.done $0x0  }
0x2ec: {  	s29 =	simm.s32 $0x4;
	[sflag:s28] =	ssyncadd.s32 $0xFFFFC000  }
0x2ed: {  	_ =	swait.ge [sflag:s29], $0x4000  }
0x2ee: {  	[sflag:s29] =	ssyncset.done $0x0  }
0x2ef: {  	[sflag:s29] =	ssyncadd.s32 $0xFFFFC000  }
0x2f0: {  	_ =	swait.ge [sflag:s29], $0x4000  }
0x2f1: {  	[sflag:s29] =	ssyncset.done $0x0  }
0x2f2: {  	s30 =	simm.s32 $0x3;
	[sflag:s29] =	ssyncadd.s32 $0xFFFFC000  }
0x2f3: {  	_ =	swait.ge [sflag:s30], $0x4000  }
0x2f4: {  	[sflag:s30] =	ssyncset.done $0x0  }
0x2f5: {  	[sflag:s30] =	ssyncadd.s32 $0xFFFFC000  }
0x2f6: {  	_ =	swait.ge [sflag:s30], $0x4000  }
0x2f7: {  	s2 =	rddreg [dreg:$0x16]  }
0x2f8: {  	s31 =	rddreg [dreg:$0x14];
	s2 =	sadd.s32 $0x1, s2  }
0x2f9: {  	p0 =	sne.s32 s2, s31  }
.Ltmp7:
0x2fa: {  	_ = 	snop;
	(pc) =	sbr.rel @p0 .LBB2_1-.Ltmp7, $3  }
0x2fb: {  	_ =	sdelay $0x1  }
0x2fc: {  	[sflag:s30] =	ssyncset.done $0x0  }
0x2fd: {  	[sflag:s30] =	ssyncadd.s32 $0xFFFFC000  }
0x2fe: {  	_ =	sfence.sel $0x180000  }
0x2ff: {  	[bflag:$0x0] =	sbarrier.arrive $0xFFFF  }
0x300: {  	_ =	strace $0x90000047  }
0x301: {  	s0 =	stileid.u32;
	[bflag:$0x2] =	sbarrier.arrive $0xFFFF  }
0x302: {  	p0 =	sne.s32 s0, $0x0;
	s0 =	rddreg [dreg:$0x3]  }
0x303: {  	s0 =	sadd.s32 @!p0 $0x100000, s0  }
0x304: {  	[sflag:s0] =	ssyncadd.tile.s32 @!p0 $0x1;
	_ =	shalt  }
.Lfunc_end2:
_tile_overlayer_lowered:
.L_overlay_start_2:
0x305: {  	(tag) =	ssettag $0x2  }
0x306: {  	s0 =	rddreg [dreg:$0x0];
	s2 =	stileid.u32  }
0x307: {  	s1 =	rddreg [dreg:$0x1];
	p0 =	sne.s32 s2, $0x0  }
0x308: {  	s3 =	rddreg [dreg:$0x2];
	[bflag:$0x3] =	sbarrier.arrive $0xFFFF;
	s2 =	simm.s32 @!p0 $0x1C05  }
0x309: {  	[timem:s3], [sflag:s2] =	dma.local @!p0 [hbm:s0], s1  }
0x30a: {  	s0 =	simm.s32 @!p0 $0x5  }
0x30b: {  	_ =	swait.ge @!p0 [sflag:s0], s1  }
0x30c: {  	s1 =	ssub.s32 @!p0 $0x0, s1;
	[sflag:s0] =	ssyncset.done @!p0 $0x0  }
0x30d: {  	[sflag:s0] =	ssyncadd.s32 @!p0 s1  }
0x30e: {  	[bflag:$0x3] =	sbarrier.arrive $0xFFFF  }
0x30f: {  	_ =	shalt  }

</sc_bundles>
